<compile_context>
chip_gen: v7x
topology: tpu7x:2x2x1
jax: 0.10.2.dev20260603
libtpu: 0.0.44.dev20260713+nightly
codegen_flags: <defaults>
</compile_context>

<pallas_src>
import functools

import jax
import jax.numpy as jnp
from jax import lax
from jax.experimental import pallas as pl
from jax.experimental.pallas import tpu as pltpu
from jax.experimental.pallas import tpu_sc as plsc

NN = 10000
NP = 10112
NE = 320000
NW = 32
EPW = NE // NW
NCH = 79
CH = 128
RPT = NP // 16
ZR = 79
NG = 64
BM = 1264
GRID = NP // BM




def _sc_mesh():
    return plsc.VectorSubcoreMesh(core_axis_name="c", subcore_axis_name="s")


_SC_PARAMS = pltpu.CompilerParams(use_tc_tiling_on_sc=False)


@functools.cache
def _degree_kernel():

    @functools.partial(
        pl.kernel,
        out_type=jax.ShapeDtypeStruct((2, NP, 16), jnp.float32),
        mesh=_sc_mesh(),
        compiler_params=_SC_PARAMS,
        scratch_types=[
            pltpu.VMEM((NCH, CH), jnp.int32),
            pltpu.VMEM((CH, 16), jnp.float32),
            pltpu.VMEM((ZR, 16), jnp.float32),
            pltpu.VMEM_SHARED((NP, 16), jnp.float32),
        ],
    )
    def k(dstw, out, didx, ones_b, zbuf, acc):
        cid = lax.axis_index("c")
        sid = lax.axis_index("s")
        wid = sid * 2 + cid

        def fill(r, carry):
            zbuf[r, :] = jnp.zeros((16,), jnp.float32)
            return carry

        lax.fori_loop(0, ZR, fill, 0)

        def fill1(r, carry):
            ones_b[r, :] = jnp.full((16,), 1.0, jnp.float32)
            return carry

        lax.fori_loop(0, CH, fill1, 0)

        for b in range(8):
            pltpu.sync_copy(zbuf, acc.at[pl.ds(sid * RPT + b * ZR, ZR)])
        pltpu.sync_copy(dstw.at[wid], didx)
        plsc.subcore_barrier()

        def chunk(c, carry):
            pltpu.sync_copy(ones_b, acc.at[didx.at[c]], add=True)
            return carry

        lax.fori_loop(0, NCH, chunk, 0)
        plsc.subcore_barrier()
        pltpu.sync_copy(acc.at[pl.ds(sid * RPT, RPT)],
                        out.at[cid, pl.ds(sid * RPT, RPT)])

    return k


@functools.cache
def _agg_kernel(F):

    @functools.partial(
        pl.kernel,
        out_type=jax.ShapeDtypeStruct((2, NP, F), jnp.float32),
        mesh=_sc_mesh(),
        compiler_params=_SC_PARAMS,
        scratch_types=[
            pltpu.VMEM((NCH, CH), jnp.int32),
            pltpu.VMEM((NCH, CH), jnp.int32),
            pltpu.VMEM((CH, F), jnp.float32),
            pltpu.VMEM((ZR, F), jnp.float32),
            pltpu.VMEM_SHARED((NP, F), jnp.float32),
            pltpu.SemaphoreType.DMA,
        ],
    )
    def k(hs, srcw, dstw, out, sidx, didx, gbuf, zbuf, acc, sem):
        cid = lax.axis_index("c")
        sid = lax.axis_index("s")
        wid = sid * 2 + cid

        def fill(r, carry):
            for j in range(F // 16):
                zbuf[r, pl.ds(j * 16, 16)] = jnp.zeros((16,), jnp.float32)
            return carry

        lax.fori_loop(0, ZR, fill, 0)

        for b in range(8):
            pltpu.sync_copy(zbuf, acc.at[pl.ds(sid * RPT + b * ZR, ZR)])
        pltpu.sync_copy(srcw.at[wid], sidx)
        pltpu.sync_copy(dstw.at[wid], didx)
        plsc.subcore_barrier()

        def chunk(c, carry):
            pltpu.async_copy(hs.at[sidx.at[c]], gbuf, sem).wait()
            pltpu.sync_copy(gbuf, acc.at[didx.at[c]], add=True)
            return carry

        lax.fori_loop(0, NCH, chunk, 0)
        plsc.subcore_barrier()
        pltpu.sync_copy(acc.at[pl.ds(sid * RPT, RPT)],
                        out.at[cid, pl.ds(sid * RPT, RPT)])

    return k



def _row_spec(F):
    return pl.BlockSpec((BM, F), lambda i: (i, 0))


def _p_spec(F):
    return pl.BlockSpec((2, BM, F), lambda i: (0, i, 0))


def _full_spec(shape):
    nd = len(shape)
    return pl.BlockSpec(shape, lambda i: (0,) * nd)


def _pre1(pdeg, xp, W1):
    def body(p_ref, x_ref, w_ref, dinv_ref, s_ref):
        p = p_ref[...]
        dinv = lax.rsqrt(1.0 + p[0] + p[1])
        dinv_ref[...] = dinv
        h = jnp.dot(x_ref[...], w_ref[...], preferred_element_type=jnp.float32,
            precision=lax.Precision.HIGHEST)
        s_ref[...] = h * dinv[:, :1]

    return pl.pallas_call(
        body,
        grid=(GRID,),
        in_specs=[_p_spec(16), _row_spec(128), _full_spec((128, 64))],
        out_specs=[_row_spec(16), _row_spec(64)],
        out_shape=[jax.ShapeDtypeStruct((NP, 16), jnp.float32),
                   jax.ShapeDtypeStruct((NP, 64), jnp.float32)],
    )(pdeg, xp, W1)


def _post_scale(p, s, dinv16, b):
    F = s.shape[1]

    def body(p_ref, s_ref, dinv_ref, b_ref, o_ref):
        pv = p_ref[...]
        dinv = dinv_ref[...][:, :1]
        y = jnp.maximum((pv[0] + pv[1] + s_ref[...]) * dinv + b_ref[...], 0.0)
        o_ref[...] = y * dinv

    return pl.pallas_call(
        body,
        grid=(GRID,),
        in_specs=[_p_spec(F), _row_spec(F), _row_spec(16), _full_spec((1, F))],
        out_specs=_row_spec(F),
        out_shape=jax.ShapeDtypeStruct((NP, F), jnp.float32),
    )(p, s, dinv16, b)


def _post_mm_scale(p, s, dinv16, W, b):
    Fi = s.shape[1]
    Fo = W.shape[1]

    def body(p_ref, s_ref, dinv_ref, w_ref, b_ref, o_ref):
        pv = p_ref[...]
        dinv = dinv_ref[...][:, :1]
        a = (pv[0] + pv[1] + s_ref[...]) * dinv
        y = jnp.maximum(
            jnp.dot(a, w_ref[...], preferred_element_type=jnp.float32,
            precision=lax.Precision.HIGHEST)
            + b_ref[...], 0.0)
        o_ref[...] = y * dinv

    return pl.pallas_call(
        body,
        grid=(GRID,),
        in_specs=[_p_spec(Fi), _row_spec(Fi), _row_spec(16),
                  _full_spec((Fi, Fo)), _full_spec((1, Fo))],
        out_specs=_row_spec(Fo),
        out_shape=jax.ShapeDtypeStruct((NP, Fo), jnp.float32),
    )(p, s, dinv16, W, b)


def _post_mm_mm_scale(p, s, dinv16, W3, b3, W4):
    Fi = s.shape[1]
    Fm = W3.shape[1]
    Fo = W4.shape[1]

    def body(p_ref, s_ref, dinv_ref, w3_ref, b3_ref, w4_ref, o_ref):
        pv = p_ref[...]
        dinv = dinv_ref[...][:, :1]
        a = (pv[0] + pv[1] + s_ref[...]) * dinv
        y = jnp.maximum(
            jnp.dot(a, w3_ref[...], preferred_element_type=jnp.float32,
            precision=lax.Precision.HIGHEST)
            + b3_ref[...], 0.0)
        h = jnp.dot(y, w4_ref[...], preferred_element_type=jnp.float32,
            precision=lax.Precision.HIGHEST)
        o_ref[...] = h * dinv

    return pl.pallas_call(
        body,
        grid=(GRID,),
        in_specs=[_p_spec(Fi), _row_spec(Fi), _row_spec(16),
                  _full_spec((Fi, Fm)), _full_spec((1, Fm)),
                  _full_spec((Fm, Fo))],
        out_specs=_row_spec(Fo),
        out_shape=jax.ShapeDtypeStruct((NP, Fo), jnp.float32),
    )(p, s, dinv16, W3, b3, W4)


def _post_bias_mm_scale(p, s, dinv16, b4, W5):
    Fi = s.shape[1]
    Fo = W5.shape[1]

    def body(p_ref, s_ref, dinv_ref, b4_ref, w5_ref, o_ref):
        pv = p_ref[...]
        dinv = dinv_ref[...][:, :1]
        y = jnp.maximum((pv[0] + pv[1] + s_ref[...]) * dinv + b4_ref[...], 0.0)
        h = jnp.dot(y, w5_ref[...], preferred_element_type=jnp.float32,
            precision=lax.Precision.HIGHEST)
        o_ref[...] = h * dinv

    return pl.pallas_call(
        body,
        grid=(GRID,),
        in_specs=[_p_spec(Fi), _row_spec(Fi), _row_spec(16),
                  _full_spec((1, Fi)), _full_spec((Fi, Fo))],
        out_specs=_row_spec(Fo),
        out_shape=jax.ShapeDtypeStruct((NP, Fo), jnp.float32),
    )(p, s, dinv16, b4, W5)


def _pool(p, s, dinv16, b5, bcol16):

    def body(p_ref, s_ref, dinv_ref, b_ref, bcol_ref, zsum_ref, zmax_ref,
             csum_ref):
        i = pl.program_id(0)
        pv = p_ref[...]
        dinv = dinv_ref[...][:, :1]
        y5 = jnp.maximum((pv[0] + pv[1] + s_ref[...]) * dinv + b_ref[...], 0.0)
        bcol = bcol_ref[...][:, :1]
        iota = lax.broadcasted_iota(jnp.int32, (BM, NG), 1)
        onehot = jnp.where(bcol == iota, 1.0, 0.0)

        @pl.when(i == 0)
        def _init():
            zsum_ref[...] = jnp.zeros_like(zsum_ref)
            zmax_ref[...] = jnp.zeros_like(zmax_ref)
            csum_ref[...] = jnp.zeros_like(csum_ref)

        dn = (((0,), (0,)), ((), ()))
        zsum_ref[...] += lax.dot_general(onehot, y5, dn,
                                         preferred_element_type=jnp.float32,
            precision=lax.Precision.HIGHEST)
        csum_ref[...] += lax.dot_general(onehot,
                                         jnp.ones((BM, 8), jnp.float32), dn,
                                         preferred_element_type=jnp.float32,
            precision=lax.Precision.HIGHEST)
        for g in range(NG):
            mg = jnp.where(bcol == g, 1.0, 0.0)
            m = jnp.max(y5 * mg, axis=0, keepdims=True)
            zmax_ref[g:g + 1, :] = jnp.maximum(zmax_ref[g:g + 1, :], m)

    return pl.pallas_call(
        body,
        grid=(GRID,),
        in_specs=[_p_spec(64), _row_spec(64), _row_spec(16),
                  _full_spec((1, 64)), _row_spec(16)],
        out_specs=[_full_spec((NG, 64)), _full_spec((NG, 64)),
                   _full_spec((NG, 8))],
        out_shape=[jax.ShapeDtypeStruct((NG, 64), jnp.float32),
                   jax.ShapeDtypeStruct((NG, 64), jnp.float32),
                   jax.ShapeDtypeStruct((NG, 8), jnp.float32)],
    )(p, s, dinv16, b5, bcol16)


def _head(zsum, zmax, csum, w1a, w1b, b1, w2, b2):
    def body(zsum_ref, zmax_ref, csum_ref, w1a_ref, w1b_ref, b1_ref, w2_ref,
             b2_ref, o_ref):
        cnt = jnp.maximum(csum_ref[...][:, :1], 1.0)
        zmean = zsum_ref[...] / cnt
        h = jnp.maximum(
            jnp.dot(zmean, w1a_ref[...], preferred_element_type=jnp.float32,
            precision=lax.Precision.HIGHEST)
            + jnp.dot(zmax_ref[...], w1b_ref[...],
                      preferred_element_type=jnp.float32,
            precision=lax.Precision.HIGHEST)
            + b1_ref[...], 0.0)
        o_ref[...] = jnp.dot(h, w2_ref[...],
                             preferred_element_type=jnp.float32,
            precision=lax.Precision.HIGHEST) + b2_ref[...]

    return pl.pallas_call(
        body,
        out_shape=jax.ShapeDtypeStruct((NG, 10), jnp.float32),
    )(zsum, zmax, csum, w1a, w1b, b1, w2, b2)



def kernel(x, edge_index, batch, W1, b1, W2, b2, W3, b3, W4, b4, W5, b5,
           fc1_W, fc1_b, fc2_W, fc2_b):
    src = edge_index[0].astype(jnp.int32)
    dst = edge_index[1].astype(jnp.int32)
    pad = NCH * CH - EPW
    srcw = jnp.concatenate(
        [src.reshape(NW, EPW), jnp.zeros((NW, pad), jnp.int32)],
        axis=1).reshape(NW, NCH, CH)
    dstw = jnp.concatenate(
        [dst.reshape(NW, EPW), jnp.full((NW, pad), NN, jnp.int32)],
        axis=1).reshape(NW, NCH, CH)
    xp = jnp.concatenate(
        [x, jnp.zeros((NP - NN, x.shape[1]), jnp.float32)], axis=0)
    bcol = jnp.concatenate(
        [batch.astype(jnp.int32), jnp.full((NP - NN,), NG, jnp.int32)])
    bcol16 = jnp.broadcast_to(bcol[:, None], (NP, 16))

    pdeg = _degree_kernel()(dstw)
    dinv16, s1 = _pre1(pdeg, xp, W1)
    p1 = _agg_kernel(64)(s1, srcw, dstw)
    s2 = _post_scale(p1, s1, dinv16, b1.reshape(1, 64))
    p2 = _agg_kernel(64)(s2, srcw, dstw)
    s3 = _post_mm_scale(p2, s2, dinv16, W2, b2.reshape(1, 128))
    p3 = _agg_kernel(128)(s3, srcw, dstw)
    s4 = _post_mm_mm_scale(p3, s3, dinv16, W3, b3.reshape(1, 256), W4)
    p4 = _agg_kernel(128)(s4, srcw, dstw)
    s5 = _post_bias_mm_scale(p4, s4, dinv16, b4.reshape(1, 128), W5)
    p5 = _agg_kernel(64)(s5, srcw, dstw)
    zsum, zmax, csum = _pool(p5, s5, dinv16, b5.reshape(1, 64), bcol16)
    return _head(zsum, zmax, csum, fc1_W[:64], fc1_W[64:],
                 fc1_b.reshape(1, 64), fc2_W, fc2_b.reshape(1, 10))

# --- scband reference (transcript-rebuilt; emitter-appended) ---
"""Pipeline reference for scband-gcn-30640296690030 (READ-ONLY COPY).

The authoritative reference and input builder live on the scoring server;
editing this copy changes nothing except your own understanding.
"""

import jax, jax.numpy as jnp
import numpy as np

N_NODES = 10000
N_EDGES = 320000
IN_CH = 128
OUT_CH = 10
NUM_GRAPHS = 64
DIMS = [(IN_CH, 64), (64, 128), (128, 256), (256, 128), (128, 64)]


def _init_linear(key, fan_in, fan_out):
    k1, k2 = jax.random.split(key)
    s = 1.0 / np.sqrt(fan_in)
    W = jax.random.uniform(k1, (fan_in, fan_out), jnp.float32, -s, s)
    b = jax.random.uniform(k2, (fan_out,), jnp.float32, -s, s)
    return W, b


def setup_inputs(seed: int = 0) -> dict:
    key = jax.random.key(seed)
    ks = jax.random.split(key, 12)
    inp = {}
    inp['x'] = jax.random.normal(ks[0], (N_NODES, IN_CH), dtype=jnp.float32)
    inp['edge_index'] = jax.random.randint(ks[1], (2, N_EDGES), 0, N_NODES)
    inp['batch'] = jnp.sort(jax.random.randint(ks[2], (N_NODES,), 0, NUM_GRAPHS))
    for i, (fi, fo) in enumerate(DIMS):
        W, b = _init_linear(ks[3 + i], fi, fo)
        inp[f'W{i+1}'] = W
        inp[f'b{i+1}'] = b
    inp['fc1_W'], inp['fc1_b'] = _init_linear(ks[9], 128, 64)
    inp['fc2_W'], inp['fc2_b'] = _init_linear(ks[10], 64, OUT_CH)
    return inp


def _gcn_conv(x, src, dst, W, b):
    n = x.shape[0]
    h = x @ W
    loop = jnp.arange(n)
    src_sl = jnp.concatenate([src, loop])
    dst_sl = jnp.concatenate([dst, loop])
    deg = jnp.zeros((n,), jnp.float32).at[dst_sl].add(1.0)
    dinv = jnp.where(deg > 0, jax.lax.rsqrt(jnp.maximum(deg, 1e-12)), 0.0)
    norm = dinv[src_sl] * dinv[dst_sl]
    msg = h[src_sl] * norm[:, None]
    out = jnp.zeros((n, h.shape[1]), jnp.float32).at[dst_sl].add(msg)
    return out + b


def reference(x, edge_index, batch, W1, b1, W2, b2, W3, b3, W4, b4, W5, b5, fc1_W, fc1_b, fc2_W, fc2_b):
    src = edge_index[0]
    dst = edge_index[1]
    # encode (dropout is identity in eval)
    x1 = jax.nn.relu(_gcn_conv(x, src, dst, W1, b1))
    x2 = jax.nn.relu(_gcn_conv(x1, src, dst, W2, b2))
    x3 = jax.nn.relu(_gcn_conv(x2, src, dst, W3, b3))
    x4 = jax.nn.relu(_gcn_conv(x3, src, dst, W4, b4))
    x5 = jax.nn.relu(_gcn_conv(x4, src, dst, W5, b5))
    # decode
    counts = jax.ops.segment_sum(jnp.ones((x.shape[0],), jnp.float32), batch, num_segments=NUM_GRAPHS)
    denom = jnp.maximum(counts, 1.0)[:, None]
    z1 = jax.ops.segment_sum(x1, batch, num_segments=NUM_GRAPHS) / denom  # computed as in torch code (unused)
    z5 = jax.ops.segment_sum(x5, batch, num_segments=NUM_GRAPHS) / denom
    z5_max = jax.ops.segment_max(x5, batch, num_segments=NUM_GRAPHS)
    z5_max = jnp.where(counts[:, None] > 0, z5_max, 0.0)
    z = jnp.concatenate([z5, z5_max], axis=1)
    z = jax.nn.relu(z @ fc1_W + fc1_b)
    z = z @ fc2_W + fc2_b
    return z

if __name__ == "__main__":
    import jax
    _d = setup_inputs()
    print(jax.jit(kernel)(*tuple(_d.values())))

</pallas_src>

<mosaic_0001>
#map = affine_map<(d0, d1) -> (0, 0)>
#map1 = affine_map<(d0, d1) -> (0, 0, 0)>
module attributes {stable_mosaic.version = 14 : i64} {
  func.func @k(%arg0: i32, %arg1: i32, %arg2: memref<10112x64xf32, #tpu.memory_space<hbm>>, %arg3: memref<32x79x128xi32, #tpu.memory_space<hbm>>, %arg4: memref<32x79x128xi32, #tpu.memory_space<hbm>>, %arg5: memref<2x10112x64xf32, #tpu.memory_space<hbm>>, %arg6: memref<79x128xi32, #tpu.memory_space<vmem>>, %arg7: memref<79x128xi32, #tpu.memory_space<vmem>>, %arg8: memref<128x64xf32, #tpu.memory_space<vmem>>, %arg9: memref<79x64xf32, #tpu.memory_space<vmem>>, %arg10: memref<10112x64xf32, #tpu.memory_space<vmem_shared>>, %arg11: memref<!tpu.dma_semaphore, #tpu.memory_space<semaphore_mem>>) attributes {dimension_semantics = [#tpu.dimension_semantics<core_parallel>, #tpu.dimension_semantics<subcore_parallel>], iteration_bounds = array<i64: 2, 16>, scalar_prefetch = 0 : i64, scratch_operands = 6 : i64, tpu.core_type = #tpu.core_type<sc_vector_subcore>, window_params = [{transform_indices = #map}, {transform_indices = #map1}, {transform_indices = #map1}, {transform_indices = #map1}]} {
    %mul3A = arith.constant 2 : i32
    %mul3A_0 = arith.muli %arg1, %mul3A : i32
    %add3A = arith.addi %mul3A_0, %arg0 : i32
    %scan3A = arith.constant 0 : i32
    %scan3A_1 = arith.constant 0 : i32
    %scan3A_2 = arith.constant 79 : i32
    %scan3A_3 = arith.addi %scan3A_1, %scan3A_2 : i32
    %scan3A_4 = arith.constant 1 : i32
    scf.for %scan3A_49 = %scan3A_1 to %scan3A_3 step %scan3A_4  : i32 {
      %broadcast_in_dim3A = arith.constant 0.000000e+00 : f32
      %broadcast_in_dim3A_50 = vector.broadcast %broadcast_in_dim3A : f32 to vector<16xf32>
      %swap3A = arith.index_cast %scan3A_49 : i32 to index
      %swap3A_51 = arith.constant 0 : index
      %swap3A_52 = tpu.vector_load %arg9[%swap3A, %swap3A_51] {strides = array<i32>} : memref<79x64xf32, #tpu.memory_space<vmem>>, vector<1x16xf32>,
      %swap3A_53 = vector.shape_cast %swap3A_52 : vector<1x16xf32> to vector<16xf32>
      %swap3A_54 = vector.shape_cast %broadcast_in_dim3A_50 : vector<16xf32> to vector<1x16xf32>
      tpu.vector_store %arg9[%swap3A, %swap3A_51], %swap3A_54 {strides = array<i32>} : memref<79x64xf32, #tpu.memory_space<vmem>>, vector<1x16xf32>,
      %broadcast_in_dim3A_55 = arith.constant 0.000000e+00 : f32
      %broadcast_in_dim3A_56 = vector.broadcast %broadcast_in_dim3A_55 : f32 to vector<16xf32>
      %swap3A_57 = arith.index_cast %scan3A_49 : i32 to index
      %swap3A_58 = arith.constant 16 : index
      %swap3A_59 = tpu.vector_load %arg9[%swap3A_57, %swap3A_58] {strides = array<i32>} : memref<79x64xf32, #tpu.memory_space<vmem>>, vector<1x16xf32>,
      %swap3A_60 = vector.shape_cast %swap3A_59 : vector<1x16xf32> to vector<16xf32>
      %swap3A_61 = vector.shape_cast %broadcast_in_dim3A_56 : vector<16xf32> to vector<1x16xf32>
      tpu.vector_store %arg9[%swap3A_57, %swap3A_58], %swap3A_61 {strides = array<i32>} : memref<79x64xf32, #tpu.memory_space<vmem>>, vector<1x16xf32>,
      %broadcast_in_dim3A_62 = arith.constant 0.000000e+00 : f32
      %broadcast_in_dim3A_63 = vector.broadcast %broadcast_in_dim3A_62 : f32 to vector<16xf32>
      %swap3A_64 = arith.index_cast %scan3A_49 : i32 to index
      %swap3A_65 = arith.constant 32 : index
      %swap3A_66 = tpu.vector_load %arg9[%swap3A_64, %swap3A_65] {strides = array<i32>} : memref<79x64xf32, #tpu.memory_space<vmem>>, vector<1x16xf32>,
      %swap3A_67 = vector.shape_cast %swap3A_66 : vector<1x16xf32> to vector<16xf32>
      %swap3A_68 = vector.shape_cast %broadcast_in_dim3A_63 : vector<16xf32> to vector<1x16xf32>
      tpu.vector_store %arg9[%swap3A_64, %swap3A_65], %swap3A_68 {strides = array<i32>} : memref<79x64xf32, #tpu.memory_space<vmem>>, vector<1x16xf32>,
      %broadcast_in_dim3A_69 = arith.constant 0.000000e+00 : f32
      %broadcast_in_dim3A_70 = vector.broadcast %broadcast_in_dim3A_69 : f32 to vector<16xf32>
      %swap3A_71 = arith.index_cast %scan3A_49 : i32 to index
      %swap3A_72 = arith.constant 48 : index
      %swap3A_73 = tpu.vector_load %arg9[%swap3A_71, %swap3A_72] {strides = array<i32>} : memref<79x64xf32, #tpu.memory_space<vmem>>, vector<1x16xf32>,
      %swap3A_74 = vector.shape_cast %swap3A_73 : vector<1x16xf32> to vector<16xf32>
      %swap3A_75 = vector.shape_cast %broadcast_in_dim3A_70 : vector<16xf32> to vector<1x16xf32>
      tpu.vector_store %arg9[%swap3A_71, %swap3A_72], %swap3A_75 {strides = array<i32>} : memref<79x64xf32, #tpu.memory_space<vmem>>, vector<1x16xf32>,
    }
    %scan3A_5 = arith.constant 79 : i32
    %mul3A_6 = arith.constant 632 : i32
    %mul3A_7 = arith.muli %arg1, %mul3A_6 : i32
    %add3A_8 = arith.constant 0 : i32
    %add3A_9 = arith.addi %mul3A_7, %add3A_8 : i32
    "tpu.region"() ({
      %run_scoped3A = tpu.sem_alloc : memref<!tpu.dma_semaphore, #tpu.memory_space<semaphore_mem>>
      %dma_start3A = arith.constant 0 : i32
      %dma_start3A_49 = tpu.memref_slice %arg10[%add3A_9, %dma_start3A] : memref<10112x64xf32, #tpu.memory_space<vmem_shared>> -> memref<79x64xf32, #tpu.memory_space<vmem_shared>>
      %dma_start3A_50 = arith.constant 0 : i32
      %dma_start3A_51 = tpu.memref_slice %arg10[%add3A_9, %dma_start3A_50] : memref<10112x64xf32, #tpu.memory_space<vmem_shared>> -> memref<79x64xf32, #tpu.memory_space<vmem_shared>>
      tpu.enqueue_dma source(%arg9 : memref<79x64xf32, #tpu.memory_space<vmem>>) target(%dma_start3A_51 : memref<79x64xf32, #tpu.memory_space<vmem_shared>>) target_semaphore(%run_scoped3A : memref<!tpu.dma_semaphore, #tpu.memory_space<semaphore_mem>>)
      %dma_wait3A = arith.constant 0 : i32
      %dma_wait3A_52 = tpu.memref_slice %arg10[%add3A_9, %dma_wait3A] : memref<10112x64xf32, #tpu.memory_space<vmem_shared>> -> memref<79x64xf32, #tpu.memory_space<vmem_shared>>
      %dma_wait3A_53 = arith.constant 0 : i32
      %dma_wait3A_54 = tpu.memref_slice %arg10[%add3A_9, %dma_wait3A_53] : memref<10112x64xf32, #tpu.memory_space<vmem_shared>> -> memref<79x64xf32, #tpu.memory_space<vmem_shared>>
      tpu.wait_dma2 semaphore(%run_scoped3A : memref<!tpu.dma_semaphore, #tpu.memory_space<semaphore_mem>>) src(%arg9 : memref<79x64xf32, #tpu.memory_space<vmem>>) dst(%dma_wait3A_54 : memref<79x64xf32, #tpu.memory_space<vmem_shared>>)
      tpu.yield
    }) : () -> ()
    %mul3A_10 = arith.constant 632 : i32
    %mul3A_11 = arith.muli %arg1, %mul3A_10 : i32
    %add3A_12 = arith.constant 79 : i32
    %add3A_13 = arith.addi %mul3A_11, %add3A_12 : i32
    "tpu.region"() ({
      %run_scoped3A = tpu.sem_alloc : memref<!tpu.dma_semaphore, #tpu.memory_space<semaphore_mem>>
      %dma_start3A = arith.constant 0 : i32
      %dma_start3A_49 = tpu.memref_slice %arg10[%add3A_13, %dma_start3A] : memref<10112x64xf32, #tpu.memory_space<vmem_shared>> -> memref<79x64xf32, #tpu.memory_space<vmem_shared>>
      %dma_start3A_50 = arith.constant 0 : i32
      %dma_start3A_51 = tpu.memref_slice %arg10[%add3A_13, %dma_start3A_50] : memref<10112x64xf32, #tpu.memory_space<vmem_shared>> -> memref<79x64xf32, #tpu.memory_space<vmem_shared>>
      tpu.enqueue_dma source(%arg9 : memref<79x64xf32, #tpu.memory_space<vmem>>) target(%dma_start3A_51 : memref<79x64xf32, #tpu.memory_space<vmem_shared>>) target_semaphore(%run_scoped3A : memref<!tpu.dma_semaphore, #tpu.memory_space<semaphore_mem>>)
      %dma_wait3A = arith.constant 0 : i32
      %dma_wait3A_52 = tpu.memref_slice %arg10[%add3A_13, %dma_wait3A] : memref<10112x64xf32, #tpu.memory_space<vmem_shared>> -> memref<79x64xf32, #tpu.memory_space<vmem_shared>>
      %dma_wait3A_53 = arith.constant 0 : i32
      %dma_wait3A_54 = tpu.memref_slice %arg10[%add3A_13, %dma_wait3A_53] : memref<10112x64xf32, #tpu.memory_space<vmem_shared>> -> memref<79x64xf32, #tpu.memory_space<vmem_shared>>
      tpu.wait_dma2 semaphore(%run_scoped3A : memref<!tpu.dma_semaphore, #tpu.memory_space<semaphore_mem>>) src(%arg9 : memref<79x64xf32, #tpu.memory_space<vmem>>) dst(%dma_wait3A_54 : memref<79x64xf32, #tpu.memory_space<vmem_shared>>)
      tpu.yield
    }) : () -> ()
    %mul3A_14 = arith.constant 632 : i32
    %mul3A_15 = arith.muli %arg1, %mul3A_14 : i32
    %add3A_16 = arith.constant 158 : i32
    %add3A_17 = arith.addi %mul3A_15, %add3A_16 : i32
    "tpu.region"() ({
      %run_scoped3A = tpu.sem_alloc : memref<!tpu.dma_semaphore, #tpu.memory_space<semaphore_mem>>
      %dma_start3A = arith.constant 0 : i32
      %dma_start3A_49 = tpu.memref_slice %arg10[%add3A_17, %dma_start3A] : memref<10112x64xf32, #tpu.memory_space<vmem_shared>> -> memref<79x64xf32, #tpu.memory_space<vmem_shared>>
      %dma_start3A_50 = arith.constant 0 : i32
      %dma_start3A_51 = tpu.memref_slice %arg10[%add3A_17, %dma_start3A_50] : memref<10112x64xf32, #tpu.memory_space<vmem_shared>> -> memref<79x64xf32, #tpu.memory_space<vmem_shared>>
      tpu.enqueue_dma source(%arg9 : memref<79x64xf32, #tpu.memory_space<vmem>>) target(%dma_start3A_51 : memref<79x64xf32, #tpu.memory_space<vmem_shared>>) target_semaphore(%run_scoped3A : memref<!tpu.dma_semaphore, #tpu.memory_space<semaphore_mem>>)
      %dma_wait3A = arith.constant 0 : i32
      %dma_wait3A_52 = tpu.memref_slice %arg10[%add3A_17, %dma_wait3A] : memref<10112x64xf32, #tpu.memory_space<vmem_shared>> -> memref<79x64xf32, #tpu.memory_space<vmem_shared>>
      %dma_wait3A_53 = arith.constant 0 : i32
      %dma_wait3A_54 = tpu.memref_slice %arg10[%add3A_17, %dma_wait3A_53] : memref<10112x64xf32, #tpu.memory_space<vmem_shared>> -> memref<79x64xf32, #tpu.memory_space<vmem_shared>>
      tpu.wait_dma2 semaphore(%run_scoped3A : memref<!tpu.dma_semaphore, #tpu.memory_space<semaphore_mem>>) src(%arg9 : memref<79x64xf32, #tpu.memory_space<vmem>>) dst(%dma_wait3A_54 : memref<79x64xf32, #tpu.memory_space<vmem_shared>>)
      tpu.yield
    }) : () -> ()
    %mul3A_18 = arith.constant 632 : i32
    %mul3A_19 = arith.muli %arg1, %mul3A_18 : i32
    %add3A_20 = arith.constant 237 : i32
    %add3A_21 = arith.addi %mul3A_19, %add3A_20 : i32
    "tpu.region"() ({
      %run_scoped3A = tpu.sem_alloc : memref<!tpu.dma_semaphore, #tpu.memory_space<semaphore_mem>>
      %dma_start3A = arith.constant 0 : i32
      %dma_start3A_49 = tpu.memref_slice %arg10[%add3A_21, %dma_start3A] : memref<10112x64xf32, #tpu.memory_space<vmem_shared>> -> memref<79x64xf32, #tpu.memory_space<vmem_shared>>
      %dma_start3A_50 = arith.constant 0 : i32
      %dma_start3A_51 = tpu.memref_slice %arg10[%add3A_21, %dma_start3A_50] : memref<10112x64xf32, #tpu.memory_space<vmem_shared>> -> memref<79x64xf32, #tpu.memory_space<vmem_shared>>
      tpu.enqueue_dma source(%arg9 : memref<79x64xf32, #tpu.memory_space<vmem>>) target(%dma_start3A_51 : memref<79x64xf32, #tpu.memory_space<vmem_shared>>) target_semaphore(%run_scoped3A : memref<!tpu.dma_semaphore, #tpu.memory_space<semaphore_mem>>)
      %dma_wait3A = arith.constant 0 : i32
      %dma_wait3A_52 = tpu.memref_slice %arg10[%add3A_21, %dma_wait3A] : memref<10112x64xf32, #tpu.memory_space<vmem_shared>> -> memref<79x64xf32, #tpu.memory_space<vmem_shared>>
      %dma_wait3A_53 = arith.constant 0 : i32
      %dma_wait3A_54 = tpu.memref_slice %arg10[%add3A_21, %dma_wait3A_53] : memref<10112x64xf32, #tpu.memory_space<vmem_shared>> -> memref<79x64xf32, #tpu.memory_space<vmem_shared>>
      tpu.wait_dma2 semaphore(%run_scoped3A : memref<!tpu.dma_semaphore, #tpu.memory_space<semaphore_mem>>) src(%arg9 : memref<79x64xf32, #tpu.memory_space<vmem>>) dst(%dma_wait3A_54 : memref<79x64xf32, #tpu.memory_space<vmem_shared>>)
      tpu.yield
    }) : () -> ()
    %mul3A_22 = arith.constant 632 : i32
    %mul3A_23 = arith.muli %arg1, %mul3A_22 : i32
    %add3A_24 = arith.constant 316 : i32
    %add3A_25 = arith.addi %mul3A_23, %add3A_24 : i32
    "tpu.region"() ({
      %run_scoped3A = tpu.sem_alloc : memref<!tpu.dma_semaphore, #tpu.memory_space<semaphore_mem>>
      %dma_start3A = arith.constant 0 : i32
      %dma_start3A_49 = tpu.memref_slice %arg10[%add3A_25, %dma_start3A] : memref<10112x64xf32, #tpu.memory_space<vmem_shared>> -> memref<79x64xf32, #tpu.memory_space<vmem_shared>>
      %dma_start3A_50 = arith.constant 0 : i32
      %dma_start3A_51 = tpu.memref_slice %arg10[%add3A_25, %dma_start3A_50] : memref<10112x64xf32, #tpu.memory_space<vmem_shared>> -> memref<79x64xf32, #tpu.memory_space<vmem_shared>>
      tpu.enqueue_dma source(%arg9 : memref<79x64xf32, #tpu.memory_space<vmem>>) target(%dma_start3A_51 : memref<79x64xf32, #tpu.memory_space<vmem_shared>>) target_semaphore(%run_scoped3A : memref<!tpu.dma_semaphore, #tpu.memory_space<semaphore_mem>>)
      %dma_wait3A = arith.constant 0 : i32
      %dma_wait3A_52 = tpu.memref_slice %arg10[%add3A_25, %dma_wait3A] : memref<10112x64xf32, #tpu.memory_space<vmem_shared>> -> memref<79x64xf32, #tpu.memory_space<vmem_shared>>
      %dma_wait3A_53 = arith.constant 0 : i32
      %dma_wait3A_54 = tpu.memref_slice %arg10[%add3A_25, %dma_wait3A_53] : memref<10112x64xf32, #tpu.memory_space<vmem_shared>> -> memref<79x64xf32, #tpu.memory_space<vmem_shared>>
      tpu.wait_dma2 semaphore(%run_scoped3A : memref<!tpu.dma_semaphore, #tpu.memory_space<semaphore_mem>>) src(%arg9 : memref<79x64xf32, #tpu.memory_space<vmem>>) dst(%dma_wait3A_54 : memref<79x64xf32, #tpu.memory_space<vmem_shared>>)
      tpu.yield
    }) : () -> ()
    %mul3A_26 = arith.constant 632 : i32
    %mul3A_27 = arith.muli %arg1, %mul3A_26 : i32
    %add3A_28 = arith.constant 395 : i32
    %add3A_29 = arith.addi %mul3A_27, %add3A_28 : i32
    "tpu.region"() ({
      %run_scoped3A = tpu.sem_alloc : memref<!tpu.dma_semaphore, #tpu.memory_space<semaphore_mem>>
      %dma_start3A = arith.constant 0 : i32
      %dma_start3A_49 = tpu.memref_slice %arg10[%add3A_29, %dma_start3A] : memref<10112x64xf32, #tpu.memory_space<vmem_shared>> -> memref<79x64xf32, #tpu.memory_space<vmem_shared>>
      %dma_start3A_50 = arith.constant 0 : i32
      %dma_start3A_51 = tpu.memref_slice %arg10[%add3A_29, %dma_start3A_50] : memref<10112x64xf32, #tpu.memory_space<vmem_shared>> -> memref<79x64xf32, #tpu.memory_space<vmem_shared>>
      tpu.enqueue_dma source(%arg9 : memref<79x64xf32, #tpu.memory_space<vmem>>) target(%dma_start3A_51 : memref<79x64xf32, #tpu.memory_space<vmem_shared>>) target_semaphore(%run_scoped3A : memref<!tpu.dma_semaphore, #tpu.memory_space<semaphore_mem>>)
      %dma_wait3A = arith.constant 0 : i32
      %dma_wait3A_52 = tpu.memref_slice %arg10[%add3A_29, %dma_wait3A] : memref<10112x64xf32, #tpu.memory_space<vmem_shared>> -> memref<79x64xf32, #tpu.memory_space<vmem_shared>>
      %dma_wait3A_53 = arith.constant 0 : i32
      %dma_wait3A_54 = tpu.memref_slice %arg10[%add3A_29, %dma_wait3A_53] : memref<10112x64xf32, #tpu.memory_space<vmem_shared>> -> memref<79x64xf32, #tpu.memory_space<vmem_shared>>
      tpu.wait_dma2 semaphore(%run_scoped3A : memref<!tpu.dma_semaphore, #tpu.memory_space<semaphore_mem>>) src(%arg9 : memref<79x64xf32, #tpu.memory_space<vmem>>) dst(%dma_wait3A_54 : memref<79x64xf32, #tpu.memory_space<vmem_shared>>)
      tpu.yield
    }) : () -> ()
    %mul3A_30 = arith.constant 632 : i32
    %mul3A_31 = arith.muli %arg1, %mul3A_30 : i32
    %add3A_32 = arith.constant 474 : i32
    %add3A_33 = arith.addi %mul3A_31, %add3A_32 : i32
    "tpu.region"() ({
      %run_scoped3A = tpu.sem_alloc : memref<!tpu.dma_semaphore, #tpu.memory_space<semaphore_mem>>
      %dma_start3A = arith.constant 0 : i32
      %dma_start3A_49 = tpu.memref_slice %arg10[%add3A_33, %dma_start3A] : memref<10112x64xf32, #tpu.memory_space<vmem_shared>> -> memref<79x64xf32, #tpu.memory_space<vmem_shared>>
      %dma_start3A_50 = arith.constant 0 : i32
      %dma_start3A_51 = tpu.memref_slice %arg10[%add3A_33, %dma_start3A_50] : memref<10112x64xf32, #tpu.memory_space<vmem_shared>> -> memref<79x64xf32, #tpu.memory_space<vmem_shared>>
      tpu.enqueue_dma source(%arg9 : memref<79x64xf32, #tpu.memory_space<vmem>>) target(%dma_start3A_51 : memref<79x64xf32, #tpu.memory_space<vmem_shared>>) target_semaphore(%run_scoped3A : memref<!tpu.dma_semaphore, #tpu.memory_space<semaphore_mem>>)
      %dma_wait3A = arith.constant 0 : i32
      %dma_wait3A_52 = tpu.memref_slice %arg10[%add3A_33, %dma_wait3A] : memref<10112x64xf32, #tpu.memory_space<vmem_shared>> -> memref<79x64xf32, #tpu.memory_space<vmem_shared>>
      %dma_wait3A_53 = arith.constant 0 : i32
      %dma_wait3A_54 = tpu.memref_slice %arg10[%add3A_33, %dma_wait3A_53] : memref<10112x64xf32, #tpu.memory_space<vmem_shared>> -> memref<79x64xf32, #tpu.memory_space<vmem_shared>>
      tpu.wait_dma2 semaphore(%run_scoped3A : memref<!tpu.dma_semaphore, #tpu.memory_space<semaphore_mem>>) src(%arg9 : memref<79x64xf32, #tpu.memory_space<vmem>>) dst(%dma_wait3A_54 : memref<79x64xf32, #tpu.memory_space<vmem_shared>>)
      tpu.yield
    }) : () -> ()
    %mul3A_34 = arith.constant 632 : i32
    %mul3A_35 = arith.muli %arg1, %mul3A_34 : i32
    %add3A_36 = arith.constant 553 : i32
    %add3A_37 = arith.addi %mul3A_35, %add3A_36 : i32
    "tpu.region"() ({
      %run_scoped3A = tpu.sem_alloc : memref<!tpu.dma_semaphore, #tpu.memory_space<semaphore_mem>>
      %dma_start3A = arith.constant 0 : i32
      %dma_start3A_49 = tpu.memref_slice %arg10[%add3A_37, %dma_start3A] : memref<10112x64xf32, #tpu.memory_space<vmem_shared>> -> memref<79x64xf32, #tpu.memory_space<vmem_shared>>
      %dma_start3A_50 = arith.constant 0 : i32
      %dma_start3A_51 = tpu.memref_slice %arg10[%add3A_37, %dma_start3A_50] : memref<10112x64xf32, #tpu.memory_space<vmem_shared>> -> memref<79x64xf32, #tpu.memory_space<vmem_shared>>
      tpu.enqueue_dma source(%arg9 : memref<79x64xf32, #tpu.memory_space<vmem>>) target(%dma_start3A_51 : memref<79x64xf32, #tpu.memory_space<vmem_shared>>) target_semaphore(%run_scoped3A : memref<!tpu.dma_semaphore, #tpu.memory_space<semaphore_mem>>)
      %dma_wait3A = arith.constant 0 : i32
      %dma_wait3A_52 = tpu.memref_slice %arg10[%add3A_37, %dma_wait3A] : memref<10112x64xf32, #tpu.memory_space<vmem_shared>> -> memref<79x64xf32, #tpu.memory_space<vmem_shared>>
      %dma_wait3A_53 = arith.constant 0 : i32
      %dma_wait3A_54 = tpu.memref_slice %arg10[%add3A_37, %dma_wait3A_53] : memref<10112x64xf32, #tpu.memory_space<vmem_shared>> -> memref<79x64xf32, #tpu.memory_space<vmem_shared>>
      tpu.wait_dma2 semaphore(%run_scoped3A : memref<!tpu.dma_semaphore, #tpu.memory_space<semaphore_mem>>) src(%arg9 : memref<79x64xf32, #tpu.memory_space<vmem>>) dst(%dma_wait3A_54 : memref<79x64xf32, #tpu.memory_space<vmem_shared>>)
      tpu.yield
    }) : () -> ()
    "tpu.region"() ({
      %run_scoped3A = tpu.sem_alloc : memref<!tpu.dma_semaphore, #tpu.memory_space<semaphore_mem>>
      %dma_start3A = arith.constant 0 : i32
      %dma_start3A_49 = arith.constant 0 : i32
      %dma_start3A_50 = tpu.memref_slice %arg3[%add3A, %dma_start3A, %dma_start3A_49] : memref<32x79x128xi32, #tpu.memory_space<hbm>> -> memref<1x79x128xi32, #tpu.memory_space<hbm>>
      %dma_start3A_51 = tpu.memref_squeeze %dma_start3A_50 : memref<1x79x128xi32, #tpu.memory_space<hbm>> -> memref<79x128xi32, #tpu.memory_space<hbm>>
      %dma_start3A_52 = arith.constant 0 : i32
      %dma_start3A_53 = arith.constant 0 : i32
      %dma_start3A_54 = tpu.memref_slice %arg3[%add3A, %dma_start3A_52, %dma_start3A_53] : memref<32x79x128xi32, #tpu.memory_space<hbm>> -> memref<1x79x128xi32, #tpu.memory_space<hbm>>
      %dma_start3A_55 = tpu.memref_squeeze %dma_start3A_54 : memref<1x79x128xi32, #tpu.memory_space<hbm>> -> memref<79x128xi32, #tpu.memory_space<hbm>>
      tpu.enqueue_dma source(%dma_start3A_55 : memref<79x128xi32, #tpu.memory_space<hbm>>) target(%arg6 : memref<79x128xi32, #tpu.memory_space<vmem>>) target_semaphore(%run_scoped3A : memref<!tpu.dma_semaphore, #tpu.memory_space<semaphore_mem>>)
      %dma_wait3A = arith.constant 0 : i32
      %dma_wait3A_56 = arith.constant 0 : i32
      %dma_wait3A_57 = tpu.memref_slice %arg3[%add3A, %dma_wait3A, %dma_wait3A_56] : memref<32x79x128xi32, #tpu.memory_space<hbm>> -> memref<1x79x128xi32, #tpu.memory_space<hbm>>
      %dma_wait3A_58 = tpu.memref_squeeze %dma_wait3A_57 : memref<1x79x128xi32, #tpu.memory_space<hbm>> -> memref<79x128xi32, #tpu.memory_space<hbm>>
      %dma_wait3A_59 = arith.constant 0 : i32
      %dma_wait3A_60 = arith.constant 0 : i32
      %dma_wait3A_61 = tpu.memref_slice %arg3[%add3A, %dma_wait3A_59, %dma_wait3A_60] : memref<32x79x128xi32, #tpu.memory_space<hbm>> -> memref<1x79x128xi32, #tpu.memory_space<hbm>>
      %dma_wait3A_62 = tpu.memref_squeeze %dma_wait3A_61 : memref<1x79x128xi32, #tpu.memory_space<hbm>> -> memref<79x128xi32, #tpu.memory_space<hbm>>
      tpu.wait_dma2 semaphore(%run_scoped3A : memref<!tpu.dma_semaphore, #tpu.memory_space<semaphore_mem>>) src(%dma_wait3A_62 : memref<79x128xi32, #tpu.memory_space<hbm>>) dst(%arg6 : memref<79x128xi32, #tpu.memory_space<vmem>>)
      tpu.yield
    }) : () -> ()
    "tpu.region"() ({
      %run_scoped3A = tpu.sem_alloc : memref<!tpu.dma_semaphore, #tpu.memory_space<semaphore_mem>>
      %dma_start3A = arith.constant 0 : i32
      %dma_start3A_49 = arith.constant 0 : i32
      %dma_start3A_50 = tpu.memref_slice %arg4[%add3A, %dma_start3A, %dma_start3A_49] : memref<32x79x128xi32, #tpu.memory_space<hbm>> -> memref<1x79x128xi32, #tpu.memory_space<hbm>>
      %dma_start3A_51 = tpu.memref_squeeze %dma_start3A_50 : memref<1x79x128xi32, #tpu.memory_space<hbm>> -> memref<79x128xi32, #tpu.memory_space<hbm>>
      %dma_start3A_52 = arith.constant 0 : i32
      %dma_start3A_53 = arith.constant 0 : i32
      %dma_start3A_54 = tpu.memref_slice %arg4[%add3A, %dma_start3A_52, %dma_start3A_53] : memref<32x79x128xi32, #tpu.memory_space<hbm>> -> memref<1x79x128xi32, #tpu.memory_space<hbm>>
      %dma_start3A_55 = tpu.memref_squeeze %dma_start3A_54 : memref<1x79x128xi32, #tpu.memory_space<hbm>> -> memref<79x128xi32, #tpu.memory_space<hbm>>
      tpu.enqueue_dma source(%dma_start3A_55 : memref<79x128xi32, #tpu.memory_space<hbm>>) target(%arg7 : memref<79x128xi32, #tpu.memory_space<vmem>>) target_semaphore(%run_scoped3A : memref<!tpu.dma_semaphore, #tpu.memory_space<semaphore_mem>>)
      %dma_wait3A = arith.constant 0 : i32
      %dma_wait3A_56 = arith.constant 0 : i32
      %dma_wait3A_57 = tpu.memref_slice %arg4[%add3A, %dma_wait3A, %dma_wait3A_56] : memref<32x79x128xi32, #tpu.memory_space<hbm>> -> memref<1x79x128xi32, #tpu.memory_space<hbm>>
      %dma_wait3A_58 = tpu.memref_squeeze %dma_wait3A_57 : memref<1x79x128xi32, #tpu.memory_space<hbm>> -> memref<79x128xi32, #tpu.memory_space<hbm>>
      %dma_wait3A_59 = arith.constant 0 : i32
      %dma_wait3A_60 = arith.constant 0 : i32
      %dma_wait3A_61 = tpu.memref_slice %arg4[%add3A, %dma_wait3A_59, %dma_wait3A_60] : memref<32x79x128xi32, #tpu.memory_space<hbm>> -> memref<1x79x128xi32, #tpu.memory_space<hbm>>
      %dma_wait3A_62 = tpu.memref_squeeze %dma_wait3A_61 : memref<1x79x128xi32, #tpu.memory_space<hbm>> -> memref<79x128xi32, #tpu.memory_space<hbm>>
      tpu.wait_dma2 semaphore(%run_scoped3A : memref<!tpu.dma_semaphore, #tpu.memory_space<semaphore_mem>>) src(%dma_wait3A_62 : memref<79x128xi32, #tpu.memory_space<hbm>>) dst(%arg7 : memref<79x128xi32, #tpu.memory_space<vmem>>)
      tpu.yield
    }) : () -> ()
    %barrier3A = arith.constant 0 : index
    tpu.barrier barrier_id(%barrier3A)
    %scan3A_38 = arith.constant 0 : i32
    %scan3A_39 = arith.constant 0 : i32
    %scan3A_40 = arith.constant 79 : i32
    %scan3A_41 = arith.addi %scan3A_39, %scan3A_40 : i32
    %scan3A_42 = arith.constant 1 : i32
    scf.for %scan3A_49 = %scan3A_39 to %scan3A_41 step %scan3A_42  : i32 {
      %dma_start3A = arith.constant 0 : i32
      %dma_start3A_50 = tpu.memref_slice %arg6[%scan3A_49, %dma_start3A] : memref<79x128xi32, #tpu.memory_space<vmem>> -> memref<1x128xi32, #tpu.memory_space<vmem>>
      %dma_start3A_51 = tpu.memref_squeeze %dma_start3A_50 : memref<1x128xi32, #tpu.memory_space<vmem>> -> memref<128xi32, #tpu.memory_space<vmem>>
      %dma_start3A_52 = arith.constant 0 : i32
      %dma_start3A_53 = arith.constant 0 : i32
      %dma_start3A_54 = tpu.memref_slice %arg2[%dma_start3A_52, %dma_start3A_53] : memref<10112x64xf32, #tpu.memory_space<hbm>> -> memref<10112x64xf32, #tpu.memory_space<hbm>>
      tpu.enqueue_indirect_dma source(%dma_start3A_54 : memref<10112x64xf32, #tpu.memory_space<hbm>>) target(%arg8 : memref<128x64xf32, #tpu.memory_space<vmem>>) offsets(%dma_start3A_51 : memref<128xi32, #tpu.memory_space<vmem>>) semaphore(%arg11 : memref<!tpu.dma_semaphore, #tpu.memory_space<semaphore_mem>>)
      %dma_wait3A = arith.constant 0 : i32
      %dma_wait3A_55 = tpu.memref_slice %arg6[%scan3A_49, %dma_wait3A] : memref<79x128xi32, #tpu.memory_space<vmem>> -> memref<1x128xi32, #tpu.memory_space<vmem>>
      %dma_wait3A_56 = tpu.memref_squeeze %dma_wait3A_55 : memref<1x128xi32, #tpu.memory_space<vmem>> -> memref<128xi32, #tpu.memory_space<vmem>>
      %dma_wait3A_57 = arith.constant 0 : i32
      %dma_wait3A_58 = arith.constant 0 : i32
      %dma_wait3A_59 = tpu.memref_slice %arg2[%dma_wait3A_57, %dma_wait3A_58] : memref<10112x64xf32, #tpu.memory_space<hbm>> -> memref<10112x64xf32, #tpu.memory_space<hbm>>
      tpu.wait_indirect_dma semaphore(%arg11 : memref<!tpu.dma_semaphore, #tpu.memory_space<semaphore_mem>>) src(%dma_wait3A_59 : memref<10112x64xf32, #tpu.memory_space<hbm>>) dst(%arg8 : memref<128x64xf32, #tpu.memory_space<vmem>>)
      "tpu.region"() ({
        %run_scoped3A = tpu.sem_alloc : memref<!tpu.dma_semaphore, #tpu.memory_space<semaphore_mem>>
        %dma_start3A_60 = arith.constant 0 : i32
        %dma_start3A_61 = tpu.memref_slice %arg7[%scan3A_49, %dma_start3A_60] : memref<79x128xi32, #tpu.memory_space<vmem>> -> memref<1x128xi32, #tpu.memory_space<vmem>>
        %dma_start3A_62 = tpu.memref_squeeze %dma_start3A_61 : memref<1x128xi32, #tpu.memory_space<vmem>> -> memref<128xi32, #tpu.memory_space<vmem>>
        %dma_start3A_63 = arith.constant 0 : i32
        %dma_start3A_64 = arith.constant 0 : i32
        %dma_start3A_65 = tpu.memref_slice %arg10[%dma_start3A_63, %dma_start3A_64] : memref<10112x64xf32, #tpu.memory_space<vmem_shared>> -> memref<10112x64xf32, #tpu.memory_space<vmem_shared>>
        tpu.enqueue_indirect_dma source(%arg8 : memref<128x64xf32, #tpu.memory_space<vmem>>) target(%dma_start3A_65 : memref<10112x64xf32, #tpu.memory_space<vmem_shared>>) offsets(%dma_start3A_62 : memref<128xi32, #tpu.memory_space<vmem>>) semaphore(%run_scoped3A : memref<!tpu.dma_semaphore, #tpu.memory_space<semaphore_mem>>) {add = true}
        %dma_wait3A_66 = arith.constant 0 : i32
        %dma_wait3A_67 = tpu.memref_slice %arg7[%scan3A_49, %dma_wait3A_66] : memref<79x128xi32, #tpu.memory_space<vmem>> -> memref<1x128xi32, #tpu.memory_space<vmem>>
        %dma_wait3A_68 = tpu.memref_squeeze %dma_wait3A_67 : memref<1x128xi32, #tpu.memory_space<vmem>> -> memref<128xi32, #tpu.memory_space<vmem>>
        %dma_wait3A_69 = arith.constant 0 : i32
        %dma_wait3A_70 = arith.constant 0 : i32
        %dma_wait3A_71 = tpu.memref_slice %arg10[%dma_wait3A_69, %dma_wait3A_70] : memref<10112x64xf32, #tpu.memory_space<vmem_shared>> -> memref<10112x64xf32, #tpu.memory_space<vmem_shared>>
        tpu.wait_indirect_dma semaphore(%run_scoped3A : memref<!tpu.dma_semaphore, #tpu.memory_space<semaphore_mem>>) src(%arg8 : memref<128x64xf32, #tpu.memory_space<vmem>>) dst(%dma_wait3A_71 : memref<10112x64xf32, #tpu.memory_space<vmem_shared>>)
        tpu.yield
      }) : () -> ()
    }
    %scan3A_43 = arith.constant 79 : i32
    %barrier3A_44 = arith.constant 0 : index
    tpu.barrier barrier_id(%barrier3A_44)
    %mul3A_45 = arith.constant 632 : i32
    %mul3A_46 = arith.muli %arg1, %mul3A_45 : i32
    %mul3A_47 = arith.constant 632 : i32
    %mul3A_48 = arith.muli %arg1, %mul3A_47 : i32
    "tpu.region"() ({
      %run_scoped3A = tpu.sem_alloc : memref<!tpu.dma_semaphore, #tpu.memory_space<semaphore_mem>>
      %dma_start3A = arith.constant 0 : i32
      %dma_start3A_49 = tpu.memref_slice %arg5[%arg0, %mul3A_48, %dma_start3A] : memref<2x10112x64xf32, #tpu.memory_space<hbm>> -> memref<1x632x64xf32, #tpu.memory_space<hbm>>
      %dma_start3A_50 = tpu.memref_squeeze %dma_start3A_49 : memref<1x632x64xf32, #tpu.memory_space<hbm>> -> memref<632x64xf32, #tpu.memory_space<hbm>>
      %dma_start3A_51 = arith.constant 0 : i32
      %dma_start3A_52 = tpu.memref_slice %arg10[%mul3A_46, %dma_start3A_51] : memref<10112x64xf32, #tpu.memory_space<vmem_shared>> -> memref<632x64xf32, #tpu.memory_space<vmem_shared>>
      tpu.enqueue_dma source(%dma_start3A_52 : memref<632x64xf32, #tpu.memory_space<vmem_shared>>) target(%dma_start3A_50 : memref<632x64xf32, #tpu.memory_space<hbm>>) target_semaphore(%run_scoped3A : memref<!tpu.dma_semaphore, #tpu.memory_space<semaphore_mem>>)
      %dma_wait3A = arith.constant 0 : i32
      %dma_wait3A_53 = tpu.memref_slice %arg5[%arg0, %mul3A_48, %dma_wait3A] : memref<2x10112x64xf32, #tpu.memory_space<hbm>> -> memref<1x632x64xf32, #tpu.memory_space<hbm>>
      %dma_wait3A_54 = tpu.memref_squeeze %dma_wait3A_53 : memref<1x632x64xf32, #tpu.memory_space<hbm>> -> memref<632x64xf32, #tpu.memory_space<hbm>>
      %dma_wait3A_55 = arith.constant 0 : i32
      %dma_wait3A_56 = tpu.memref_slice %arg10[%mul3A_46, %dma_wait3A_55] : memref<10112x64xf32, #tpu.memory_space<vmem_shared>> -> memref<632x64xf32, #tpu.memory_space<vmem_shared>>
      tpu.wait_dma2 semaphore(%run_scoped3A : memref<!tpu.dma_semaphore, #tpu.memory_space<semaphore_mem>>) src(%dma_wait3A_56 : memref<632x64xf32, #tpu.memory_space<vmem_shared>>) dst(%dma_wait3A_54 : memref<632x64xf32, #tpu.memory_space<hbm>>)
      tpu.yield
    }) : () -> ()
    return
  }
}

#map = affine_map<(d0, d1) -> (0, 0, 0)>
module attributes {stable_mosaic.version = 14 : i64} {
  func.func @k(%arg0: i32, %arg1: i32, %arg2: memref<32x79x128xi32, #tpu.memory_space<hbm>>, %arg3: memref<2x10112x16xf32, #tpu.memory_space<hbm>>, %arg4: memref<79x128xi32, #tpu.memory_space<vmem>>, %arg5: memref<128x16xf32, #tpu.memory_space<vmem>>, %arg6: memref<79x16xf32, #tpu.memory_space<vmem>>, %arg7: memref<10112x16xf32, #tpu.memory_space<vmem_shared>>) attributes {dimension_semantics = [#tpu.dimension_semantics<core_parallel>, #tpu.dimension_semantics<subcore_parallel>], iteration_bounds = array<i64: 2, 16>, scalar_prefetch = 0 : i64, scratch_operands = 4 : i64, tpu.core_type = #tpu.core_type<sc_vector_subcore>, window_params = [{transform_indices = #map}, {transform_indices = #map}]} {
    %mul3A = arith.constant 2 : i32
    %mul3A_0 = arith.muli %arg1, %mul3A : i32
    %add3A = arith.addi %mul3A_0, %arg0 : i32
    %scan3A = arith.constant 0 : i32
    %scan3A_1 = arith.constant 0 : i32
    %scan3A_2 = arith.constant 79 : i32
    %scan3A_3 = arith.addi %scan3A_1, %scan3A_2 : i32
    %scan3A_4 = arith.constant 1 : i32
    scf.for %scan3A_55 = %scan3A_1 to %scan3A_3 step %scan3A_4  : i32 {
      %broadcast_in_dim3A = arith.constant 0.000000e+00 : f32
      %broadcast_in_dim3A_56 = vector.broadcast %broadcast_in_dim3A : f32 to vector<16xf32>
      %swap3A = arith.index_cast %scan3A_55 : i32 to index
      %swap3A_57 = arith.constant 0 : index
      %swap3A_58 = tpu.vector_load %arg6[%swap3A, %swap3A_57] {strides = array<i32>} : memref<79x16xf32, #tpu.memory_space<vmem>>, vector<1x16xf32>,
      %swap3A_59 = vector.shape_cast %swap3A_58 : vector<1x16xf32> to vector<16xf32>
      %swap3A_60 = vector.shape_cast %broadcast_in_dim3A_56 : vector<16xf32> to vector<1x16xf32>
      tpu.vector_store %arg6[%swap3A, %swap3A_57], %swap3A_60 {strides = array<i32>} : memref<79x16xf32, #tpu.memory_space<vmem>>, vector<1x16xf32>,
    }
    %scan3A_5 = arith.constant 79 : i32
    %scan3A_6 = arith.constant 0 : i32
    %scan3A_7 = arith.constant 0 : i32
    %scan3A_8 = arith.constant 128 : i32
    %scan3A_9 = arith.addi %scan3A_7, %scan3A_8 : i32
    %scan3A_10 = arith.constant 1 : i32
    scf.for %scan3A_55 = %scan3A_7 to %scan3A_9 step %scan3A_10  : i32 {
      %broadcast_in_dim3A = arith.constant 1.000000e+00 : f32
      %broadcast_in_dim3A_56 = vector.broadcast %broadcast_in_dim3A : f32 to vector<16xf32>
      %swap3A = arith.index_cast %scan3A_55 : i32 to index
      %swap3A_57 = arith.constant 0 : index
      %swap3A_58 = tpu.vector_load %arg5[%swap3A, %swap3A_57] {strides = array<i32>} : memref<128x16xf32, #tpu.memory_space<vmem>>, vector<1x16xf32>,
      %swap3A_59 = vector.shape_cast %swap3A_58 : vector<1x16xf32> to vector<16xf32>
      %swap3A_60 = vector.shape_cast %broadcast_in_dim3A_56 : vector<16xf32> to vector<1x16xf32>
      tpu.vector_store %arg5[%swap3A, %swap3A_57], %swap3A_60 {strides = array<i32>} : memref<128x16xf32, #tpu.memory_space<vmem>>, vector<1x16xf32>,
    }
    %scan3A_11 = arith.constant 128 : i32
    %mul3A_12 = arith.constant 632 : i32
    %mul3A_13 = arith.muli %arg1, %mul3A_12 : i32
    %add3A_14 = arith.constant 0 : i32
    %add3A_15 = arith.addi %mul3A_13, %add3A_14 : i32
    "tpu.region"() ({
      %run_scoped3A = tpu.sem_alloc : memref<!tpu.dma_semaphore, #tpu.memory_space<semaphore_mem>>
      %dma_start3A = arith.constant 0 : i32
      %dma_start3A_55 = tpu.memref_slice %arg7[%add3A_15, %dma_start3A] : memref<10112x16xf32, #tpu.memory_space<vmem_shared>> -> memref<79x16xf32, #tpu.memory_space<vmem_shared>>
      %dma_start3A_56 = arith.constant 0 : i32
      %dma_start3A_57 = tpu.memref_slice %arg7[%add3A_15, %dma_start3A_56] : memref<10112x16xf32, #tpu.memory_space<vmem_shared>> -> memref<79x16xf32, #tpu.memory_space<vmem_shared>>
      tpu.enqueue_dma source(%arg6 : memref<79x16xf32, #tpu.memory_space<vmem>>) target(%dma_start3A_57 : memref<79x16xf32, #tpu.memory_space<vmem_shared>>) target_semaphore(%run_scoped3A : memref<!tpu.dma_semaphore, #tpu.memory_space<semaphore_mem>>)
      %dma_wait3A = arith.constant 0 : i32
      %dma_wait3A_58 = tpu.memref_slice %arg7[%add3A_15, %dma_wait3A] : memref<10112x16xf32, #tpu.memory_space<vmem_shared>> -> memref<79x16xf32, #tpu.memory_space<vmem_shared>>
      %dma_wait3A_59 = arith.constant 0 : i32
      %dma_wait3A_60 = tpu.memref_slice %arg7[%add3A_15, %dma_wait3A_59] : memref<10112x16xf32, #tpu.memory_space<vmem_shared>> -> memref<79x16xf32, #tpu.memory_space<vmem_shared>>
      tpu.wait_dma2 semaphore(%run_scoped3A : memref<!tpu.dma_semaphore, #tpu.memory_space<semaphore_mem>>) src(%arg6 : memref<79x16xf32, #tpu.memory_space<vmem>>) dst(%dma_wait3A_60 : memref<79x16xf32, #tpu.memory_space<vmem_shared>>)
      tpu.yield
    }) : () -> ()
    %mul3A_16 = arith.constant 632 : i32
    %mul3A_17 = arith.muli %arg1, %mul3A_16 : i32
    %add3A_18 = arith.constant 79 : i32
    %add3A_19 = arith.addi %mul3A_17, %add3A_18 : i32
    "tpu.region"() ({
      %run_scoped3A = tpu.sem_alloc : memref<!tpu.dma_semaphore, #tpu.memory_space<semaphore_mem>>
      %dma_start3A = arith.constant 0 : i32
      %dma_start3A_55 = tpu.memref_slice %arg7[%add3A_19, %dma_start3A] : memref<10112x16xf32, #tpu.memory_space<vmem_shared>> -> memref<79x16xf32, #tpu.memory_space<vmem_shared>>
      %dma_start3A_56 = arith.constant 0 : i32
      %dma_start3A_57 = tpu.memref_slice %arg7[%add3A_19, %dma_start3A_56] : memref<10112x16xf32, #tpu.memory_space<vmem_shared>> -> memref<79x16xf32, #tpu.memory_space<vmem_shared>>
      tpu.enqueue_dma source(%arg6 : memref<79x16xf32, #tpu.memory_space<vmem>>) target(%dma_start3A_57 : memref<79x16xf32, #tpu.memory_space<vmem_shared>>) target_semaphore(%run_scoped3A : memref<!tpu.dma_semaphore, #tpu.memory_space<semaphore_mem>>)
      %dma_wait3A = arith.constant 0 : i32
      %dma_wait3A_58 = tpu.memref_slice %arg7[%add3A_19, %dma_wait3A] : memref<10112x16xf32, #tpu.memory_space<vmem_shared>> -> memref<79x16xf32, #tpu.memory_space<vmem_shared>>
      %dma_wait3A_59 = arith.constant 0 : i32
      %dma_wait3A_60 = tpu.memref_slice %arg7[%add3A_19, %dma_wait3A_59] : memref<10112x16xf32, #tpu.memory_space<vmem_shared>> -> memref<79x16xf32, #tpu.memory_space<vmem_shared>>
      tpu.wait_dma2 semaphore(%run_scoped3A : memref<!tpu.dma_semaphore, #tpu.memory_space<semaphore_mem>>) src(%arg6 : memref<79x16xf32, #tpu.memory_space<vmem>>) dst(%dma_wait3A_60 : memref<79x16xf32, #tpu.memory_space<vmem_shared>>)
      tpu.yield
    }) : () -> ()
    %mul3A_20 = arith.constant 632 : i32
    %mul3A_21 = arith.muli %arg1, %mul3A_20 : i32
    %add3A_22 = arith.constant 158 : i32
    %add3A_23 = arith.addi %mul3A_21, %add3A_22 : i32
    "tpu.region"() ({
      %run_scoped3A = tpu.sem_alloc : memref<!tpu.dma_semaphore, #tpu.memory_space<semaphore_mem>>
      %dma_start3A = arith.constant 0 : i32
      %dma_start3A_55 = tpu.memref_slice %arg7[%add3A_23, %dma_start3A] : memref<10112x16xf32, #tpu.memory_space<vmem_shared>> -> memref<79x16xf32, #tpu.memory_space<vmem_shared>>
      %dma_start3A_56 = arith.constant 0 : i32
      %dma_start3A_57 = tpu.memref_slice %arg7[%add3A_23, %dma_start3A_56] : memref<10112x16xf32, #tpu.memory_space<vmem_shared>> -> memref<79x16xf32, #tpu.memory_space<vmem_shared>>
      tpu.enqueue_dma source(%arg6 : memref<79x16xf32, #tpu.memory_space<vmem>>) target(%dma_start3A_57 : memref<79x16xf32, #tpu.memory_space<vmem_shared>>) target_semaphore(%run_scoped3A : memref<!tpu.dma_semaphore, #tpu.memory_space<semaphore_mem>>)
      %dma_wait3A = arith.constant 0 : i32
      %dma_wait3A_58 = tpu.memref_slice %arg7[%add3A_23, %dma_wait3A] : memref<10112x16xf32, #tpu.memory_space<vmem_shared>> -> memref<79x16xf32, #tpu.memory_space<vmem_shared>>
      %dma_wait3A_59 = arith.constant 0 : i32
      %dma_wait3A_60 = tpu.memref_slice %arg7[%add3A_23, %dma_wait3A_59] : memref<10112x16xf32, #tpu.memory_space<vmem_shared>> -> memref<79x16xf32, #tpu.memory_space<vmem_shared>>
      tpu.wait_dma2 semaphore(%run_scoped3A : memref<!tpu.dma_semaphore, #tpu.memory_space<semaphore_mem>>) src(%arg6 : memref<79x16xf32, #tpu.memory_space<vmem>>) dst(%dma_wait3A_60 : memref<79x16xf32, #tpu.memory_space<vmem_shared>>)
      tpu.yield
    }) : () -> ()
    %mul3A_24 = arith.constant 632 : i32
    %mul3A_25 = arith.muli %arg1, %mul3A_24 : i32
    %add3A_26 = arith.constant 237 : i32
    %add3A_27 = arith.addi %mul3A_25, %add3A_26 : i32
    "tpu.region"() ({
      %run_scoped3A = tpu.sem_alloc : memref<!tpu.dma_semaphore, #tpu.memory_space<semaphore_mem>>
      %dma_start3A = arith.constant 0 : i32
      %dma_start3A_55 = tpu.memref_slice %arg7[%add3A_27, %dma_start3A] : memref<10112x16xf32, #tpu.memory_space<vmem_shared>> -> memref<79x16xf32, #tpu.memory_space<vmem_shared>>
      %dma_start3A_56 = arith.constant 0 : i32
      %dma_start3A_57 = tpu.memref_slice %arg7[%add3A_27, %dma_start3A_56] : memref<10112x16xf32, #tpu.memory_space<vmem_shared>> -> memref<79x16xf32, #tpu.memory_space<vmem_shared>>
      tpu.enqueue_dma source(%arg6 : memref<79x16xf32, #tpu.memory_space<vmem>>) target(%dma_start3A_57 : memref<79x16xf32, #tpu.memory_space<vmem_shared>>) target_semaphore(%run_scoped3A : memref<!tpu.dma_semaphore, #tpu.memory_space<semaphore_mem>>)
      %dma_wait3A = arith.constant 0 : i32
      %dma_wait3A_58 = tpu.memref_slice %arg7[%add3A_27, %dma_wait3A] : memref<10112x16xf32, #tpu.memory_space<vmem_shared>> -> memref<79x16xf32, #tpu.memory_space<vmem_shared>>
      %dma_wait3A_59 = arith.constant 0 : i32
      %dma_wait3A_60 = tpu.memref_slice %arg7[%add3A_27, %dma_wait3A_59] : memref<10112x16xf32, #tpu.memory_space<vmem_shared>> -> memref<79x16xf32, #tpu.memory_space<vmem_shared>>
      tpu.wait_dma2 semaphore(%run_scoped3A : memref<!tpu.dma_semaphore, #tpu.memory_space<semaphore_mem>>) src(%arg6 : memref<79x16xf32, #tpu.memory_space<vmem>>) dst(%dma_wait3A_60 : memref<79x16xf32, #tpu.memory_space<vmem_shared>>)
      tpu.yield
    }) : () -> ()
    %mul3A_28 = arith.constant 632 : i32
    %mul3A_29 = arith.muli %arg1, %mul3A_28 : i32
    %add3A_30 = arith.constant 316 : i32
    %add3A_31 = arith.addi %mul3A_29, %add3A_30 : i32
    "tpu.region"() ({
      %run_scoped3A = tpu.sem_alloc : memref<!tpu.dma_semaphore, #tpu.memory_space<semaphore_mem>>
      %dma_start3A = arith.constant 0 : i32
      %dma_start3A_55 = tpu.memref_slice %arg7[%add3A_31, %dma_start3A] : memref<10112x16xf32, #tpu.memory_space<vmem_shared>> -> memref<79x16xf32, #tpu.memory_space<vmem_shared>>
      %dma_start3A_56 = arith.constant 0 : i32
      %dma_start3A_57 = tpu.memref_slice %arg7[%add3A_31, %dma_start3A_56] : memref<10112x16xf32, #tpu.memory_space<vmem_shared>> -> memref<79x16xf32, #tpu.memory_space<vmem_shared>>
      tpu.enqueue_dma source(%arg6 : memref<79x16xf32, #tpu.memory_space<vmem>>) target(%dma_start3A_57 : memref<79x16xf32, #tpu.memory_space<vmem_shared>>) target_semaphore(%run_scoped3A : memref<!tpu.dma_semaphore, #tpu.memory_space<semaphore_mem>>)
      %dma_wait3A = arith.constant 0 : i32
      %dma_wait3A_58 = tpu.memref_slice %arg7[%add3A_31, %dma_wait3A] : memref<10112x16xf32, #tpu.memory_space<vmem_shared>> -> memref<79x16xf32, #tpu.memory_space<vmem_shared>>
      %dma_wait3A_59 = arith.constant 0 : i32
      %dma_wait3A_60 = tpu.memref_slice %arg7[%add3A_31, %dma_wait3A_59] : memref<10112x16xf32, #tpu.memory_space<vmem_shared>> -> memref<79x16xf32, #tpu.memory_space<vmem_shared>>
      tpu.wait_dma2 semaphore(%run_scoped3A : memref<!tpu.dma_semaphore, #tpu.memory_space<semaphore_mem>>) src(%arg6 : memref<79x16xf32, #tpu.memory_space<vmem>>) dst(%dma_wait3A_60 : memref<79x16xf32, #tpu.memory_space<vmem_shared>>)
      tpu.yield
    }) : () -> ()
    %mul3A_32 = arith.constant 632 : i32
    %mul3A_33 = arith.muli %arg1, %mul3A_32 : i32
    %add3A_34 = arith.constant 395 : i32
    %add3A_35 = arith.addi %mul3A_33, %add3A_34 : i32
    "tpu.region"() ({
      %run_scoped3A = tpu.sem_alloc : memref<!tpu.dma_semaphore, #tpu.memory_space<semaphore_mem>>
      %dma_start3A = arith.constant 0 : i32
      %dma_start3A_55 = tpu.memref_slice %arg7[%add3A_35, %dma_start3A] : memref<10112x16xf32, #tpu.memory_space<vmem_shared>> -> memref<79x16xf32, #tpu.memory_space<vmem_shared>>
      %dma_start3A_56 = arith.constant 0 : i32
      %dma_start3A_57 = tpu.memref_slice %arg7[%add3A_35, %dma_start3A_56] : memref<10112x16xf32, #tpu.memory_space<vmem_shared>> -> memref<79x16xf32, #tpu.memory_space<vmem_shared>>
      tpu.enqueue_dma source(%arg6 : memref<79x16xf32, #tpu.memory_space<vmem>>) target(%dma_start3A_57 : memref<79x16xf32, #tpu.memory_space<vmem_shared>>) target_semaphore(%run_scoped3A : memref<!tpu.dma_semaphore, #tpu.memory_space<semaphore_mem>>)
      %dma_wait3A = arith.constant 0 : i32
      %dma_wait3A_58 = tpu.memref_slice %arg7[%add3A_35, %dma_wait3A] : memref<10112x16xf32, #tpu.memory_space<vmem_shared>> -> memref<79x16xf32, #tpu.memory_space<vmem_shared>>
      %dma_wait3A_59 = arith.constant 0 : i32
      %dma_wait3A_60 = tpu.memref_slice %arg7[%add3A_35, %dma_wait3A_59] : memref<10112x16xf32, #tpu.memory_space<vmem_shared>> -> memref<79x16xf32, #tpu.memory_space<vmem_shared>>
      tpu.wait_dma2 semaphore(%run_scoped3A : memref<!tpu.dma_semaphore, #tpu.memory_space<semaphore_mem>>) src(%arg6 : memref<79x16xf32, #tpu.memory_space<vmem>>) dst(%dma_wait3A_60 : memref<79x16xf32, #tpu.memory_space<vmem_shared>>)
      tpu.yield
    }) : () -> ()
    %mul3A_36 = arith.constant 632 : i32
    %mul3A_37 = arith.muli %arg1, %mul3A_36 : i32
    %add3A_38 = arith.constant 474 : i32
    %add3A_39 = arith.addi %mul3A_37, %add3A_38 : i32
    "tpu.region"() ({
      %run_scoped3A = tpu.sem_alloc : memref<!tpu.dma_semaphore, #tpu.memory_space<semaphore_mem>>
      %dma_start3A = arith.constant 0 : i32
      %dma_start3A_55 = tpu.memref_slice %arg7[%add3A_39, %dma_start3A] : memref<10112x16xf32, #tpu.memory_space<vmem_shared>> -> memref<79x16xf32, #tpu.memory_space<vmem_shared>>
      %dma_start3A_56 = arith.constant 0 : i32
      %dma_start3A_57 = tpu.memref_slice %arg7[%add3A_39, %dma_start3A_56] : memref<10112x16xf32, #tpu.memory_space<vmem_shared>> -> memref<79x16xf32, #tpu.memory_space<vmem_shared>>
      tpu.enqueue_dma source(%arg6 : memref<79x16xf32, #tpu.memory_space<vmem>>) target(%dma_start3A_57 : memref<79x16xf32, #tpu.memory_space<vmem_shared>>) target_semaphore(%run_scoped3A : memref<!tpu.dma_semaphore, #tpu.memory_space<semaphore_mem>>)
      %dma_wait3A = arith.constant 0 : i32
      %dma_wait3A_58 = tpu.memref_slice %arg7[%add3A_39, %dma_wait3A] : memref<10112x16xf32, #tpu.memory_space<vmem_shared>> -> memref<79x16xf32, #tpu.memory_space<vmem_shared>>
      %dma_wait3A_59 = arith.constant 0 : i32
      %dma_wait3A_60 = tpu.memref_slice %arg7[%add3A_39, %dma_wait3A_59] : memref<10112x16xf32, #tpu.memory_space<vmem_shared>> -> memref<79x16xf32, #tpu.memory_space<vmem_shared>>
      tpu.wait_dma2 semaphore(%run_scoped3A : memref<!tpu.dma_semaphore, #tpu.memory_space<semaphore_mem>>) src(%arg6 : memref<79x16xf32, #tpu.memory_space<vmem>>) dst(%dma_wait3A_60 : memref<79x16xf32, #tpu.memory_space<vmem_shared>>)
      tpu.yield
    }) : () -> ()
    %mul3A_40 = arith.constant 632 : i32
    %mul3A_41 = arith.muli %arg1, %mul3A_40 : i32
    %add3A_42 = arith.constant 553 : i32
    %add3A_43 = arith.addi %mul3A_41, %add3A_42 : i32
    "tpu.region"() ({
      %run_scoped3A = tpu.sem_alloc : memref<!tpu.dma_semaphore, #tpu.memory_space<semaphore_mem>>
      %dma_start3A = arith.constant 0 : i32
      %dma_start3A_55 = tpu.memref_slice %arg7[%add3A_43, %dma_start3A] : memref<10112x16xf32, #tpu.memory_space<vmem_shared>> -> memref<79x16xf32, #tpu.memory_space<vmem_shared>>
      %dma_start3A_56 = arith.constant 0 : i32
      %dma_start3A_57 = tpu.memref_slice %arg7[%add3A_43, %dma_start3A_56] : memref<10112x16xf32, #tpu.memory_space<vmem_shared>> -> memref<79x16xf32, #tpu.memory_space<vmem_shared>>
      tpu.enqueue_dma source(%arg6 : memref<79x16xf32, #tpu.memory_space<vmem>>) target(%dma_start3A_57 : memref<79x16xf32, #tpu.memory_space<vmem_shared>>) target_semaphore(%run_scoped3A : memref<!tpu.dma_semaphore, #tpu.memory_space<semaphore_mem>>)
      %dma_wait3A = arith.constant 0 : i32
      %dma_wait3A_58 = tpu.memref_slice %arg7[%add3A_43, %dma_wait3A] : memref<10112x16xf32, #tpu.memory_space<vmem_shared>> -> memref<79x16xf32, #tpu.memory_space<vmem_shared>>
      %dma_wait3A_59 = arith.constant 0 : i32
      %dma_wait3A_60 = tpu.memref_slice %arg7[%add3A_43, %dma_wait3A_59] : memref<10112x16xf32, #tpu.memory_space<vmem_shared>> -> memref<79x16xf32, #tpu.memory_space<vmem_shared>>
      tpu.wait_dma2 semaphore(%run_scoped3A : memref<!tpu.dma_semaphore, #tpu.memory_space<semaphore_mem>>) src(%arg6 : memref<79x16xf32, #tpu.memory_space<vmem>>) dst(%dma_wait3A_60 : memref<79x16xf32, #tpu.memory_space<vmem_shared>>)
      tpu.yield
    }) : () -> ()
    "tpu.region"() ({
      %run_scoped3A = tpu.sem_alloc : memref<!tpu.dma_semaphore, #tpu.memory_space<semaphore_mem>>
      %dma_start3A = arith.constant 0 : i32
      %dma_start3A_55 = arith.constant 0 : i32
      %dma_start3A_56 = tpu.memref_slice %arg2[%add3A, %dma_start3A, %dma_start3A_55] : memref<32x79x128xi32, #tpu.memory_space<hbm>> -> memref<1x79x128xi32, #tpu.memory_space<hbm>>
      %dma_start3A_57 = tpu.memref_squeeze %dma_start3A_56 : memref<1x79x128xi32, #tpu.memory_space<hbm>> -> memref<79x128xi32, #tpu.memory_space<hbm>>
      %dma_start3A_58 = arith.constant 0 : i32
      %dma_start3A_59 = arith.constant 0 : i32
      %dma_start3A_60 = tpu.memref_slice %arg2[%add3A, %dma_start3A_58, %dma_start3A_59] : memref<32x79x128xi32, #tpu.memory_space<hbm>> -> memref<1x79x128xi32, #tpu.memory_space<hbm>>
      %dma_start3A_61 = tpu.memref_squeeze %dma_start3A_60 : memref<1x79x128xi32, #tpu.memory_space<hbm>> -> memref<79x128xi32, #tpu.memory_space<hbm>>
      tpu.enqueue_dma source(%dma_start3A_61 : memref<79x128xi32, #tpu.memory_space<hbm>>) target(%arg4 : memref<79x128xi32, #tpu.memory_space<vmem>>) target_semaphore(%run_scoped3A : memref<!tpu.dma_semaphore, #tpu.memory_space<semaphore_mem>>)
      %dma_wait3A = arith.constant 0 : i32
      %dma_wait3A_62 = arith.constant 0 : i32
      %dma_wait3A_63 = tpu.memref_slice %arg2[%add3A, %dma_wait3A, %dma_wait3A_62] : memref<32x79x128xi32, #tpu.memory_space<hbm>> -> memref<1x79x128xi32, #tpu.memory_space<hbm>>
      %dma_wait3A_64 = tpu.memref_squeeze %dma_wait3A_63 : memref<1x79x128xi32, #tpu.memory_space<hbm>> -> memref<79x128xi32, #tpu.memory_space<hbm>>
      %dma_wait3A_65 = arith.constant 0 : i32
      %dma_wait3A_66 = arith.constant 0 : i32
      %dma_wait3A_67 = tpu.memref_slice %arg2[%add3A, %dma_wait3A_65, %dma_wait3A_66] : memref<32x79x128xi32, #tpu.memory_space<hbm>> -> memref<1x79x128xi32, #tpu.memory_space<hbm>>
      %dma_wait3A_68 = tpu.memref_squeeze %dma_wait3A_67 : memref<1x79x128xi32, #tpu.memory_space<hbm>> -> memref<79x128xi32, #tpu.memory_space<hbm>>
      tpu.wait_dma2 semaphore(%run_scoped3A : memref<!tpu.dma_semaphore, #tpu.memory_space<semaphore_mem>>) src(%dma_wait3A_68 : memref<79x128xi32, #tpu.memory_space<hbm>>) dst(%arg4 : memref<79x128xi32, #tpu.memory_space<vmem>>)
      tpu.yield
    }) : () -> ()
    %barrier3A = arith.constant 0 : index
    tpu.barrier barrier_id(%barrier3A)
    %scan3A_44 = arith.constant 0 : i32
    %scan3A_45 = arith.constant 0 : i32
    %scan3A_46 = arith.constant 79 : i32
    %scan3A_47 = arith.addi %scan3A_45, %scan3A_46 : i32
    %scan3A_48 = arith.constant 1 : i32
    scf.for %scan3A_55 = %scan3A_45 to %scan3A_47 step %scan3A_48  : i32 {
      "tpu.region"() ({
        %run_scoped3A = tpu.sem_alloc : memref<!tpu.dma_semaphore, #tpu.memory_space<semaphore_mem>>
        %dma_start3A = arith.constant 0 : i32
        %dma_start3A_56 = tpu.memref_slice %arg4[%scan3A_55, %dma_start3A] : memref<79x128xi32, #tpu.memory_space<vmem>> -> memref<1x128xi32, #tpu.memory_space<vmem>>
        %dma_start3A_57 = tpu.memref_squeeze %dma_start3A_56 : memref<1x128xi32, #tpu.memory_space<vmem>> -> memref<128xi32, #tpu.memory_space<vmem>>
        %dma_start3A_58 = arith.constant 0 : i32
        %dma_start3A_59 = arith.constant 0 : i32
        %dma_start3A_60 = tpu.memref_slice %arg7[%dma_start3A_58, %dma_start3A_59] : memref<10112x16xf32, #tpu.memory_space<vmem_shared>> -> memref<10112x16xf32, #tpu.memory_space<vmem_shared>>
        tpu.enqueue_indirect_dma source(%arg5 : memref<128x16xf32, #tpu.memory_space<vmem>>) target(%dma_start3A_60 : memref<10112x16xf32, #tpu.memory_space<vmem_shared>>) offsets(%dma_start3A_57 : memref<128xi32, #tpu.memory_space<vmem>>) semaphore(%run_scoped3A : memref<!tpu.dma_semaphore, #tpu.memory_space<semaphore_mem>>) {add = true}
        %dma_wait3A = arith.constant 0 : i32
        %dma_wait3A_61 = tpu.memref_slice %arg4[%scan3A_55, %dma_wait3A] : memref<79x128xi32, #tpu.memory_space<vmem>> -> memref<1x128xi32, #tpu.memory_space<vmem>>
        %dma_wait3A_62 = tpu.memref_squeeze %dma_wait3A_61 : memref<1x128xi32, #tpu.memory_space<vmem>> -> memref<128xi32, #tpu.memory_space<vmem>>
        %dma_wait3A_63 = arith.constant 0 : i32
        %dma_wait3A_64 = arith.constant 0 : i32
        %dma_wait3A_65 = tpu.memref_slice %arg7[%dma_wait3A_63, %dma_wait3A_64] : memref<10112x16xf32, #tpu.memory_space<vmem_shared>> -> memref<10112x16xf32, #tpu.memory_space<vmem_shared>>
        tpu.wait_indirect_dma semaphore(%run_scoped3A : memref<!tpu.dma_semaphore, #tpu.memory_space<semaphore_mem>>) src(%arg5 : memref<128x16xf32, #tpu.memory_space<vmem>>) dst(%dma_wait3A_65 : memref<10112x16xf32, #tpu.memory_space<vmem_shared>>)
        tpu.yield
      }) : () -> ()
    }
    %scan3A_49 = arith.constant 79 : i32
    %barrier3A_50 = arith.constant 0 : index
    tpu.barrier barrier_id(%barrier3A_50)
    %mul3A_51 = arith.constant 632 : i32
    %mul3A_52 = arith.muli %arg1, %mul3A_51 : i32
    %mul3A_53 = arith.constant 632 : i32
    %mul3A_54 = arith.muli %arg1, %mul3A_53 : i32
    "tpu.region"() ({
      %run_scoped3A = tpu.sem_alloc : memref<!tpu.dma_semaphore, #tpu.memory_space<semaphore_mem>>
      %dma_start3A = arith.constant 0 : i32
      %dma_start3A_55 = tpu.memref_slice %arg3[%arg0, %mul3A_54, %dma_start3A] : memref<2x10112x16xf32, #tpu.memory_space<hbm>> -> memref<1x632x16xf32, #tpu.memory_space<hbm>>
      %dma_start3A_56 = tpu.memref_squeeze %dma_start3A_55 : memref<1x632x16xf32, #tpu.memory_space<hbm>> -> memref<632x16xf32, #tpu.memory_space<hbm>>
      %dma_start3A_57 = arith.constant 0 : i32
      %dma_start3A_58 = tpu.memref_slice %arg7[%mul3A_52, %dma_start3A_57] : memref<10112x16xf32, #tpu.memory_space<vmem_shared>> -> memref<632x16xf32, #tpu.memory_space<vmem_shared>>
      tpu.enqueue_dma source(%dma_start3A_58 : memref<632x16xf32, #tpu.memory_space<vmem_shared>>) target(%dma_start3A_56 : memref<632x16xf32, #tpu.memory_space<hbm>>) target_semaphore(%run_scoped3A : memref<!tpu.dma_semaphore, #tpu.memory_space<semaphore_mem>>)
      %dma_wait3A = arith.constant 0 : i32
      %dma_wait3A_59 = tpu.memref_slice %arg3[%arg0, %mul3A_54, %dma_wait3A] : memref<2x10112x16xf32, #tpu.memory_space<hbm>> -> memref<1x632x16xf32, #tpu.memory_space<hbm>>
      %dma_wait3A_60 = tpu.memref_squeeze %dma_wait3A_59 : memref<1x632x16xf32, #tpu.memory_space<hbm>> -> memref<632x16xf32, #tpu.memory_space<hbm>>
      %dma_wait3A_61 = arith.constant 0 : i32
      %dma_wait3A_62 = tpu.memref_slice %arg7[%mul3A_52, %dma_wait3A_61] : memref<10112x16xf32, #tpu.memory_space<vmem_shared>> -> memref<632x16xf32, #tpu.memory_space<vmem_shared>>
      tpu.wait_dma2 semaphore(%run_scoped3A : memref<!tpu.dma_semaphore, #tpu.memory_space<semaphore_mem>>) src(%dma_wait3A_62 : memref<632x16xf32, #tpu.memory_space<vmem_shared>>) dst(%dma_wait3A_60 : memref<632x16xf32, #tpu.memory_space<hbm>>)
      tpu.yield
    }) : () -> ()
    return
  }
}

#map = affine_map<(d0, d1) -> (0, 0)>
#map1 = affine_map<(d0, d1) -> (0, 0, 0)>
module attributes {stable_mosaic.version = 14 : i64} {
  func.func @k(%arg0: i32, %arg1: i32, %arg2: memref<10112x128xf32, #tpu.memory_space<hbm>>, %arg3: memref<32x79x128xi32, #tpu.memory_space<hbm>>, %arg4: memref<32x79x128xi32, #tpu.memory_space<hbm>>, %arg5: memref<2x10112x128xf32, #tpu.memory_space<hbm>>, %arg6: memref<79x128xi32, #tpu.memory_space<vmem>>, %arg7: memref<79x128xi32, #tpu.memory_space<vmem>>, %arg8: memref<128x128xf32, #tpu.memory_space<vmem>>, %arg9: memref<79x128xf32, #tpu.memory_space<vmem>>, %arg10: memref<10112x128xf32, #tpu.memory_space<vmem_shared>>, %arg11: memref<!tpu.dma_semaphore, #tpu.memory_space<semaphore_mem>>) attributes {dimension_semantics = [#tpu.dimension_semantics<core_parallel>, #tpu.dimension_semantics<subcore_parallel>], iteration_bounds = array<i64: 2, 16>, scalar_prefetch = 0 : i64, scratch_operands = 6 : i64, tpu.core_type = #tpu.core_type<sc_vector_subcore>, window_params = [{transform_indices = #map}, {transform_indices = #map1}, {transform_indices = #map1}, {transform_indices = #map1}]} {
    %mul3A = arith.constant 2 : i32
    %mul3A_0 = arith.muli %arg1, %mul3A : i32
    %add3A = arith.addi %mul3A_0, %arg0 : i32
    %scan3A = arith.constant 0 : i32
    %scan3A_1 = arith.constant 0 : i32
    %scan3A_2 = arith.constant 79 : i32
    %scan3A_3 = arith.addi %scan3A_1, %scan3A_2 : i32
    %scan3A_4 = arith.constant 1 : i32
    scf.for %scan3A_49 = %scan3A_1 to %scan3A_3 step %scan3A_4  : i32 {
      %broadcast_in_dim3A = arith.constant 0.000000e+00 : f32
      %broadcast_in_dim3A_50 = vector.broadcast %broadcast_in_dim3A : f32 to vector<16xf32>
      %swap3A = arith.index_cast %scan3A_49 : i32 to index
      %swap3A_51 = arith.constant 0 : index
      %swap3A_52 = tpu.vector_load %arg9[%swap3A, %swap3A_51] {strides = array<i32>} : memref<79x128xf32, #tpu.memory_space<vmem>>, vector<1x16xf32>,
      %swap3A_53 = vector.shape_cast %swap3A_52 : vector<1x16xf32> to vector<16xf32>
      %swap3A_54 = vector.shape_cast %broadcast_in_dim3A_50 : vector<16xf32> to vector<1x16xf32>
      tpu.vector_store %arg9[%swap3A, %swap3A_51], %swap3A_54 {strides = array<i32>} : memref<79x128xf32, #tpu.memory_space<vmem>>, vector<1x16xf32>,
      %broadcast_in_dim3A_55 = arith.constant 0.000000e+00 : f32
      %broadcast_in_dim3A_56 = vector.broadcast %broadcast_in_dim3A_55 : f32 to vector<16xf32>
      %swap3A_57 = arith.index_cast %scan3A_49 : i32 to index
      %swap3A_58 = arith.constant 16 : index
      %swap3A_59 = tpu.vector_load %arg9[%swap3A_57, %swap3A_58] {strides = array<i32>} : memref<79x128xf32, #tpu.memory_space<vmem>>, vector<1x16xf32>,
      %swap3A_60 = vector.shape_cast %swap3A_59 : vector<1x16xf32> to vector<16xf32>
      %swap3A_61 = vector.shape_cast %broadcast_in_dim3A_56 : vector<16xf32> to vector<1x16xf32>
      tpu.vector_store %arg9[%swap3A_57, %swap3A_58], %swap3A_61 {strides = array<i32>} : memref<79x128xf32, #tpu.memory_space<vmem>>, vector<1x16xf32>,
      %broadcast_in_dim3A_62 = arith.constant 0.000000e+00 : f32
      %broadcast_in_dim3A_63 = vector.broadcast %broadcast_in_dim3A_62 : f32 to vector<16xf32>
      %swap3A_64 = arith.index_cast %scan3A_49 : i32 to index
      %swap3A_65 = arith.constant 32 : index
      %swap3A_66 = tpu.vector_load %arg9[%swap3A_64, %swap3A_65] {strides = array<i32>} : memref<79x128xf32, #tpu.memory_space<vmem>>, vector<1x16xf32>,
      %swap3A_67 = vector.shape_cast %swap3A_66 : vector<1x16xf32> to vector<16xf32>
      %swap3A_68 = vector.shape_cast %broadcast_in_dim3A_63 : vector<16xf32> to vector<1x16xf32>
      tpu.vector_store %arg9[%swap3A_64, %swap3A_65], %swap3A_68 {strides = array<i32>} : memref<79x128xf32, #tpu.memory_space<vmem>>, vector<1x16xf32>,
      %broadcast_in_dim3A_69 = arith.constant 0.000000e+00 : f32
      %broadcast_in_dim3A_70 = vector.broadcast %broadcast_in_dim3A_69 : f32 to vector<16xf32>
      %swap3A_71 = arith.index_cast %scan3A_49 : i32 to index
      %swap3A_72 = arith.constant 48 : index
      %swap3A_73 = tpu.vector_load %arg9[%swap3A_71, %swap3A_72] {strides = array<i32>} : memref<79x128xf32, #tpu.memory_space<vmem>>, vector<1x16xf32>,
      %swap3A_74 = vector.shape_cast %swap3A_73 : vector<1x16xf32> to vector<16xf32>
      %swap3A_75 = vector.shape_cast %broadcast_in_dim3A_70 : vector<16xf32> to vector<1x16xf32>
      tpu.vector_store %arg9[%swap3A_71, %swap3A_72], %swap3A_75 {strides = array<i32>} : memref<79x128xf32, #tpu.memory_space<vmem>>, vector<1x16xf32>,
      %broadcast_in_dim3A_76 = arith.constant 0.000000e+00 : f32
      %broadcast_in_dim3A_77 = vector.broadcast %broadcast_in_dim3A_76 : f32 to vector<16xf32>
      %swap3A_78 = arith.index_cast %scan3A_49 : i32 to index
      %swap3A_79 = arith.constant 64 : index
      %swap3A_80 = tpu.vector_load %arg9[%swap3A_78, %swap3A_79] {strides = array<i32>} : memref<79x128xf32, #tpu.memory_space<vmem>>, vector<1x16xf32>,
      %swap3A_81 = vector.shape_cast %swap3A_80 : vector<1x16xf32> to vector<16xf32>
      %swap3A_82 = vector.shape_cast %broadcast_in_dim3A_77 : vector<16xf32> to vector<1x16xf32>
      tpu.vector_store %arg9[%swap3A_78, %swap3A_79], %swap3A_82 {strides = array<i32>} : memref<79x128xf32, #tpu.memory_space<vmem>>, vector<1x16xf32>,
      %broadcast_in_dim3A_83 = arith.constant 0.000000e+00 : f32
      %broadcast_in_dim3A_84 = vector.broadcast %broadcast_in_dim3A_83 : f32 to vector<16xf32>
      %swap3A_85 = arith.index_cast %scan3A_49 : i32 to index
      %swap3A_86 = arith.constant 80 : index
      %swap3A_87 = tpu.vector_load %arg9[%swap3A_85, %swap3A_86] {strides = array<i32>} : memref<79x128xf32, #tpu.memory_space<vmem>>, vector<1x16xf32>,
      %swap3A_88 = vector.shape_cast %swap3A_87 : vector<1x16xf32> to vector<16xf32>
      %swap3A_89 = vector.shape_cast %broadcast_in_dim3A_84 : vector<16xf32> to vector<1x16xf32>
      tpu.vector_store %arg9[%swap3A_85, %swap3A_86], %swap3A_89 {strides = array<i32>} : memref<79x128xf32, #tpu.memory_space<vmem>>, vector<1x16xf32>,
      %broadcast_in_dim3A_90 = arith.constant 0.000000e+00 : f32
      %broadcast_in_dim3A_91 = vector.broadcast %broadcast_in_dim3A_90 : f32 to vector<16xf32>
      %swap3A_92 = arith.index_cast %scan3A_49 : i32 to index
      %swap3A_93 = arith.constant 96 : index
      %swap3A_94 = tpu.vector_load %arg9[%swap3A_92, %swap3A_93] {strides = array<i32>} : memref<79x128xf32, #tpu.memory_space<vmem>>, vector<1x16xf32>,
      %swap3A_95 = vector.shape_cast %swap3A_94 : vector<1x16xf32> to vector<16xf32>
      %swap3A_96 = vector.shape_cast %broadcast_in_dim3A_91 : vector<16xf32> to vector<1x16xf32>
      tpu.vector_store %arg9[%swap3A_92, %swap3A_93], %swap3A_96 {strides = array<i32>} : memref<79x128xf32, #tpu.memory_space<vmem>>, vector<1x16xf32>,
      %broadcast_in_dim3A_97 = arith.constant 0.000000e+00 : f32
      %broadcast_in_dim3A_98 = vector.broadcast %broadcast_in_dim3A_97 : f32 to vector<16xf32>
      %swap3A_99 = arith.index_cast %scan3A_49 : i32 to index
      %swap3A_100 = arith.constant 112 : index
      %swap3A_101 = tpu.vector_load %arg9[%swap3A_99, %swap3A_100] {strides = array<i32>} : memref<79x128xf32, #tpu.memory_space<vmem>>, vector<1x16xf32>,
      %swap3A_102 = vector.shape_cast %swap3A_101 : vector<1x16xf32> to vector<16xf32>
      %swap3A_103 = vector.shape_cast %broadcast_in_dim3A_98 : vector<16xf32> to vector<1x16xf32>
      tpu.vector_store %arg9[%swap3A_99, %swap3A_100], %swap3A_103 {strides = array<i32>} : memref<79x128xf32, #tpu.memory_space<vmem>>, vector<1x16xf32>,
    }
    %scan3A_5 = arith.constant 79 : i32
    %mul3A_6 = arith.constant 632 : i32
    %mul3A_7 = arith.muli %arg1, %mul3A_6 : i32
    %add3A_8 = arith.constant 0 : i32
    %add3A_9 = arith.addi %mul3A_7, %add3A_8 : i32
    "tpu.region"() ({
      %run_scoped3A = tpu.sem_alloc : memref<!tpu.dma_semaphore, #tpu.memory_space<semaphore_mem>>
      %dma_start3A = arith.constant 0 : i32
      %dma_start3A_49 = tpu.memref_slice %arg10[%add3A_9, %dma_start3A] : memref<10112x128xf32, #tpu.memory_space<vmem_shared>> -> memref<79x128xf32, #tpu.memory_space<vmem_shared>>
      %dma_start3A_50 = arith.constant 0 : i32
      %dma_start3A_51 = tpu.memref_slice %arg10[%add3A_9, %dma_start3A_50] : memref<10112x128xf32, #tpu.memory_space<vmem_shared>> -> memref<79x128xf32, #tpu.memory_space<vmem_shared>>
      tpu.enqueue_dma source(%arg9 : memref<79x128xf32, #tpu.memory_space<vmem>>) target(%dma_start3A_51 : memref<79x128xf32, #tpu.memory_space<vmem_shared>>) target_semaphore(%run_scoped3A : memref<!tpu.dma_semaphore, #tpu.memory_space<semaphore_mem>>)
      %dma_wait3A = arith.constant 0 : i32
      %dma_wait3A_52 = tpu.memref_slice %arg10[%add3A_9, %dma_wait3A] : memref<10112x128xf32, #tpu.memory_space<vmem_shared>> -> memref<79x128xf32, #tpu.memory_space<vmem_shared>>
      %dma_wait3A_53 = arith.constant 0 : i32
      %dma_wait3A_54 = tpu.memref_slice %arg10[%add3A_9, %dma_wait3A_53] : memref<10112x128xf32, #tpu.memory_space<vmem_shared>> -> memref<79x128xf32, #tpu.memory_space<vmem_shared>>
      tpu.wait_dma2 semaphore(%run_scoped3A : memref<!tpu.dma_semaphore, #tpu.memory_space<semaphore_mem>>) src(%arg9 : memref<79x128xf32, #tpu.memory_space<vmem>>) dst(%dma_wait3A_54 : memref<79x128xf32, #tpu.memory_space<vmem_shared>>)
      tpu.yield
    }) : () -> ()
    %mul3A_10 = arith.constant 632 : i32
    %mul3A_11 = arith.muli %arg1, %mul3A_10 : i32
    %add3A_12 = arith.constant 79 : i32
    %add3A_13 = arith.addi %mul3A_11, %add3A_12 : i32
    "tpu.region"() ({
      %run_scoped3A = tpu.sem_alloc : memref<!tpu.dma_semaphore, #tpu.memory_space<semaphore_mem>>
      %dma_start3A = arith.constant 0 : i32
      %dma_start3A_49 = tpu.memref_slice %arg10[%add3A_13, %dma_start3A] : memref<10112x128xf32, #tpu.memory_space<vmem_shared>> -> memref<79x128xf32, #tpu.memory_space<vmem_shared>>
      %dma_start3A_50 = arith.constant 0 : i32
      %dma_start3A_51 = tpu.memref_slice %arg10[%add3A_13, %dma_start3A_50] : memref<10112x128xf32, #tpu.memory_space<vmem_shared>> -> memref<79x128xf32, #tpu.memory_space<vmem_shared>>
      tpu.enqueue_dma source(%arg9 : memref<79x128xf32, #tpu.memory_space<vmem>>) target(%dma_start3A_51 : memref<79x128xf32, #tpu.memory_space<vmem_shared>>) target_semaphore(%run_scoped3A : memref<!tpu.dma_semaphore, #tpu.memory_space<semaphore_mem>>)
      %dma_wait3A = arith.constant 0 : i32
      %dma_wait3A_52 = tpu.memref_slice %arg10[%add3A_13, %dma_wait3A] : memref<10112x128xf32, #tpu.memory_space<vmem_shared>> -> memref<79x128xf32, #tpu.memory_space<vmem_shared>>
      %dma_wait3A_53 = arith.constant 0 : i32
      %dma_wait3A_54 = tpu.memref_slice %arg10[%add3A_13, %dma_wait3A_53] : memref<10112x128xf32, #tpu.memory_space<vmem_shared>> -> memref<79x128xf32, #tpu.memory_space<vmem_shared>>
      tpu.wait_dma2 semaphore(%run_scoped3A : memref<!tpu.dma_semaphore, #tpu.memory_space<semaphore_mem>>) src(%arg9 : memref<79x128xf32, #tpu.memory_space<vmem>>) dst(%dma_wait3A_54 : memref<79x128xf32, #tpu.memory_space<vmem_shared>>)
      tpu.yield
    }) : () -> ()
    %mul3A_14 = arith.constant 632 : i32
    %mul3A_15 = arith.muli %arg1, %mul3A_14 : i32
    %add3A_16 = arith.constant 158 : i32
    %add3A_17 = arith.addi %mul3A_15, %add3A_16 : i32
    "tpu.region"() ({
      %run_scoped3A = tpu.sem_alloc : memref<!tpu.dma_semaphore, #tpu.memory_space<semaphore_mem>>
      %dma_start3A = arith.constant 0 : i32
      %dma_start3A_49 = tpu.memref_slice %arg10[%add3A_17, %dma_start3A] : memref<10112x128xf32, #tpu.memory_space<vmem_shared>> -> memref<79x128xf32, #tpu.memory_space<vmem_shared>>
      %dma_start3A_50 = arith.constant 0 : i32
      %dma_start3A_51 = tpu.memref_slice %arg10[%add3A_17, %dma_start3A_50] : memref<10112x128xf32, #tpu.memory_space<vmem_shared>> -> memref<79x128xf32, #tpu.memory_space<vmem_shared>>
      tpu.enqueue_dma source(%arg9 : memref<79x128xf32, #tpu.memory_space<vmem>>) target(%dma_start3A_51 : memref<79x128xf32, #tpu.memory_space<vmem_shared>>) target_semaphore(%run_scoped3A : memref<!tpu.dma_semaphore, #tpu.memory_space<semaphore_mem>>)
      %dma_wait3A = arith.constant 0 : i32
      %dma_wait3A_52 = tpu.memref_slice %arg10[%add3A_17, %dma_wait3A] : memref<10112x128xf32, #tpu.memory_space<vmem_shared>> -> memref<79x128xf32, #tpu.memory_space<vmem_shared>>
      %dma_wait3A_53 = arith.constant 0 : i32
      %dma_wait3A_54 = tpu.memref_slice %arg10[%add3A_17, %dma_wait3A_53] : memref<10112x128xf32, #tpu.memory_space<vmem_shared>> -> memref<79x128xf32, #tpu.memory_space<vmem_shared>>
      tpu.wait_dma2 semaphore(%run_scoped3A : memref<!tpu.dma_semaphore, #tpu.memory_space<semaphore_mem>>) src(%arg9 : memref<79x128xf32, #tpu.memory_space<vmem>>) dst(%dma_wait3A_54 : memref<79x128xf32, #tpu.memory_space<vmem_shared>>)
      tpu.yield
    }) : () -> ()
    %mul3A_18 = arith.constant 632 : i32
    %mul3A_19 = arith.muli %arg1, %mul3A_18 : i32
    %add3A_20 = arith.constant 237 : i32
    %add3A_21 = arith.addi %mul3A_19, %add3A_20 : i32
    "tpu.region"() ({
      %run_scoped3A = tpu.sem_alloc : memref<!tpu.dma_semaphore, #tpu.memory_space<semaphore_mem>>
      %dma_start3A = arith.constant 0 : i32
      %dma_start3A_49 = tpu.memref_slice %arg10[%add3A_21, %dma_start3A] : memref<10112x128xf32, #tpu.memory_space<vmem_shared>> -> memref<79x128xf32, #tpu.memory_space<vmem_shared>>
      %dma_start3A_50 = arith.constant 0 : i32
      %dma_start3A_51 = tpu.memref_slice %arg10[%add3A_21, %dma_start3A_50] : memref<10112x128xf32, #tpu.memory_space<vmem_shared>> -> memref<79x128xf32, #tpu.memory_space<vmem_shared>>
      tpu.enqueue_dma source(%arg9 : memref<79x128xf32, #tpu.memory_space<vmem>>) target(%dma_start3A_51 : memref<79x128xf32, #tpu.memory_space<vmem_shared>>) target_semaphore(%run_scoped3A : memref<!tpu.dma_semaphore, #tpu.memory_space<semaphore_mem>>)
      %dma_wait3A = arith.constant 0 : i32
      %dma_wait3A_52 = tpu.memref_slice %arg10[%add3A_21, %dma_wait3A] : memref<10112x128xf32, #tpu.memory_space<vmem_shared>> -> memref<79x128xf32, #tpu.memory_space<vmem_shared>>
      %dma_wait3A_53 = arith.constant 0 : i32
      %dma_wait3A_54 = tpu.memref_slice %arg10[%add3A_21, %dma_wait3A_53] : memref<10112x128xf32, #tpu.memory_space<vmem_shared>> -> memref<79x128xf32, #tpu.memory_space<vmem_shared>>
      tpu.wait_dma2 semaphore(%run_scoped3A : memref<!tpu.dma_semaphore, #tpu.memory_space<semaphore_mem>>) src(%arg9 : memref<79x128xf32, #tpu.memory_space<vmem>>) dst(%dma_wait3A_54 : memref<79x128xf32, #tpu.memory_space<vmem_shared>>)
      tpu.yield
    }) : () -> ()
    %mul3A_22 = arith.constant 632 : i32
    %mul3A_23 = arith.muli %arg1, %mul3A_22 : i32
    %add3A_24 = arith.constant 316 : i32
    %add3A_25 = arith.addi %mul3A_23, %add3A_24 : i32
    "tpu.region"() ({
      %run_scoped3A = tpu.sem_alloc : memref<!tpu.dma_semaphore, #tpu.memory_space<semaphore_mem>>
      %dma_start3A = arith.constant 0 : i32
      %dma_start3A_49 = tpu.memref_slice %arg10[%add3A_25, %dma_start3A] : memref<10112x128xf32, #tpu.memory_space<vmem_shared>> -> memref<79x128xf32, #tpu.memory_space<vmem_shared>>
      %dma_start3A_50 = arith.constant 0 : i32
      %dma_start3A_51 = tpu.memref_slice %arg10[%add3A_25, %dma_start3A_50] : memref<10112x128xf32, #tpu.memory_space<vmem_shared>> -> memref<79x128xf32, #tpu.memory_space<vmem_shared>>
      tpu.enqueue_dma source(%arg9 : memref<79x128xf32, #tpu.memory_space<vmem>>) target(%dma_start3A_51 : memref<79x128xf32, #tpu.memory_space<vmem_shared>>) target_semaphore(%run_scoped3A : memref<!tpu.dma_semaphore, #tpu.memory_space<semaphore_mem>>)
      %dma_wait3A = arith.constant 0 : i32
      %dma_wait3A_52 = tpu.memref_slice %arg10[%add3A_25, %dma_wait3A] : memref<10112x128xf32, #tpu.memory_space<vmem_shared>> -> memref<79x128xf32, #tpu.memory_space<vmem_shared>>
      %dma_wait3A_53 = arith.constant 0 : i32
      %dma_wait3A_54 = tpu.memref_slice %arg10[%add3A_25, %dma_wait3A_53] : memref<10112x128xf32, #tpu.memory_space<vmem_shared>> -> memref<79x128xf32, #tpu.memory_space<vmem_shared>>
      tpu.wait_dma2 semaphore(%run_scoped3A : memref<!tpu.dma_semaphore, #tpu.memory_space<semaphore_mem>>) src(%arg9 : memref<79x128xf32, #tpu.memory_space<vmem>>) dst(%dma_wait3A_54 : memref<79x128xf32, #tpu.memory_space<vmem_shared>>)
      tpu.yield
    }) : () -> ()
    %mul3A_26 = arith.constant 632 : i32
    %mul3A_27 = arith.muli %arg1, %mul3A_26 : i32
    %add3A_28 = arith.constant 395 : i32
    %add3A_29 = arith.addi %mul3A_27, %add3A_28 : i32
    "tpu.region"() ({
      %run_scoped3A = tpu.sem_alloc : memref<!tpu.dma_semaphore, #tpu.memory_space<semaphore_mem>>
      %dma_start3A = arith.constant 0 : i32
      %dma_start3A_49 = tpu.memref_slice %arg10[%add3A_29, %dma_start3A] : memref<10112x128xf32, #tpu.memory_space<vmem_shared>> -> memref<79x128xf32, #tpu.memory_space<vmem_shared>>
      %dma_start3A_50 = arith.constant 0 : i32
      %dma_start3A_51 = tpu.memref_slice %arg10[%add3A_29, %dma_start3A_50] : memref<10112x128xf32, #tpu.memory_space<vmem_shared>> -> memref<79x128xf32, #tpu.memory_space<vmem_shared>>
      tpu.enqueue_dma source(%arg9 : memref<79x128xf32, #tpu.memory_space<vmem>>) target(%dma_start3A_51 : memref<79x128xf32, #tpu.memory_space<vmem_shared>>) target_semaphore(%run_scoped3A : memref<!tpu.dma_semaphore, #tpu.memory_space<semaphore_mem>>)
      %dma_wait3A = arith.constant 0 : i32
      %dma_wait3A_52 = tpu.memref_slice %arg10[%add3A_29, %dma_wait3A] : memref<10112x128xf32, #tpu.memory_space<vmem_shared>> -> memref<79x128xf32, #tpu.memory_space<vmem_shared>>
      %dma_wait3A_53 = arith.constant 0 : i32
      %dma_wait3A_54 = tpu.memref_slice %arg10[%add3A_29, %dma_wait3A_53] : memref<10112x128xf32, #tpu.memory_space<vmem_shared>> -> memref<79x128xf32, #tpu.memory_space<vmem_shared>>
      tpu.wait_dma2 semaphore(%run_scoped3A : memref<!tpu.dma_semaphore, #tpu.memory_space<semaphore_mem>>) src(%arg9 : memref<79x128xf32, #tpu.memory_space<vmem>>) dst(%dma_wait3A_54 : memref<79x128xf32, #tpu.memory_space<vmem_shared>>)
      tpu.yield
    }) : () -> ()
    %mul3A_30 = arith.constant 632 : i32
    %mul3A_31 = arith.muli %arg1, %mul3A_30 : i32
    %add3A_32 = arith.constant 474 : i32
    %add3A_33 = arith.addi %mul3A_31, %add3A_32 : i32
    "tpu.region"() ({
      %run_scoped3A = tpu.sem_alloc : memref<!tpu.dma_semaphore, #tpu.memory_space<semaphore_mem>>
      %dma_start3A = arith.constant 0 : i32
      %dma_start3A_49 = tpu.memref_slice %arg10[%add3A_33, %dma_start3A] : memref<10112x128xf32, #tpu.memory_space<vmem_shared>> -> memref<79x128xf32, #tpu.memory_space<vmem_shared>>
      %dma_start3A_50 = arith.constant 0 : i32
      %dma_start3A_51 = tpu.memref_slice %arg10[%add3A_33, %dma_start3A_50] : memref<10112x128xf32, #tpu.memory_space<vmem_shared>> -> memref<79x128xf32, #tpu.memory_space<vmem_shared>>
      tpu.enqueue_dma source(%arg9 : memref<79x128xf32, #tpu.memory_space<vmem>>) target(%dma_start3A_51 : memref<79x128xf32, #tpu.memory_space<vmem_shared>>) target_semaphore(%run_scoped3A : memref<!tpu.dma_semaphore, #tpu.memory_space<semaphore_mem>>)
      %dma_wait3A = arith.constant 0 : i32
      %dma_wait3A_52 = tpu.memref_slice %arg10[%add3A_33, %dma_wait3A] : memref<10112x128xf32, #tpu.memory_space<vmem_shared>> -> memref<79x128xf32, #tpu.memory_space<vmem_shared>>
      %dma_wait3A_53 = arith.constant 0 : i32
      %dma_wait3A_54 = tpu.memref_slice %arg10[%add3A_33, %dma_wait3A_53] : memref<10112x128xf32, #tpu.memory_space<vmem_shared>> -> memref<79x128xf32, #tpu.memory_space<vmem_shared>>
      tpu.wait_dma2 semaphore(%run_scoped3A : memref<!tpu.dma_semaphore, #tpu.memory_space<semaphore_mem>>) src(%arg9 : memref<79x128xf32, #tpu.memory_space<vmem>>) dst(%dma_wait3A_54 : memref<79x128xf32, #tpu.memory_space<vmem_shared>>)
      tpu.yield
    }) : () -> ()
    %mul3A_34 = arith.constant 632 : i32
    %mul3A_35 = arith.muli %arg1, %mul3A_34 : i32
    %add3A_36 = arith.constant 553 : i32
    %add3A_37 = arith.addi %mul3A_35, %add3A_36 : i32
    "tpu.region"() ({
      %run_scoped3A = tpu.sem_alloc : memref<!tpu.dma_semaphore, #tpu.memory_space<semaphore_mem>>
      %dma_start3A = arith.constant 0 : i32
      %dma_start3A_49 = tpu.memref_slice %arg10[%add3A_37, %dma_start3A] : memref<10112x128xf32, #tpu.memory_space<vmem_shared>> -> memref<79x128xf32, #tpu.memory_space<vmem_shared>>
      %dma_start3A_50 = arith.constant 0 : i32
      %dma_start3A_51 = tpu.memref_slice %arg10[%add3A_37, %dma_start3A_50] : memref<10112x128xf32, #tpu.memory_space<vmem_shared>> -> memref<79x128xf32, #tpu.memory_space<vmem_shared>>
      tpu.enqueue_dma source(%arg9 : memref<79x128xf32, #tpu.memory_space<vmem>>) target(%dma_start3A_51 : memref<79x128xf32, #tpu.memory_space<vmem_shared>>) target_semaphore(%run_scoped3A : memref<!tpu.dma_semaphore, #tpu.memory_space<semaphore_mem>>)
      %dma_wait3A = arith.constant 0 : i32
      %dma_wait3A_52 = tpu.memref_slice %arg10[%add3A_37, %dma_wait3A] : memref<10112x128xf32, #tpu.memory_space<vmem_shared>> -> memref<79x128xf32, #tpu.memory_space<vmem_shared>>
      %dma_wait3A_53 = arith.constant 0 : i32
      %dma_wait3A_54 = tpu.memref_slice %arg10[%add3A_37, %dma_wait3A_53] : memref<10112x128xf32, #tpu.memory_space<vmem_shared>> -> memref<79x128xf32, #tpu.memory_space<vmem_shared>>
      tpu.wait_dma2 semaphore(%run_scoped3A : memref<!tpu.dma_semaphore, #tpu.memory_space<semaphore_mem>>) src(%arg9 : memref<79x128xf32, #tpu.memory_space<vmem>>) dst(%dma_wait3A_54 : memref<79x128xf32, #tpu.memory_space<vmem_shared>>)
      tpu.yield
    }) : () -> ()
    "tpu.region"() ({
      %run_scoped3A = tpu.sem_alloc : memref<!tpu.dma_semaphore, #tpu.memory_space<semaphore_mem>>
      %dma_start3A = arith.constant 0 : i32
      %dma_start3A_49 = arith.constant 0 : i32
      %dma_start3A_50 = tpu.memref_slice %arg3[%add3A, %dma_start3A, %dma_start3A_49] : memref<32x79x128xi32, #tpu.memory_space<hbm>> -> memref<1x79x128xi32, #tpu.memory_space<hbm>>
      %dma_start3A_51 = tpu.memref_squeeze %dma_start3A_50 : memref<1x79x128xi32, #tpu.memory_space<hbm>> -> memref<79x128xi32, #tpu.memory_space<hbm>>
      %dma_start3A_52 = arith.constant 0 : i32
      %dma_start3A_53 = arith.constant 0 : i32
      %dma_start3A_54 = tpu.memref_slice %arg3[%add3A, %dma_start3A_52, %dma_start3A_53] : memref<32x79x128xi32, #tpu.memory_space<hbm>> -> memref<1x79x128xi32, #tpu.memory_space<hbm>>
      %dma_start3A_55 = tpu.memref_squeeze %dma_start3A_54 : memref<1x79x128xi32, #tpu.memory_space<hbm>> -> memref<79x128xi32, #tpu.memory_space<hbm>>
      tpu.enqueue_dma source(%dma_start3A_55 : memref<79x128xi32, #tpu.memory_space<hbm>>) target(%arg6 : memref<79x128xi32, #tpu.memory_space<vmem>>) target_semaphore(%run_scoped3A : memref<!tpu.dma_semaphore, #tpu.memory_space<semaphore_mem>>)
      %dma_wait3A = arith.constant 0 : i32
      %dma_wait3A_56 = arith.constant 0 : i32
      %dma_wait3A_57 = tpu.memref_slice %arg3[%add3A, %dma_wait3A, %dma_wait3A_56] : memref<32x79x128xi32, #tpu.memory_space<hbm>> -> memref<1x79x128xi32, #tpu.memory_space<hbm>>
      %dma_wait3A_58 = tpu.memref_squeeze %dma_wait3A_57 : memref<1x79x128xi32, #tpu.memory_space<hbm>> -> memref<79x128xi32, #tpu.memory_space<hbm>>
      %dma_wait3A_59 = arith.constant 0 : i32
      %dma_wait3A_60 = arith.constant 0 : i32
      %dma_wait3A_61 = tpu.memref_slice %arg3[%add3A, %dma_wait3A_59, %dma_wait3A_60] : memref<32x79x128xi32, #tpu.memory_space<hbm>> -> memref<1x79x128xi32, #tpu.memory_space<hbm>>
      %dma_wait3A_62 = tpu.memref_squeeze %dma_wait3A_61 : memref<1x79x128xi32, #tpu.memory_space<hbm>> -> memref<79x128xi32, #tpu.memory_space<hbm>>
      tpu.wait_dma2 semaphore(%run_scoped3A : memref<!tpu.dma_semaphore, #tpu.memory_space<semaphore_mem>>) src(%dma_wait3A_62 : memref<79x128xi32, #tpu.memory_space<hbm>>) dst(%arg6 : memref<79x128xi32, #tpu.memory_space<vmem>>)
      tpu.yield
    }) : () -> ()
    "tpu.region"() ({
      %run_scoped3A = tpu.sem_alloc : memref<!tpu.dma_semaphore, #tpu.memory_space<semaphore_mem>>
      %dma_start3A = arith.constant 0 : i32
      %dma_start3A_49 = arith.constant 0 : i32
      %dma_start3A_50 = tpu.memref_slice %arg4[%add3A, %dma_start3A, %dma_start3A_49] : memref<32x79x128xi32, #tpu.memory_space<hbm>> -> memref<1x79x128xi32, #tpu.memory_space<hbm>>
      %dma_start3A_51 = tpu.memref_squeeze %dma_start3A_50 : memref<1x79x128xi32, #tpu.memory_space<hbm>> -> memref<79x128xi32, #tpu.memory_space<hbm>>
      %dma_start3A_52 = arith.constant 0 : i32
      %dma_start3A_53 = arith.constant 0 : i32
      %dma_start3A_54 = tpu.memref_slice %arg4[%add3A, %dma_start3A_52, %dma_start3A_53] : memref<32x79x128xi32, #tpu.memory_space<hbm>> -> memref<1x79x128xi32, #tpu.memory_space<hbm>>
      %dma_start3A_55 = tpu.memref_squeeze %dma_start3A_54 : memref<1x79x128xi32, #tpu.memory_space<hbm>> -> memref<79x128xi32, #tpu.memory_space<hbm>>
      tpu.enqueue_dma source(%dma_start3A_55 : memref<79x128xi32, #tpu.memory_space<hbm>>) target(%arg7 : memref<79x128xi32, #tpu.memory_space<vmem>>) target_semaphore(%run_scoped3A : memref<!tpu.dma_semaphore, #tpu.memory_space<semaphore_mem>>)
      %dma_wait3A = arith.constant 0 : i32
      %dma_wait3A_56 = arith.constant 0 : i32
      %dma_wait3A_57 = tpu.memref_slice %arg4[%add3A, %dma_wait3A, %dma_wait3A_56] : memref<32x79x128xi32, #tpu.memory_space<hbm>> -> memref<1x79x128xi32, #tpu.memory_space<hbm>>
      %dma_wait3A_58 = tpu.memref_squeeze %dma_wait3A_57 : memref<1x79x128xi32, #tpu.memory_space<hbm>> -> memref<79x128xi32, #tpu.memory_space<hbm>>
      %dma_wait3A_59 = arith.constant 0 : i32
      %dma_wait3A_60 = arith.constant 0 : i32
      %dma_wait3A_61 = tpu.memref_slice %arg4[%add3A, %dma_wait3A_59, %dma_wait3A_60] : memref<32x79x128xi32, #tpu.memory_space<hbm>> -> memref<1x79x128xi32, #tpu.memory_space<hbm>>
      %dma_wait3A_62 = tpu.memref_squeeze %dma_wait3A_61 : memref<1x79x128xi32, #tpu.memory_space<hbm>> -> memref<79x128xi32, #tpu.memory_space<hbm>>
      tpu.wait_dma2 semaphore(%run_scoped3A : memref<!tpu.dma_semaphore, #tpu.memory_space<semaphore_mem>>) src(%dma_wait3A_62 : memref<79x128xi32, #tpu.memory_space<hbm>>) dst(%arg7 : memref<79x128xi32, #tpu.memory_space<vmem>>)
      tpu.yield
    }) : () -> ()
    %barrier3A = arith.constant 0 : index
    tpu.barrier barrier_id(%barrier3A)
    %scan3A_38 = arith.constant 0 : i32
    %scan3A_39 = arith.constant 0 : i32
    %scan3A_40 = arith.constant 79 : i32
    %scan3A_41 = arith.addi %scan3A_39, %scan3A_40 : i32
    %scan3A_42 = arith.constant 1 : i32
    scf.for %scan3A_49 = %scan3A_39 to %scan3A_41 step %scan3A_42  : i32 {
      %dma_start3A = arith.constant 0 : i32
      %dma_start3A_50 = tpu.memref_slice %arg6[%scan3A_49, %dma_start3A] : memref<79x128xi32, #tpu.memory_space<vmem>> -> memref<1x128xi32, #tpu.memory_space<vmem>>
      %dma_start3A_51 = tpu.memref_squeeze %dma_start3A_50 : memref<1x128xi32, #tpu.memory_space<vmem>> -> memref<128xi32, #tpu.memory_space<vmem>>
      %dma_start3A_52 = arith.constant 0 : i32
      %dma_start3A_53 = arith.constant 0 : i32
      %dma_start3A_54 = tpu.memref_slice %arg2[%dma_start3A_52, %dma_start3A_53] : memref<10112x128xf32, #tpu.memory_space<hbm>> -> memref<10112x128xf32, #tpu.memory_space<hbm>>
      tpu.enqueue_indirect_dma source(%dma_start3A_54 : memref<10112x128xf32, #tpu.memory_space<hbm>>) target(%arg8 : memref<128x128xf32, #tpu.memory_space<vmem>>) offsets(%dma_start3A_51 : memref<128xi32, #tpu.memory_space<vmem>>) semaphore(%arg11 : memref<!tpu.dma_semaphore, #tpu.memory_space<semaphore_mem>>)
      %dma_wait3A = arith.constant 0 : i32
      %dma_wait3A_55 = tpu.memref_slice %arg6[%scan3A_49, %dma_wait3A] : memref<79x128xi32, #tpu.memory_space<vmem>> -> memref<1x128xi32, #tpu.memory_space<vmem>>
      %dma_wait3A_56 = tpu.memref_squeeze %dma_wait3A_55 : memref<1x128xi32, #tpu.memory_space<vmem>> -> memref<128xi32, #tpu.memory_space<vmem>>
      %dma_wait3A_57 = arith.constant 0 : i32
      %dma_wait3A_58 = arith.constant 0 : i32
      %dma_wait3A_59 = tpu.memref_slice %arg2[%dma_wait3A_57, %dma_wait3A_58] : memref<10112x128xf32, #tpu.memory_space<hbm>> -> memref<10112x128xf32, #tpu.memory_space<hbm>>
      tpu.wait_indirect_dma semaphore(%arg11 : memref<!tpu.dma_semaphore, #tpu.memory_space<semaphore_mem>>) src(%dma_wait3A_59 : memref<10112x128xf32, #tpu.memory_space<hbm>>) dst(%arg8 : memref<128x128xf32, #tpu.memory_space<vmem>>)
      "tpu.region"() ({
        %run_scoped3A = tpu.sem_alloc : memref<!tpu.dma_semaphore, #tpu.memory_space<semaphore_mem>>
        %dma_start3A_60 = arith.constant 0 : i32
        %dma_start3A_61 = tpu.memref_slice %arg7[%scan3A_49, %dma_start3A_60] : memref<79x128xi32, #tpu.memory_space<vmem>> -> memref<1x128xi32, #tpu.memory_space<vmem>>
        %dma_start3A_62 = tpu.memref_squeeze %dma_start3A_61 : memref<1x128xi32, #tpu.memory_space<vmem>> -> memref<128xi32, #tpu.memory_space<vmem>>
        %dma_start3A_63 = arith.constant 0 : i32
        %dma_start3A_64 = arith.constant 0 : i32
        %dma_start3A_65 = tpu.memref_slice %arg10[%dma_start3A_63, %dma_start3A_64] : memref<10112x128xf32, #tpu.memory_space<vmem_shared>> -> memref<10112x128xf32, #tpu.memory_space<vmem_shared>>
        tpu.enqueue_indirect_dma source(%arg8 : memref<128x128xf32, #tpu.memory_space<vmem>>) target(%dma_start3A_65 : memref<10112x128xf32, #tpu.memory_space<vmem_shared>>) offsets(%dma_start3A_62 : memref<128xi32, #tpu.memory_space<vmem>>) semaphore(%run_scoped3A : memref<!tpu.dma_semaphore, #tpu.memory_space<semaphore_mem>>) {add = true}
        %dma_wait3A_66 = arith.constant 0 : i32
        %dma_wait3A_67 = tpu.memref_slice %arg7[%scan3A_49, %dma_wait3A_66] : memref<79x128xi32, #tpu.memory_space<vmem>> -> memref<1x128xi32, #tpu.memory_space<vmem>>
        %dma_wait3A_68 = tpu.memref_squeeze %dma_wait3A_67 : memref<1x128xi32, #tpu.memory_space<vmem>> -> memref<128xi32, #tpu.memory_space<vmem>>
        %dma_wait3A_69 = arith.constant 0 : i32
        %dma_wait3A_70 = arith.constant 0 : i32
        %dma_wait3A_71 = tpu.memref_slice %arg10[%dma_wait3A_69, %dma_wait3A_70] : memref<10112x128xf32, #tpu.memory_space<vmem_shared>> -> memref<10112x128xf32, #tpu.memory_space<vmem_shared>>
        tpu.wait_indirect_dma semaphore(%run_scoped3A : memref<!tpu.dma_semaphore, #tpu.memory_space<semaphore_mem>>) src(%arg8 : memref<128x128xf32, #tpu.memory_space<vmem>>) dst(%dma_wait3A_71 : memref<10112x128xf32, #tpu.memory_space<vmem_shared>>)
        tpu.yield
      }) : () -> ()
    }
    %scan3A_43 = arith.constant 79 : i32
    %barrier3A_44 = arith.constant 0 : index
    tpu.barrier barrier_id(%barrier3A_44)
    %mul3A_45 = arith.constant 632 : i32
    %mul3A_46 = arith.muli %arg1, %mul3A_45 : i32
    %mul3A_47 = arith.constant 632 : i32
    %mul3A_48 = arith.muli %arg1, %mul3A_47 : i32
    "tpu.region"() ({
      %run_scoped3A = tpu.sem_alloc : memref<!tpu.dma_semaphore, #tpu.memory_space<semaphore_mem>>
      %dma_start3A = arith.constant 0 : i32
      %dma_start3A_49 = tpu.memref_slice %arg5[%arg0, %mul3A_48, %dma_start3A] : memref<2x10112x128xf32, #tpu.memory_space<hbm>> -> memref<1x632x128xf32, #tpu.memory_space<hbm>>
      %dma_start3A_50 = tpu.memref_squeeze %dma_start3A_49 : memref<1x632x128xf32, #tpu.memory_space<hbm>> -> memref<632x128xf32, #tpu.memory_space<hbm>>
      %dma_start3A_51 = arith.constant 0 : i32
      %dma_start3A_52 = tpu.memref_slice %arg10[%mul3A_46, %dma_start3A_51] : memref<10112x128xf32, #tpu.memory_space<vmem_shared>> -> memref<632x128xf32, #tpu.memory_space<vmem_shared>>
      tpu.enqueue_dma source(%dma_start3A_52 : memref<632x128xf32, #tpu.memory_space<vmem_shared>>) target(%dma_start3A_50 : memref<632x128xf32, #tpu.memory_space<hbm>>) target_semaphore(%run_scoped3A : memref<!tpu.dma_semaphore, #tpu.memory_space<semaphore_mem>>)
      %dma_wait3A = arith.constant 0 : i32
      %dma_wait3A_53 = tpu.memref_slice %arg5[%arg0, %mul3A_48, %dma_wait3A] : memref<2x10112x128xf32, #tpu.memory_space<hbm>> -> memref<1x632x128xf32, #tpu.memory_space<hbm>>
      %dma_wait3A_54 = tpu.memref_squeeze %dma_wait3A_53 : memref<1x632x128xf32, #tpu.memory_space<hbm>> -> memref<632x128xf32, #tpu.memory_space<hbm>>
      %dma_wait3A_55 = arith.constant 0 : i32
      %dma_wait3A_56 = tpu.memref_slice %arg10[%mul3A_46, %dma_wait3A_55] : memref<10112x128xf32, #tpu.memory_space<vmem_shared>> -> memref<632x128xf32, #tpu.memory_space<vmem_shared>>
      tpu.wait_dma2 semaphore(%run_scoped3A : memref<!tpu.dma_semaphore, #tpu.memory_space<semaphore_mem>>) src(%dma_wait3A_56 : memref<632x128xf32, #tpu.memory_space<vmem_shared>>) dst(%dma_wait3A_54 : memref<632x128xf32, #tpu.memory_space<hbm>>)
      tpu.yield
    }) : () -> ()
    return
  }
}

#map = affine_map<(d0, d1) -> (0, 0)>
#map1 = affine_map<(d0, d1) -> (0, 0, 0)>
module attributes {stable_mosaic.version = 14 : i64} {
  func.func @k(%arg0: i32, %arg1: i32, %arg2: memref<10112x64xf32, #tpu.memory_space<hbm>>, %arg3: memref<32x79x128xi32, #tpu.memory_space<hbm>>, %arg4: memref<32x79x128xi32, #tpu.memory_space<hbm>>, %arg5: memref<2x10112x64xf32, #tpu.memory_space<hbm>>, %arg6: memref<79x128xi32, #tpu.memory_space<vmem>>, %arg7: memref<79x128xi32, #tpu.memory_space<vmem>>, %arg8: memref<128x64xf32, #tpu.memory_space<vmem>>, %arg9: memref<79x64xf32, #tpu.memory_space<vmem>>, %arg10: memref<10112x64xf32, #tpu.memory_space<vmem_shared>>, %arg11: memref<!tpu.dma_semaphore, #tpu.memory_space<semaphore_mem>>) attributes {dimension_semantics = [#tpu.dimension_semantics<core_parallel>, #tpu.dimension_semantics<subcore_parallel>], iteration_bounds = array<i64: 2, 16>, scalar_prefetch = 0 : i64, scratch_operands = 6 : i64, tpu.core_type = #tpu.core_type<sc_vector_subcore>, window_params = [{transform_indices = #map}, {transform_indices = #map1}, {transform_indices = #map1}, {transform_indices = #map1}]} {
    %mul3A = arith.constant 2 : i32
    %mul3A_0 = arith.muli %arg1, %mul3A : i32
    %add3A = arith.addi %mul3A_0, %arg0 : i32
    %scan3A = arith.constant 0 : i32
    %scan3A_1 = arith.constant 0 : i32
    %scan3A_2 = arith.constant 79 : i32
    %scan3A_3 = arith.addi %scan3A_1, %scan3A_2 : i32
    %scan3A_4 = arith.constant 1 : i32
    scf.for %scan3A_49 = %scan3A_1 to %scan3A_3 step %scan3A_4  : i32 {
      %broadcast_in_dim3A = arith.constant 0.000000e+00 : f32
      %broadcast_in_dim3A_50 = vector.broadcast %broadcast_in_dim3A : f32 to vector<16xf32>
      %swap3A = arith.index_cast %scan3A_49 : i32 to index
      %swap3A_51 = arith.constant 0 : index
      %swap3A_52 = tpu.vector_load %arg9[%swap3A, %swap3A_51] {strides = array<i32>} : memref<79x64xf32, #tpu.memory_space<vmem>>, vector<1x16xf32>,
      %swap3A_53 = vector.shape_cast %swap3A_52 : vector<1x16xf32> to vector<16xf32>
      %swap3A_54 = vector.shape_cast %broadcast_in_dim3A_50 : vector<16xf32> to vector<1x16xf32>
      tpu.vector_store %arg9[%swap3A, %swap3A_51], %swap3A_54 {strides = array<i32>} : memref<79x64xf32, #tpu.memory_space<vmem>>, vector<1x16xf32>,
      %broadcast_in_dim3A_55 = arith.constant 0.000000e+00 : f32
      %broadcast_in_dim3A_56 = vector.broadcast %broadcast_in_dim3A_55 : f32 to vector<16xf32>
      %swap3A_57 = arith.index_cast %scan3A_49 : i32 to index
      %swap3A_58 = arith.constant 16 : index
      %swap3A_59 = tpu.vector_load %arg9[%swap3A_57, %swap3A_58] {strides = array<i32>} : memref<79x64xf32, #tpu.memory_space<vmem>>, vector<1x16xf32>,
      %swap3A_60 = vector.shape_cast %swap3A_59 : vector<1x16xf32> to vector<16xf32>
      %swap3A_61 = vector.shape_cast %broadcast_in_dim3A_56 : vector<16xf32> to vector<1x16xf32>
      tpu.vector_store %arg9[%swap3A_57, %swap3A_58], %swap3A_61 {strides = array<i32>} : memref<79x64xf32, #tpu.memory_space<vmem>>, vector<1x16xf32>,
      %broadcast_in_dim3A_62 = arith.constant 0.000000e+00 : f32
      %broadcast_in_dim3A_63 = vector.broadcast %broadcast_in_dim3A_62 : f32 to vector<16xf32>
      %swap3A_64 = arith.index_cast %scan3A_49 : i32 to index
      %swap3A_65 = arith.constant 32 : index
      %swap3A_66 = tpu.vector_load %arg9[%swap3A_64, %swap3A_65] {strides = array<i32>} : memref<79x64xf32, #tpu.memory_space<vmem>>, vector<1x16xf32>,
      %swap3A_67 = vector.shape_cast %swap3A_66 : vector<1x16xf32> to vector<16xf32>
      %swap3A_68 = vector.shape_cast %broadcast_in_dim3A_63 : vector<16xf32> to vector<1x16xf32>
      tpu.vector_store %arg9[%swap3A_64, %swap3A_65], %swap3A_68 {strides = array<i32>} : memref<79x64xf32, #tpu.memory_space<vmem>>, vector<1x16xf32>,
      %broadcast_in_dim3A_69 = arith.constant 0.000000e+00 : f32
      %broadcast_in_dim3A_70 = vector.broadcast %broadcast_in_dim3A_69 : f32 to vector<16xf32>
      %swap3A_71 = arith.index_cast %scan3A_49 : i32 to index
      %swap3A_72 = arith.constant 48 : index
      %swap3A_73 = tpu.vector_load %arg9[%swap3A_71, %swap3A_72] {strides = array<i32>} : memref<79x64xf32, #tpu.memory_space<vmem>>, vector<1x16xf32>,
      %swap3A_74 = vector.shape_cast %swap3A_73 : vector<1x16xf32> to vector<16xf32>
      %swap3A_75 = vector.shape_cast %broadcast_in_dim3A_70 : vector<16xf32> to vector<1x16xf32>
      tpu.vector_store %arg9[%swap3A_71, %swap3A_72], %swap3A_75 {strides = array<i32>} : memref<79x64xf32, #tpu.memory_space<vmem>>, vector<1x16xf32>,
    }
    %scan3A_5 = arith.constant 79 : i32
    %mul3A_6 = arith.constant 632 : i32
    %mul3A_7 = arith.muli %arg1, %mul3A_6 : i32
    %add3A_8 = arith.constant 0 : i32
    %add3A_9 = arith.addi %mul3A_7, %add3A_8 : i32
    "tpu.region"() ({
      %run_scoped3A = tpu.sem_alloc : memref<!tpu.dma_semaphore, #tpu.memory_space<semaphore_mem>>
      %dma_start3A = arith.constant 0 : i32
      %dma_start3A_49 = tpu.memref_slice %arg10[%add3A_9, %dma_start3A] : memref<10112x64xf32, #tpu.memory_space<vmem_shared>> -> memref<79x64xf32, #tpu.memory_space<vmem_shared>>
      %dma_start3A_50 = arith.constant 0 : i32
      %dma_start3A_51 = tpu.memref_slice %arg10[%add3A_9, %dma_start3A_50] : memref<10112x64xf32, #tpu.memory_space<vmem_shared>> -> memref<79x64xf32, #tpu.memory_space<vmem_shared>>
      tpu.enqueue_dma source(%arg9 : memref<79x64xf32, #tpu.memory_space<vmem>>) target(%dma_start3A_51 : memref<79x64xf32, #tpu.memory_space<vmem_shared>>) target_semaphore(%run_scoped3A : memref<!tpu.dma_semaphore, #tpu.memory_space<semaphore_mem>>)
      %dma_wait3A = arith.constant 0 : i32
      %dma_wait3A_52 = tpu.memref_slice %arg10[%add3A_9, %dma_wait3A] : memref<10112x64xf32, #tpu.memory_space<vmem_shared>> -> memref<79x64xf32, #tpu.memory_space<vmem_shared>>
      %dma_wait3A_53 = arith.constant 0 : i32
      %dma_wait3A_54 = tpu.memref_slice %arg10[%add3A_9, %dma_wait3A_53] : memref<10112x64xf32, #tpu.memory_space<vmem_shared>> -> memref<79x64xf32, #tpu.memory_space<vmem_shared>>
      tpu.wait_dma2 semaphore(%run_scoped3A : memref<!tpu.dma_semaphore, #tpu.memory_space<semaphore_mem>>) src(%arg9 : memref<79x64xf32, #tpu.memory_space<vmem>>) dst(%dma_wait3A_54 : memref<79x64xf32, #tpu.memory_space<vmem_shared>>)
      tpu.yield
    }) : () -> ()
    %mul3A_10 = arith.constant 632 : i32
    %mul3A_11 = arith.muli %arg1, %mul3A_10 : i32
    %add3A_12 = arith.constant 79 : i32
    %add3A_13 = arith.addi %mul3A_11, %add3A_12 : i32
    "tpu.region"() ({
      %run_scoped3A = tpu.sem_alloc : memref<!tpu.dma_semaphore, #tpu.memory_space<semaphore_mem>>
      %dma_start3A = arith.constant 0 : i32
      %dma_start3A_49 = tpu.memref_slice %arg10[%add3A_13, %dma_start3A] : memref<10112x64xf32, #tpu.memory_space<vmem_shared>> -> memref<79x64xf32, #tpu.memory_space<vmem_shared>>
      %dma_start3A_50 = arith.constant 0 : i32
      %dma_start3A_51 = tpu.memref_slice %arg10[%add3A_13, %dma_start3A_50] : memref<10112x64xf32, #tpu.memory_space<vmem_shared>> -> memref<79x64xf32, #tpu.memory_space<vmem_shared>>
      tpu.enqueue_dma source(%arg9 : memref<79x64xf32, #tpu.memory_space<vmem>>) target(%dma_start3A_51 : memref<79x64xf32, #tpu.memory_space<vmem_shared>>) target_semaphore(%run_scoped3A : memref<!tpu.dma_semaphore, #tpu.memory_space<semaphore_mem>>)
      %dma_wait3A = arith.constant 0 : i32
      %dma_wait3A_52 = tpu.memref_slice %arg10[%add3A_13, %dma_wait3A] : memref<10112x64xf32, #tpu.memory_space<vmem_shared>> -> memref<79x64xf32, #tpu.memory_space<vmem_shared>>
      %dma_wait3A_53 = arith.constant 0 : i32
      %dma_wait3A_54 = tpu.memref_slice %arg10[%add3A_13, %dma_wait3A_53] : memref<10112x64xf32, #tpu.memory_space<vmem_shared>> -> memref<79x64xf32, #tpu.memory_space<vmem_shared>>
      tpu.wait_dma2 semaphore(%run_scoped3A : memref<!tpu.dma_semaphore, #tpu.memory_space<semaphore_mem>>) src(%arg9 : memref<79x64xf32, #tpu.memory_space<vmem>>) dst(%dma_wait3A_54 : memref<79x64xf32, #tpu.memory_space<vmem_shared>>)
      tpu.yield
    }) : () -> ()
    %mul3A_14 = arith.constant 632 : i32
    %mul3A_15 = arith.muli %arg1, %mul3A_14 : i32
    %add3A_16 = arith.constant 158 : i32
    %add3A_17 = arith.addi %mul3A_15, %add3A_16 : i32
    "tpu.region"() ({
      %run_scoped3A = tpu.sem_alloc : memref<!tpu.dma_semaphore, #tpu.memory_space<semaphore_mem>>
      %dma_start3A = arith.constant 0 : i32
      %dma_start3A_49 = tpu.memref_slice %arg10[%add3A_17, %dma_start3A] : memref<10112x64xf32, #tpu.memory_space<vmem_shared>> -> memref<79x64xf32, #tpu.memory_space<vmem_shared>>
      %dma_start3A_50 = arith.constant 0 : i32
      %dma_start3A_51 = tpu.memref_slice %arg10[%add3A_17, %dma_start3A_50] : memref<10112x64xf32, #tpu.memory_space<vmem_shared>> -> memref<79x64xf32, #tpu.memory_space<vmem_shared>>
      tpu.enqueue_dma source(%arg9 : memref<79x64xf32, #tpu.memory_space<vmem>>) target(%dma_start3A_51 : memref<79x64xf32, #tpu.memory_space<vmem_shared>>) target_semaphore(%run_scoped3A : memref<!tpu.dma_semaphore, #tpu.memory_space<semaphore_mem>>)
      %dma_wait3A = arith.constant 0 : i32
      %dma_wait3A_52 = tpu.memref_slice %arg10[%add3A_17, %dma_wait3A] : memref<10112x64xf32, #tpu.memory_space<vmem_shared>> -> memref<79x64xf32, #tpu.memory_space<vmem_shared>>
      %dma_wait3A_53 = arith.constant 0 : i32
      %dma_wait3A_54 = tpu.memref_slice %arg10[%add3A_17, %dma_wait3A_53] : memref<10112x64xf32, #tpu.memory_space<vmem_shared>> -> memref<79x64xf32, #tpu.memory_space<vmem_shared>>
      tpu.wait_dma2 semaphore(%run_scoped3A : memref<!tpu.dma_semaphore, #tpu.memory_space<semaphore_mem>>) src(%arg9 : memref<79x64xf32, #tpu.memory_space<vmem>>) dst(%dma_wait3A_54 : memref<79x64xf32, #tpu.memory_space<vmem_shared>>)
      tpu.yield
    }) : () -> ()
    %mul3A_18 = arith.constant 632 : i32
    %mul3A_19 = arith.muli %arg1, %mul3A_18 : i32
    %add3A_20 = arith.constant 237 : i32
    %add3A_21 = arith.addi %mul3A_19, %add3A_20 : i32
    "tpu.region"() ({
      %run_scoped3A = tpu.sem_alloc : memref<!tpu.dma_semaphore, #tpu.memory_space<semaphore_mem>>
      %dma_start3A = arith.constant 0 : i32
      %dma_start3A_49 = tpu.memref_slice %arg10[%add3A_21, %dma_start3A] : memref<10112x64xf32, #tpu.memory_space<vmem_shared>> -> memref<79x64xf32, #tpu.memory_space<vmem_shared>>
      %dma_start3A_50 = arith.constant 0 : i32
      %dma_start3A_51 = tpu.memref_slice %arg10[%add3A_21, %dma_start3A_50] : memref<10112x64xf32, #tpu.memory_space<vmem_shared>> -> memref<79x64xf32, #tpu.memory_space<vmem_shared>>
      tpu.enqueue_dma source(%arg9 : memref<79x64xf32, #tpu.memory_space<vmem>>) target(%dma_start3A_51 : memref<79x64xf32, #tpu.memory_space<vmem_shared>>) target_semaphore(%run_scoped3A : memref<!tpu.dma_semaphore, #tpu.memory_space<semaphore_mem>>)
      %dma_wait3A = arith.constant 0 : i32
      %dma_wait3A_52 = tpu.memref_slice %arg10[%add3A_21, %dma_wait3A] : memref<10112x64xf32, #tpu.memory_space<vmem_shared>> -> memref<79x64xf32, #tpu.memory_space<vmem_shared>>
      %dma_wait3A_53 = arith.constant 0 : i32
      %dma_wait3A_54 = tpu.memref_slice %arg10[%add3A_21, %dma_wait3A_53] : memref<10112x64xf32, #tpu.memory_space<vmem_shared>> -> memref<79x64xf32, #tpu.memory_space<vmem_shared>>
      tpu.wait_dma2 semaphore(%run_scoped3A : memref<!tpu.dma_semaphore, #tpu.memory_space<semaphore_mem>>) src(%arg9 : memref<79x64xf32, #tpu.memory_space<vmem>>) dst(%dma_wait3A_54 : memref<79x64xf32, #tpu.memory_space<vmem_shared>>)
      tpu.yield
    }) : () -> ()
    %mul3A_22 = arith.constant 632 : i32
    %mul3A_23 = arith.muli %arg1, %mul3A_22 : i32
    %add3A_24 = arith.constant 316 : i32
    %add3A_25 = arith.addi %mul3A_23, %add3A_24 : i32
    "tpu.region"() ({
      %run_scoped3A = tpu.sem_alloc : memref<!tpu.dma_semaphore, #tpu.memory_space<semaphore_mem>>
      %dma_start3A = arith.constant 0 : i32
      %dma_start3A_49 = tpu.memref_slice %arg10[%add3A_25, %dma_start3A] : memref<10112x64xf32, #tpu.memory_space<vmem_shared>> -> memref<79x64xf32, #tpu.memory_space<vmem_shared>>
      %dma_start3A_50 = arith.constant 0 : i32
      %dma_start3A_51 = tpu.memref_slice %arg10[%add3A_25, %dma_start3A_50] : memref<10112x64xf32, #tpu.memory_space<vmem_shared>> -> memref<79x64xf32, #tpu.memory_space<vmem_shared>>
      tpu.enqueue_dma source(%arg9 : memref<79x64xf32, #tpu.memory_space<vmem>>) target(%dma_start3A_51 : memref<79x64xf32, #tpu.memory_space<vmem_shared>>) target_semaphore(%run_scoped3A : memref<!tpu.dma_semaphore, #tpu.memory_space<semaphore_mem>>)
      %dma_wait3A = arith.constant 0 : i32
      %dma_wait3A_52 = tpu.memref_slice %arg10[%add3A_25, %dma_wait3A] : memref<10112x64xf32, #tpu.memory_space<vmem_shared>> -> memref<79x64xf32, #tpu.memory_space<vmem_shared>>
      %dma_wait3A_53 = arith.constant 0 : i32
      %dma_wait3A_54 = tpu.memref_slice %arg10[%add3A_25, %dma_wait3A_53] : memref<10112x64xf32, #tpu.memory_space<vmem_shared>> -> memref<79x64xf32, #tpu.memory_space<vmem_shared>>
      tpu.wait_dma2 semaphore(%run_scoped3A : memref<!tpu.dma_semaphore, #tpu.memory_space<semaphore_mem>>) src(%arg9 : memref<79x64xf32, #tpu.memory_space<vmem>>) dst(%dma_wait3A_54 : memref<79x64xf32, #tpu.memory_space<vmem_shared>>)
      tpu.yield
    }) : () -> ()
    %mul3A_26 = arith.constant 632 : i32
    %mul3A_27 = arith.muli %arg1, %mul3A_26 : i32
    %add3A_28 = arith.constant 395 : i32
    %add3A_29 = arith.addi %mul3A_27, %add3A_28 : i32
    "tpu.region"() ({
      %run_scoped3A = tpu.sem_alloc : memref<!tpu.dma_semaphore, #tpu.memory_space<semaphore_mem>>
      %dma_start3A = arith.constant 0 : i32
      %dma_start3A_49 = tpu.memref_slice %arg10[%add3A_29, %dma_start3A] : memref<10112x64xf32, #tpu.memory_space<vmem_shared>> -> memref<79x64xf32, #tpu.memory_space<vmem_shared>>
      %dma_start3A_50 = arith.constant 0 : i32
      %dma_start3A_51 = tpu.memref_slice %arg10[%add3A_29, %dma_start3A_50] : memref<10112x64xf32, #tpu.memory_space<vmem_shared>> -> memref<79x64xf32, #tpu.memory_space<vmem_shared>>
      tpu.enqueue_dma source(%arg9 : memref<79x64xf32, #tpu.memory_space<vmem>>) target(%dma_start3A_51 : memref<79x64xf32, #tpu.memory_space<vmem_shared>>) target_semaphore(%run_scoped3A : memref<!tpu.dma_semaphore, #tpu.memory_space<semaphore_mem>>)
      %dma_wait3A = arith.constant 0 : i32
      %dma_wait3A_52 = tpu.memref_slice %arg10[%add3A_29, %dma_wait3A] : memref<10112x64xf32, #tpu.memory_space<vmem_shared>> -> memref<79x64xf32, #tpu.memory_space<vmem_shared>>
      %dma_wait3A_53 = arith.constant 0 : i32
      %dma_wait3A_54 = tpu.memref_slice %arg10[%add3A_29, %dma_wait3A_53] : memref<10112x64xf32, #tpu.memory_space<vmem_shared>> -> memref<79x64xf32, #tpu.memory_space<vmem_shared>>
      tpu.wait_dma2 semaphore(%run_scoped3A : memref<!tpu.dma_semaphore, #tpu.memory_space<semaphore_mem>>) src(%arg9 : memref<79x64xf32, #tpu.memory_space<vmem>>) dst(%dma_wait3A_54 : memref<79x64xf32, #tpu.memory_space<vmem_shared>>)
      tpu.yield
    }) : () -> ()
    %mul3A_30 = arith.constant 632 : i32
    %mul3A_31 = arith.muli %arg1, %mul3A_30 : i32
    %add3A_32 = arith.constant 474 : i32
    %add3A_33 = arith.addi %mul3A_31, %add3A_32 : i32
    "tpu.region"() ({
      %run_scoped3A = tpu.sem_alloc : memref<!tpu.dma_semaphore, #tpu.memory_space<semaphore_mem>>
      %dma_start3A = arith.constant 0 : i32
      %dma_start3A_49 = tpu.memref_slice %arg10[%add3A_33, %dma_start3A] : memref<10112x64xf32, #tpu.memory_space<vmem_shared>> -> memref<79x64xf32, #tpu.memory_space<vmem_shared>>
      %dma_start3A_50 = arith.constant 0 : i32
      %dma_start3A_51 = tpu.memref_slice %arg10[%add3A_33, %dma_start3A_50] : memref<10112x64xf32, #tpu.memory_space<vmem_shared>> -> memref<79x64xf32, #tpu.memory_space<vmem_shared>>
      tpu.enqueue_dma source(%arg9 : memref<79x64xf32, #tpu.memory_space<vmem>>) target(%dma_start3A_51 : memref<79x64xf32, #tpu.memory_space<vmem_shared>>) target_semaphore(%run_scoped3A : memref<!tpu.dma_semaphore, #tpu.memory_space<semaphore_mem>>)
      %dma_wait3A = arith.constant 0 : i32
      %dma_wait3A_52 = tpu.memref_slice %arg10[%add3A_33, %dma_wait3A] : memref<10112x64xf32, #tpu.memory_space<vmem_shared>> -> memref<79x64xf32, #tpu.memory_space<vmem_shared>>
      %dma_wait3A_53 = arith.constant 0 : i32
      %dma_wait3A_54 = tpu.memref_slice %arg10[%add3A_33, %dma_wait3A_53] : memref<10112x64xf32, #tpu.memory_space<vmem_shared>> -> memref<79x64xf32, #tpu.memory_space<vmem_shared>>
      tpu.wait_dma2 semaphore(%run_scoped3A : memref<!tpu.dma_semaphore, #tpu.memory_space<semaphore_mem>>) src(%arg9 : memref<79x64xf32, #tpu.memory_space<vmem>>) dst(%dma_wait3A_54 : memref<79x64xf32, #tpu.memory_space<vmem_shared>>)
      tpu.yield
    }) : () -> ()
    %mul3A_34 = arith.constant 632 : i32
    %mul3A_35 = arith.muli %arg1, %mul3A_34 : i32
    %add3A_36 = arith.constant 553 : i32
    %add3A_37 = arith.addi %mul3A_35, %add3A_36 : i32
    "tpu.region"() ({
      %run_scoped3A = tpu.sem_alloc : memref<!tpu.dma_semaphore, #tpu.memory_space<semaphore_mem>>
      %dma_start3A = arith.constant 0 : i32
      %dma_start3A_49 = tpu.memref_slice %arg10[%add3A_37, %dma_start3A] : memref<10112x64xf32, #tpu.memory_space<vmem_shared>> -> memref<79x64xf32, #tpu.memory_space<vmem_shared>>
      %dma_start3A_50 = arith.constant 0 : i32
      %dma_start3A_51 = tpu.memref_slice %arg10[%add3A_37, %dma_start3A_50] : memref<10112x64xf32, #tpu.memory_space<vmem_shared>> -> memref<79x64xf32, #tpu.memory_space<vmem_shared>>
      tpu.enqueue_dma source(%arg9 : memref<79x64xf32, #tpu.memory_space<vmem>>) target(%dma_start3A_51 : memref<79x64xf32, #tpu.memory_space<vmem_shared>>) target_semaphore(%run_scoped3A : memref<!tpu.dma_semaphore, #tpu.memory_space<semaphore_mem>>)
      %dma_wait3A = arith.constant 0 : i32
      %dma_wait3A_52 = tpu.memref_slice %arg10[%add3A_37, %dma_wait3A] : memref<10112x64xf32, #tpu.memory_space<vmem_shared>> -> memref<79x64xf32, #tpu.memory_space<vmem_shared>>
      %dma_wait3A_53 = arith.constant 0 : i32
      %dma_wait3A_54 = tpu.memref_slice %arg10[%add3A_37, %dma_wait3A_53] : memref<10112x64xf32, #tpu.memory_space<vmem_shared>> -> memref<79x64xf32, #tpu.memory_space<vmem_shared>>
      tpu.wait_dma2 semaphore(%run_scoped3A : memref<!tpu.dma_semaphore, #tpu.memory_space<semaphore_mem>>) src(%arg9 : memref<79x64xf32, #tpu.memory_space<vmem>>) dst(%dma_wait3A_54 : memref<79x64xf32, #tpu.memory_space<vmem_shared>>)
      tpu.yield
    }) : () -> ()
    "tpu.region"() ({
      %run_scoped3A = tpu.sem_alloc : memref<!tpu.dma_semaphore, #tpu.memory_space<semaphore_mem>>
      %dma_start3A = arith.constant 0 : i32
      %dma_start3A_49 = arith.constant 0 : i32
      %dma_start3A_50 = tpu.memref_slice %arg3[%add3A, %dma_start3A, %dma_start3A_49] : memref<32x79x128xi32, #tpu.memory_space<hbm>> -> memref<1x79x128xi32, #tpu.memory_space<hbm>>
      %dma_start3A_51 = tpu.memref_squeeze %dma_start3A_50 : memref<1x79x128xi32, #tpu.memory_space<hbm>> -> memref<79x128xi32, #tpu.memory_space<hbm>>
      %dma_start3A_52 = arith.constant 0 : i32
      %dma_start3A_53 = arith.constant 0 : i32
      %dma_start3A_54 = tpu.memref_slice %arg3[%add3A, %dma_start3A_52, %dma_start3A_53] : memref<32x79x128xi32, #tpu.memory_space<hbm>> -> memref<1x79x128xi32, #tpu.memory_space<hbm>>
      %dma_start3A_55 = tpu.memref_squeeze %dma_start3A_54 : memref<1x79x128xi32, #tpu.memory_space<hbm>> -> memref<79x128xi32, #tpu.memory_space<hbm>>
      tpu.enqueue_dma source(%dma_start3A_55 : memref<79x128xi32, #tpu.memory_space<hbm>>) target(%arg6 : memref<79x128xi32, #tpu.memory_space<vmem>>) target_semaphore(%run_scoped3A : memref<!tpu.dma_semaphore, #tpu.memory_space<semaphore_mem>>)
      %dma_wait3A = arith.constant 0 : i32
      %dma_wait3A_56 = arith.constant 0 : i32
      %dma_wait3A_57 = tpu.memref_slice %arg3[%add3A, %dma_wait3A, %dma_wait3A_56] : memref<32x79x128xi32, #tpu.memory_space<hbm>> -> memref<1x79x128xi32, #tpu.memory_space<hbm>>
      %dma_wait3A_58 = tpu.memref_squeeze %dma_wait3A_57 : memref<1x79x128xi32, #tpu.memory_space<hbm>> -> memref<79x128xi32, #tpu.memory_space<hbm>>
      %dma_wait3A_59 = arith.constant 0 : i32
      %dma_wait3A_60 = arith.constant 0 : i32
      %dma_wait3A_61 = tpu.memref_slice %arg3[%add3A, %dma_wait3A_59, %dma_wait3A_60] : memref<32x79x128xi32, #tpu.memory_space<hbm>> -> memref<1x79x128xi32, #tpu.memory_space<hbm>>
      %dma_wait3A_62 = tpu.memref_squeeze %dma_wait3A_61 : memref<1x79x128xi32, #tpu.memory_space<hbm>> -> memref<79x128xi32, #tpu.memory_space<hbm>>
      tpu.wait_dma2 semaphore(%run_scoped3A : memref<!tpu.dma_semaphore, #tpu.memory_space<semaphore_mem>>) src(%dma_wait3A_62 : memref<79x128xi32, #tpu.memory_space<hbm>>) dst(%arg6 : memref<79x128xi32, #tpu.memory_space<vmem>>)
      tpu.yield
    }) : () -> ()
    "tpu.region"() ({
      %run_scoped3A = tpu.sem_alloc : memref<!tpu.dma_semaphore, #tpu.memory_space<semaphore_mem>>
      %dma_start3A = arith.constant 0 : i32
      %dma_start3A_49 = arith.constant 0 : i32
      %dma_start3A_50 = tpu.memref_slice %arg4[%add3A, %dma_start3A, %dma_start3A_49] : memref<32x79x128xi32, #tpu.memory_space<hbm>> -> memref<1x79x128xi32, #tpu.memory_space<hbm>>
      %dma_start3A_51 = tpu.memref_squeeze %dma_start3A_50 : memref<1x79x128xi32, #tpu.memory_space<hbm>> -> memref<79x128xi32, #tpu.memory_space<hbm>>
      %dma_start3A_52 = arith.constant 0 : i32
      %dma_start3A_53 = arith.constant 0 : i32
      %dma_start3A_54 = tpu.memref_slice %arg4[%add3A, %dma_start3A_52, %dma_start3A_53] : memref<32x79x128xi32, #tpu.memory_space<hbm>> -> memref<1x79x128xi32, #tpu.memory_space<hbm>>
      %dma_start3A_55 = tpu.memref_squeeze %dma_start3A_54 : memref<1x79x128xi32, #tpu.memory_space<hbm>> -> memref<79x128xi32, #tpu.memory_space<hbm>>
      tpu.enqueue_dma source(%dma_start3A_55 : memref<79x128xi32, #tpu.memory_space<hbm>>) target(%arg7 : memref<79x128xi32, #tpu.memory_space<vmem>>) target_semaphore(%run_scoped3A : memref<!tpu.dma_semaphore, #tpu.memory_space<semaphore_mem>>)
      %dma_wait3A = arith.constant 0 : i32
      %dma_wait3A_56 = arith.constant 0 : i32
      %dma_wait3A_57 = tpu.memref_slice %arg4[%add3A, %dma_wait3A, %dma_wait3A_56] : memref<32x79x128xi32, #tpu.memory_space<hbm>> -> memref<1x79x128xi32, #tpu.memory_space<hbm>>
      %dma_wait3A_58 = tpu.memref_squeeze %dma_wait3A_57 : memref<1x79x128xi32, #tpu.memory_space<hbm>> -> memref<79x128xi32, #tpu.memory_space<hbm>>
      %dma_wait3A_59 = arith.constant 0 : i32
      %dma_wait3A_60 = arith.constant 0 : i32
      %dma_wait3A_61 = tpu.memref_slice %arg4[%add3A, %dma_wait3A_59, %dma_wait3A_60] : memref<32x79x128xi32, #tpu.memory_space<hbm>> -> memref<1x79x128xi32, #tpu.memory_space<hbm>>
      %dma_wait3A_62 = tpu.memref_squeeze %dma_wait3A_61 : memref<1x79x128xi32, #tpu.memory_space<hbm>> -> memref<79x128xi32, #tpu.memory_space<hbm>>
      tpu.wait_dma2 semaphore(%run_scoped3A : memref<!tpu.dma_semaphore, #tpu.memory_space<semaphore_mem>>) src(%dma_wait3A_62 : memref<79x128xi32, #tpu.memory_space<hbm>>) dst(%arg7 : memref<79x128xi32, #tpu.memory_space<vmem>>)
      tpu.yield
    }) : () -> ()
    %barrier3A = arith.constant 0 : index
    tpu.barrier barrier_id(%barrier3A)
    %scan3A_38 = arith.constant 0 : i32
    %scan3A_39 = arith.constant 0 : i32
    %scan3A_40 = arith.constant 79 : i32
    %scan3A_41 = arith.addi %scan3A_39, %scan3A_40 : i32
    %scan3A_42 = arith.constant 1 : i32
    scf.for %scan3A_49 = %scan3A_39 to %scan3A_41 step %scan3A_42  : i32 {
      %dma_start3A = arith.constant 0 : i32
      %dma_start3A_50 = tpu.memref_slice %arg6[%scan3A_49, %dma_start3A] : memref<79x128xi32, #tpu.memory_space<vmem>> -> memref<1x128xi32, #tpu.memory_space<vmem>>
      %dma_start3A_51 = tpu.memref_squeeze %dma_start3A_50 : memref<1x128xi32, #tpu.memory_space<vmem>> -> memref<128xi32, #tpu.memory_space<vmem>>
      %dma_start3A_52 = arith.constant 0 : i32
      %dma_start3A_53 = arith.constant 0 : i32
      %dma_start3A_54 = tpu.memref_slice %arg2[%dma_start3A_52, %dma_start3A_53] : memref<10112x64xf32, #tpu.memory_space<hbm>> -> memref<10112x64xf32, #tpu.memory_space<hbm>>
      tpu.enqueue_indirect_dma source(%dma_start3A_54 : memref<10112x64xf32, #tpu.memory_space<hbm>>) target(%arg8 : memref<128x64xf32, #tpu.memory_space<vmem>>) offsets(%dma_start3A_51 : memref<128xi32, #tpu.memory_space<vmem>>) semaphore(%arg11 : memref<!tpu.dma_semaphore, #tpu.memory_space<semaphore_mem>>)
      %dma_wait3A = arith.constant 0 : i32
      %dma_wait3A_55 = tpu.memref_slice %arg6[%scan3A_49, %dma_wait3A] : memref<79x128xi32, #tpu.memory_space<vmem>> -> memref<1x128xi32, #tpu.memory_space<vmem>>
      %dma_wait3A_56 = tpu.memref_squeeze %dma_wait3A_55 : memref<1x128xi32, #tpu.memory_space<vmem>> -> memref<128xi32, #tpu.memory_space<vmem>>
      %dma_wait3A_57 = arith.constant 0 : i32
      %dma_wait3A_58 = arith.constant 0 : i32
      %dma_wait3A_59 = tpu.memref_slice %arg2[%dma_wait3A_57, %dma_wait3A_58] : memref<10112x64xf32, #tpu.memory_space<hbm>> -> memref<10112x64xf32, #tpu.memory_space<hbm>>
      tpu.wait_indirect_dma semaphore(%arg11 : memref<!tpu.dma_semaphore, #tpu.memory_space<semaphore_mem>>) src(%dma_wait3A_59 : memref<10112x64xf32, #tpu.memory_space<hbm>>) dst(%arg8 : memref<128x64xf32, #tpu.memory_space<vmem>>)
      "tpu.region"() ({
        %run_scoped3A = tpu.sem_alloc : memref<!tpu.dma_semaphore, #tpu.memory_space<semaphore_mem>>
        %dma_start3A_60 = arith.constant 0 : i32
        %dma_start3A_61 = tpu.memref_slice %arg7[%scan3A_49, %dma_start3A_60] : memref<79x128xi32, #tpu.memory_space<vmem>> -> memref<1x128xi32, #tpu.memory_space<vmem>>
        %dma_start3A_62 = tpu.memref_squeeze %dma_start3A_61 : memref<1x128xi32, #tpu.memory_space<vmem>> -> memref<128xi32, #tpu.memory_space<vmem>>
        %dma_start3A_63 = arith.constant 0 : i32
        %dma_start3A_64 = arith.constant 0 : i32
        %dma_start3A_65 = tpu.memref_slice %arg10[%dma_start3A_63, %dma_start3A_64] : memref<10112x64xf32, #tpu.memory_space<vmem_shared>> -> memref<10112x64xf32, #tpu.memory_space<vmem_shared>>
        tpu.enqueue_indirect_dma source(%arg8 : memref<128x64xf32, #tpu.memory_space<vmem>>) target(%dma_start3A_65 : memref<10112x64xf32, #tpu.memory_space<vmem_shared>>) offsets(%dma_start3A_62 : memref<128xi32, #tpu.memory_space<vmem>>) semaphore(%run_scoped3A : memref<!tpu.dma_semaphore, #tpu.memory_space<semaphore_mem>>) {add = true}
        %dma_wait3A_66 = arith.constant 0 : i32
        %dma_wait3A_67 = tpu.memref_slice %arg7[%scan3A_49, %dma_wait3A_66] : memref<79x128xi32, #tpu.memory_space<vmem>> -> memref<1x128xi32, #tpu.memory_space<vmem>>
        %dma_wait3A_68 = tpu.memref_squeeze %dma_wait3A_67 : memref<1x128xi32, #tpu.memory_space<vmem>> -> memref<128xi32, #tpu.memory_space<vmem>>
        %dma_wait3A_69 = arith.constant 0 : i32
        %dma_wait3A_70 = arith.constant 0 : i32
        %dma_wait3A_71 = tpu.memref_slice %arg10[%dma_wait3A_69, %dma_wait3A_70] : memref<10112x64xf32, #tpu.memory_space<vmem_shared>> -> memref<10112x64xf32, #tpu.memory_space<vmem_shared>>
        tpu.wait_indirect_dma semaphore(%run_scoped3A : memref<!tpu.dma_semaphore, #tpu.memory_space<semaphore_mem>>) src(%arg8 : memref<128x64xf32, #tpu.memory_space<vmem>>) dst(%dma_wait3A_71 : memref<10112x64xf32, #tpu.memory_space<vmem_shared>>)
        tpu.yield
      }) : () -> ()
    }
    %scan3A_43 = arith.constant 79 : i32
    %barrier3A_44 = arith.constant 0 : index
    tpu.barrier barrier_id(%barrier3A_44)
    %mul3A_45 = arith.constant 632 : i32
    %mul3A_46 = arith.muli %arg1, %mul3A_45 : i32
    %mul3A_47 = arith.constant 632 : i32
    %mul3A_48 = arith.muli %arg1, %mul3A_47 : i32
    "tpu.region"() ({
      %run_scoped3A = tpu.sem_alloc : memref<!tpu.dma_semaphore, #tpu.memory_space<semaphore_mem>>
      %dma_start3A = arith.constant 0 : i32
      %dma_start3A_49 = tpu.memref_slice %arg5[%arg0, %mul3A_48, %dma_start3A] : memref<2x10112x64xf32, #tpu.memory_space<hbm>> -> memref<1x632x64xf32, #tpu.memory_space<hbm>>
      %dma_start3A_50 = tpu.memref_squeeze %dma_start3A_49 : memref<1x632x64xf32, #tpu.memory_space<hbm>> -> memref<632x64xf32, #tpu.memory_space<hbm>>
      %dma_start3A_51 = arith.constant 0 : i32
      %dma_start3A_52 = tpu.memref_slice %arg10[%mul3A_46, %dma_start3A_51] : memref<10112x64xf32, #tpu.memory_space<vmem_shared>> -> memref<632x64xf32, #tpu.memory_space<vmem_shared>>
      tpu.enqueue_dma source(%dma_start3A_52 : memref<632x64xf32, #tpu.memory_space<vmem_shared>>) target(%dma_start3A_50 : memref<632x64xf32, #tpu.memory_space<hbm>>) target_semaphore(%run_scoped3A : memref<!tpu.dma_semaphore, #tpu.memory_space<semaphore_mem>>)
      %dma_wait3A = arith.constant 0 : i32
      %dma_wait3A_53 = tpu.memref_slice %arg5[%arg0, %mul3A_48, %dma_wait3A] : memref<2x10112x64xf32, #tpu.memory_space<hbm>> -> memref<1x632x64xf32, #tpu.memory_space<hbm>>
      %dma_wait3A_54 = tpu.memref_squeeze %dma_wait3A_53 : memref<1x632x64xf32, #tpu.memory_space<hbm>> -> memref<632x64xf32, #tpu.memory_space<hbm>>
      %dma_wait3A_55 = arith.constant 0 : i32
      %dma_wait3A_56 = tpu.memref_slice %arg10[%mul3A_46, %dma_wait3A_55] : memref<10112x64xf32, #tpu.memory_space<vmem_shared>> -> memref<632x64xf32, #tpu.memory_space<vmem_shared>>
      tpu.wait_dma2 semaphore(%run_scoped3A : memref<!tpu.dma_semaphore, #tpu.memory_space<semaphore_mem>>) src(%dma_wait3A_56 : memref<632x64xf32, #tpu.memory_space<vmem_shared>>) dst(%dma_wait3A_54 : memref<632x64xf32, #tpu.memory_space<hbm>>)
      tpu.yield
    }) : () -> ()
    return
  }
}

#map = affine_map<(d0, d1) -> (0, 0)>
#map1 = affine_map<(d0, d1) -> (0, 0, 0)>
module attributes {stable_mosaic.version = 14 : i64} {
  func.func @k(%arg0: i32, %arg1: i32, %arg2: memref<10112x128xf32, #tpu.memory_space<hbm>>, %arg3: memref<32x79x128xi32, #tpu.memory_space<hbm>>, %arg4: memref<32x79x128xi32, #tpu.memory_space<hbm>>, %arg5: memref<2x10112x128xf32, #tpu.memory_space<hbm>>, %arg6: memref<79x128xi32, #tpu.memory_space<vmem>>, %arg7: memref<79x128xi32, #tpu.memory_space<vmem>>, %arg8: memref<128x128xf32, #tpu.memory_space<vmem>>, %arg9: memref<79x128xf32, #tpu.memory_space<vmem>>, %arg10: memref<10112x128xf32, #tpu.memory_space<vmem_shared>>, %arg11: memref<!tpu.dma_semaphore, #tpu.memory_space<semaphore_mem>>) attributes {dimension_semantics = [#tpu.dimension_semantics<core_parallel>, #tpu.dimension_semantics<subcore_parallel>], iteration_bounds = array<i64: 2, 16>, scalar_prefetch = 0 : i64, scratch_operands = 6 : i64, tpu.core_type = #tpu.core_type<sc_vector_subcore>, window_params = [{transform_indices = #map}, {transform_indices = #map1}, {transform_indices = #map1}, {transform_indices = #map1}]} {
    %mul3A = arith.constant 2 : i32
    %mul3A_0 = arith.muli %arg1, %mul3A : i32
    %add3A = arith.addi %mul3A_0, %arg0 : i32
    %scan3A = arith.constant 0 : i32
    %scan3A_1 = arith.constant 0 : i32
    %scan3A_2 = arith.constant 79 : i32
    %scan3A_3 = arith.addi %scan3A_1, %scan3A_2 : i32
    %scan3A_4 = arith.constant 1 : i32
    scf.for %scan3A_49 = %scan3A_1 to %scan3A_3 step %scan3A_4  : i32 {
      %broadcast_in_dim3A = arith.constant 0.000000e+00 : f32
      %broadcast_in_dim3A_50 = vector.broadcast %broadcast_in_dim3A : f32 to vector<16xf32>
      %swap3A = arith.index_cast %scan3A_49 : i32 to index
      %swap3A_51 = arith.constant 0 : index
      %swap3A_52 = tpu.vector_load %arg9[%swap3A, %swap3A_51] {strides = array<i32>} : memref<79x128xf32, #tpu.memory_space<vmem>>, vector<1x16xf32>,
      %swap3A_53 = vector.shape_cast %swap3A_52 : vector<1x16xf32> to vector<16xf32>
      %swap3A_54 = vector.shape_cast %broadcast_in_dim3A_50 : vector<16xf32> to vector<1x16xf32>
      tpu.vector_store %arg9[%swap3A, %swap3A_51], %swap3A_54 {strides = array<i32>} : memref<79x128xf32, #tpu.memory_space<vmem>>, vector<1x16xf32>,
      %broadcast_in_dim3A_55 = arith.constant 0.000000e+00 : f32
      %broadcast_in_dim3A_56 = vector.broadcast %broadcast_in_dim3A_55 : f32 to vector<16xf32>
      %swap3A_57 = arith.index_cast %scan3A_49 : i32 to index
      %swap3A_58 = arith.constant 16 : index
      %swap3A_59 = tpu.vector_load %arg9[%swap3A_57, %swap3A_58] {strides = array<i32>} : memref<79x128xf32, #tpu.memory_space<vmem>>, vector<1x16xf32>,
      %swap3A_60 = vector.shape_cast %swap3A_59 : vector<1x16xf32> to vector<16xf32>
      %swap3A_61 = vector.shape_cast %broadcast_in_dim3A_56 : vector<16xf32> to vector<1x16xf32>
      tpu.vector_store %arg9[%swap3A_57, %swap3A_58], %swap3A_61 {strides = array<i32>} : memref<79x128xf32, #tpu.memory_space<vmem>>, vector<1x16xf32>,
      %broadcast_in_dim3A_62 = arith.constant 0.000000e+00 : f32
      %broadcast_in_dim3A_63 = vector.broadcast %broadcast_in_dim3A_62 : f32 to vector<16xf32>
      %swap3A_64 = arith.index_cast %scan3A_49 : i32 to index
      %swap3A_65 = arith.constant 32 : index
      %swap3A_66 = tpu.vector_load %arg9[%swap3A_64, %swap3A_65] {strides = array<i32>} : memref<79x128xf32, #tpu.memory_space<vmem>>, vector<1x16xf32>,
      %swap3A_67 = vector.shape_cast %swap3A_66 : vector<1x16xf32> to vector<16xf32>
      %swap3A_68 = vector.shape_cast %broadcast_in_dim3A_63 : vector<16xf32> to vector<1x16xf32>
      tpu.vector_store %arg9[%swap3A_64, %swap3A_65], %swap3A_68 {strides = array<i32>} : memref<79x128xf32, #tpu.memory_space<vmem>>, vector<1x16xf32>,
      %broadcast_in_dim3A_69 = arith.constant 0.000000e+00 : f32
      %broadcast_in_dim3A_70 = vector.broadcast %broadcast_in_dim3A_69 : f32 to vector<16xf32>
      %swap3A_71 = arith.index_cast %scan3A_49 : i32 to index
      %swap3A_72 = arith.constant 48 : index
      %swap3A_73 = tpu.vector_load %arg9[%swap3A_71, %swap3A_72] {strides = array<i32>} : memref<79x128xf32, #tpu.memory_space<vmem>>, vector<1x16xf32>,
      %swap3A_74 = vector.shape_cast %swap3A_73 : vector<1x16xf32> to vector<16xf32>
      %swap3A_75 = vector.shape_cast %broadcast_in_dim3A_70 : vector<16xf32> to vector<1x16xf32>
      tpu.vector_store %arg9[%swap3A_71, %swap3A_72], %swap3A_75 {strides = array<i32>} : memref<79x128xf32, #tpu.memory_space<vmem>>, vector<1x16xf32>,
      %broadcast_in_dim3A_76 = arith.constant 0.000000e+00 : f32
      %broadcast_in_dim3A_77 = vector.broadcast %broadcast_in_dim3A_76 : f32 to vector<16xf32>
      %swap3A_78 = arith.index_cast %scan3A_49 : i32 to index
      %swap3A_79 = arith.constant 64 : index
      %swap3A_80 = tpu.vector_load %arg9[%swap3A_78, %swap3A_79] {strides = array<i32>} : memref<79x128xf32, #tpu.memory_space<vmem>>, vector<1x16xf32>,
      %swap3A_81 = vector.shape_cast %swap3A_80 : vector<1x16xf32> to vector<16xf32>
      %swap3A_82 = vector.shape_cast %broadcast_in_dim3A_77 : vector<16xf32> to vector<1x16xf32>
      tpu.vector_store %arg9[%swap3A_78, %swap3A_79], %swap3A_82 {strides = array<i32>} : memref<79x128xf32, #tpu.memory_space<vmem>>, vector<1x16xf32>,
      %broadcast_in_dim3A_83 = arith.constant 0.000000e+00 : f32
      %broadcast_in_dim3A_84 = vector.broadcast %broadcast_in_dim3A_83 : f32 to vector<16xf32>
      %swap3A_85 = arith.index_cast %scan3A_49 : i32 to index
      %swap3A_86 = arith.constant 80 : index
      %swap3A_87 = tpu.vector_load %arg9[%swap3A_85, %swap3A_86] {strides = array<i32>} : memref<79x128xf32, #tpu.memory_space<vmem>>, vector<1x16xf32>,
      %swap3A_88 = vector.shape_cast %swap3A_87 : vector<1x16xf32> to vector<16xf32>
      %swap3A_89 = vector.shape_cast %broadcast_in_dim3A_84 : vector<16xf32> to vector<1x16xf32>
      tpu.vector_store %arg9[%swap3A_85, %swap3A_86], %swap3A_89 {strides = array<i32>} : memref<79x128xf32, #tpu.memory_space<vmem>>, vector<1x16xf32>,
      %broadcast_in_dim3A_90 = arith.constant 0.000000e+00 : f32
      %broadcast_in_dim3A_91 = vector.broadcast %broadcast_in_dim3A_90 : f32 to vector<16xf32>
      %swap3A_92 = arith.index_cast %scan3A_49 : i32 to index
      %swap3A_93 = arith.constant 96 : index
      %swap3A_94 = tpu.vector_load %arg9[%swap3A_92, %swap3A_93] {strides = array<i32>} : memref<79x128xf32, #tpu.memory_space<vmem>>, vector<1x16xf32>,
      %swap3A_95 = vector.shape_cast %swap3A_94 : vector<1x16xf32> to vector<16xf32>
      %swap3A_96 = vector.shape_cast %broadcast_in_dim3A_91 : vector<16xf32> to vector<1x16xf32>
      tpu.vector_store %arg9[%swap3A_92, %swap3A_93], %swap3A_96 {strides = array<i32>} : memref<79x128xf32, #tpu.memory_space<vmem>>, vector<1x16xf32>,
      %broadcast_in_dim3A_97 = arith.constant 0.000000e+00 : f32
      %broadcast_in_dim3A_98 = vector.broadcast %broadcast_in_dim3A_97 : f32 to vector<16xf32>
      %swap3A_99 = arith.index_cast %scan3A_49 : i32 to index
      %swap3A_100 = arith.constant 112 : index
      %swap3A_101 = tpu.vector_load %arg9[%swap3A_99, %swap3A_100] {strides = array<i32>} : memref<79x128xf32, #tpu.memory_space<vmem>>, vector<1x16xf32>,
      %swap3A_102 = vector.shape_cast %swap3A_101 : vector<1x16xf32> to vector<16xf32>
      %swap3A_103 = vector.shape_cast %broadcast_in_dim3A_98 : vector<16xf32> to vector<1x16xf32>
      tpu.vector_store %arg9[%swap3A_99, %swap3A_100], %swap3A_103 {strides = array<i32>} : memref<79x128xf32, #tpu.memory_space<vmem>>, vector<1x16xf32>,
    }
    %scan3A_5 = arith.constant 79 : i32
    %mul3A_6 = arith.constant 632 : i32
    %mul3A_7 = arith.muli %arg1, %mul3A_6 : i32
    %add3A_8 = arith.constant 0 : i32
    %add3A_9 = arith.addi %mul3A_7, %add3A_8 : i32
    "tpu.region"() ({
      %run_scoped3A = tpu.sem_alloc : memref<!tpu.dma_semaphore, #tpu.memory_space<semaphore_mem>>
      %dma_start3A = arith.constant 0 : i32
      %dma_start3A_49 = tpu.memref_slice %arg10[%add3A_9, %dma_start3A] : memref<10112x128xf32, #tpu.memory_space<vmem_shared>> -> memref<79x128xf32, #tpu.memory_space<vmem_shared>>
      %dma_start3A_50 = arith.constant 0 : i32
      %dma_start3A_51 = tpu.memref_slice %arg10[%add3A_9, %dma_start3A_50] : memref<10112x128xf32, #tpu.memory_space<vmem_shared>> -> memref<79x128xf32, #tpu.memory_space<vmem_shared>>
      tpu.enqueue_dma source(%arg9 : memref<79x128xf32, #tpu.memory_space<vmem>>) target(%dma_start3A_51 : memref<79x128xf32, #tpu.memory_space<vmem_shared>>) target_semaphore(%run_scoped3A : memref<!tpu.dma_semaphore, #tpu.memory_space<semaphore_mem>>)
      %dma_wait3A = arith.constant 0 : i32
      %dma_wait3A_52 = tpu.memref_slice %arg10[%add3A_9, %dma_wait3A] : memref<10112x128xf32, #tpu.memory_space<vmem_shared>> -> memref<79x128xf32, #tpu.memory_space<vmem_shared>>
      %dma_wait3A_53 = arith.constant 0 : i32
      %dma_wait3A_54 = tpu.memref_slice %arg10[%add3A_9, %dma_wait3A_53] : memref<10112x128xf32, #tpu.memory_space<vmem_shared>> -> memref<79x128xf32, #tpu.memory_space<vmem_shared>>
      tpu.wait_dma2 semaphore(%run_scoped3A : memref<!tpu.dma_semaphore, #tpu.memory_space<semaphore_mem>>) src(%arg9 : memref<79x128xf32, #tpu.memory_space<vmem>>) dst(%dma_wait3A_54 : memref<79x128xf32, #tpu.memory_space<vmem_shared>>)
      tpu.yield
    }) : () -> ()
    %mul3A_10 = arith.constant 632 : i32
    %mul3A_11 = arith.muli %arg1, %mul3A_10 : i32
    %add3A_12 = arith.constant 79 : i32
    %add3A_13 = arith.addi %mul3A_11, %add3A_12 : i32
    "tpu.region"() ({
      %run_scoped3A = tpu.sem_alloc : memref<!tpu.dma_semaphore, #tpu.memory_space<semaphore_mem>>
      %dma_start3A = arith.constant 0 : i32
      %dma_start3A_49 = tpu.memref_slice %arg10[%add3A_13, %dma_start3A] : memref<10112x128xf32, #tpu.memory_space<vmem_shared>> -> memref<79x128xf32, #tpu.memory_space<vmem_shared>>
      %dma_start3A_50 = arith.constant 0 : i32
      %dma_start3A_51 = tpu.memref_slice %arg10[%add3A_13, %dma_start3A_50] : memref<10112x128xf32, #tpu.memory_space<vmem_shared>> -> memref<79x128xf32, #tpu.memory_space<vmem_shared>>
      tpu.enqueue_dma source(%arg9 : memref<79x128xf32, #tpu.memory_space<vmem>>) target(%dma_start3A_51 : memref<79x128xf32, #tpu.memory_space<vmem_shared>>) target_semaphore(%run_scoped3A : memref<!tpu.dma_semaphore, #tpu.memory_space<semaphore_mem>>)
      %dma_wait3A = arith.constant 0 : i32
      %dma_wait3A_52 = tpu.memref_slice %arg10[%add3A_13, %dma_wait3A] : memref<10112x128xf32, #tpu.memory_space<vmem_shared>> -> memref<79x128xf32, #tpu.memory_space<vmem_shared>>
      %dma_wait3A_53 = arith.constant 0 : i32
      %dma_wait3A_54 = tpu.memref_slice %arg10[%add3A_13, %dma_wait3A_53] : memref<10112x128xf32, #tpu.memory_space<vmem_shared>> -> memref<79x128xf32, #tpu.memory_space<vmem_shared>>
      tpu.wait_dma2 semaphore(%run_scoped3A : memref<!tpu.dma_semaphore, #tpu.memory_space<semaphore_mem>>) src(%arg9 : memref<79x128xf32, #tpu.memory_space<vmem>>) dst(%dma_wait3A_54 : memref<79x128xf32, #tpu.memory_space<vmem_shared>>)
      tpu.yield
    }) : () -> ()
    %mul3A_14 = arith.constant 632 : i32
    %mul3A_15 = arith.muli %arg1, %mul3A_14 : i32
    %add3A_16 = arith.constant 158 : i32
    %add3A_17 = arith.addi %mul3A_15, %add3A_16 : i32
    "tpu.region"() ({
      %run_scoped3A = tpu.sem_alloc : memref<!tpu.dma_semaphore, #tpu.memory_space<semaphore_mem>>
      %dma_start3A = arith.constant 0 : i32
      %dma_start3A_49 = tpu.memref_slice %arg10[%add3A_17, %dma_start3A] : memref<10112x128xf32, #tpu.memory_space<vmem_shared>> -> memref<79x128xf32, #tpu.memory_space<vmem_shared>>
      %dma_start3A_50 = arith.constant 0 : i32
      %dma_start3A_51 = tpu.memref_slice %arg10[%add3A_17, %dma_start3A_50] : memref<10112x128xf32, #tpu.memory_space<vmem_shared>> -> memref<79x128xf32, #tpu.memory_space<vmem_shared>>
      tpu.enqueue_dma source(%arg9 : memref<79x128xf32, #tpu.memory_space<vmem>>) target(%dma_start3A_51 : memref<79x128xf32, #tpu.memory_space<vmem_shared>>) target_semaphore(%run_scoped3A : memref<!tpu.dma_semaphore, #tpu.memory_space<semaphore_mem>>)
      %dma_wait3A = arith.constant 0 : i32
      %dma_wait3A_52 = tpu.memref_slice %arg10[%add3A_17, %dma_wait3A] : memref<10112x128xf32, #tpu.memory_space<vmem_shared>> -> memref<79x128xf32, #tpu.memory_space<vmem_shared>>
      %dma_wait3A_53 = arith.constant 0 : i32
      %dma_wait3A_54 = tpu.memref_slice %arg10[%add3A_17, %dma_wait3A_53] : memref<10112x128xf32, #tpu.memory_space<vmem_shared>> -> memref<79x128xf32, #tpu.memory_space<vmem_shared>>
      tpu.wait_dma2 semaphore(%run_scoped3A : memref<!tpu.dma_semaphore, #tpu.memory_space<semaphore_mem>>) src(%arg9 : memref<79x128xf32, #tpu.memory_space<vmem>>) dst(%dma_wait3A_54 : memref<79x128xf32, #tpu.memory_space<vmem_shared>>)
      tpu.yield
    }) : () -> ()
    %mul3A_18 = arith.constant 632 : i32
    %mul3A_19 = arith.muli %arg1, %mul3A_18 : i32
    %add3A_20 = arith.constant 237 : i32
    %add3A_21 = arith.addi %mul3A_19, %add3A_20 : i32
    "tpu.region"() ({
      %run_scoped3A = tpu.sem_alloc : memref<!tpu.dma_semaphore, #tpu.memory_space<semaphore_mem>>
      %dma_start3A = arith.constant 0 : i32
      %dma_start3A_49 = tpu.memref_slice %arg10[%add3A_21, %dma_start3A] : memref<10112x128xf32, #tpu.memory_space<vmem_shared>> -> memref<79x128xf32, #tpu.memory_space<vmem_shared>>
      %dma_start3A_50 = arith.constant 0 : i32
      %dma_start3A_51 = tpu.memref_slice %arg10[%add3A_21, %dma_start3A_50] : memref<10112x128xf32, #tpu.memory_space<vmem_shared>> -> memref<79x128xf32, #tpu.memory_space<vmem_shared>>
      tpu.enqueue_dma source(%arg9 : memref<79x128xf32, #tpu.memory_space<vmem>>) target(%dma_start3A_51 : memref<79x128xf32, #tpu.memory_space<vmem_shared>>) target_semaphore(%run_scoped3A : memref<!tpu.dma_semaphore, #tpu.memory_space<semaphore_mem>>)
      %dma_wait3A = arith.constant 0 : i32
      %dma_wait3A_52 = tpu.memref_slice %arg10[%add3A_21, %dma_wait3A] : memref<10112x128xf32, #tpu.memory_space<vmem_shared>> -> memref<79x128xf32, #tpu.memory_space<vmem_shared>>
      %dma_wait3A_53 = arith.constant 0 : i32
      %dma_wait3A_54 = tpu.memref_slice %arg10[%add3A_21, %dma_wait3A_53] : memref<10112x128xf32, #tpu.memory_space<vmem_shared>> -> memref<79x128xf32, #tpu.memory_space<vmem_shared>>
      tpu.wait_dma2 semaphore(%run_scoped3A : memref<!tpu.dma_semaphore, #tpu.memory_space<semaphore_mem>>) src(%arg9 : memref<79x128xf32, #tpu.memory_space<vmem>>) dst(%dma_wait3A_54 : memref<79x128xf32, #tpu.memory_space<vmem_shared>>)
      tpu.yield
    }) : () -> ()
    %mul3A_22 = arith.constant 632 : i32
    %mul3A_23 = arith.muli %arg1, %mul3A_22 : i32
    %add3A_24 = arith.constant 316 : i32
    %add3A_25 = arith.addi %mul3A_23, %add3A_24 : i32
    "tpu.region"() ({
      %run_scoped3A = tpu.sem_alloc : memref<!tpu.dma_semaphore, #tpu.memory_space<semaphore_mem>>
      %dma_start3A = arith.constant 0 : i32
      %dma_start3A_49 = tpu.memref_slice %arg10[%add3A_25, %dma_start3A] : memref<10112x128xf32, #tpu.memory_space<vmem_shared>> -> memref<79x128xf32, #tpu.memory_space<vmem_shared>>
      %dma_start3A_50 = arith.constant 0 : i32
      %dma_start3A_51 = tpu.memref_slice %arg10[%add3A_25, %dma_start3A_50] : memref<10112x128xf32, #tpu.memory_space<vmem_shared>> -> memref<79x128xf32, #tpu.memory_space<vmem_shared>>
      tpu.enqueue_dma source(%arg9 : memref<79x128xf32, #tpu.memory_space<vmem>>) target(%dma_start3A_51 : memref<79x128xf32, #tpu.memory_space<vmem_shared>>) target_semaphore(%run_scoped3A : memref<!tpu.dma_semaphore, #tpu.memory_space<semaphore_mem>>)
      %dma_wait3A = arith.constant 0 : i32
      %dma_wait3A_52 = tpu.memref_slice %arg10[%add3A_25, %dma_wait3A] : memref<10112x128xf32, #tpu.memory_space<vmem_shared>> -> memref<79x128xf32, #tpu.memory_space<vmem_shared>>
      %dma_wait3A_53 = arith.constant 0 : i32
      %dma_wait3A_54 = tpu.memref_slice %arg10[%add3A_25, %dma_wait3A_53] : memref<10112x128xf32, #tpu.memory_space<vmem_shared>> -> memref<79x128xf32, #tpu.memory_space<vmem_shared>>
      tpu.wait_dma2 semaphore(%run_scoped3A : memref<!tpu.dma_semaphore, #tpu.memory_space<semaphore_mem>>) src(%arg9 : memref<79x128xf32, #tpu.memory_space<vmem>>) dst(%dma_wait3A_54 : memref<79x128xf32, #tpu.memory_space<vmem_shared>>)
      tpu.yield
    }) : () -> ()
    %mul3A_26 = arith.constant 632 : i32
    %mul3A_27 = arith.muli %arg1, %mul3A_26 : i32
    %add3A_28 = arith.constant 395 : i32
    %add3A_29 = arith.addi %mul3A_27, %add3A_28 : i32
    "tpu.region"() ({
      %run_scoped3A = tpu.sem_alloc : memref<!tpu.dma_semaphore, #tpu.memory_space<semaphore_mem>>
      %dma_start3A = arith.constant 0 : i32
      %dma_start3A_49 = tpu.memref_slice %arg10[%add3A_29, %dma_start3A] : memref<10112x128xf32, #tpu.memory_space<vmem_shared>> -> memref<79x128xf32, #tpu.memory_space<vmem_shared>>
      %dma_start3A_50 = arith.constant 0 : i32
      %dma_start3A_51 = tpu.memref_slice %arg10[%add3A_29, %dma_start3A_50] : memref<10112x128xf32, #tpu.memory_space<vmem_shared>> -> memref<79x128xf32, #tpu.memory_space<vmem_shared>>
      tpu.enqueue_dma source(%arg9 : memref<79x128xf32, #tpu.memory_space<vmem>>) target(%dma_start3A_51 : memref<79x128xf32, #tpu.memory_space<vmem_shared>>) target_semaphore(%run_scoped3A : memref<!tpu.dma_semaphore, #tpu.memory_space<semaphore_mem>>)
      %dma_wait3A = arith.constant 0 : i32
      %dma_wait3A_52 = tpu.memref_slice %arg10[%add3A_29, %dma_wait3A] : memref<10112x128xf32, #tpu.memory_space<vmem_shared>> -> memref<79x128xf32, #tpu.memory_space<vmem_shared>>
      %dma_wait3A_53 = arith.constant 0 : i32
      %dma_wait3A_54 = tpu.memref_slice %arg10[%add3A_29, %dma_wait3A_53] : memref<10112x128xf32, #tpu.memory_space<vmem_shared>> -> memref<79x128xf32, #tpu.memory_space<vmem_shared>>
      tpu.wait_dma2 semaphore(%run_scoped3A : memref<!tpu.dma_semaphore, #tpu.memory_space<semaphore_mem>>) src(%arg9 : memref<79x128xf32, #tpu.memory_space<vmem>>) dst(%dma_wait3A_54 : memref<79x128xf32, #tpu.memory_space<vmem_shared>>)
      tpu.yield
    }) : () -> ()
    %mul3A_30 = arith.constant 632 : i32
    %mul3A_31 = arith.muli %arg1, %mul3A_30 : i32
    %add3A_32 = arith.constant 474 : i32
    %add3A_33 = arith.addi %mul3A_31, %add3A_32 : i32
    "tpu.region"() ({
      %run_scoped3A = tpu.sem_alloc : memref<!tpu.dma_semaphore, #tpu.memory_space<semaphore_mem>>
      %dma_start3A = arith.constant 0 : i32
      %dma_start3A_49 = tpu.memref_slice %arg10[%add3A_33, %dma_start3A] : memref<10112x128xf32, #tpu.memory_space<vmem_shared>> -> memref<79x128xf32, #tpu.memory_space<vmem_shared>>
      %dma_start3A_50 = arith.constant 0 : i32
      %dma_start3A_51 = tpu.memref_slice %arg10[%add3A_33, %dma_start3A_50] : memref<10112x128xf32, #tpu.memory_space<vmem_shared>> -> memref<79x128xf32, #tpu.memory_space<vmem_shared>>
      tpu.enqueue_dma source(%arg9 : memref<79x128xf32, #tpu.memory_space<vmem>>) target(%dma_start3A_51 : memref<79x128xf32, #tpu.memory_space<vmem_shared>>) target_semaphore(%run_scoped3A : memref<!tpu.dma_semaphore, #tpu.memory_space<semaphore_mem>>)
      %dma_wait3A = arith.constant 0 : i32
      %dma_wait3A_52 = tpu.memref_slice %arg10[%add3A_33, %dma_wait3A] : memref<10112x128xf32, #tpu.memory_space<vmem_shared>> -> memref<79x128xf32, #tpu.memory_space<vmem_shared>>
      %dma_wait3A_53 = arith.constant 0 : i32
      %dma_wait3A_54 = tpu.memref_slice %arg10[%add3A_33, %dma_wait3A_53] : memref<10112x128xf32, #tpu.memory_space<vmem_shared>> -> memref<79x128xf32, #tpu.memory_space<vmem_shared>>
      tpu.wait_dma2 semaphore(%run_scoped3A : memref<!tpu.dma_semaphore, #tpu.memory_space<semaphore_mem>>) src(%arg9 : memref<79x128xf32, #tpu.memory_space<vmem>>) dst(%dma_wait3A_54 : memref<79x128xf32, #tpu.memory_space<vmem_shared>>)
      tpu.yield
    }) : () -> ()
    %mul3A_34 = arith.constant 632 : i32
    %mul3A_35 = arith.muli %arg1, %mul3A_34 : i32
    %add3A_36 = arith.constant 553 : i32
    %add3A_37 = arith.addi %mul3A_35, %add3A_36 : i32
    "tpu.region"() ({
      %run_scoped3A = tpu.sem_alloc : memref<!tpu.dma_semaphore, #tpu.memory_space<semaphore_mem>>
      %dma_start3A = arith.constant 0 : i32
      %dma_start3A_49 = tpu.memref_slice %arg10[%add3A_37, %dma_start3A] : memref<10112x128xf32, #tpu.memory_space<vmem_shared>> -> memref<79x128xf32, #tpu.memory_space<vmem_shared>>
      %dma_start3A_50 = arith.constant 0 : i32
      %dma_start3A_51 = tpu.memref_slice %arg10[%add3A_37, %dma_start3A_50] : memref<10112x128xf32, #tpu.memory_space<vmem_shared>> -> memref<79x128xf32, #tpu.memory_space<vmem_shared>>
      tpu.enqueue_dma source(%arg9 : memref<79x128xf32, #tpu.memory_space<vmem>>) target(%dma_start3A_51 : memref<79x128xf32, #tpu.memory_space<vmem_shared>>) target_semaphore(%run_scoped3A : memref<!tpu.dma_semaphore, #tpu.memory_space<semaphore_mem>>)
      %dma_wait3A = arith.constant 0 : i32
      %dma_wait3A_52 = tpu.memref_slice %arg10[%add3A_37, %dma_wait3A] : memref<10112x128xf32, #tpu.memory_space<vmem_shared>> -> memref<79x128xf32, #tpu.memory_space<vmem_shared>>
      %dma_wait3A_53 = arith.constant 0 : i32
      %dma_wait3A_54 = tpu.memref_slice %arg10[%add3A_37, %dma_wait3A_53] : memref<10112x128xf32, #tpu.memory_space<vmem_shared>> -> memref<79x128xf32, #tpu.memory_space<vmem_shared>>
      tpu.wait_dma2 semaphore(%run_scoped3A : memref<!tpu.dma_semaphore, #tpu.memory_space<semaphore_mem>>) src(%arg9 : memref<79x128xf32, #tpu.memory_space<vmem>>) dst(%dma_wait3A_54 : memref<79x128xf32, #tpu.memory_space<vmem_shared>>)
      tpu.yield
    }) : () -> ()
    "tpu.region"() ({
      %run_scoped3A = tpu.sem_alloc : memref<!tpu.dma_semaphore, #tpu.memory_space<semaphore_mem>>
      %dma_start3A = arith.constant 0 : i32
      %dma_start3A_49 = arith.constant 0 : i32
      %dma_start3A_50 = tpu.memref_slice %arg3[%add3A, %dma_start3A, %dma_start3A_49] : memref<32x79x128xi32, #tpu.memory_space<hbm>> -> memref<1x79x128xi32, #tpu.memory_space<hbm>>
      %dma_start3A_51 = tpu.memref_squeeze %dma_start3A_50 : memref<1x79x128xi32, #tpu.memory_space<hbm>> -> memref<79x128xi32, #tpu.memory_space<hbm>>
      %dma_start3A_52 = arith.constant 0 : i32
      %dma_start3A_53 = arith.constant 0 : i32
      %dma_start3A_54 = tpu.memref_slice %arg3[%add3A, %dma_start3A_52, %dma_start3A_53] : memref<32x79x128xi32, #tpu.memory_space<hbm>> -> memref<1x79x128xi32, #tpu.memory_space<hbm>>
      %dma_start3A_55 = tpu.memref_squeeze %dma_start3A_54 : memref<1x79x128xi32, #tpu.memory_space<hbm>> -> memref<79x128xi32, #tpu.memory_space<hbm>>
      tpu.enqueue_dma source(%dma_start3A_55 : memref<79x128xi32, #tpu.memory_space<hbm>>) target(%arg6 : memref<79x128xi32, #tpu.memory_space<vmem>>) target_semaphore(%run_scoped3A : memref<!tpu.dma_semaphore, #tpu.memory_space<semaphore_mem>>)
      %dma_wait3A = arith.constant 0 : i32
      %dma_wait3A_56 = arith.constant 0 : i32
      %dma_wait3A_57 = tpu.memref_slice %arg3[%add3A, %dma_wait3A, %dma_wait3A_56] : memref<32x79x128xi32, #tpu.memory_space<hbm>> -> memref<1x79x128xi32, #tpu.memory_space<hbm>>
      %dma_wait3A_58 = tpu.memref_squeeze %dma_wait3A_57 : memref<1x79x128xi32, #tpu.memory_space<hbm>> -> memref<79x128xi32, #tpu.memory_space<hbm>>
      %dma_wait3A_59 = arith.constant 0 : i32
      %dma_wait3A_60 = arith.constant 0 : i32
      %dma_wait3A_61 = tpu.memref_slice %arg3[%add3A, %dma_wait3A_59, %dma_wait3A_60] : memref<32x79x128xi32, #tpu.memory_space<hbm>> -> memref<1x79x128xi32, #tpu.memory_space<hbm>>
      %dma_wait3A_62 = tpu.memref_squeeze %dma_wait3A_61 : memref<1x79x128xi32, #tpu.memory_space<hbm>> -> memref<79x128xi32, #tpu.memory_space<hbm>>
      tpu.wait_dma2 semaphore(%run_scoped3A : memref<!tpu.dma_semaphore, #tpu.memory_space<semaphore_mem>>) src(%dma_wait3A_62 : memref<79x128xi32, #tpu.memory_space<hbm>>) dst(%arg6 : memref<79x128xi32, #tpu.memory_space<vmem>>)
      tpu.yield
    }) : () -> ()
    "tpu.region"() ({
      %run_scoped3A = tpu.sem_alloc : memref<!tpu.dma_semaphore, #tpu.memory_space<semaphore_mem>>
      %dma_start3A = arith.constant 0 : i32
      %dma_start3A_49 = arith.constant 0 : i32
      %dma_start3A_50 = tpu.memref_slice %arg4[%add3A, %dma_start3A, %dma_start3A_49] : memref<32x79x128xi32, #tpu.memory_space<hbm>> -> memref<1x79x128xi32, #tpu.memory_space<hbm>>
      %dma_start3A_51 = tpu.memref_squeeze %dma_start3A_50 : memref<1x79x128xi32, #tpu.memory_space<hbm>> -> memref<79x128xi32, #tpu.memory_space<hbm>>
      %dma_start3A_52 = arith.constant 0 : i32
      %dma_start3A_53 = arith.constant 0 : i32
      %dma_start3A_54 = tpu.memref_slice %arg4[%add3A, %dma_start3A_52, %dma_start3A_53] : memref<32x79x128xi32, #tpu.memory_space<hbm>> -> memref<1x79x128xi32, #tpu.memory_space<hbm>>
      %dma_start3A_55 = tpu.memref_squeeze %dma_start3A_54 : memref<1x79x128xi32, #tpu.memory_space<hbm>> -> memref<79x128xi32, #tpu.memory_space<hbm>>
      tpu.enqueue_dma source(%dma_start3A_55 : memref<79x128xi32, #tpu.memory_space<hbm>>) target(%arg7 : memref<79x128xi32, #tpu.memory_space<vmem>>) target_semaphore(%run_scoped3A : memref<!tpu.dma_semaphore, #tpu.memory_space<semaphore_mem>>)
      %dma_wait3A = arith.constant 0 : i32
      %dma_wait3A_56 = arith.constant 0 : i32
      %dma_wait3A_57 = tpu.memref_slice %arg4[%add3A, %dma_wait3A, %dma_wait3A_56] : memref<32x79x128xi32, #tpu.memory_space<hbm>> -> memref<1x79x128xi32, #tpu.memory_space<hbm>>
      %dma_wait3A_58 = tpu.memref_squeeze %dma_wait3A_57 : memref<1x79x128xi32, #tpu.memory_space<hbm>> -> memref<79x128xi32, #tpu.memory_space<hbm>>
      %dma_wait3A_59 = arith.constant 0 : i32
      %dma_wait3A_60 = arith.constant 0 : i32
      %dma_wait3A_61 = tpu.memref_slice %arg4[%add3A, %dma_wait3A_59, %dma_wait3A_60] : memref<32x79x128xi32, #tpu.memory_space<hbm>> -> memref<1x79x128xi32, #tpu.memory_space<hbm>>
      %dma_wait3A_62 = tpu.memref_squeeze %dma_wait3A_61 : memref<1x79x128xi32, #tpu.memory_space<hbm>> -> memref<79x128xi32, #tpu.memory_space<hbm>>
      tpu.wait_dma2 semaphore(%run_scoped3A : memref<!tpu.dma_semaphore, #tpu.memory_space<semaphore_mem>>) src(%dma_wait3A_62 : memref<79x128xi32, #tpu.memory_space<hbm>>) dst(%arg7 : memref<79x128xi32, #tpu.memory_space<vmem>>)
      tpu.yield
    }) : () -> ()
    %barrier3A = arith.constant 0 : index
    tpu.barrier barrier_id(%barrier3A)
    %scan3A_38 = arith.constant 0 : i32
    %scan3A_39 = arith.constant 0 : i32
    %scan3A_40 = arith.constant 79 : i32
    %scan3A_41 = arith.addi %scan3A_39, %scan3A_40 : i32
    %scan3A_42 = arith.constant 1 : i32
    scf.for %scan3A_49 = %scan3A_39 to %scan3A_41 step %scan3A_42  : i32 {
      %dma_start3A = arith.constant 0 : i32
      %dma_start3A_50 = tpu.memref_slice %arg6[%scan3A_49, %dma_start3A] : memref<79x128xi32, #tpu.memory_space<vmem>> -> memref<1x128xi32, #tpu.memory_space<vmem>>
      %dma_start3A_51 = tpu.memref_squeeze %dma_start3A_50 : memref<1x128xi32, #tpu.memory_space<vmem>> -> memref<128xi32, #tpu.memory_space<vmem>>
      %dma_start3A_52 = arith.constant 0 : i32
      %dma_start3A_53 = arith.constant 0 : i32
      %dma_start3A_54 = tpu.memref_slice %arg2[%dma_start3A_52, %dma_start3A_53] : memref<10112x128xf32, #tpu.memory_space<hbm>> -> memref<10112x128xf32, #tpu.memory_space<hbm>>
      tpu.enqueue_indirect_dma source(%dma_start3A_54 : memref<10112x128xf32, #tpu.memory_space<hbm>>) target(%arg8 : memref<128x128xf32, #tpu.memory_space<vmem>>) offsets(%dma_start3A_51 : memref<128xi32, #tpu.memory_space<vmem>>) semaphore(%arg11 : memref<!tpu.dma_semaphore, #tpu.memory_space<semaphore_mem>>)
      %dma_wait3A = arith.constant 0 : i32
      %dma_wait3A_55 = tpu.memref_slice %arg6[%scan3A_49, %dma_wait3A] : memref<79x128xi32, #tpu.memory_space<vmem>> -> memref<1x128xi32, #tpu.memory_space<vmem>>
      %dma_wait3A_56 = tpu.memref_squeeze %dma_wait3A_55 : memref<1x128xi32, #tpu.memory_space<vmem>> -> memref<128xi32, #tpu.memory_space<vmem>>
      %dma_wait3A_57 = arith.constant 0 : i32
      %dma_wait3A_58 = arith.constant 0 : i32
      %dma_wait3A_59 = tpu.memref_slice %arg2[%dma_wait3A_57, %dma_wait3A_58] : memref<10112x128xf32, #tpu.memory_space<hbm>> -> memref<10112x128xf32, #tpu.memory_space<hbm>>
      tpu.wait_indirect_dma semaphore(%arg11 : memref<!tpu.dma_semaphore, #tpu.memory_space<semaphore_mem>>) src(%dma_wait3A_59 : memref<10112x128xf32, #tpu.memory_space<hbm>>) dst(%arg8 : memref<128x128xf32, #tpu.memory_space<vmem>>)
      "tpu.region"() ({
        %run_scoped3A = tpu.sem_alloc : memref<!tpu.dma_semaphore, #tpu.memory_space<semaphore_mem>>
        %dma_start3A_60 = arith.constant 0 : i32
        %dma_start3A_61 = tpu.memref_slice %arg7[%scan3A_49, %dma_start3A_60] : memref<79x128xi32, #tpu.memory_space<vmem>> -> memref<1x128xi32, #tpu.memory_space<vmem>>
        %dma_start3A_62 = tpu.memref_squeeze %dma_start3A_61 : memref<1x128xi32, #tpu.memory_space<vmem>> -> memref<128xi32, #tpu.memory_space<vmem>>
        %dma_start3A_63 = arith.constant 0 : i32
        %dma_start3A_64 = arith.constant 0 : i32
        %dma_start3A_65 = tpu.memref_slice %arg10[%dma_start3A_63, %dma_start3A_64] : memref<10112x128xf32, #tpu.memory_space<vmem_shared>> -> memref<10112x128xf32, #tpu.memory_space<vmem_shared>>
        tpu.enqueue_indirect_dma source(%arg8 : memref<128x128xf32, #tpu.memory_space<vmem>>) target(%dma_start3A_65 : memref<10112x128xf32, #tpu.memory_space<vmem_shared>>) offsets(%dma_start3A_62 : memref<128xi32, #tpu.memory_space<vmem>>) semaphore(%run_scoped3A : memref<!tpu.dma_semaphore, #tpu.memory_space<semaphore_mem>>) {add = true}
        %dma_wait3A_66 = arith.constant 0 : i32
        %dma_wait3A_67 = tpu.memref_slice %arg7[%scan3A_49, %dma_wait3A_66] : memref<79x128xi32, #tpu.memory_space<vmem>> -> memref<1x128xi32, #tpu.memory_space<vmem>>
        %dma_wait3A_68 = tpu.memref_squeeze %dma_wait3A_67 : memref<1x128xi32, #tpu.memory_space<vmem>> -> memref<128xi32, #tpu.memory_space<vmem>>
        %dma_wait3A_69 = arith.constant 0 : i32
        %dma_wait3A_70 = arith.constant 0 : i32
        %dma_wait3A_71 = tpu.memref_slice %arg10[%dma_wait3A_69, %dma_wait3A_70] : memref<10112x128xf32, #tpu.memory_space<vmem_shared>> -> memref<10112x128xf32, #tpu.memory_space<vmem_shared>>
        tpu.wait_indirect_dma semaphore(%run_scoped3A : memref<!tpu.dma_semaphore, #tpu.memory_space<semaphore_mem>>) src(%arg8 : memref<128x128xf32, #tpu.memory_space<vmem>>) dst(%dma_wait3A_71 : memref<10112x128xf32, #tpu.memory_space<vmem_shared>>)
        tpu.yield
      }) : () -> ()
    }
    %scan3A_43 = arith.constant 79 : i32
    %barrier3A_44 = arith.constant 0 : index
    tpu.barrier barrier_id(%barrier3A_44)
    %mul3A_45 = arith.constant 632 : i32
    %mul3A_46 = arith.muli %arg1, %mul3A_45 : i32
    %mul3A_47 = arith.constant 632 : i32
    %mul3A_48 = arith.muli %arg1, %mul3A_47 : i32
    "tpu.region"() ({
      %run_scoped3A = tpu.sem_alloc : memref<!tpu.dma_semaphore, #tpu.memory_space<semaphore_mem>>
      %dma_start3A = arith.constant 0 : i32
      %dma_start3A_49 = tpu.memref_slice %arg5[%arg0, %mul3A_48, %dma_start3A] : memref<2x10112x128xf32, #tpu.memory_space<hbm>> -> memref<1x632x128xf32, #tpu.memory_space<hbm>>
      %dma_start3A_50 = tpu.memref_squeeze %dma_start3A_49 : memref<1x632x128xf32, #tpu.memory_space<hbm>> -> memref<632x128xf32, #tpu.memory_space<hbm>>
      %dma_start3A_51 = arith.constant 0 : i32
      %dma_start3A_52 = tpu.memref_slice %arg10[%mul3A_46, %dma_start3A_51] : memref<10112x128xf32, #tpu.memory_space<vmem_shared>> -> memref<632x128xf32, #tpu.memory_space<vmem_shared>>
      tpu.enqueue_dma source(%dma_start3A_52 : memref<632x128xf32, #tpu.memory_space<vmem_shared>>) target(%dma_start3A_50 : memref<632x128xf32, #tpu.memory_space<hbm>>) target_semaphore(%run_scoped3A : memref<!tpu.dma_semaphore, #tpu.memory_space<semaphore_mem>>)
      %dma_wait3A = arith.constant 0 : i32
      %dma_wait3A_53 = tpu.memref_slice %arg5[%arg0, %mul3A_48, %dma_wait3A] : memref<2x10112x128xf32, #tpu.memory_space<hbm>> -> memref<1x632x128xf32, #tpu.memory_space<hbm>>
      %dma_wait3A_54 = tpu.memref_squeeze %dma_wait3A_53 : memref<1x632x128xf32, #tpu.memory_space<hbm>> -> memref<632x128xf32, #tpu.memory_space<hbm>>
      %dma_wait3A_55 = arith.constant 0 : i32
      %dma_wait3A_56 = tpu.memref_slice %arg10[%mul3A_46, %dma_wait3A_55] : memref<10112x128xf32, #tpu.memory_space<vmem_shared>> -> memref<632x128xf32, #tpu.memory_space<vmem_shared>>
      tpu.wait_dma2 semaphore(%run_scoped3A : memref<!tpu.dma_semaphore, #tpu.memory_space<semaphore_mem>>) src(%dma_wait3A_56 : memref<632x128xf32, #tpu.memory_space<vmem_shared>>) dst(%dma_wait3A_54 : memref<632x128xf32, #tpu.memory_space<hbm>>)
      tpu.yield
    }) : () -> ()
    return
  }
}

#map = affine_map<(d0, d1) -> (0, 0)>
#map1 = affine_map<(d0, d1) -> (0, 0, 0)>
module attributes {stable_mosaic.version = 14 : i64} {
  func.func @k(%arg0: i32, %arg1: i32, %arg2: memref<10112x64xf32, #tpu.memory_space<hbm>>, %arg3: memref<32x79x128xi32, #tpu.memory_space<hbm>>, %arg4: memref<32x79x128xi32, #tpu.memory_space<hbm>>, %arg5: memref<2x10112x64xf32, #tpu.memory_space<hbm>>, %arg6: memref<79x128xi32, #tpu.memory_space<vmem>>, %arg7: memref<79x128xi32, #tpu.memory_space<vmem>>, %arg8: memref<128x64xf32, #tpu.memory_space<vmem>>, %arg9: memref<79x64xf32, #tpu.memory_space<vmem>>, %arg10: memref<10112x64xf32, #tpu.memory_space<vmem_shared>>, %arg11: memref<!tpu.dma_semaphore, #tpu.memory_space<semaphore_mem>>) attributes {dimension_semantics = [#tpu.dimension_semantics<core_parallel>, #tpu.dimension_semantics<subcore_parallel>], iteration_bounds = array<i64: 2, 16>, scalar_prefetch = 0 : i64, scratch_operands = 6 : i64, tpu.core_type = #tpu.core_type<sc_vector_subcore>, window_params = [{transform_indices = #map}, {transform_indices = #map1}, {transform_indices = #map1}, {transform_indices = #map1}]} {
    %mul3A = arith.constant 2 : i32
    %mul3A_0 = arith.muli %arg1, %mul3A : i32
    %add3A = arith.addi %mul3A_0, %arg0 : i32
    %scan3A = arith.constant 0 : i32
    %scan3A_1 = arith.constant 0 : i32
    %scan3A_2 = arith.constant 79 : i32
    %scan3A_3 = arith.addi %scan3A_1, %scan3A_2 : i32
    %scan3A_4 = arith.constant 1 : i32
    scf.for %scan3A_49 = %scan3A_1 to %scan3A_3 step %scan3A_4  : i32 {
      %broadcast_in_dim3A = arith.constant 0.000000e+00 : f32
      %broadcast_in_dim3A_50 = vector.broadcast %broadcast_in_dim3A : f32 to vector<16xf32>
      %swap3A = arith.index_cast %scan3A_49 : i32 to index
      %swap3A_51 = arith.constant 0 : index
      %swap3A_52 = tpu.vector_load %arg9[%swap3A, %swap3A_51] {strides = array<i32>} : memref<79x64xf32, #tpu.memory_space<vmem>>, vector<1x16xf32>,
      %swap3A_53 = vector.shape_cast %swap3A_52 : vector<1x16xf32> to vector<16xf32>
      %swap3A_54 = vector.shape_cast %broadcast_in_dim3A_50 : vector<16xf32> to vector<1x16xf32>
      tpu.vector_store %arg9[%swap3A, %swap3A_51], %swap3A_54 {strides = array<i32>} : memref<79x64xf32, #tpu.memory_space<vmem>>, vector<1x16xf32>,
      %broadcast_in_dim3A_55 = arith.constant 0.000000e+00 : f32
      %broadcast_in_dim3A_56 = vector.broadcast %broadcast_in_dim3A_55 : f32 to vector<16xf32>
      %swap3A_57 = arith.index_cast %scan3A_49 : i32 to index
      %swap3A_58 = arith.constant 16 : index
      %swap3A_59 = tpu.vector_load %arg9[%swap3A_57, %swap3A_58] {strides = array<i32>} : memref<79x64xf32, #tpu.memory_space<vmem>>, vector<1x16xf32>,
      %swap3A_60 = vector.shape_cast %swap3A_59 : vector<1x16xf32> to vector<16xf32>
      %swap3A_61 = vector.shape_cast %broadcast_in_dim3A_56 : vector<16xf32> to vector<1x16xf32>
      tpu.vector_store %arg9[%swap3A_57, %swap3A_58], %swap3A_61 {strides = array<i32>} : memref<79x64xf32, #tpu.memory_space<vmem>>, vector<1x16xf32>,
      %broadcast_in_dim3A_62 = arith.constant 0.000000e+00 : f32
      %broadcast_in_dim3A_63 = vector.broadcast %broadcast_in_dim3A_62 : f32 to vector<16xf32>
      %swap3A_64 = arith.index_cast %scan3A_49 : i32 to index
      %swap3A_65 = arith.constant 32 : index
      %swap3A_66 = tpu.vector_load %arg9[%swap3A_64, %swap3A_65] {strides = array<i32>} : memref<79x64xf32, #tpu.memory_space<vmem>>, vector<1x16xf32>,
      %swap3A_67 = vector.shape_cast %swap3A_66 : vector<1x16xf32> to vector<16xf32>
      %swap3A_68 = vector.shape_cast %broadcast_in_dim3A_63 : vector<16xf32> to vector<1x16xf32>
      tpu.vector_store %arg9[%swap3A_64, %swap3A_65], %swap3A_68 {strides = array<i32>} : memref<79x64xf32, #tpu.memory_space<vmem>>, vector<1x16xf32>,
      %broadcast_in_dim3A_69 = arith.constant 0.000000e+00 : f32
      %broadcast_in_dim3A_70 = vector.broadcast %broadcast_in_dim3A_69 : f32 to vector<16xf32>
      %swap3A_71 = arith.index_cast %scan3A_49 : i32 to index
      %swap3A_72 = arith.constant 48 : index
      %swap3A_73 = tpu.vector_load %arg9[%swap3A_71, %swap3A_72] {strides = array<i32>} : memref<79x64xf32, #tpu.memory_space<vmem>>, vector<1x16xf32>,
      %swap3A_74 = vector.shape_cast %swap3A_73 : vector<1x16xf32> to vector<16xf32>
      %swap3A_75 = vector.shape_cast %broadcast_in_dim3A_70 : vector<16xf32> to vector<1x16xf32>
      tpu.vector_store %arg9[%swap3A_71, %swap3A_72], %swap3A_75 {strides = array<i32>} : memref<79x64xf32, #tpu.memory_space<vmem>>, vector<1x16xf32>,
    }
    %scan3A_5 = arith.constant 79 : i32
    %mul3A_6 = arith.constant 632 : i32
    %mul3A_7 = arith.muli %arg1, %mul3A_6 : i32
    %add3A_8 = arith.constant 0 : i32
    %add3A_9 = arith.addi %mul3A_7, %add3A_8 : i32
    "tpu.region"() ({
      %run_scoped3A = tpu.sem_alloc : memref<!tpu.dma_semaphore, #tpu.memory_space<semaphore_mem>>
      %dma_start3A = arith.constant 0 : i32
      %dma_start3A_49 = tpu.memref_slice %arg10[%add3A_9, %dma_start3A] : memref<10112x64xf32, #tpu.memory_space<vmem_shared>> -> memref<79x64xf32, #tpu.memory_space<vmem_shared>>
      %dma_start3A_50 = arith.constant 0 : i32
      %dma_start3A_51 = tpu.memref_slice %arg10[%add3A_9, %dma_start3A_50] : memref<10112x64xf32, #tpu.memory_space<vmem_shared>> -> memref<79x64xf32, #tpu.memory_space<vmem_shared>>
      tpu.enqueue_dma source(%arg9 : memref<79x64xf32, #tpu.memory_space<vmem>>) target(%dma_start3A_51 : memref<79x64xf32, #tpu.memory_space<vmem_shared>>) target_semaphore(%run_scoped3A : memref<!tpu.dma_semaphore, #tpu.memory_space<semaphore_mem>>)
      %dma_wait3A = arith.constant 0 : i32
      %dma_wait3A_52 = tpu.memref_slice %arg10[%add3A_9, %dma_wait3A] : memref<10112x64xf32, #tpu.memory_space<vmem_shared>> -> memref<79x64xf32, #tpu.memory_space<vmem_shared>>
      %dma_wait3A_53 = arith.constant 0 : i32
      %dma_wait3A_54 = tpu.memref_slice %arg10[%add3A_9, %dma_wait3A_53] : memref<10112x64xf32, #tpu.memory_space<vmem_shared>> -> memref<79x64xf32, #tpu.memory_space<vmem_shared>>
      tpu.wait_dma2 semaphore(%run_scoped3A : memref<!tpu.dma_semaphore, #tpu.memory_space<semaphore_mem>>) src(%arg9 : memref<79x64xf32, #tpu.memory_space<vmem>>) dst(%dma_wait3A_54 : memref<79x64xf32, #tpu.memory_space<vmem_shared>>)
      tpu.yield
    }) : () -> ()
    %mul3A_10 = arith.constant 632 : i32
    %mul3A_11 = arith.muli %arg1, %mul3A_10 : i32
    %add3A_12 = arith.constant 79 : i32
    %add3A_13 = arith.addi %mul3A_11, %add3A_12 : i32
    "tpu.region"() ({
      %run_scoped3A = tpu.sem_alloc : memref<!tpu.dma_semaphore, #tpu.memory_space<semaphore_mem>>
      %dma_start3A = arith.constant 0 : i32
      %dma_start3A_49 = tpu.memref_slice %arg10[%add3A_13, %dma_start3A] : memref<10112x64xf32, #tpu.memory_space<vmem_shared>> -> memref<79x64xf32, #tpu.memory_space<vmem_shared>>
      %dma_start3A_50 = arith.constant 0 : i32
      %dma_start3A_51 = tpu.memref_slice %arg10[%add3A_13, %dma_start3A_50] : memref<10112x64xf32, #tpu.memory_space<vmem_shared>> -> memref<79x64xf32, #tpu.memory_space<vmem_shared>>
      tpu.enqueue_dma source(%arg9 : memref<79x64xf32, #tpu.memory_space<vmem>>) target(%dma_start3A_51 : memref<79x64xf32, #tpu.memory_space<vmem_shared>>) target_semaphore(%run_scoped3A : memref<!tpu.dma_semaphore, #tpu.memory_space<semaphore_mem>>)
      %dma_wait3A = arith.constant 0 : i32
      %dma_wait3A_52 = tpu.memref_slice %arg10[%add3A_13, %dma_wait3A] : memref<10112x64xf32, #tpu.memory_space<vmem_shared>> -> memref<79x64xf32, #tpu.memory_space<vmem_shared>>
      %dma_wait3A_53 = arith.constant 0 : i32
      %dma_wait3A_54 = tpu.memref_slice %arg10[%add3A_13, %dma_wait3A_53] : memref<10112x64xf32, #tpu.memory_space<vmem_shared>> -> memref<79x64xf32, #tpu.memory_space<vmem_shared>>
      tpu.wait_dma2 semaphore(%run_scoped3A : memref<!tpu.dma_semaphore, #tpu.memory_space<semaphore_mem>>) src(%arg9 : memref<79x64xf32, #tpu.memory_space<vmem>>) dst(%dma_wait3A_54 : memref<79x64xf32, #tpu.memory_space<vmem_shared>>)
      tpu.yield
    }) : () -> ()
    %mul3A_14 = arith.constant 632 : i32
    %mul3A_15 = arith.muli %arg1, %mul3A_14 : i32
    %add3A_16 = arith.constant 158 : i32
    %add3A_17 = arith.addi %mul3A_15, %add3A_16 : i32
    "tpu.region"() ({
      %run_scoped3A = tpu.sem_alloc : memref<!tpu.dma_semaphore, #tpu.memory_space<semaphore_mem>>
      %dma_start3A = arith.constant 0 : i32
      %dma_start3A_49 = tpu.memref_slice %arg10[%add3A_17, %dma_start3A] : memref<10112x64xf32, #tpu.memory_space<vmem_shared>> -> memref<79x64xf32, #tpu.memory_space<vmem_shared>>
      %dma_start3A_50 = arith.constant 0 : i32
      %dma_start3A_51 = tpu.memref_slice %arg10[%add3A_17, %dma_start3A_50] : memref<10112x64xf32, #tpu.memory_space<vmem_shared>> -> memref<79x64xf32, #tpu.memory_space<vmem_shared>>
      tpu.enqueue_dma source(%arg9 : memref<79x64xf32, #tpu.memory_space<vmem>>) target(%dma_start3A_51 : memref<79x64xf32, #tpu.memory_space<vmem_shared>>) target_semaphore(%run_scoped3A : memref<!tpu.dma_semaphore, #tpu.memory_space<semaphore_mem>>)
      %dma_wait3A = arith.constant 0 : i32
      %dma_wait3A_52 = tpu.memref_slice %arg10[%add3A_17, %dma_wait3A] : memref<10112x64xf32, #tpu.memory_space<vmem_shared>> -> memref<79x64xf32, #tpu.memory_space<vmem_shared>>
      %dma_wait3A_53 = arith.constant 0 : i32
      %dma_wait3A_54 = tpu.memref_slice %arg10[%add3A_17, %dma_wait3A_53] : memref<10112x64xf32, #tpu.memory_space<vmem_shared>> -> memref<79x64xf32, #tpu.memory_space<vmem_shared>>
      tpu.wait_dma2 semaphore(%run_scoped3A : memref<!tpu.dma_semaphore, #tpu.memory_space<semaphore_mem>>) src(%arg9 : memref<79x64xf32, #tpu.memory_space<vmem>>) dst(%dma_wait3A_54 : memref<79x64xf32, #tpu.memory_space<vmem_shared>>)
      tpu.yield
    }) : () -> ()
    %mul3A_18 = arith.constant 632 : i32
    %mul3A_19 = arith.muli %arg1, %mul3A_18 : i32
    %add3A_20 = arith.constant 237 : i32
    %add3A_21 = arith.addi %mul3A_19, %add3A_20 : i32
    "tpu.region"() ({
      %run_scoped3A = tpu.sem_alloc : memref<!tpu.dma_semaphore, #tpu.memory_space<semaphore_mem>>
      %dma_start3A = arith.constant 0 : i32
      %dma_start3A_49 = tpu.memref_slice %arg10[%add3A_21, %dma_start3A] : memref<10112x64xf32, #tpu.memory_space<vmem_shared>> -> memref<79x64xf32, #tpu.memory_space<vmem_shared>>
      %dma_start3A_50 = arith.constant 0 : i32
      %dma_start3A_51 = tpu.memref_slice %arg10[%add3A_21, %dma_start3A_50] : memref<10112x64xf32, #tpu.memory_space<vmem_shared>> -> memref<79x64xf32, #tpu.memory_space<vmem_shared>>
      tpu.enqueue_dma source(%arg9 : memref<79x64xf32, #tpu.memory_space<vmem>>) target(%dma_start3A_51 : memref<79x64xf32, #tpu.memory_space<vmem_shared>>) target_semaphore(%run_scoped3A : memref<!tpu.dma_semaphore, #tpu.memory_space<semaphore_mem>>)
      %dma_wait3A = arith.constant 0 : i32
      %dma_wait3A_52 = tpu.memref_slice %arg10[%add3A_21, %dma_wait3A] : memref<10112x64xf32, #tpu.memory_space<vmem_shared>> -> memref<79x64xf32, #tpu.memory_space<vmem_shared>>
      %dma_wait3A_53 = arith.constant 0 : i32
      %dma_wait3A_54 = tpu.memref_slice %arg10[%add3A_21, %dma_wait3A_53] : memref<10112x64xf32, #tpu.memory_space<vmem_shared>> -> memref<79x64xf32, #tpu.memory_space<vmem_shared>>
      tpu.wait_dma2 semaphore(%run_scoped3A : memref<!tpu.dma_semaphore, #tpu.memory_space<semaphore_mem>>) src(%arg9 : memref<79x64xf32, #tpu.memory_space<vmem>>) dst(%dma_wait3A_54 : memref<79x64xf32, #tpu.memory_space<vmem_shared>>)
      tpu.yield
    }) : () -> ()
    %mul3A_22 = arith.constant 632 : i32
    %mul3A_23 = arith.muli %arg1, %mul3A_22 : i32
    %add3A_24 = arith.constant 316 : i32
    %add3A_25 = arith.addi %mul3A_23, %add3A_24 : i32
    "tpu.region"() ({
      %run_scoped3A = tpu.sem_alloc : memref<!tpu.dma_semaphore, #tpu.memory_space<semaphore_mem>>
      %dma_start3A = arith.constant 0 : i32
      %dma_start3A_49 = tpu.memref_slice %arg10[%add3A_25, %dma_start3A] : memref<10112x64xf32, #tpu.memory_space<vmem_shared>> -> memref<79x64xf32, #tpu.memory_space<vmem_shared>>
      %dma_start3A_50 = arith.constant 0 : i32
      %dma_start3A_51 = tpu.memref_slice %arg10[%add3A_25, %dma_start3A_50] : memref<10112x64xf32, #tpu.memory_space<vmem_shared>> -> memref<79x64xf32, #tpu.memory_space<vmem_shared>>
      tpu.enqueue_dma source(%arg9 : memref<79x64xf32, #tpu.memory_space<vmem>>) target(%dma_start3A_51 : memref<79x64xf32, #tpu.memory_space<vmem_shared>>) target_semaphore(%run_scoped3A : memref<!tpu.dma_semaphore, #tpu.memory_space<semaphore_mem>>)
      %dma_wait3A = arith.constant 0 : i32
      %dma_wait3A_52 = tpu.memref_slice %arg10[%add3A_25, %dma_wait3A] : memref<10112x64xf32, #tpu.memory_space<vmem_shared>> -> memref<79x64xf32, #tpu.memory_space<vmem_shared>>
      %dma_wait3A_53 = arith.constant 0 : i32
      %dma_wait3A_54 = tpu.memref_slice %arg10[%add3A_25, %dma_wait3A_53] : memref<10112x64xf32, #tpu.memory_space<vmem_shared>> -> memref<79x64xf32, #tpu.memory_space<vmem_shared>>
      tpu.wait_dma2 semaphore(%run_scoped3A : memref<!tpu.dma_semaphore, #tpu.memory_space<semaphore_mem>>) src(%arg9 : memref<79x64xf32, #tpu.memory_space<vmem>>) dst(%dma_wait3A_54 : memref<79x64xf32, #tpu.memory_space<vmem_shared>>)
      tpu.yield
    }) : () -> ()
    %mul3A_26 = arith.constant 632 : i32
    %mul3A_27 = arith.muli %arg1, %mul3A_26 : i32
    %add3A_28 = arith.constant 395 : i32
    %add3A_29 = arith.addi %mul3A_27, %add3A_28 : i32
    "tpu.region"() ({
      %run_scoped3A = tpu.sem_alloc : memref<!tpu.dma_semaphore, #tpu.memory_space<semaphore_mem>>
      %dma_start3A = arith.constant 0 : i32
      %dma_start3A_49 = tpu.memref_slice %arg10[%add3A_29, %dma_start3A] : memref<10112x64xf32, #tpu.memory_space<vmem_shared>> -> memref<79x64xf32, #tpu.memory_space<vmem_shared>>
      %dma_start3A_50 = arith.constant 0 : i32
      %dma_start3A_51 = tpu.memref_slice %arg10[%add3A_29, %dma_start3A_50] : memref<10112x64xf32, #tpu.memory_space<vmem_shared>> -> memref<79x64xf32, #tpu.memory_space<vmem_shared>>
      tpu.enqueue_dma source(%arg9 : memref<79x64xf32, #tpu.memory_space<vmem>>) target(%dma_start3A_51 : memref<79x64xf32, #tpu.memory_space<vmem_shared>>) target_semaphore(%run_scoped3A : memref<!tpu.dma_semaphore, #tpu.memory_space<semaphore_mem>>)
      %dma_wait3A = arith.constant 0 : i32
      %dma_wait3A_52 = tpu.memref_slice %arg10[%add3A_29, %dma_wait3A] : memref<10112x64xf32, #tpu.memory_space<vmem_shared>> -> memref<79x64xf32, #tpu.memory_space<vmem_shared>>
      %dma_wait3A_53 = arith.constant 0 : i32
      %dma_wait3A_54 = tpu.memref_slice %arg10[%add3A_29, %dma_wait3A_53] : memref<10112x64xf32, #tpu.memory_space<vmem_shared>> -> memref<79x64xf32, #tpu.memory_space<vmem_shared>>
      tpu.wait_dma2 semaphore(%run_scoped3A : memref<!tpu.dma_semaphore, #tpu.memory_space<semaphore_mem>>) src(%arg9 : memref<79x64xf32, #tpu.memory_space<vmem>>) dst(%dma_wait3A_54 : memref<79x64xf32, #tpu.memory_space<vmem_shared>>)
      tpu.yield
    }) : () -> ()
    %mul3A_30 = arith.constant 632 : i32
    %mul3A_31 = arith.muli %arg1, %mul3A_30 : i32
    %add3A_32 = arith.constant 474 : i32
    %add3A_33 = arith.addi %mul3A_31, %add3A_32 : i32
    "tpu.region"() ({
      %run_scoped3A = tpu.sem_alloc : memref<!tpu.dma_semaphore, #tpu.memory_space<semaphore_mem>>
      %dma_start3A = arith.constant 0 : i32
      %dma_start3A_49 = tpu.memref_slice %arg10[%add3A_33, %dma_start3A] : memref<10112x64xf32, #tpu.memory_space<vmem_shared>> -> memref<79x64xf32, #tpu.memory_space<vmem_shared>>
      %dma_start3A_50 = arith.constant 0 : i32
      %dma_start3A_51 = tpu.memref_slice %arg10[%add3A_33, %dma_start3A_50] : memref<10112x64xf32, #tpu.memory_space<vmem_shared>> -> memref<79x64xf32, #tpu.memory_space<vmem_shared>>
      tpu.enqueue_dma source(%arg9 : memref<79x64xf32, #tpu.memory_space<vmem>>) target(%dma_start3A_51 : memref<79x64xf32, #tpu.memory_space<vmem_shared>>) target_semaphore(%run_scoped3A : memref<!tpu.dma_semaphore, #tpu.memory_space<semaphore_mem>>)
      %dma_wait3A = arith.constant 0 : i32
      %dma_wait3A_52 = tpu.memref_slice %arg10[%add3A_33, %dma_wait3A] : memref<10112x64xf32, #tpu.memory_space<vmem_shared>> -> memref<79x64xf32, #tpu.memory_space<vmem_shared>>
      %dma_wait3A_53 = arith.constant 0 : i32
      %dma_wait3A_54 = tpu.memref_slice %arg10[%add3A_33, %dma_wait3A_53] : memref<10112x64xf32, #tpu.memory_space<vmem_shared>> -> memref<79x64xf32, #tpu.memory_space<vmem_shared>>
      tpu.wait_dma2 semaphore(%run_scoped3A : memref<!tpu.dma_semaphore, #tpu.memory_space<semaphore_mem>>) src(%arg9 : memref<79x64xf32, #tpu.memory_space<vmem>>) dst(%dma_wait3A_54 : memref<79x64xf32, #tpu.memory_space<vmem_shared>>)
      tpu.yield
    }) : () -> ()
    %mul3A_34 = arith.constant 632 : i32
    %mul3A_35 = arith.muli %arg1, %mul3A_34 : i32
    %add3A_36 = arith.constant 553 : i32
    %add3A_37 = arith.addi %mul3A_35, %add3A_36 : i32
    "tpu.region"() ({
      %run_scoped3A = tpu.sem_alloc : memref<!tpu.dma_semaphore, #tpu.memory_space<semaphore_mem>>
      %dma_start3A = arith.constant 0 : i32
      %dma_start3A_49 = tpu.memref_slice %arg10[%add3A_37, %dma_start3A] : memref<10112x64xf32, #tpu.memory_space<vmem_shared>> -> memref<79x64xf32, #tpu.memory_space<vmem_shared>>
      %dma_start3A_50 = arith.constant 0 : i32
      %dma_start3A_51 = tpu.memref_slice %arg10[%add3A_37, %dma_start3A_50] : memref<10112x64xf32, #tpu.memory_space<vmem_shared>> -> memref<79x64xf32, #tpu.memory_space<vmem_shared>>
      tpu.enqueue_dma source(%arg9 : memref<79x64xf32, #tpu.memory_space<vmem>>) target(%dma_start3A_51 : memref<79x64xf32, #tpu.memory_space<vmem_shared>>) target_semaphore(%run_scoped3A : memref<!tpu.dma_semaphore, #tpu.memory_space<semaphore_mem>>)
      %dma_wait3A = arith.constant 0 : i32
      %dma_wait3A_52 = tpu.memref_slice %arg10[%add3A_37, %dma_wait3A] : memref<10112x64xf32, #tpu.memory_space<vmem_shared>> -> memref<79x64xf32, #tpu.memory_space<vmem_shared>>
      %dma_wait3A_53 = arith.constant 0 : i32
      %dma_wait3A_54 = tpu.memref_slice %arg10[%add3A_37, %dma_wait3A_53] : memref<10112x64xf32, #tpu.memory_space<vmem_shared>> -> memref<79x64xf32, #tpu.memory_space<vmem_shared>>
      tpu.wait_dma2 semaphore(%run_scoped3A : memref<!tpu.dma_semaphore, #tpu.memory_space<semaphore_mem>>) src(%arg9 : memref<79x64xf32, #tpu.memory_space<vmem>>) dst(%dma_wait3A_54 : memref<79x64xf32, #tpu.memory_space<vmem_shared>>)
      tpu.yield
    }) : () -> ()
    "tpu.region"() ({
      %run_scoped3A = tpu.sem_alloc : memref<!tpu.dma_semaphore, #tpu.memory_space<semaphore_mem>>
      %dma_start3A = arith.constant 0 : i32
      %dma_start3A_49 = arith.constant 0 : i32
      %dma_start3A_50 = tpu.memref_slice %arg3[%add3A, %dma_start3A, %dma_start3A_49] : memref<32x79x128xi32, #tpu.memory_space<hbm>> -> memref<1x79x128xi32, #tpu.memory_space<hbm>>
      %dma_start3A_51 = tpu.memref_squeeze %dma_start3A_50 : memref<1x79x128xi32, #tpu.memory_space<hbm>> -> memref<79x128xi32, #tpu.memory_space<hbm>>
      %dma_start3A_52 = arith.constant 0 : i32
      %dma_start3A_53 = arith.constant 0 : i32
      %dma_start3A_54 = tpu.memref_slice %arg3[%add3A, %dma_start3A_52, %dma_start3A_53] : memref<32x79x128xi32, #tpu.memory_space<hbm>> -> memref<1x79x128xi32, #tpu.memory_space<hbm>>
      %dma_start3A_55 = tpu.memref_squeeze %dma_start3A_54 : memref<1x79x128xi32, #tpu.memory_space<hbm>> -> memref<79x128xi32, #tpu.memory_space<hbm>>
      tpu.enqueue_dma source(%dma_start3A_55 : memref<79x128xi32, #tpu.memory_space<hbm>>) target(%arg6 : memref<79x128xi32, #tpu.memory_space<vmem>>) target_semaphore(%run_scoped3A : memref<!tpu.dma_semaphore, #tpu.memory_space<semaphore_mem>>)
      %dma_wait3A = arith.constant 0 : i32
      %dma_wait3A_56 = arith.constant 0 : i32
      %dma_wait3A_57 = tpu.memref_slice %arg3[%add3A, %dma_wait3A, %dma_wait3A_56] : memref<32x79x128xi32, #tpu.memory_space<hbm>> -> memref<1x79x128xi32, #tpu.memory_space<hbm>>
      %dma_wait3A_58 = tpu.memref_squeeze %dma_wait3A_57 : memref<1x79x128xi32, #tpu.memory_space<hbm>> -> memref<79x128xi32, #tpu.memory_space<hbm>>
      %dma_wait3A_59 = arith.constant 0 : i32
      %dma_wait3A_60 = arith.constant 0 : i32
      %dma_wait3A_61 = tpu.memref_slice %arg3[%add3A, %dma_wait3A_59, %dma_wait3A_60] : memref<32x79x128xi32, #tpu.memory_space<hbm>> -> memref<1x79x128xi32, #tpu.memory_space<hbm>>
      %dma_wait3A_62 = tpu.memref_squeeze %dma_wait3A_61 : memref<1x79x128xi32, #tpu.memory_space<hbm>> -> memref<79x128xi32, #tpu.memory_space<hbm>>
      tpu.wait_dma2 semaphore(%run_scoped3A : memref<!tpu.dma_semaphore, #tpu.memory_space<semaphore_mem>>) src(%dma_wait3A_62 : memref<79x128xi32, #tpu.memory_space<hbm>>) dst(%arg6 : memref<79x128xi32, #tpu.memory_space<vmem>>)
      tpu.yield
    }) : () -> ()
    "tpu.region"() ({
      %run_scoped3A = tpu.sem_alloc : memref<!tpu.dma_semaphore, #tpu.memory_space<semaphore_mem>>
      %dma_start3A = arith.constant 0 : i32
      %dma_start3A_49 = arith.constant 0 : i32
      %dma_start3A_50 = tpu.memref_slice %arg4[%add3A, %dma_start3A, %dma_start3A_49] : memref<32x79x128xi32, #tpu.memory_space<hbm>> -> memref<1x79x128xi32, #tpu.memory_space<hbm>>
      %dma_start3A_51 = tpu.memref_squeeze %dma_start3A_50 : memref<1x79x128xi32, #tpu.memory_space<hbm>> -> memref<79x128xi32, #tpu.memory_space<hbm>>
      %dma_start3A_52 = arith.constant 0 : i32
      %dma_start3A_53 = arith.constant 0 : i32
      %dma_start3A_54 = tpu.memref_slice %arg4[%add3A, %dma_start3A_52, %dma_start3A_53] : memref<32x79x128xi32, #tpu.memory_space<hbm>> -> memref<1x79x128xi32, #tpu.memory_space<hbm>>
      %dma_start3A_55 = tpu.memref_squeeze %dma_start3A_54 : memref<1x79x128xi32, #tpu.memory_space<hbm>> -> memref<79x128xi32, #tpu.memory_space<hbm>>
      tpu.enqueue_dma source(%dma_start3A_55 : memref<79x128xi32, #tpu.memory_space<hbm>>) target(%arg7 : memref<79x128xi32, #tpu.memory_space<vmem>>) target_semaphore(%run_scoped3A : memref<!tpu.dma_semaphore, #tpu.memory_space<semaphore_mem>>)
      %dma_wait3A = arith.constant 0 : i32
      %dma_wait3A_56 = arith.constant 0 : i32
      %dma_wait3A_57 = tpu.memref_slice %arg4[%add3A, %dma_wait3A, %dma_wait3A_56] : memref<32x79x128xi32, #tpu.memory_space<hbm>> -> memref<1x79x128xi32, #tpu.memory_space<hbm>>
      %dma_wait3A_58 = tpu.memref_squeeze %dma_wait3A_57 : memref<1x79x128xi32, #tpu.memory_space<hbm>> -> memref<79x128xi32, #tpu.memory_space<hbm>>
      %dma_wait3A_59 = arith.constant 0 : i32
      %dma_wait3A_60 = arith.constant 0 : i32
      %dma_wait3A_61 = tpu.memref_slice %arg4[%add3A, %dma_wait3A_59, %dma_wait3A_60] : memref<32x79x128xi32, #tpu.memory_space<hbm>> -> memref<1x79x128xi32, #tpu.memory_space<hbm>>
      %dma_wait3A_62 = tpu.memref_squeeze %dma_wait3A_61 : memref<1x79x128xi32, #tpu.memory_space<hbm>> -> memref<79x128xi32, #tpu.memory_space<hbm>>
      tpu.wait_dma2 semaphore(%run_scoped3A : memref<!tpu.dma_semaphore, #tpu.memory_space<semaphore_mem>>) src(%dma_wait3A_62 : memref<79x128xi32, #tpu.memory_space<hbm>>) dst(%arg7 : memref<79x128xi32, #tpu.memory_space<vmem>>)
      tpu.yield
    }) : () -> ()
    %barrier3A = arith.constant 0 : index
    tpu.barrier barrier_id(%barrier3A)
    %scan3A_38 = arith.constant 0 : i32
    %scan3A_39 = arith.constant 0 : i32
    %scan3A_40 = arith.constant 79 : i32
    %scan3A_41 = arith.addi %scan3A_39, %scan3A_40 : i32
    %scan3A_42 = arith.constant 1 : i32
    scf.for %scan3A_49 = %scan3A_39 to %scan3A_41 step %scan3A_42  : i32 {
      %dma_start3A = arith.constant 0 : i32
      %dma_start3A_50 = tpu.memref_slice %arg6[%scan3A_49, %dma_start3A] : memref<79x128xi32, #tpu.memory_space<vmem>> -> memref<1x128xi32, #tpu.memory_space<vmem>>
      %dma_start3A_51 = tpu.memref_squeeze %dma_start3A_50 : memref<1x128xi32, #tpu.memory_space<vmem>> -> memref<128xi32, #tpu.memory_space<vmem>>
      %dma_start3A_52 = arith.constant 0 : i32
      %dma_start3A_53 = arith.constant 0 : i32
      %dma_start3A_54 = tpu.memref_slice %arg2[%dma_start3A_52, %dma_start3A_53] : memref<10112x64xf32, #tpu.memory_space<hbm>> -> memref<10112x64xf32, #tpu.memory_space<hbm>>
      tpu.enqueue_indirect_dma source(%dma_start3A_54 : memref<10112x64xf32, #tpu.memory_space<hbm>>) target(%arg8 : memref<128x64xf32, #tpu.memory_space<vmem>>) offsets(%dma_start3A_51 : memref<128xi32, #tpu.memory_space<vmem>>) semaphore(%arg11 : memref<!tpu.dma_semaphore, #tpu.memory_space<semaphore_mem>>)
      %dma_wait3A = arith.constant 0 : i32
      %dma_wait3A_55 = tpu.memref_slice %arg6[%scan3A_49, %dma_wait3A] : memref<79x128xi32, #tpu.memory_space<vmem>> -> memref<1x128xi32, #tpu.memory_space<vmem>>
      %dma_wait3A_56 = tpu.memref_squeeze %dma_wait3A_55 : memref<1x128xi32, #tpu.memory_space<vmem>> -> memref<128xi32, #tpu.memory_space<vmem>>
      %dma_wait3A_57 = arith.constant 0 : i32
      %dma_wait3A_58 = arith.constant 0 : i32
      %dma_wait3A_59 = tpu.memref_slice %arg2[%dma_wait3A_57, %dma_wait3A_58] : memref<10112x64xf32, #tpu.memory_space<hbm>> -> memref<10112x64xf32, #tpu.memory_space<hbm>>
      tpu.wait_indirect_dma semaphore(%arg11 : memref<!tpu.dma_semaphore, #tpu.memory_space<semaphore_mem>>) src(%dma_wait3A_59 : memref<10112x64xf32, #tpu.memory_space<hbm>>) dst(%arg8 : memref<128x64xf32, #tpu.memory_space<vmem>>)
      "tpu.region"() ({
        %run_scoped3A = tpu.sem_alloc : memref<!tpu.dma_semaphore, #tpu.memory_space<semaphore_mem>>
        %dma_start3A_60 = arith.constant 0 : i32
        %dma_start3A_61 = tpu.memref_slice %arg7[%scan3A_49, %dma_start3A_60] : memref<79x128xi32, #tpu.memory_space<vmem>> -> memref<1x128xi32, #tpu.memory_space<vmem>>
        %dma_start3A_62 = tpu.memref_squeeze %dma_start3A_61 : memref<1x128xi32, #tpu.memory_space<vmem>> -> memref<128xi32, #tpu.memory_space<vmem>>
        %dma_start3A_63 = arith.constant 0 : i32
        %dma_start3A_64 = arith.constant 0 : i32
        %dma_start3A_65 = tpu.memref_slice %arg10[%dma_start3A_63, %dma_start3A_64] : memref<10112x64xf32, #tpu.memory_space<vmem_shared>> -> memref<10112x64xf32, #tpu.memory_space<vmem_shared>>
        tpu.enqueue_indirect_dma source(%arg8 : memref<128x64xf32, #tpu.memory_space<vmem>>) target(%dma_start3A_65 : memref<10112x64xf32, #tpu.memory_space<vmem_shared>>) offsets(%dma_start3A_62 : memref<128xi32, #tpu.memory_space<vmem>>) semaphore(%run_scoped3A : memref<!tpu.dma_semaphore, #tpu.memory_space<semaphore_mem>>) {add = true}
        %dma_wait3A_66 = arith.constant 0 : i32
        %dma_wait3A_67 = tpu.memref_slice %arg7[%scan3A_49, %dma_wait3A_66] : memref<79x128xi32, #tpu.memory_space<vmem>> -> memref<1x128xi32, #tpu.memory_space<vmem>>
        %dma_wait3A_68 = tpu.memref_squeeze %dma_wait3A_67 : memref<1x128xi32, #tpu.memory_space<vmem>> -> memref<128xi32, #tpu.memory_space<vmem>>
        %dma_wait3A_69 = arith.constant 0 : i32
        %dma_wait3A_70 = arith.constant 0 : i32
        %dma_wait3A_71 = tpu.memref_slice %arg10[%dma_wait3A_69, %dma_wait3A_70] : memref<10112x64xf32, #tpu.memory_space<vmem_shared>> -> memref<10112x64xf32, #tpu.memory_space<vmem_shared>>
        tpu.wait_indirect_dma semaphore(%run_scoped3A : memref<!tpu.dma_semaphore, #tpu.memory_space<semaphore_mem>>) src(%arg8 : memref<128x64xf32, #tpu.memory_space<vmem>>) dst(%dma_wait3A_71 : memref<10112x64xf32, #tpu.memory_space<vmem_shared>>)
        tpu.yield
      }) : () -> ()
    }
    %scan3A_43 = arith.constant 79 : i32
    %barrier3A_44 = arith.constant 0 : index
    tpu.barrier barrier_id(%barrier3A_44)
    %mul3A_45 = arith.constant 632 : i32
    %mul3A_46 = arith.muli %arg1, %mul3A_45 : i32
    %mul3A_47 = arith.constant 632 : i32
    %mul3A_48 = arith.muli %arg1, %mul3A_47 : i32
    "tpu.region"() ({
      %run_scoped3A = tpu.sem_alloc : memref<!tpu.dma_semaphore, #tpu.memory_space<semaphore_mem>>
      %dma_start3A = arith.constant 0 : i32
      %dma_start3A_49 = tpu.memref_slice %arg5[%arg0, %mul3A_48, %dma_start3A] : memref<2x10112x64xf32, #tpu.memory_space<hbm>> -> memref<1x632x64xf32, #tpu.memory_space<hbm>>
      %dma_start3A_50 = tpu.memref_squeeze %dma_start3A_49 : memref<1x632x64xf32, #tpu.memory_space<hbm>> -> memref<632x64xf32, #tpu.memory_space<hbm>>
      %dma_start3A_51 = arith.constant 0 : i32
      %dma_start3A_52 = tpu.memref_slice %arg10[%mul3A_46, %dma_start3A_51] : memref<10112x64xf32, #tpu.memory_space<vmem_shared>> -> memref<632x64xf32, #tpu.memory_space<vmem_shared>>
      tpu.enqueue_dma source(%dma_start3A_52 : memref<632x64xf32, #tpu.memory_space<vmem_shared>>) target(%dma_start3A_50 : memref<632x64xf32, #tpu.memory_space<hbm>>) target_semaphore(%run_scoped3A : memref<!tpu.dma_semaphore, #tpu.memory_space<semaphore_mem>>)
      %dma_wait3A = arith.constant 0 : i32
      %dma_wait3A_53 = tpu.memref_slice %arg5[%arg0, %mul3A_48, %dma_wait3A] : memref<2x10112x64xf32, #tpu.memory_space<hbm>> -> memref<1x632x64xf32, #tpu.memory_space<hbm>>
      %dma_wait3A_54 = tpu.memref_squeeze %dma_wait3A_53 : memref<1x632x64xf32, #tpu.memory_space<hbm>> -> memref<632x64xf32, #tpu.memory_space<hbm>>
      %dma_wait3A_55 = arith.constant 0 : i32
      %dma_wait3A_56 = tpu.memref_slice %arg10[%mul3A_46, %dma_wait3A_55] : memref<10112x64xf32, #tpu.memory_space<vmem_shared>> -> memref<632x64xf32, #tpu.memory_space<vmem_shared>>
      tpu.wait_dma2 semaphore(%run_scoped3A : memref<!tpu.dma_semaphore, #tpu.memory_space<semaphore_mem>>) src(%dma_wait3A_56 : memref<632x64xf32, #tpu.memory_space<vmem_shared>>) dst(%dma_wait3A_54 : memref<632x64xf32, #tpu.memory_space<hbm>>)
      tpu.yield
    }) : () -> ()
    return
  }
}

module attributes {stable_mosaic.version = 14 : i64} {
  func.func @body(%arg0: i32, %arg1: memref<2x1264x16xf32, #tpu.memory_space<vmem>>, %arg2: memref<1264x128xf32, #tpu.memory_space<vmem>>, %arg3: memref<128x64xf32, #tpu.memory_space<vmem>>, %arg4: memref<1264x16xf32, #tpu.memory_space<vmem>>, %arg5: memref<1264x64xf32, #tpu.memory_space<vmem>>) attributes {dimension_semantics = [#tpu.dimension_semantics<arbitrary>], iteration_bounds = array<i64: 8>, scalar_prefetch = 0 : i64, scratch_operands = 0 : i64, tpu.core_type = #tpu.core_type<tc>, window_params = [{transform_indices = @transform_0, window_bounds = array<i64: 2, 1264, 16>}, {transform_indices = @transform_1, window_bounds = array<i64: 1264, 128>}, {pipeline_mode = #tpu.pipeline_mode<synchronous>, transform_indices = @transform_2, window_bounds = array<i64: 128, 64>}, {transform_indices = @transform_3, window_bounds = array<i64: 1264, 16>}, {transform_indices = @transform_4, window_bounds = array<i64: 1264, 64>}]} {
    %get3A = arith.constant 0 : index
    %get3A_0 = arith.constant 0 : index
    %get3A_1 = arith.constant 0 : index
    %get3A_2 = vector.load %arg1[%get3A, %get3A_0, %get3A_1] : memref<2x1264x16xf32, #tpu.memory_space<vmem>>, vector<2x1264x16xf32>
    %slice3A = vector.extract_strided_slice %get3A_2 {offsets = [0, 0, 0], sizes = [1, 1264, 16], strides = [1, 1, 1]} : vector<2x1264x16xf32> to vector<1x1264x16xf32>
    %squeeze3A = vector.shape_cast %slice3A : vector<1x1264x16xf32> to vector<1264x16xf32>
    %add3A = arith.constant 1.000000e+00 : f32
    %add3A_3 = vector.broadcast %add3A : f32 to vector<1264x16xf32>
    %add3A_4 = arith.addf %add3A_3, %squeeze3A : vector<1264x16xf32>
    %slice3A_5 = vector.extract_strided_slice %get3A_2 {offsets = [1, 0, 0], sizes = [1, 1264, 16], strides = [1, 1, 1]} : vector<2x1264x16xf32> to vector<1x1264x16xf32>
    %squeeze3A_6 = vector.shape_cast %slice3A_5 : vector<1x1264x16xf32> to vector<1264x16xf32>
    %add3A_7 = arith.addf %add3A_4, %squeeze3A_6 : vector<1264x16xf32>
    %rsqrt3A = math.rsqrt %add3A_7 : vector<1264x16xf32>
    %swap3A = arith.constant 0 : index
    %swap3A_8 = arith.constant 0 : index
    %swap3A_9 = vector.load %arg4[%swap3A, %swap3A_8] : memref<1264x16xf32, #tpu.memory_space<vmem>>, vector<1264x16xf32>
    tpu.vector_store %arg4[%swap3A, %swap3A_8], %rsqrt3A {strides = array<i32>} : memref<1264x16xf32, #tpu.memory_space<vmem>>, vector<1264x16xf32>,
    %get3A_10 = arith.constant 0 : index
    %get3A_11 = arith.constant 0 : index
    %get3A_12 = vector.load %arg2[%get3A_10, %get3A_11] : memref<1264x128xf32, #tpu.memory_space<vmem>>, vector<1264x128xf32>
    %get3A_13 = arith.constant 0 : index
    %get3A_14 = arith.constant 0 : index
    %get3A_15 = vector.load %arg3[%get3A_13, %get3A_14] : memref<128x64xf32, #tpu.memory_space<vmem>>, vector<128x64xf32>
    %dot_general3A = arith.constant dense<0.000000e+00> : vector<1264x64xf32>
    %dot_general3A_16 = tpu.matmul %get3A_12, %get3A_15, %dot_general3A {dimension_numbers = #tpu.dot_dimension_numbers<[1], [0], [0], [1], [0, 0, 1, 1], [], []>, precision = #tpu.contract_precision<fp32>, transpose_lhs_hint = false} : vector<1264x128xf32>, vector<128x64xf32>, vector<1264x64xf32> -> vector<1264x64xf32>
    %slice3A_17 = vector.extract_strided_slice %rsqrt3A {offsets = [0, 0], sizes = [1264, 1], strides = [1, 1]} : vector<1264x16xf32> to vector<1264x1xf32>
    %mul3A = vector.broadcast %slice3A_17 : vector<1264x1xf32> to vector<1264x64xf32>
    %mul3A_18 = arith.mulf %dot_general3A_16, %mul3A : vector<1264x64xf32>
    %swap3A_19 = arith.constant 0 : index
    %swap3A_20 = arith.constant 0 : index
    %swap3A_21 = vector.load %arg5[%swap3A_19, %swap3A_20] : memref<1264x64xf32, #tpu.memory_space<vmem>>, vector<1264x64xf32>
    tpu.vector_store %arg5[%swap3A_19, %swap3A_20], %mul3A_18 {strides = array<i32>} : memref<1264x64xf32, #tpu.memory_space<vmem>>, vector<1264x64xf32>,
    return
  }
  func.func @transform_0(%arg0: i32) -> (i32, i32, i32) {
    %c0_i32 = arith.constant 0 : i32
    %c0_i32_0 = arith.constant 0 : i32
    %c0_i32_1 = arith.constant 0 : i32
    return %c0_i32, %arg0, %c0_i32_0 : i32, i32, i32
  }
  func.func @transform_1(%arg0: i32) -> (i32, i32) {
    %c0_i32 = arith.constant 0 : i32
    %c0_i32_0 = arith.constant 0 : i32
    return %arg0, %c0_i32 : i32, i32
  }
  func.func @transform_2(%arg0: i32) -> (i32, i32) {
    %c0_i32 = arith.constant 0 : i32
    %c0_i32_0 = arith.constant 0 : i32
    %c0_i32_1 = arith.constant 0 : i32
    return %c0_i32, %c0_i32_0 : i32, i32
  }
  func.func @transform_3(%arg0: i32) -> (i32, i32) {
    %c0_i32 = arith.constant 0 : i32
    %c0_i32_0 = arith.constant 0 : i32
    return %arg0, %c0_i32 : i32, i32
  }
  func.func @transform_4(%arg0: i32) -> (i32, i32) {
    %c0_i32 = arith.constant 0 : i32
    %c0_i32_0 = arith.constant 0 : i32
    return %arg0, %c0_i32 : i32, i32
  }
}

module attributes {stable_mosaic.version = 14 : i64} {
  func.func @body(%arg0: i32, %arg1: memref<2x1264x64xf32, #tpu.memory_space<vmem>>, %arg2: memref<1264x64xf32, #tpu.memory_space<vmem>>, %arg3: memref<1264x16xf32, #tpu.memory_space<vmem>>, %arg4: memref<1x64xf32, #tpu.memory_space<vmem>>, %arg5: memref<1264x64xf32, #tpu.memory_space<vmem>>) attributes {dimension_semantics = [#tpu.dimension_semantics<arbitrary>], iteration_bounds = array<i64: 8>, scalar_prefetch = 0 : i64, scratch_operands = 0 : i64, tpu.core_type = #tpu.core_type<tc>, window_params = [{transform_indices = @transform_0, window_bounds = array<i64: 2, 1264, 64>}, {transform_indices = @transform_1, window_bounds = array<i64: 1264, 64>}, {transform_indices = @transform_2, window_bounds = array<i64: 1264, 16>}, {pipeline_mode = #tpu.pipeline_mode<synchronous>, transform_indices = @transform_3, window_bounds = array<i64: 1, 64>}, {transform_indices = @transform_4, window_bounds = array<i64: 1264, 64>}]} {
    %get3A = arith.constant 0 : index
    %get3A_0 = arith.constant 0 : index
    %get3A_1 = arith.constant 0 : index
    %get3A_2 = vector.load %arg1[%get3A, %get3A_0, %get3A_1] : memref<2x1264x64xf32, #tpu.memory_space<vmem>>, vector<2x1264x64xf32>
    %get3A_3 = arith.constant 0 : index
    %get3A_4 = arith.constant 0 : index
    %get3A_5 = vector.load %arg3[%get3A_3, %get3A_4] : memref<1264x16xf32, #tpu.memory_space<vmem>>, vector<1264x16xf32>
    %slice3A = vector.extract_strided_slice %get3A_5 {offsets = [0, 0], sizes = [1264, 1], strides = [1, 1]} : vector<1264x16xf32> to vector<1264x1xf32>
    %slice3A_6 = vector.extract_strided_slice %get3A_2 {offsets = [0, 0, 0], sizes = [1, 1264, 64], strides = [1, 1, 1]} : vector<2x1264x64xf32> to vector<1x1264x64xf32>
    %squeeze3A = vector.shape_cast %slice3A_6 : vector<1x1264x64xf32> to vector<1264x64xf32>
    %slice3A_7 = vector.extract_strided_slice %get3A_2 {offsets = [1, 0, 0], sizes = [1, 1264, 64], strides = [1, 1, 1]} : vector<2x1264x64xf32> to vector<1x1264x64xf32>
    %squeeze3A_8 = vector.shape_cast %slice3A_7 : vector<1x1264x64xf32> to vector<1264x64xf32>
    %add3A = arith.addf %squeeze3A, %squeeze3A_8 : vector<1264x64xf32>
    %get3A_9 = arith.constant 0 : index
    %get3A_10 = arith.constant 0 : index
    %get3A_11 = vector.load %arg2[%get3A_9, %get3A_10] : memref<1264x64xf32, #tpu.memory_space<vmem>>, vector<1264x64xf32>
    %add3A_12 = arith.addf %add3A, %get3A_11 : vector<1264x64xf32>
    %mul3A = vector.broadcast %slice3A : vector<1264x1xf32> to vector<1264x64xf32>
    %mul3A_13 = arith.mulf %add3A_12, %mul3A : vector<1264x64xf32>
    %get3A_14 = arith.constant 0 : index
    %get3A_15 = arith.constant 0 : index
    %get3A_16 = vector.load %arg4[%get3A_14, %get3A_15] : memref<1x64xf32, #tpu.memory_space<vmem>>, vector<1x64xf32>
    %add3A_17 = vector.broadcast %get3A_16 : vector<1x64xf32> to vector<1264x64xf32>
    %add3A_18 = arith.addf %mul3A_13, %add3A_17 : vector<1264x64xf32>
    %max3A = arith.constant 0.000000e+00 : f32
    %max3A_19 = vector.broadcast %max3A : f32 to vector<1264x64xf32>
    %max3A_20 = arith.maximumf %add3A_18, %max3A_19 : vector<1264x64xf32>
    %mul3A_21 = vector.broadcast %slice3A : vector<1264x1xf32> to vector<1264x64xf32>
    %mul3A_22 = arith.mulf %max3A_20, %mul3A_21 : vector<1264x64xf32>
    %swap3A = arith.constant 0 : index
    %swap3A_23 = arith.constant 0 : index
    %swap3A_24 = vector.load %arg5[%swap3A, %swap3A_23] : memref<1264x64xf32, #tpu.memory_space<vmem>>, vector<1264x64xf32>
    tpu.vector_store %arg5[%swap3A, %swap3A_23], %mul3A_22 {strides = array<i32>} : memref<1264x64xf32, #tpu.memory_space<vmem>>, vector<1264x64xf32>,
    return
  }
  func.func @transform_0(%arg0: i32) -> (i32, i32, i32) {
    %c0_i32 = arith.constant 0 : i32
    %c0_i32_0 = arith.constant 0 : i32
    %c0_i32_1 = arith.constant 0 : i32
    return %c0_i32, %arg0, %c0_i32_0 : i32, i32, i32
  }
  func.func @transform_1(%arg0: i32) -> (i32, i32) {
    %c0_i32 = arith.constant 0 : i32
    %c0_i32_0 = arith.constant 0 : i32
    return %arg0, %c0_i32 : i32, i32
  }
  func.func @transform_2(%arg0: i32) -> (i32, i32) {
    %c0_i32 = arith.constant 0 : i32
    %c0_i32_0 = arith.constant 0 : i32
    return %arg0, %c0_i32 : i32, i32
  }
  func.func @transform_3(%arg0: i32) -> (i32, i32) {
    %c0_i32 = arith.constant 0 : i32
    %c0_i32_0 = arith.constant 0 : i32
    %c0_i32_1 = arith.constant 0 : i32
    return %c0_i32, %c0_i32_0 : i32, i32
  }
  func.func @transform_4(%arg0: i32) -> (i32, i32) {
    %c0_i32 = arith.constant 0 : i32
    %c0_i32_0 = arith.constant 0 : i32
    return %arg0, %c0_i32 : i32, i32
  }
}

module attributes {stable_mosaic.version = 14 : i64} {
  func.func @body(%arg0: i32, %arg1: memref<2x1264x64xf32, #tpu.memory_space<vmem>>, %arg2: memref<1264x64xf32, #tpu.memory_space<vmem>>, %arg3: memref<1264x16xf32, #tpu.memory_space<vmem>>, %arg4: memref<64x128xf32, #tpu.memory_space<vmem>>, %arg5: memref<1x128xf32, #tpu.memory_space<vmem>>, %arg6: memref<1264x128xf32, #tpu.memory_space<vmem>>) attributes {dimension_semantics = [#tpu.dimension_semantics<arbitrary>], iteration_bounds = array<i64: 8>, scalar_prefetch = 0 : i64, scratch_operands = 0 : i64, tpu.core_type = #tpu.core_type<tc>, window_params = [{transform_indices = @transform_0, window_bounds = array<i64: 2, 1264, 64>}, {transform_indices = @transform_1, window_bounds = array<i64: 1264, 64>}, {transform_indices = @transform_2, window_bounds = array<i64: 1264, 16>}, {pipeline_mode = #tpu.pipeline_mode<synchronous>, transform_indices = @transform_3, window_bounds = array<i64: 64, 128>}, {pipeline_mode = #tpu.pipeline_mode<synchronous>, transform_indices = @transform_4, window_bounds = array<i64: 1, 128>}, {transform_indices = @transform_5, window_bounds = array<i64: 1264, 128>}]} {
    %get3A = arith.constant 0 : index
    %get3A_0 = arith.constant 0 : index
    %get3A_1 = arith.constant 0 : index
    %get3A_2 = vector.load %arg1[%get3A, %get3A_0, %get3A_1] : memref<2x1264x64xf32, #tpu.memory_space<vmem>>, vector<2x1264x64xf32>
    %get3A_3 = arith.constant 0 : index
    %get3A_4 = arith.constant 0 : index
    %get3A_5 = vector.load %arg3[%get3A_3, %get3A_4] : memref<1264x16xf32, #tpu.memory_space<vmem>>, vector<1264x16xf32>
    %slice3A = vector.extract_strided_slice %get3A_5 {offsets = [0, 0], sizes = [1264, 1], strides = [1, 1]} : vector<1264x16xf32> to vector<1264x1xf32>
    %slice3A_6 = vector.extract_strided_slice %get3A_2 {offsets = [0, 0, 0], sizes = [1, 1264, 64], strides = [1, 1, 1]} : vector<2x1264x64xf32> to vector<1x1264x64xf32>
    %squeeze3A = vector.shape_cast %slice3A_6 : vector<1x1264x64xf32> to vector<1264x64xf32>
    %slice3A_7 = vector.extract_strided_slice %get3A_2 {offsets = [1, 0, 0], sizes = [1, 1264, 64], strides = [1, 1, 1]} : vector<2x1264x64xf32> to vector<1x1264x64xf32>
    %squeeze3A_8 = vector.shape_cast %slice3A_7 : vector<1x1264x64xf32> to vector<1264x64xf32>
    %add3A = arith.addf %squeeze3A, %squeeze3A_8 : vector<1264x64xf32>
    %get3A_9 = arith.constant 0 : index
    %get3A_10 = arith.constant 0 : index
    %get3A_11 = vector.load %arg2[%get3A_9, %get3A_10] : memref<1264x64xf32, #tpu.memory_space<vmem>>, vector<1264x64xf32>
    %add3A_12 = arith.addf %add3A, %get3A_11 : vector<1264x64xf32>
    %mul3A = vector.broadcast %slice3A : vector<1264x1xf32> to vector<1264x64xf32>
    %mul3A_13 = arith.mulf %add3A_12, %mul3A : vector<1264x64xf32>
    %get3A_14 = arith.constant 0 : index
    %get3A_15 = arith.constant 0 : index
    %get3A_16 = vector.load %arg4[%get3A_14, %get3A_15] : memref<64x128xf32, #tpu.memory_space<vmem>>, vector<64x128xf32>
    %dot_general3A = arith.constant dense<0.000000e+00> : vector<1264x128xf32>
    %dot_general3A_17 = tpu.matmul %mul3A_13, %get3A_16, %dot_general3A {dimension_numbers = #tpu.dot_dimension_numbers<[1], [0], [0], [1], [0, 0, 1, 1], [], []>, precision = #tpu.contract_precision<fp32>, transpose_lhs_hint = false} : vector<1264x64xf32>, vector<64x128xf32>, vector<1264x128xf32> -> vector<1264x128xf32>
    %get3A_18 = arith.constant 0 : index
    %get3A_19 = arith.constant 0 : index
    %get3A_20 = vector.load %arg5[%get3A_18, %get3A_19] : memref<1x128xf32, #tpu.memory_space<vmem>>, vector<1x128xf32>
    %add3A_21 = vector.broadcast %get3A_20 : vector<1x128xf32> to vector<1264x128xf32>
    %add3A_22 = arith.addf %dot_general3A_17, %add3A_21 : vector<1264x128xf32>
    %max3A = arith.constant 0.000000e+00 : f32
    %max3A_23 = vector.broadcast %max3A : f32 to vector<1264x128xf32>
    %max3A_24 = arith.maximumf %add3A_22, %max3A_23 : vector<1264x128xf32>
    %mul3A_25 = vector.broadcast %slice3A : vector<1264x1xf32> to vector<1264x128xf32>
    %mul3A_26 = arith.mulf %max3A_24, %mul3A_25 : vector<1264x128xf32>
    %swap3A = arith.constant 0 : index
    %swap3A_27 = arith.constant 0 : index
    %swap3A_28 = vector.load %arg6[%swap3A, %swap3A_27] : memref<1264x128xf32, #tpu.memory_space<vmem>>, vector<1264x128xf32>
    tpu.vector_store %arg6[%swap3A, %swap3A_27], %mul3A_26 {strides = array<i32>} : memref<1264x128xf32, #tpu.memory_space<vmem>>, vector<1264x128xf32>,
    return
  }
  func.func @transform_0(%arg0: i32) -> (i32, i32, i32) {
    %c0_i32 = arith.constant 0 : i32
    %c0_i32_0 = arith.constant 0 : i32
    %c0_i32_1 = arith.constant 0 : i32
    return %c0_i32, %arg0, %c0_i32_0 : i32, i32, i32
  }
  func.func @transform_1(%arg0: i32) -> (i32, i32) {
    %c0_i32 = arith.constant 0 : i32
    %c0_i32_0 = arith.constant 0 : i32
    return %arg0, %c0_i32 : i32, i32
  }
  func.func @transform_2(%arg0: i32) -> (i32, i32) {
    %c0_i32 = arith.constant 0 : i32
    %c0_i32_0 = arith.constant 0 : i32
    return %arg0, %c0_i32 : i32, i32
  }
  func.func @transform_3(%arg0: i32) -> (i32, i32) {
    %c0_i32 = arith.constant 0 : i32
    %c0_i32_0 = arith.constant 0 : i32
    %c0_i32_1 = arith.constant 0 : i32
    return %c0_i32, %c0_i32_0 : i32, i32
  }
  func.func @transform_4(%arg0: i32) -> (i32, i32) {
    %c0_i32 = arith.constant 0 : i32
    %c0_i32_0 = arith.constant 0 : i32
    %c0_i32_1 = arith.constant 0 : i32
    return %c0_i32, %c0_i32_0 : i32, i32
  }
  func.func @transform_5(%arg0: i32) -> (i32, i32) {
    %c0_i32 = arith.constant 0 : i32
    %c0_i32_0 = arith.constant 0 : i32
    return %arg0, %c0_i32 : i32, i32
  }
}

module attributes {stable_mosaic.version = 14 : i64} {
  func.func @body(%arg0: i32, %arg1: memref<2x1264x128xf32, #tpu.memory_space<vmem>>, %arg2: memref<1264x128xf32, #tpu.memory_space<vmem>>, %arg3: memref<1264x16xf32, #tpu.memory_space<vmem>>, %arg4: memref<128x256xf32, #tpu.memory_space<vmem>>, %arg5: memref<1x256xf32, #tpu.memory_space<vmem>>, %arg6: memref<256x128xf32, #tpu.memory_space<vmem>>, %arg7: memref<1264x128xf32, #tpu.memory_space<vmem>>) attributes {dimension_semantics = [#tpu.dimension_semantics<arbitrary>], iteration_bounds = array<i64: 8>, scalar_prefetch = 0 : i64, scratch_operands = 0 : i64, tpu.core_type = #tpu.core_type<tc>, window_params = [{transform_indices = @transform_0, window_bounds = array<i64: 2, 1264, 128>}, {transform_indices = @transform_1, window_bounds = array<i64: 1264, 128>}, {transform_indices = @transform_2, window_bounds = array<i64: 1264, 16>}, {pipeline_mode = #tpu.pipeline_mode<synchronous>, transform_indices = @transform_3, window_bounds = array<i64: 128, 256>}, {pipeline_mode = #tpu.pipeline_mode<synchronous>, transform_indices = @transform_4, window_bounds = array<i64: 1, 256>}, {pipeline_mode = #tpu.pipeline_mode<synchronous>, transform_indices = @transform_5, window_bounds = array<i64: 256, 128>}, {transform_indices = @transform_6, window_bounds = array<i64: 1264, 128>}]} {
    %get3A = arith.constant 0 : index
    %get3A_0 = arith.constant 0 : index
    %get3A_1 = arith.constant 0 : index
    %get3A_2 = vector.load %arg1[%get3A, %get3A_0, %get3A_1] : memref<2x1264x128xf32, #tpu.memory_space<vmem>>, vector<2x1264x128xf32>
    %get3A_3 = arith.constant 0 : index
    %get3A_4 = arith.constant 0 : index
    %get3A_5 = vector.load %arg3[%get3A_3, %get3A_4] : memref<1264x16xf32, #tpu.memory_space<vmem>>, vector<1264x16xf32>
    %slice3A = vector.extract_strided_slice %get3A_5 {offsets = [0, 0], sizes = [1264, 1], strides = [1, 1]} : vector<1264x16xf32> to vector<1264x1xf32>
    %slice3A_6 = vector.extract_strided_slice %get3A_2 {offsets = [0, 0, 0], sizes = [1, 1264, 128], strides = [1, 1, 1]} : vector<2x1264x128xf32> to vector<1x1264x128xf32>
    %squeeze3A = vector.shape_cast %slice3A_6 : vector<1x1264x128xf32> to vector<1264x128xf32>
    %slice3A_7 = vector.extract_strided_slice %get3A_2 {offsets = [1, 0, 0], sizes = [1, 1264, 128], strides = [1, 1, 1]} : vector<2x1264x128xf32> to vector<1x1264x128xf32>
    %squeeze3A_8 = vector.shape_cast %slice3A_7 : vector<1x1264x128xf32> to vector<1264x128xf32>
    %add3A = arith.addf %squeeze3A, %squeeze3A_8 : vector<1264x128xf32>
    %get3A_9 = arith.constant 0 : index
    %get3A_10 = arith.constant 0 : index
    %get3A_11 = vector.load %arg2[%get3A_9, %get3A_10] : memref<1264x128xf32, #tpu.memory_space<vmem>>, vector<1264x128xf32>
    %add3A_12 = arith.addf %add3A, %get3A_11 : vector<1264x128xf32>
    %mul3A = vector.broadcast %slice3A : vector<1264x1xf32> to vector<1264x128xf32>
    %mul3A_13 = arith.mulf %add3A_12, %mul3A : vector<1264x128xf32>
    %get3A_14 = arith.constant 0 : index
    %get3A_15 = arith.constant 0 : index
    %get3A_16 = vector.load %arg4[%get3A_14, %get3A_15] : memref<128x256xf32, #tpu.memory_space<vmem>>, vector<128x256xf32>
    %dot_general3A = arith.constant dense<0.000000e+00> : vector<1264x256xf32>
    %dot_general3A_17 = tpu.matmul %mul3A_13, %get3A_16, %dot_general3A {dimension_numbers = #tpu.dot_dimension_numbers<[1], [0], [0], [1], [0, 0, 1, 1], [], []>, precision = #tpu.contract_precision<fp32>, transpose_lhs_hint = false} : vector<1264x128xf32>, vector<128x256xf32>, vector<1264x256xf32> -> vector<1264x256xf32>
    %get3A_18 = arith.constant 0 : index
    %get3A_19 = arith.constant 0 : index
    %get3A_20 = vector.load %arg5[%get3A_18, %get3A_19] : memref<1x256xf32, #tpu.memory_space<vmem>>, vector<1x256xf32>
    %add3A_21 = vector.broadcast %get3A_20 : vector<1x256xf32> to vector<1264x256xf32>
    %add3A_22 = arith.addf %dot_general3A_17, %add3A_21 : vector<1264x256xf32>
    %max3A = arith.constant 0.000000e+00 : f32
    %max3A_23 = vector.broadcast %max3A : f32 to vector<1264x256xf32>
    %max3A_24 = arith.maximumf %add3A_22, %max3A_23 : vector<1264x256xf32>
    %get3A_25 = arith.constant 0 : index
    %get3A_26 = arith.constant 0 : index
    %get3A_27 = vector.load %arg6[%get3A_25, %get3A_26] : memref<256x128xf32, #tpu.memory_space<vmem>>, vector<256x128xf32>
    %dot_general3A_28 = arith.constant dense<0.000000e+00> : vector<1264x128xf32>
    %dot_general3A_29 = tpu.matmul %max3A_24, %get3A_27, %dot_general3A_28 {dimension_numbers = #tpu.dot_dimension_numbers<[1], [0], [0], [1], [0, 0, 1, 1], [], []>, precision = #tpu.contract_precision<fp32>, transpose_lhs_hint = false} : vector<1264x256xf32>, vector<256x128xf32>, vector<1264x128xf32> -> vector<1264x128xf32>
    %mul3A_30 = vector.broadcast %slice3A : vector<1264x1xf32> to vector<1264x128xf32>
    %mul3A_31 = arith.mulf %dot_general3A_29, %mul3A_30 : vector<1264x128xf32>
    %swap3A = arith.constant 0 : index
    %swap3A_32 = arith.constant 0 : index
    %swap3A_33 = vector.load %arg7[%swap3A, %swap3A_32] : memref<1264x128xf32, #tpu.memory_space<vmem>>, vector<1264x128xf32>
    tpu.vector_store %arg7[%swap3A, %swap3A_32], %mul3A_31 {strides = array<i32>} : memref<1264x128xf32, #tpu.memory_space<vmem>>, vector<1264x128xf32>,
    return
  }
  func.func @transform_0(%arg0: i32) -> (i32, i32, i32) {
    %c0_i32 = arith.constant 0 : i32
    %c0_i32_0 = arith.constant 0 : i32
    %c0_i32_1 = arith.constant 0 : i32
    return %c0_i32, %arg0, %c0_i32_0 : i32, i32, i32
  }
  func.func @transform_1(%arg0: i32) -> (i32, i32) {
    %c0_i32 = arith.constant 0 : i32
    %c0_i32_0 = arith.constant 0 : i32
    return %arg0, %c0_i32 : i32, i32
  }
  func.func @transform_2(%arg0: i32) -> (i32, i32) {
    %c0_i32 = arith.constant 0 : i32
    %c0_i32_0 = arith.constant 0 : i32
    return %arg0, %c0_i32 : i32, i32
  }
  func.func @transform_3(%arg0: i32) -> (i32, i32) {
    %c0_i32 = arith.constant 0 : i32
    %c0_i32_0 = arith.constant 0 : i32
    %c0_i32_1 = arith.constant 0 : i32
    return %c0_i32, %c0_i32_0 : i32, i32
  }
  func.func @transform_4(%arg0: i32) -> (i32, i32) {
    %c0_i32 = arith.constant 0 : i32
    %c0_i32_0 = arith.constant 0 : i32
    %c0_i32_1 = arith.constant 0 : i32
    return %c0_i32, %c0_i32_0 : i32, i32
  }
  func.func @transform_5(%arg0: i32) -> (i32, i32) {
    %c0_i32 = arith.constant 0 : i32
    %c0_i32_0 = arith.constant 0 : i32
    %c0_i32_1 = arith.constant 0 : i32
    return %c0_i32, %c0_i32_0 : i32, i32
  }
  func.func @transform_6(%arg0: i32) -> (i32, i32) {
    %c0_i32 = arith.constant 0 : i32
    %c0_i32_0 = arith.constant 0 : i32
    return %arg0, %c0_i32 : i32, i32
  }
}

module attributes {stable_mosaic.version = 14 : i64} {
  func.func @body(%arg0: i32, %arg1: memref<2x1264x128xf32, #tpu.memory_space<vmem>>, %arg2: memref<1264x128xf32, #tpu.memory_space<vmem>>, %arg3: memref<1264x16xf32, #tpu.memory_space<vmem>>, %arg4: memref<1x128xf32, #tpu.memory_space<vmem>>, %arg5: memref<128x64xf32, #tpu.memory_space<vmem>>, %arg6: memref<1264x64xf32, #tpu.memory_space<vmem>>) attributes {dimension_semantics = [#tpu.dimension_semantics<arbitrary>], iteration_bounds = array<i64: 8>, scalar_prefetch = 0 : i64, scratch_operands = 0 : i64, tpu.core_type = #tpu.core_type<tc>, window_params = [{transform_indices = @transform_0, window_bounds = array<i64: 2, 1264, 128>}, {transform_indices = @transform_1, window_bounds = array<i64: 1264, 128>}, {transform_indices = @transform_2, window_bounds = array<i64: 1264, 16>}, {pipeline_mode = #tpu.pipeline_mode<synchronous>, transform_indices = @transform_3, window_bounds = array<i64: 1, 128>}, {pipeline_mode = #tpu.pipeline_mode<synchronous>, transform_indices = @transform_4, window_bounds = array<i64: 128, 64>}, {transform_indices = @transform_5, window_bounds = array<i64: 1264, 64>}]} {
    %get3A = arith.constant 0 : index
    %get3A_0 = arith.constant 0 : index
    %get3A_1 = arith.constant 0 : index
    %get3A_2 = vector.load %arg1[%get3A, %get3A_0, %get3A_1] : memref<2x1264x128xf32, #tpu.memory_space<vmem>>, vector<2x1264x128xf32>
    %get3A_3 = arith.constant 0 : index
    %get3A_4 = arith.constant 0 : index
    %get3A_5 = vector.load %arg3[%get3A_3, %get3A_4] : memref<1264x16xf32, #tpu.memory_space<vmem>>, vector<1264x16xf32>
    %slice3A = vector.extract_strided_slice %get3A_5 {offsets = [0, 0], sizes = [1264, 1], strides = [1, 1]} : vector<1264x16xf32> to vector<1264x1xf32>
    %slice3A_6 = vector.extract_strided_slice %get3A_2 {offsets = [0, 0, 0], sizes = [1, 1264, 128], strides = [1, 1, 1]} : vector<2x1264x128xf32> to vector<1x1264x128xf32>
    %squeeze3A = vector.shape_cast %slice3A_6 : vector<1x1264x128xf32> to vector<1264x128xf32>
    %slice3A_7 = vector.extract_strided_slice %get3A_2 {offsets = [1, 0, 0], sizes = [1, 1264, 128], strides = [1, 1, 1]} : vector<2x1264x128xf32> to vector<1x1264x128xf32>
    %squeeze3A_8 = vector.shape_cast %slice3A_7 : vector<1x1264x128xf32> to vector<1264x128xf32>
    %add3A = arith.addf %squeeze3A, %squeeze3A_8 : vector<1264x128xf32>
    %get3A_9 = arith.constant 0 : index
    %get3A_10 = arith.constant 0 : index
    %get3A_11 = vector.load %arg2[%get3A_9, %get3A_10] : memref<1264x128xf32, #tpu.memory_space<vmem>>, vector<1264x128xf32>
    %add3A_12 = arith.addf %add3A, %get3A_11 : vector<1264x128xf32>
    %mul3A = vector.broadcast %slice3A : vector<1264x1xf32> to vector<1264x128xf32>
    %mul3A_13 = arith.mulf %add3A_12, %mul3A : vector<1264x128xf32>
    %get3A_14 = arith.constant 0 : index
    %get3A_15 = arith.constant 0 : index
    %get3A_16 = vector.load %arg4[%get3A_14, %get3A_15] : memref<1x128xf32, #tpu.memory_space<vmem>>, vector<1x128xf32>
    %add3A_17 = vector.broadcast %get3A_16 : vector<1x128xf32> to vector<1264x128xf32>
    %add3A_18 = arith.addf %mul3A_13, %add3A_17 : vector<1264x128xf32>
    %max3A = arith.constant 0.000000e+00 : f32
    %max3A_19 = vector.broadcast %max3A : f32 to vector<1264x128xf32>
    %max3A_20 = arith.maximumf %add3A_18, %max3A_19 : vector<1264x128xf32>
    %get3A_21 = arith.constant 0 : index
    %get3A_22 = arith.constant 0 : index
    %get3A_23 = vector.load %arg5[%get3A_21, %get3A_22] : memref<128x64xf32, #tpu.memory_space<vmem>>, vector<128x64xf32>
    %dot_general3A = arith.constant dense<0.000000e+00> : vector<1264x64xf32>
    %dot_general3A_24 = tpu.matmul %max3A_20, %get3A_23, %dot_general3A {dimension_numbers = #tpu.dot_dimension_numbers<[1], [0], [0], [1], [0, 0, 1, 1], [], []>, precision = #tpu.contract_precision<fp32>, transpose_lhs_hint = false} : vector<1264x128xf32>, vector<128x64xf32>, vector<1264x64xf32> -> vector<1264x64xf32>
    %mul3A_25 = vector.broadcast %slice3A : vector<1264x1xf32> to vector<1264x64xf32>
    %mul3A_26 = arith.mulf %dot_general3A_24, %mul3A_25 : vector<1264x64xf32>
    %swap3A = arith.constant 0 : index
    %swap3A_27 = arith.constant 0 : index
    %swap3A_28 = vector.load %arg6[%swap3A, %swap3A_27] : memref<1264x64xf32, #tpu.memory_space<vmem>>, vector<1264x64xf32>
    tpu.vector_store %arg6[%swap3A, %swap3A_27], %mul3A_26 {strides = array<i32>} : memref<1264x64xf32, #tpu.memory_space<vmem>>, vector<1264x64xf32>,
    return
  }
  func.func @transform_0(%arg0: i32) -> (i32, i32, i32) {
    %c0_i32 = arith.constant 0 : i32
    %c0_i32_0 = arith.constant 0 : i32
    %c0_i32_1 = arith.constant 0 : i32
    return %c0_i32, %arg0, %c0_i32_0 : i32, i32, i32
  }
  func.func @transform_1(%arg0: i32) -> (i32, i32) {
    %c0_i32 = arith.constant 0 : i32
    %c0_i32_0 = arith.constant 0 : i32
    return %arg0, %c0_i32 : i32, i32
  }
  func.func @transform_2(%arg0: i32) -> (i32, i32) {
    %c0_i32 = arith.constant 0 : i32
    %c0_i32_0 = arith.constant 0 : i32
    return %arg0, %c0_i32 : i32, i32
  }
  func.func @transform_3(%arg0: i32) -> (i32, i32) {
    %c0_i32 = arith.constant 0 : i32
    %c0_i32_0 = arith.constant 0 : i32
    %c0_i32_1 = arith.constant 0 : i32
    return %c0_i32, %c0_i32_0 : i32, i32
  }
  func.func @transform_4(%arg0: i32) -> (i32, i32) {
    %c0_i32 = arith.constant 0 : i32
    %c0_i32_0 = arith.constant 0 : i32
    %c0_i32_1 = arith.constant 0 : i32
    return %c0_i32, %c0_i32_0 : i32, i32
  }
  func.func @transform_5(%arg0: i32) -> (i32, i32) {
    %c0_i32 = arith.constant 0 : i32
    %c0_i32_0 = arith.constant 0 : i32
    return %arg0, %c0_i32 : i32, i32
  }
}

module attributes {stable_mosaic.version = 14 : i64} {
  func.func @body(%arg0: i32, %arg1: memref<2x1264x64xf32, #tpu.memory_space<vmem>>, %arg2: memref<1264x64xf32, #tpu.memory_space<vmem>>, %arg3: memref<1264x16xf32, #tpu.memory_space<vmem>>, %arg4: memref<1x64xf32, #tpu.memory_space<vmem>>, %arg5: memref<1264x16xi32, #tpu.memory_space<vmem>>, %arg6: memref<64x64xf32, #tpu.memory_space<vmem>>, %arg7: memref<64x64xf32, #tpu.memory_space<vmem>>, %arg8: memref<64x8xf32, #tpu.memory_space<vmem>>) attributes {dimension_semantics = [#tpu.dimension_semantics<arbitrary>], iteration_bounds = array<i64: 8>, scalar_prefetch = 0 : i64, scratch_operands = 0 : i64, tpu.core_type = #tpu.core_type<tc>, window_params = [{transform_indices = @transform_0, window_bounds = array<i64: 2, 1264, 64>}, {transform_indices = @transform_1, window_bounds = array<i64: 1264, 64>}, {transform_indices = @transform_2, window_bounds = array<i64: 1264, 16>}, {pipeline_mode = #tpu.pipeline_mode<synchronous>, transform_indices = @transform_3, window_bounds = array<i64: 1, 64>}, {transform_indices = @transform_4, window_bounds = array<i64: 1264, 16>}, {pipeline_mode = #tpu.pipeline_mode<synchronous>, transform_indices = @transform_5, window_bounds = array<i64: 64, 64>}, {pipeline_mode = #tpu.pipeline_mode<synchronous>, transform_indices = @transform_6, window_bounds = array<i64: 64, 64>}, {pipeline_mode = #tpu.pipeline_mode<synchronous>, transform_indices = @transform_7, window_bounds = array<i64: 64, 8>}]} {
    %get3A = arith.constant 0 : index
    %get3A_0 = arith.constant 0 : index
    %get3A_1 = arith.constant 0 : index
    %get3A_2 = vector.load %arg1[%get3A, %get3A_0, %get3A_1] : memref<2x1264x64xf32, #tpu.memory_space<vmem>>, vector<2x1264x64xf32>
    %get3A_3 = arith.constant 0 : index
    %get3A_4 = arith.constant 0 : index
    %get3A_5 = vector.load %arg3[%get3A_3, %get3A_4] : memref<1264x16xf32, #tpu.memory_space<vmem>>, vector<1264x16xf32>
    %slice3A = vector.extract_strided_slice %get3A_5 {offsets = [0, 0], sizes = [1264, 1], strides = [1, 1]} : vector<1264x16xf32> to vector<1264x1xf32>
    %slice3A_6 = vector.extract_strided_slice %get3A_2 {offsets = [0, 0, 0], sizes = [1, 1264, 64], strides = [1, 1, 1]} : vector<2x1264x64xf32> to vector<1x1264x64xf32>
    %squeeze3A = vector.shape_cast %slice3A_6 : vector<1x1264x64xf32> to vector<1264x64xf32>
    %slice3A_7 = vector.extract_strided_slice %get3A_2 {offsets = [1, 0, 0], sizes = [1, 1264, 64], strides = [1, 1, 1]} : vector<2x1264x64xf32> to vector<1x1264x64xf32>
    %squeeze3A_8 = vector.shape_cast %slice3A_7 : vector<1x1264x64xf32> to vector<1264x64xf32>
    %add3A = arith.addf %squeeze3A, %squeeze3A_8 : vector<1264x64xf32>
    %get3A_9 = arith.constant 0 : index
    %get3A_10 = arith.constant 0 : index
    %get3A_11 = vector.load %arg2[%get3A_9, %get3A_10] : memref<1264x64xf32, #tpu.memory_space<vmem>>, vector<1264x64xf32>
    %add3A_12 = arith.addf %add3A, %get3A_11 : vector<1264x64xf32>
    %mul3A = vector.broadcast %slice3A : vector<1264x1xf32> to vector<1264x64xf32>
    %mul3A_13 = arith.mulf %add3A_12, %mul3A : vector<1264x64xf32>
    %get3A_14 = arith.constant 0 : index
    %get3A_15 = arith.constant 0 : index
    %get3A_16 = vector.load %arg4[%get3A_14, %get3A_15] : memref<1x64xf32, #tpu.memory_space<vmem>>, vector<1x64xf32>
    %add3A_17 = vector.broadcast %get3A_16 : vector<1x64xf32> to vector<1264x64xf32>
    %add3A_18 = arith.addf %mul3A_13, %add3A_17 : vector<1264x64xf32>
    %max3A = arith.constant 0.000000e+00 : f32
    %max3A_19 = vector.broadcast %max3A : f32 to vector<1264x64xf32>
    %max3A_20 = arith.maximumf %add3A_18, %max3A_19 : vector<1264x64xf32>
    %get3A_21 = arith.constant 0 : index
    %get3A_22 = arith.constant 0 : index
    %get3A_23 = vector.load %arg5[%get3A_21, %get3A_22] : memref<1264x16xi32, #tpu.memory_space<vmem>>, vector<1264x16xi32>
    %slice3A_24 = vector.extract_strided_slice %get3A_23 {offsets = [0, 0], sizes = [1264, 1], strides = [1, 1]} : vector<1264x16xi32> to vector<1264x1xi32>
    %iota3A = tpu.iota {dimensions = array<i32: 1>} : vector<1264x64xi32>
    %eq3A = vector.broadcast %slice3A_24 : vector<1264x1xi32> to vector<1264x64xi32>
    %eq3A_25 = arith.cmpi eq, %eq3A, %iota3A : vector<1264x64xi32>
    %jit3A = arith.constant 1.000000e+00 : f32
    %jit3A_26 = arith.constant 0.000000e+00 : f32
    %broadcast_in_dim3A = vector.broadcast %jit3A : f32 to vector<1264x64xf32>
    %broadcast_in_dim3A_27 = vector.broadcast %jit3A_26 : f32 to vector<1264x64xf32>
    %select_n3A = arith.select %eq3A_25, %broadcast_in_dim3A, %broadcast_in_dim3A_27 : vector<1264x64xi1>, vector<1264x64xf32>
    %eq3A_28 = arith.constant 0 : i32
    %eq3A_29 = arith.cmpi eq, %arg0, %eq3A_28 : i32
    %convert_element_type3A = arith.extui %eq3A_29 : i1 to i32
    %cond3A = arith.constant 0 : i32
    %cond3A_30 = arith.cmpi ne, %convert_element_type3A, %cond3A : i32
    scf.if %cond3A_30 {
      %broadcast_in_dim3A_1328 = arith.constant 0.000000e+00 : f32
      %broadcast_in_dim3A_1329 = vector.broadcast %broadcast_in_dim3A_1328 : f32 to vector<64x64xf32>
      %swap3A_1330 = arith.constant 0 : index
      %swap3A_1331 = arith.constant 0 : index
      %swap3A_1332 = vector.load %arg6[%swap3A_1330, %swap3A_1331] : memref<64x64xf32, #tpu.memory_space<vmem>>, vector<64x64xf32>
      tpu.vector_store %arg6[%swap3A_1330, %swap3A_1331], %broadcast_in_dim3A_1329 {strides = array<i32>} : memref<64x64xf32, #tpu.memory_space<vmem>>, vector<64x64xf32>,
      %broadcast_in_dim3A_1333 = arith.constant 0.000000e+00 : f32
      %broadcast_in_dim3A_1334 = vector.broadcast %broadcast_in_dim3A_1333 : f32 to vector<64x64xf32>
      %swap3A_1335 = arith.constant 0 : index
      %swap3A_1336 = arith.constant 0 : index
      %swap3A_1337 = vector.load %arg7[%swap3A_1335, %swap3A_1336] : memref<64x64xf32, #tpu.memory_space<vmem>>, vector<64x64xf32>
      tpu.vector_store %arg7[%swap3A_1335, %swap3A_1336], %broadcast_in_dim3A_1334 {strides = array<i32>} : memref<64x64xf32, #tpu.memory_space<vmem>>, vector<64x64xf32>,
      %broadcast_in_dim3A_1338 = arith.constant 0.000000e+00 : f32
      %broadcast_in_dim3A_1339 = vector.broadcast %broadcast_in_dim3A_1338 : f32 to vector<64x8xf32>
      %swap3A_1340 = arith.constant 0 : index
      %swap3A_1341 = arith.constant 0 : index
      %swap3A_1342 = vector.load %arg8[%swap3A_1340, %swap3A_1341] : memref<64x8xf32, #tpu.memory_space<vmem>>, vector<64x8xf32>
      tpu.vector_store %arg8[%swap3A_1340, %swap3A_1341], %broadcast_in_dim3A_1339 {strides = array<i32>} : memref<64x8xf32, #tpu.memory_space<vmem>>, vector<64x8xf32>,
    } else {
    }
    %get3A_31 = arith.constant 0 : index
    %get3A_32 = arith.constant 0 : index
    %get3A_33 = vector.load %arg6[%get3A_31, %get3A_32] : memref<64x64xf32, #tpu.memory_space<vmem>>, vector<64x64xf32>
    %dot_general3A = arith.constant dense<0.000000e+00> : vector<64x64xf32>
    %dot_general3A_34 = tpu.matmul %select_n3A, %max3A_20, %dot_general3A {dimension_numbers = #tpu.dot_dimension_numbers<[0], [0], [1], [1], [0, 1, 1, 1], [], []>, precision = #tpu.contract_precision<fp32>, transpose_lhs_hint = false} : vector<1264x64xf32>, vector<1264x64xf32>, vector<64x64xf32> -> vector<64x64xf32>
    %add3A_35 = arith.addf %get3A_33, %dot_general3A_34 : vector<64x64xf32>
    %swap3A = arith.constant 0 : index
    %swap3A_36 = arith.constant 0 : index
    %swap3A_37 = vector.load %arg6[%swap3A, %swap3A_36] : memref<64x64xf32, #tpu.memory_space<vmem>>, vector<64x64xf32>
    tpu.vector_store %arg6[%swap3A, %swap3A_36], %add3A_35 {strides = array<i32>} : memref<64x64xf32, #tpu.memory_space<vmem>>, vector<64x64xf32>,
    %get3A_38 = arith.constant 0 : index
    %get3A_39 = arith.constant 0 : index
    %get3A_40 = vector.load %arg8[%get3A_38, %get3A_39] : memref<64x8xf32, #tpu.memory_space<vmem>>, vector<64x8xf32>
    %broadcast_in_dim3A_41 = arith.constant 1.000000e+00 : f32
    %broadcast_in_dim3A_42 = vector.broadcast %broadcast_in_dim3A_41 : f32 to vector<1264x8xf32>
    %dot_general3A_43 = arith.constant dense<0.000000e+00> : vector<64x8xf32>
    %dot_general3A_44 = tpu.matmul %select_n3A, %broadcast_in_dim3A_42, %dot_general3A_43 {dimension_numbers = #tpu.dot_dimension_numbers<[0], [0], [1], [1], [0, 1, 1, 1], [], []>, precision = #tpu.contract_precision<fp32>, transpose_lhs_hint = false} : vector<1264x64xf32>, vector<1264x8xf32>, vector<64x8xf32> -> vector<64x8xf32>
    %add3A_45 = arith.addf %get3A_40, %dot_general3A_44 : vector<64x8xf32>
    %swap3A_46 = arith.constant 0 : index
    %swap3A_47 = arith.constant 0 : index
    %swap3A_48 = vector.load %arg8[%swap3A_46, %swap3A_47] : memref<64x8xf32, #tpu.memory_space<vmem>>, vector<64x8xf32>
    tpu.vector_store %arg8[%swap3A_46, %swap3A_47], %add3A_45 {strides = array<i32>} : memref<64x8xf32, #tpu.memory_space<vmem>>, vector<64x8xf32>,
    %eq3A_49 = arith.constant 0 : i32
    %eq3A_50 = vector.broadcast %eq3A_49 : i32 to vector<1264x1xi32>
    %eq3A_51 = arith.cmpi eq, %slice3A_24, %eq3A_50 : vector<1264x1xi32>
    %jit3A_52 = arith.constant 1.000000e+00 : f32
    %jit3A_53 = arith.constant 0.000000e+00 : f32
    %broadcast_in_dim3A_54 = vector.broadcast %jit3A_52 : f32 to vector<1264x1xf32>
    %broadcast_in_dim3A_55 = vector.broadcast %jit3A_53 : f32 to vector<1264x1xf32>
    %select_n3A_56 = arith.select %eq3A_51, %broadcast_in_dim3A_54, %broadcast_in_dim3A_55 : vector<1264x1xi1>, vector<1264x1xf32>
    %mul3A_57 = vector.broadcast %select_n3A_56 : vector<1264x1xf32> to vector<1264x64xf32>
    %mul3A_58 = arith.mulf %max3A_20, %mul3A_57 : vector<1264x64xf32>
    %reduce_max3A = arith.constant dense<0xFF800000> : vector<64xf32>
    %reduce_max3A_59 = vector.multi_reduction <maximumf>, %mul3A_58, %reduce_max3A [0] : vector<1264x64xf32> to vector<64xf32>
    %broadcast_in_dim3A_60 = vector.shape_cast %reduce_max3A_59 : vector<64xf32> to vector<1x64xf32>
    %get3A_61 = arith.constant 0 : index
    %get3A_62 = arith.constant 0 : index
    %get3A_63 = vector.load %arg7[%get3A_61, %get3A_62] : memref<64x64xf32, #tpu.memory_space<vmem>>, vector<1x64xf32>
    %max3A_64 = arith.maximumf %get3A_63, %broadcast_in_dim3A_60 : vector<1x64xf32>
    %swap3A_65 = arith.constant 0 : index
    %swap3A_66 = arith.constant 0 : index
    %swap3A_67 = vector.load %arg7[%swap3A_65, %swap3A_66] : memref<64x64xf32, #tpu.memory_space<vmem>>, vector<1x64xf32>
    tpu.vector_store %arg7[%swap3A_65, %swap3A_66], %max3A_64 {strides = array<i32>} : memref<64x64xf32, #tpu.memory_space<vmem>>, vector<1x64xf32>,
    %eq3A_68 = arith.constant 1 : i32
    %eq3A_69 = vector.broadcast %eq3A_68 : i32 to vector<1264x1xi32>
    %eq3A_70 = arith.cmpi eq, %slice3A_24, %eq3A_69 : vector<1264x1xi32>
    %jit3A_71 = arith.constant 1.000000e+00 : f32
    %jit3A_72 = arith.constant 0.000000e+00 : f32
    %broadcast_in_dim3A_73 = vector.broadcast %jit3A_71 : f32 to vector<1264x1xf32>
    %broadcast_in_dim3A_74 = vector.broadcast %jit3A_72 : f32 to vector<1264x1xf32>
    %select_n3A_75 = arith.select %eq3A_70, %broadcast_in_dim3A_73, %broadcast_in_dim3A_74 : vector<1264x1xi1>, vector<1264x1xf32>
    %mul3A_76 = vector.broadcast %select_n3A_75 : vector<1264x1xf32> to vector<1264x64xf32>
    %mul3A_77 = arith.mulf %max3A_20, %mul3A_76 : vector<1264x64xf32>
    %reduce_max3A_78 = arith.constant dense<0xFF800000> : vector<64xf32>
    %reduce_max3A_79 = vector.multi_reduction <maximumf>, %mul3A_77, %reduce_max3A_78 [0] : vector<1264x64xf32> to vector<64xf32>
    %broadcast_in_dim3A_80 = vector.shape_cast %reduce_max3A_79 : vector<64xf32> to vector<1x64xf32>
    %get3A_81 = arith.constant 1 : index
    %get3A_82 = arith.constant 0 : index
    %get3A_83 = vector.load %arg7[%get3A_81, %get3A_82] : memref<64x64xf32, #tpu.memory_space<vmem>>, vector<1x64xf32>
    %max3A_84 = arith.maximumf %get3A_83, %broadcast_in_dim3A_80 : vector<1x64xf32>
    %swap3A_85 = arith.constant 1 : index
    %swap3A_86 = arith.constant 0 : index
    %swap3A_87 = vector.load %arg7[%swap3A_85, %swap3A_86] : memref<64x64xf32, #tpu.memory_space<vmem>>, vector<1x64xf32>
    tpu.vector_store %arg7[%swap3A_85, %swap3A_86], %max3A_84 {strides = array<i32>} : memref<64x64xf32, #tpu.memory_space<vmem>>, vector<1x64xf32>,
    %eq3A_88 = arith.constant 2 : i32
    %eq3A_89 = vector.broadcast %eq3A_88 : i32 to vector<1264x1xi32>
    %eq3A_90 = arith.cmpi eq, %slice3A_24, %eq3A_89 : vector<1264x1xi32>
    %jit3A_91 = arith.constant 1.000000e+00 : f32
    %jit3A_92 = arith.constant 0.000000e+00 : f32
    %broadcast_in_dim3A_93 = vector.broadcast %jit3A_91 : f32 to vector<1264x1xf32>
    %broadcast_in_dim3A_94 = vector.broadcast %jit3A_92 : f32 to vector<1264x1xf32>
    %select_n3A_95 = arith.select %eq3A_90, %broadcast_in_dim3A_93, %broadcast_in_dim3A_94 : vector<1264x1xi1>, vector<1264x1xf32>
    %mul3A_96 = vector.broadcast %select_n3A_95 : vector<1264x1xf32> to vector<1264x64xf32>
    %mul3A_97 = arith.mulf %max3A_20, %mul3A_96 : vector<1264x64xf32>
    %reduce_max3A_98 = arith.constant dense<0xFF800000> : vector<64xf32>
    %reduce_max3A_99 = vector.multi_reduction <maximumf>, %mul3A_97, %reduce_max3A_98 [0] : vector<1264x64xf32> to vector<64xf32>
    %broadcast_in_dim3A_100 = vector.shape_cast %reduce_max3A_99 : vector<64xf32> to vector<1x64xf32>
    %get3A_101 = arith.constant 2 : index
    %get3A_102 = arith.constant 0 : index
    %get3A_103 = vector.load %arg7[%get3A_101, %get3A_102] : memref<64x64xf32, #tpu.memory_space<vmem>>, vector<1x64xf32>
    %max3A_104 = arith.maximumf %get3A_103, %broadcast_in_dim3A_100 : vector<1x64xf32>
    %swap3A_105 = arith.constant 2 : index
    %swap3A_106 = arith.constant 0 : index
    %swap3A_107 = vector.load %arg7[%swap3A_105, %swap3A_106] : memref<64x64xf32, #tpu.memory_space<vmem>>, vector<1x64xf32>
    tpu.vector_store %arg7[%swap3A_105, %swap3A_106], %max3A_104 {strides = array<i32>} : memref<64x64xf32, #tpu.memory_space<vmem>>, vector<1x64xf32>,
    %eq3A_108 = arith.constant 3 : i32
    %eq3A_109 = vector.broadcast %eq3A_108 : i32 to vector<1264x1xi32>
    %eq3A_110 = arith.cmpi eq, %slice3A_24, %eq3A_109 : vector<1264x1xi32>
    %jit3A_111 = arith.constant 1.000000e+00 : f32
    %jit3A_112 = arith.constant 0.000000e+00 : f32
    %broadcast_in_dim3A_113 = vector.broadcast %jit3A_111 : f32 to vector<1264x1xf32>
    %broadcast_in_dim3A_114 = vector.broadcast %jit3A_112 : f32 to vector<1264x1xf32>
    %select_n3A_115 = arith.select %eq3A_110, %broadcast_in_dim3A_113, %broadcast_in_dim3A_114 : vector<1264x1xi1>, vector<1264x1xf32>
    %mul3A_116 = vector.broadcast %select_n3A_115 : vector<1264x1xf32> to vector<1264x64xf32>
    %mul3A_117 = arith.mulf %max3A_20, %mul3A_116 : vector<1264x64xf32>
    %reduce_max3A_118 = arith.constant dense<0xFF800000> : vector<64xf32>
    %reduce_max3A_119 = vector.multi_reduction <maximumf>, %mul3A_117, %reduce_max3A_118 [0] : vector<1264x64xf32> to vector<64xf32>
    %broadcast_in_dim3A_120 = vector.shape_cast %reduce_max3A_119 : vector<64xf32> to vector<1x64xf32>
    %get3A_121 = arith.constant 3 : index
    %get3A_122 = arith.constant 0 : index
    %get3A_123 = vector.load %arg7[%get3A_121, %get3A_122] : memref<64x64xf32, #tpu.memory_space<vmem>>, vector<1x64xf32>
    %max3A_124 = arith.maximumf %get3A_123, %broadcast_in_dim3A_120 : vector<1x64xf32>
    %swap3A_125 = arith.constant 3 : index
    %swap3A_126 = arith.constant 0 : index
    %swap3A_127 = vector.load %arg7[%swap3A_125, %swap3A_126] : memref<64x64xf32, #tpu.memory_space<vmem>>, vector<1x64xf32>
    tpu.vector_store %arg7[%swap3A_125, %swap3A_126], %max3A_124 {strides = array<i32>} : memref<64x64xf32, #tpu.memory_space<vmem>>, vector<1x64xf32>,
    %eq3A_128 = arith.constant 4 : i32
    %eq3A_129 = vector.broadcast %eq3A_128 : i32 to vector<1264x1xi32>
    %eq3A_130 = arith.cmpi eq, %slice3A_24, %eq3A_129 : vector<1264x1xi32>
    %jit3A_131 = arith.constant 1.000000e+00 : f32
    %jit3A_132 = arith.constant 0.000000e+00 : f32
    %broadcast_in_dim3A_133 = vector.broadcast %jit3A_131 : f32 to vector<1264x1xf32>
    %broadcast_in_dim3A_134 = vector.broadcast %jit3A_132 : f32 to vector<1264x1xf32>
    %select_n3A_135 = arith.select %eq3A_130, %broadcast_in_dim3A_133, %broadcast_in_dim3A_134 : vector<1264x1xi1>, vector<1264x1xf32>
    %mul3A_136 = vector.broadcast %select_n3A_135 : vector<1264x1xf32> to vector<1264x64xf32>
    %mul3A_137 = arith.mulf %max3A_20, %mul3A_136 : vector<1264x64xf32>
    %reduce_max3A_138 = arith.constant dense<0xFF800000> : vector<64xf32>
    %reduce_max3A_139 = vector.multi_reduction <maximumf>, %mul3A_137, %reduce_max3A_138 [0] : vector<1264x64xf32> to vector<64xf32>
    %broadcast_in_dim3A_140 = vector.shape_cast %reduce_max3A_139 : vector<64xf32> to vector<1x64xf32>
    %get3A_141 = arith.constant 4 : index
    %get3A_142 = arith.constant 0 : index
    %get3A_143 = vector.load %arg7[%get3A_141, %get3A_142] : memref<64x64xf32, #tpu.memory_space<vmem>>, vector<1x64xf32>
    %max3A_144 = arith.maximumf %get3A_143, %broadcast_in_dim3A_140 : vector<1x64xf32>
    %swap3A_145 = arith.constant 4 : index
    %swap3A_146 = arith.constant 0 : index
    %swap3A_147 = vector.load %arg7[%swap3A_145, %swap3A_146] : memref<64x64xf32, #tpu.memory_space<vmem>>, vector<1x64xf32>
    tpu.vector_store %arg7[%swap3A_145, %swap3A_146], %max3A_144 {strides = array<i32>} : memref<64x64xf32, #tpu.memory_space<vmem>>, vector<1x64xf32>,
    %eq3A_148 = arith.constant 5 : i32
    %eq3A_149 = vector.broadcast %eq3A_148 : i32 to vector<1264x1xi32>
    %eq3A_150 = arith.cmpi eq, %slice3A_24, %eq3A_149 : vector<1264x1xi32>
    %jit3A_151 = arith.constant 1.000000e+00 : f32
    %jit3A_152 = arith.constant 0.000000e+00 : f32
    %broadcast_in_dim3A_153 = vector.broadcast %jit3A_151 : f32 to vector<1264x1xf32>
    %broadcast_in_dim3A_154 = vector.broadcast %jit3A_152 : f32 to vector<1264x1xf32>
    %select_n3A_155 = arith.select %eq3A_150, %broadcast_in_dim3A_153, %broadcast_in_dim3A_154 : vector<1264x1xi1>, vector<1264x1xf32>
    %mul3A_156 = vector.broadcast %select_n3A_155 : vector<1264x1xf32> to vector<1264x64xf32>
    %mul3A_157 = arith.mulf %max3A_20, %mul3A_156 : vector<1264x64xf32>
    %reduce_max3A_158 = arith.constant dense<0xFF800000> : vector<64xf32>
    %reduce_max3A_159 = vector.multi_reduction <maximumf>, %mul3A_157, %reduce_max3A_158 [0] : vector<1264x64xf32> to vector<64xf32>
    %broadcast_in_dim3A_160 = vector.shape_cast %reduce_max3A_159 : vector<64xf32> to vector<1x64xf32>
    %get3A_161 = arith.constant 5 : index
    %get3A_162 = arith.constant 0 : index
    %get3A_163 = vector.load %arg7[%get3A_161, %get3A_162] : memref<64x64xf32, #tpu.memory_space<vmem>>, vector<1x64xf32>
    %max3A_164 = arith.maximumf %get3A_163, %broadcast_in_dim3A_160 : vector<1x64xf32>
    %swap3A_165 = arith.constant 5 : index
    %swap3A_166 = arith.constant 0 : index
    %swap3A_167 = vector.load %arg7[%swap3A_165, %swap3A_166] : memref<64x64xf32, #tpu.memory_space<vmem>>, vector<1x64xf32>
    tpu.vector_store %arg7[%swap3A_165, %swap3A_166], %max3A_164 {strides = array<i32>} : memref<64x64xf32, #tpu.memory_space<vmem>>, vector<1x64xf32>,
    %eq3A_168 = arith.constant 6 : i32
    %eq3A_169 = vector.broadcast %eq3A_168 : i32 to vector<1264x1xi32>
    %eq3A_170 = arith.cmpi eq, %slice3A_24, %eq3A_169 : vector<1264x1xi32>
    %jit3A_171 = arith.constant 1.000000e+00 : f32
    %jit3A_172 = arith.constant 0.000000e+00 : f32
    %broadcast_in_dim3A_173 = vector.broadcast %jit3A_171 : f32 to vector<1264x1xf32>
    %broadcast_in_dim3A_174 = vector.broadcast %jit3A_172 : f32 to vector<1264x1xf32>
    %select_n3A_175 = arith.select %eq3A_170, %broadcast_in_dim3A_173, %broadcast_in_dim3A_174 : vector<1264x1xi1>, vector<1264x1xf32>
    %mul3A_176 = vector.broadcast %select_n3A_175 : vector<1264x1xf32> to vector<1264x64xf32>
    %mul3A_177 = arith.mulf %max3A_20, %mul3A_176 : vector<1264x64xf32>
    %reduce_max3A_178 = arith.constant dense<0xFF800000> : vector<64xf32>
    %reduce_max3A_179 = vector.multi_reduction <maximumf>, %mul3A_177, %reduce_max3A_178 [0] : vector<1264x64xf32> to vector<64xf32>
    %broadcast_in_dim3A_180 = vector.shape_cast %reduce_max3A_179 : vector<64xf32> to vector<1x64xf32>
    %get3A_181 = arith.constant 6 : index
    %get3A_182 = arith.constant 0 : index
    %get3A_183 = vector.load %arg7[%get3A_181, %get3A_182] : memref<64x64xf32, #tpu.memory_space<vmem>>, vector<1x64xf32>
    %max3A_184 = arith.maximumf %get3A_183, %broadcast_in_dim3A_180 : vector<1x64xf32>
    %swap3A_185 = arith.constant 6 : index
    %swap3A_186 = arith.constant 0 : index
    %swap3A_187 = vector.load %arg7[%swap3A_185, %swap3A_186] : memref<64x64xf32, #tpu.memory_space<vmem>>, vector<1x64xf32>
    tpu.vector_store %arg7[%swap3A_185, %swap3A_186], %max3A_184 {strides = array<i32>} : memref<64x64xf32, #tpu.memory_space<vmem>>, vector<1x64xf32>,
    %eq3A_188 = arith.constant 7 : i32
    %eq3A_189 = vector.broadcast %eq3A_188 : i32 to vector<1264x1xi32>
    %eq3A_190 = arith.cmpi eq, %slice3A_24, %eq3A_189 : vector<1264x1xi32>
    %jit3A_191 = arith.constant 1.000000e+00 : f32
    %jit3A_192 = arith.constant 0.000000e+00 : f32
    %broadcast_in_dim3A_193 = vector.broadcast %jit3A_191 : f32 to vector<1264x1xf32>
    %broadcast_in_dim3A_194 = vector.broadcast %jit3A_192 : f32 to vector<1264x1xf32>
    %select_n3A_195 = arith.select %eq3A_190, %broadcast_in_dim3A_193, %broadcast_in_dim3A_194 : vector<1264x1xi1>, vector<1264x1xf32>
    %mul3A_196 = vector.broadcast %select_n3A_195 : vector<1264x1xf32> to vector<1264x64xf32>
    %mul3A_197 = arith.mulf %max3A_20, %mul3A_196 : vector<1264x64xf32>
    %reduce_max3A_198 = arith.constant dense<0xFF800000> : vector<64xf32>
    %reduce_max3A_199 = vector.multi_reduction <maximumf>, %mul3A_197, %reduce_max3A_198 [0] : vector<1264x64xf32> to vector<64xf32>
    %broadcast_in_dim3A_200 = vector.shape_cast %reduce_max3A_199 : vector<64xf32> to vector<1x64xf32>
    %get3A_201 = arith.constant 7 : index
    %get3A_202 = arith.constant 0 : index
    %get3A_203 = vector.load %arg7[%get3A_201, %get3A_202] : memref<64x64xf32, #tpu.memory_space<vmem>>, vector<1x64xf32>
    %max3A_204 = arith.maximumf %get3A_203, %broadcast_in_dim3A_200 : vector<1x64xf32>
    %swap3A_205 = arith.constant 7 : index
    %swap3A_206 = arith.constant 0 : index
    %swap3A_207 = vector.load %arg7[%swap3A_205, %swap3A_206] : memref<64x64xf32, #tpu.memory_space<vmem>>, vector<1x64xf32>
    tpu.vector_store %arg7[%swap3A_205, %swap3A_206], %max3A_204 {strides = array<i32>} : memref<64x64xf32, #tpu.memory_space<vmem>>, vector<1x64xf32>,
    %eq3A_208 = arith.constant 8 : i32
    %eq3A_209 = vector.broadcast %eq3A_208 : i32 to vector<1264x1xi32>
    %eq3A_210 = arith.cmpi eq, %slice3A_24, %eq3A_209 : vector<1264x1xi32>
    %jit3A_211 = arith.constant 1.000000e+00 : f32
    %jit3A_212 = arith.constant 0.000000e+00 : f32
    %broadcast_in_dim3A_213 = vector.broadcast %jit3A_211 : f32 to vector<1264x1xf32>
    %broadcast_in_dim3A_214 = vector.broadcast %jit3A_212 : f32 to vector<1264x1xf32>
    %select_n3A_215 = arith.select %eq3A_210, %broadcast_in_dim3A_213, %broadcast_in_dim3A_214 : vector<1264x1xi1>, vector<1264x1xf32>
    %mul3A_216 = vector.broadcast %select_n3A_215 : vector<1264x1xf32> to vector<1264x64xf32>
    %mul3A_217 = arith.mulf %max3A_20, %mul3A_216 : vector<1264x64xf32>
    %reduce_max3A_218 = arith.constant dense<0xFF800000> : vector<64xf32>
    %reduce_max3A_219 = vector.multi_reduction <maximumf>, %mul3A_217, %reduce_max3A_218 [0] : vector<1264x64xf32> to vector<64xf32>
    %broadcast_in_dim3A_220 = vector.shape_cast %reduce_max3A_219 : vector<64xf32> to vector<1x64xf32>
    %get3A_221 = arith.constant 8 : index
    %get3A_222 = arith.constant 0 : index
    %get3A_223 = vector.load %arg7[%get3A_221, %get3A_222] : memref<64x64xf32, #tpu.memory_space<vmem>>, vector<1x64xf32>
    %max3A_224 = arith.maximumf %get3A_223, %broadcast_in_dim3A_220 : vector<1x64xf32>
    %swap3A_225 = arith.constant 8 : index
    %swap3A_226 = arith.constant 0 : index
    %swap3A_227 = vector.load %arg7[%swap3A_225, %swap3A_226] : memref<64x64xf32, #tpu.memory_space<vmem>>, vector<1x64xf32>
    tpu.vector_store %arg7[%swap3A_225, %swap3A_226], %max3A_224 {strides = array<i32>} : memref<64x64xf32, #tpu.memory_space<vmem>>, vector<1x64xf32>,
    %eq3A_228 = arith.constant 9 : i32
    %eq3A_229 = vector.broadcast %eq3A_228 : i32 to vector<1264x1xi32>
    %eq3A_230 = arith.cmpi eq, %slice3A_24, %eq3A_229 : vector<1264x1xi32>
    %jit3A_231 = arith.constant 1.000000e+00 : f32
    %jit3A_232 = arith.constant 0.000000e+00 : f32
    %broadcast_in_dim3A_233 = vector.broadcast %jit3A_231 : f32 to vector<1264x1xf32>
    %broadcast_in_dim3A_234 = vector.broadcast %jit3A_232 : f32 to vector<1264x1xf32>
    %select_n3A_235 = arith.select %eq3A_230, %broadcast_in_dim3A_233, %broadcast_in_dim3A_234 : vector<1264x1xi1>, vector<1264x1xf32>
    %mul3A_236 = vector.broadcast %select_n3A_235 : vector<1264x1xf32> to vector<1264x64xf32>
    %mul3A_237 = arith.mulf %max3A_20, %mul3A_236 : vector<1264x64xf32>
    %reduce_max3A_238 = arith.constant dense<0xFF800000> : vector<64xf32>
    %reduce_max3A_239 = vector.multi_reduction <maximumf>, %mul3A_237, %reduce_max3A_238 [0] : vector<1264x64xf32> to vector<64xf32>
    %broadcast_in_dim3A_240 = vector.shape_cast %reduce_max3A_239 : vector<64xf32> to vector<1x64xf32>
    %get3A_241 = arith.constant 9 : index
    %get3A_242 = arith.constant 0 : index
    %get3A_243 = vector.load %arg7[%get3A_241, %get3A_242] : memref<64x64xf32, #tpu.memory_space<vmem>>, vector<1x64xf32>
    %max3A_244 = arith.maximumf %get3A_243, %broadcast_in_dim3A_240 : vector<1x64xf32>
    %swap3A_245 = arith.constant 9 : index
    %swap3A_246 = arith.constant 0 : index
    %swap3A_247 = vector.load %arg7[%swap3A_245, %swap3A_246] : memref<64x64xf32, #tpu.memory_space<vmem>>, vector<1x64xf32>
    tpu.vector_store %arg7[%swap3A_245, %swap3A_246], %max3A_244 {strides = array<i32>} : memref<64x64xf32, #tpu.memory_space<vmem>>, vector<1x64xf32>,
    %eq3A_248 = arith.constant 10 : i32
    %eq3A_249 = vector.broadcast %eq3A_248 : i32 to vector<1264x1xi32>
    %eq3A_250 = arith.cmpi eq, %slice3A_24, %eq3A_249 : vector<1264x1xi32>
    %jit3A_251 = arith.constant 1.000000e+00 : f32
    %jit3A_252 = arith.constant 0.000000e+00 : f32
    %broadcast_in_dim3A_253 = vector.broadcast %jit3A_251 : f32 to vector<1264x1xf32>
    %broadcast_in_dim3A_254 = vector.broadcast %jit3A_252 : f32 to vector<1264x1xf32>
    %select_n3A_255 = arith.select %eq3A_250, %broadcast_in_dim3A_253, %broadcast_in_dim3A_254 : vector<1264x1xi1>, vector<1264x1xf32>
    %mul3A_256 = vector.broadcast %select_n3A_255 : vector<1264x1xf32> to vector<1264x64xf32>
    %mul3A_257 = arith.mulf %max3A_20, %mul3A_256 : vector<1264x64xf32>
    %reduce_max3A_258 = arith.constant dense<0xFF800000> : vector<64xf32>
    %reduce_max3A_259 = vector.multi_reduction <maximumf>, %mul3A_257, %reduce_max3A_258 [0] : vector<1264x64xf32> to vector<64xf32>
    %broadcast_in_dim3A_260 = vector.shape_cast %reduce_max3A_259 : vector<64xf32> to vector<1x64xf32>
    %get3A_261 = arith.constant 10 : index
    %get3A_262 = arith.constant 0 : index
    %get3A_263 = vector.load %arg7[%get3A_261, %get3A_262] : memref<64x64xf32, #tpu.memory_space<vmem>>, vector<1x64xf32>
    %max3A_264 = arith.maximumf %get3A_263, %broadcast_in_dim3A_260 : vector<1x64xf32>
    %swap3A_265 = arith.constant 10 : index
    %swap3A_266 = arith.constant 0 : index
    %swap3A_267 = vector.load %arg7[%swap3A_265, %swap3A_266] : memref<64x64xf32, #tpu.memory_space<vmem>>, vector<1x64xf32>
    tpu.vector_store %arg7[%swap3A_265, %swap3A_266], %max3A_264 {strides = array<i32>} : memref<64x64xf32, #tpu.memory_space<vmem>>, vector<1x64xf32>,
    %eq3A_268 = arith.constant 11 : i32
    %eq3A_269 = vector.broadcast %eq3A_268 : i32 to vector<1264x1xi32>
    %eq3A_270 = arith.cmpi eq, %slice3A_24, %eq3A_269 : vector<1264x1xi32>
    %jit3A_271 = arith.constant 1.000000e+00 : f32
    %jit3A_272 = arith.constant 0.000000e+00 : f32
    %broadcast_in_dim3A_273 = vector.broadcast %jit3A_271 : f32 to vector<1264x1xf32>
    %broadcast_in_dim3A_274 = vector.broadcast %jit3A_272 : f32 to vector<1264x1xf32>
    %select_n3A_275 = arith.select %eq3A_270, %broadcast_in_dim3A_273, %broadcast_in_dim3A_274 : vector<1264x1xi1>, vector<1264x1xf32>
    %mul3A_276 = vector.broadcast %select_n3A_275 : vector<1264x1xf32> to vector<1264x64xf32>
    %mul3A_277 = arith.mulf %max3A_20, %mul3A_276 : vector<1264x64xf32>
    %reduce_max3A_278 = arith.constant dense<0xFF800000> : vector<64xf32>
    %reduce_max3A_279 = vector.multi_reduction <maximumf>, %mul3A_277, %reduce_max3A_278 [0] : vector<1264x64xf32> to vector<64xf32>
    %broadcast_in_dim3A_280 = vector.shape_cast %reduce_max3A_279 : vector<64xf32> to vector<1x64xf32>
    %get3A_281 = arith.constant 11 : index
    %get3A_282 = arith.constant 0 : index
    %get3A_283 = vector.load %arg7[%get3A_281, %get3A_282] : memref<64x64xf32, #tpu.memory_space<vmem>>, vector<1x64xf32>
    %max3A_284 = arith.maximumf %get3A_283, %broadcast_in_dim3A_280 : vector<1x64xf32>
    %swap3A_285 = arith.constant 11 : index
    %swap3A_286 = arith.constant 0 : index
    %swap3A_287 = vector.load %arg7[%swap3A_285, %swap3A_286] : memref<64x64xf32, #tpu.memory_space<vmem>>, vector<1x64xf32>
    tpu.vector_store %arg7[%swap3A_285, %swap3A_286], %max3A_284 {strides = array<i32>} : memref<64x64xf32, #tpu.memory_space<vmem>>, vector<1x64xf32>,
    %eq3A_288 = arith.constant 12 : i32
    %eq3A_289 = vector.broadcast %eq3A_288 : i32 to vector<1264x1xi32>
    %eq3A_290 = arith.cmpi eq, %slice3A_24, %eq3A_289 : vector<1264x1xi32>
    %jit3A_291 = arith.constant 1.000000e+00 : f32
    %jit3A_292 = arith.constant 0.000000e+00 : f32
    %broadcast_in_dim3A_293 = vector.broadcast %jit3A_291 : f32 to vector<1264x1xf32>
    %broadcast_in_dim3A_294 = vector.broadcast %jit3A_292 : f32 to vector<1264x1xf32>
    %select_n3A_295 = arith.select %eq3A_290, %broadcast_in_dim3A_293, %broadcast_in_dim3A_294 : vector<1264x1xi1>, vector<1264x1xf32>
    %mul3A_296 = vector.broadcast %select_n3A_295 : vector<1264x1xf32> to vector<1264x64xf32>
    %mul3A_297 = arith.mulf %max3A_20, %mul3A_296 : vector<1264x64xf32>
    %reduce_max3A_298 = arith.constant dense<0xFF800000> : vector<64xf32>
    %reduce_max3A_299 = vector.multi_reduction <maximumf>, %mul3A_297, %reduce_max3A_298 [0] : vector<1264x64xf32> to vector<64xf32>
    %broadcast_in_dim3A_300 = vector.shape_cast %reduce_max3A_299 : vector<64xf32> to vector<1x64xf32>
    %get3A_301 = arith.constant 12 : index
    %get3A_302 = arith.constant 0 : index
    %get3A_303 = vector.load %arg7[%get3A_301, %get3A_302] : memref<64x64xf32, #tpu.memory_space<vmem>>, vector<1x64xf32>
    %max3A_304 = arith.maximumf %get3A_303, %broadcast_in_dim3A_300 : vector<1x64xf32>
    %swap3A_305 = arith.constant 12 : index
    %swap3A_306 = arith.constant 0 : index
    %swap3A_307 = vector.load %arg7[%swap3A_305, %swap3A_306] : memref<64x64xf32, #tpu.memory_space<vmem>>, vector<1x64xf32>
    tpu.vector_store %arg7[%swap3A_305, %swap3A_306], %max3A_304 {strides = array<i32>} : memref<64x64xf32, #tpu.memory_space<vmem>>, vector<1x64xf32>,
    %eq3A_308 = arith.constant 13 : i32
    %eq3A_309 = vector.broadcast %eq3A_308 : i32 to vector<1264x1xi32>
    %eq3A_310 = arith.cmpi eq, %slice3A_24, %eq3A_309 : vector<1264x1xi32>
    %jit3A_311 = arith.constant 1.000000e+00 : f32
    %jit3A_312 = arith.constant 0.000000e+00 : f32
    %broadcast_in_dim3A_313 = vector.broadcast %jit3A_311 : f32 to vector<1264x1xf32>
    %broadcast_in_dim3A_314 = vector.broadcast %jit3A_312 : f32 to vector<1264x1xf32>
    %select_n3A_315 = arith.select %eq3A_310, %broadcast_in_dim3A_313, %broadcast_in_dim3A_314 : vector<1264x1xi1>, vector<1264x1xf32>
    %mul3A_316 = vector.broadcast %select_n3A_315 : vector<1264x1xf32> to vector<1264x64xf32>
    %mul3A_317 = arith.mulf %max3A_20, %mul3A_316 : vector<1264x64xf32>
    %reduce_max3A_318 = arith.constant dense<0xFF800000> : vector<64xf32>
    %reduce_max3A_319 = vector.multi_reduction <maximumf>, %mul3A_317, %reduce_max3A_318 [0] : vector<1264x64xf32> to vector<64xf32>
    %broadcast_in_dim3A_320 = vector.shape_cast %reduce_max3A_319 : vector<64xf32> to vector<1x64xf32>
    %get3A_321 = arith.constant 13 : index
    %get3A_322 = arith.constant 0 : index
    %get3A_323 = vector.load %arg7[%get3A_321, %get3A_322] : memref<64x64xf32, #tpu.memory_space<vmem>>, vector<1x64xf32>
    %max3A_324 = arith.maximumf %get3A_323, %broadcast_in_dim3A_320 : vector<1x64xf32>
    %swap3A_325 = arith.constant 13 : index
    %swap3A_326 = arith.constant 0 : index
    %swap3A_327 = vector.load %arg7[%swap3A_325, %swap3A_326] : memref<64x64xf32, #tpu.memory_space<vmem>>, vector<1x64xf32>
    tpu.vector_store %arg7[%swap3A_325, %swap3A_326], %max3A_324 {strides = array<i32>} : memref<64x64xf32, #tpu.memory_space<vmem>>, vector<1x64xf32>,
    %eq3A_328 = arith.constant 14 : i32
    %eq3A_329 = vector.broadcast %eq3A_328 : i32 to vector<1264x1xi32>
    %eq3A_330 = arith.cmpi eq, %slice3A_24, %eq3A_329 : vector<1264x1xi32>
    %jit3A_331 = arith.constant 1.000000e+00 : f32
    %jit3A_332 = arith.constant 0.000000e+00 : f32
    %broadcast_in_dim3A_333 = vector.broadcast %jit3A_331 : f32 to vector<1264x1xf32>
    %broadcast_in_dim3A_334 = vector.broadcast %jit3A_332 : f32 to vector<1264x1xf32>
    %select_n3A_335 = arith.select %eq3A_330, %broadcast_in_dim3A_333, %broadcast_in_dim3A_334 : vector<1264x1xi1>, vector<1264x1xf32>
    %mul3A_336 = vector.broadcast %select_n3A_335 : vector<1264x1xf32> to vector<1264x64xf32>
    %mul3A_337 = arith.mulf %max3A_20, %mul3A_336 : vector<1264x64xf32>
    %reduce_max3A_338 = arith.constant dense<0xFF800000> : vector<64xf32>
    %reduce_max3A_339 = vector.multi_reduction <maximumf>, %mul3A_337, %reduce_max3A_338 [0] : vector<1264x64xf32> to vector<64xf32>
    %broadcast_in_dim3A_340 = vector.shape_cast %reduce_max3A_339 : vector<64xf32> to vector<1x64xf32>
    %get3A_341 = arith.constant 14 : index
    %get3A_342 = arith.constant 0 : index
    %get3A_343 = vector.load %arg7[%get3A_341, %get3A_342] : memref<64x64xf32, #tpu.memory_space<vmem>>, vector<1x64xf32>
    %max3A_344 = arith.maximumf %get3A_343, %broadcast_in_dim3A_340 : vector<1x64xf32>
    %swap3A_345 = arith.constant 14 : index
    %swap3A_346 = arith.constant 0 : index
    %swap3A_347 = vector.load %arg7[%swap3A_345, %swap3A_346] : memref<64x64xf32, #tpu.memory_space<vmem>>, vector<1x64xf32>
    tpu.vector_store %arg7[%swap3A_345, %swap3A_346], %max3A_344 {strides = array<i32>} : memref<64x64xf32, #tpu.memory_space<vmem>>, vector<1x64xf32>,
    %eq3A_348 = arith.constant 15 : i32
    %eq3A_349 = vector.broadcast %eq3A_348 : i32 to vector<1264x1xi32>
    %eq3A_350 = arith.cmpi eq, %slice3A_24, %eq3A_349 : vector<1264x1xi32>
    %jit3A_351 = arith.constant 1.000000e+00 : f32
    %jit3A_352 = arith.constant 0.000000e+00 : f32
    %broadcast_in_dim3A_353 = vector.broadcast %jit3A_351 : f32 to vector<1264x1xf32>
    %broadcast_in_dim3A_354 = vector.broadcast %jit3A_352 : f32 to vector<1264x1xf32>
    %select_n3A_355 = arith.select %eq3A_350, %broadcast_in_dim3A_353, %broadcast_in_dim3A_354 : vector<1264x1xi1>, vector<1264x1xf32>
    %mul3A_356 = vector.broadcast %select_n3A_355 : vector<1264x1xf32> to vector<1264x64xf32>
    %mul3A_357 = arith.mulf %max3A_20, %mul3A_356 : vector<1264x64xf32>
    %reduce_max3A_358 = arith.constant dense<0xFF800000> : vector<64xf32>
    %reduce_max3A_359 = vector.multi_reduction <maximumf>, %mul3A_357, %reduce_max3A_358 [0] : vector<1264x64xf32> to vector<64xf32>
    %broadcast_in_dim3A_360 = vector.shape_cast %reduce_max3A_359 : vector<64xf32> to vector<1x64xf32>
    %get3A_361 = arith.constant 15 : index
    %get3A_362 = arith.constant 0 : index
    %get3A_363 = vector.load %arg7[%get3A_361, %get3A_362] : memref<64x64xf32, #tpu.memory_space<vmem>>, vector<1x64xf32>
    %max3A_364 = arith.maximumf %get3A_363, %broadcast_in_dim3A_360 : vector<1x64xf32>
    %swap3A_365 = arith.constant 15 : index
    %swap3A_366 = arith.constant 0 : index
    %swap3A_367 = vector.load %arg7[%swap3A_365, %swap3A_366] : memref<64x64xf32, #tpu.memory_space<vmem>>, vector<1x64xf32>
    tpu.vector_store %arg7[%swap3A_365, %swap3A_366], %max3A_364 {strides = array<i32>} : memref<64x64xf32, #tpu.memory_space<vmem>>, vector<1x64xf32>,
    %eq3A_368 = arith.constant 16 : i32
    %eq3A_369 = vector.broadcast %eq3A_368 : i32 to vector<1264x1xi32>
    %eq3A_370 = arith.cmpi eq, %slice3A_24, %eq3A_369 : vector<1264x1xi32>
    %jit3A_371 = arith.constant 1.000000e+00 : f32
    %jit3A_372 = arith.constant 0.000000e+00 : f32
    %broadcast_in_dim3A_373 = vector.broadcast %jit3A_371 : f32 to vector<1264x1xf32>
    %broadcast_in_dim3A_374 = vector.broadcast %jit3A_372 : f32 to vector<1264x1xf32>
    %select_n3A_375 = arith.select %eq3A_370, %broadcast_in_dim3A_373, %broadcast_in_dim3A_374 : vector<1264x1xi1>, vector<1264x1xf32>
    %mul3A_376 = vector.broadcast %select_n3A_375 : vector<1264x1xf32> to vector<1264x64xf32>
    %mul3A_377 = arith.mulf %max3A_20, %mul3A_376 : vector<1264x64xf32>
    %reduce_max3A_378 = arith.constant dense<0xFF800000> : vector<64xf32>
    %reduce_max3A_379 = vector.multi_reduction <maximumf>, %mul3A_377, %reduce_max3A_378 [0] : vector<1264x64xf32> to vector<64xf32>
    %broadcast_in_dim3A_380 = vector.shape_cast %reduce_max3A_379 : vector<64xf32> to vector<1x64xf32>
    %get3A_381 = arith.constant 16 : index
    %get3A_382 = arith.constant 0 : index
    %get3A_383 = vector.load %arg7[%get3A_381, %get3A_382] : memref<64x64xf32, #tpu.memory_space<vmem>>, vector<1x64xf32>
    %max3A_384 = arith.maximumf %get3A_383, %broadcast_in_dim3A_380 : vector<1x64xf32>
    %swap3A_385 = arith.constant 16 : index
    %swap3A_386 = arith.constant 0 : index
    %swap3A_387 = vector.load %arg7[%swap3A_385, %swap3A_386] : memref<64x64xf32, #tpu.memory_space<vmem>>, vector<1x64xf32>
    tpu.vector_store %arg7[%swap3A_385, %swap3A_386], %max3A_384 {strides = array<i32>} : memref<64x64xf32, #tpu.memory_space<vmem>>, vector<1x64xf32>,
    %eq3A_388 = arith.constant 17 : i32
    %eq3A_389 = vector.broadcast %eq3A_388 : i32 to vector<1264x1xi32>
    %eq3A_390 = arith.cmpi eq, %slice3A_24, %eq3A_389 : vector<1264x1xi32>
    %jit3A_391 = arith.constant 1.000000e+00 : f32
    %jit3A_392 = arith.constant 0.000000e+00 : f32
    %broadcast_in_dim3A_393 = vector.broadcast %jit3A_391 : f32 to vector<1264x1xf32>
    %broadcast_in_dim3A_394 = vector.broadcast %jit3A_392 : f32 to vector<1264x1xf32>
    %select_n3A_395 = arith.select %eq3A_390, %broadcast_in_dim3A_393, %broadcast_in_dim3A_394 : vector<1264x1xi1>, vector<1264x1xf32>
    %mul3A_396 = vector.broadcast %select_n3A_395 : vector<1264x1xf32> to vector<1264x64xf32>
    %mul3A_397 = arith.mulf %max3A_20, %mul3A_396 : vector<1264x64xf32>
    %reduce_max3A_398 = arith.constant dense<0xFF800000> : vector<64xf32>
    %reduce_max3A_399 = vector.multi_reduction <maximumf>, %mul3A_397, %reduce_max3A_398 [0] : vector<1264x64xf32> to vector<64xf32>
    %broadcast_in_dim3A_400 = vector.shape_cast %reduce_max3A_399 : vector<64xf32> to vector<1x64xf32>
    %get3A_401 = arith.constant 17 : index
    %get3A_402 = arith.constant 0 : index
    %get3A_403 = vector.load %arg7[%get3A_401, %get3A_402] : memref<64x64xf32, #tpu.memory_space<vmem>>, vector<1x64xf32>
    %max3A_404 = arith.maximumf %get3A_403, %broadcast_in_dim3A_400 : vector<1x64xf32>
    %swap3A_405 = arith.constant 17 : index
    %swap3A_406 = arith.constant 0 : index
    %swap3A_407 = vector.load %arg7[%swap3A_405, %swap3A_406] : memref<64x64xf32, #tpu.memory_space<vmem>>, vector<1x64xf32>
    tpu.vector_store %arg7[%swap3A_405, %swap3A_406], %max3A_404 {strides = array<i32>} : memref<64x64xf32, #tpu.memory_space<vmem>>, vector<1x64xf32>,
    %eq3A_408 = arith.constant 18 : i32
    %eq3A_409 = vector.broadcast %eq3A_408 : i32 to vector<1264x1xi32>
    %eq3A_410 = arith.cmpi eq, %slice3A_24, %eq3A_409 : vector<1264x1xi32>
    %jit3A_411 = arith.constant 1.000000e+00 : f32
    %jit3A_412 = arith.constant 0.000000e+00 : f32
    %broadcast_in_dim3A_413 = vector.broadcast %jit3A_411 : f32 to vector<1264x1xf32>
    %broadcast_in_dim3A_414 = vector.broadcast %jit3A_412 : f32 to vector<1264x1xf32>
    %select_n3A_415 = arith.select %eq3A_410, %broadcast_in_dim3A_413, %broadcast_in_dim3A_414 : vector<1264x1xi1>, vector<1264x1xf32>
    %mul3A_416 = vector.broadcast %select_n3A_415 : vector<1264x1xf32> to vector<1264x64xf32>
    %mul3A_417 = arith.mulf %max3A_20, %mul3A_416 : vector<1264x64xf32>
    %reduce_max3A_418 = arith.constant dense<0xFF800000> : vector<64xf32>
    %reduce_max3A_419 = vector.multi_reduction <maximumf>, %mul3A_417, %reduce_max3A_418 [0] : vector<1264x64xf32> to vector<64xf32>
    %broadcast_in_dim3A_420 = vector.shape_cast %reduce_max3A_419 : vector<64xf32> to vector<1x64xf32>
    %get3A_421 = arith.constant 18 : index
    %get3A_422 = arith.constant 0 : index
    %get3A_423 = vector.load %arg7[%get3A_421, %get3A_422] : memref<64x64xf32, #tpu.memory_space<vmem>>, vector<1x64xf32>
    %max3A_424 = arith.maximumf %get3A_423, %broadcast_in_dim3A_420 : vector<1x64xf32>
    %swap3A_425 = arith.constant 18 : index
    %swap3A_426 = arith.constant 0 : index
    %swap3A_427 = vector.load %arg7[%swap3A_425, %swap3A_426] : memref<64x64xf32, #tpu.memory_space<vmem>>, vector<1x64xf32>
    tpu.vector_store %arg7[%swap3A_425, %swap3A_426], %max3A_424 {strides = array<i32>} : memref<64x64xf32, #tpu.memory_space<vmem>>, vector<1x64xf32>,
    %eq3A_428 = arith.constant 19 : i32
    %eq3A_429 = vector.broadcast %eq3A_428 : i32 to vector<1264x1xi32>
    %eq3A_430 = arith.cmpi eq, %slice3A_24, %eq3A_429 : vector<1264x1xi32>
    %jit3A_431 = arith.constant 1.000000e+00 : f32
    %jit3A_432 = arith.constant 0.000000e+00 : f32
    %broadcast_in_dim3A_433 = vector.broadcast %jit3A_431 : f32 to vector<1264x1xf32>
    %broadcast_in_dim3A_434 = vector.broadcast %jit3A_432 : f32 to vector<1264x1xf32>
    %select_n3A_435 = arith.select %eq3A_430, %broadcast_in_dim3A_433, %broadcast_in_dim3A_434 : vector<1264x1xi1>, vector<1264x1xf32>
    %mul3A_436 = vector.broadcast %select_n3A_435 : vector<1264x1xf32> to vector<1264x64xf32>
    %mul3A_437 = arith.mulf %max3A_20, %mul3A_436 : vector<1264x64xf32>
    %reduce_max3A_438 = arith.constant dense<0xFF800000> : vector<64xf32>
    %reduce_max3A_439 = vector.multi_reduction <maximumf>, %mul3A_437, %reduce_max3A_438 [0] : vector<1264x64xf32> to vector<64xf32>
    %broadcast_in_dim3A_440 = vector.shape_cast %reduce_max3A_439 : vector<64xf32> to vector<1x64xf32>
    %get3A_441 = arith.constant 19 : index
    %get3A_442 = arith.constant 0 : index
    %get3A_443 = vector.load %arg7[%get3A_441, %get3A_442] : memref<64x64xf32, #tpu.memory_space<vmem>>, vector<1x64xf32>
    %max3A_444 = arith.maximumf %get3A_443, %broadcast_in_dim3A_440 : vector<1x64xf32>
    %swap3A_445 = arith.constant 19 : index
    %swap3A_446 = arith.constant 0 : index
    %swap3A_447 = vector.load %arg7[%swap3A_445, %swap3A_446] : memref<64x64xf32, #tpu.memory_space<vmem>>, vector<1x64xf32>
    tpu.vector_store %arg7[%swap3A_445, %swap3A_446], %max3A_444 {strides = array<i32>} : memref<64x64xf32, #tpu.memory_space<vmem>>, vector<1x64xf32>,
    %eq3A_448 = arith.constant 20 : i32
    %eq3A_449 = vector.broadcast %eq3A_448 : i32 to vector<1264x1xi32>
    %eq3A_450 = arith.cmpi eq, %slice3A_24, %eq3A_449 : vector<1264x1xi32>
    %jit3A_451 = arith.constant 1.000000e+00 : f32
    %jit3A_452 = arith.constant 0.000000e+00 : f32
    %broadcast_in_dim3A_453 = vector.broadcast %jit3A_451 : f32 to vector<1264x1xf32>
    %broadcast_in_dim3A_454 = vector.broadcast %jit3A_452 : f32 to vector<1264x1xf32>
    %select_n3A_455 = arith.select %eq3A_450, %broadcast_in_dim3A_453, %broadcast_in_dim3A_454 : vector<1264x1xi1>, vector<1264x1xf32>
    %mul3A_456 = vector.broadcast %select_n3A_455 : vector<1264x1xf32> to vector<1264x64xf32>
    %mul3A_457 = arith.mulf %max3A_20, %mul3A_456 : vector<1264x64xf32>
    %reduce_max3A_458 = arith.constant dense<0xFF800000> : vector<64xf32>
    %reduce_max3A_459 = vector.multi_reduction <maximumf>, %mul3A_457, %reduce_max3A_458 [0] : vector<1264x64xf32> to vector<64xf32>
    %broadcast_in_dim3A_460 = vector.shape_cast %reduce_max3A_459 : vector<64xf32> to vector<1x64xf32>
    %get3A_461 = arith.constant 20 : index
    %get3A_462 = arith.constant 0 : index
    %get3A_463 = vector.load %arg7[%get3A_461, %get3A_462] : memref<64x64xf32, #tpu.memory_space<vmem>>, vector<1x64xf32>
    %max3A_464 = arith.maximumf %get3A_463, %broadcast_in_dim3A_460 : vector<1x64xf32>
    %swap3A_465 = arith.constant 20 : index
    %swap3A_466 = arith.constant 0 : index
    %swap3A_467 = vector.load %arg7[%swap3A_465, %swap3A_466] : memref<64x64xf32, #tpu.memory_space<vmem>>, vector<1x64xf32>
    tpu.vector_store %arg7[%swap3A_465, %swap3A_466], %max3A_464 {strides = array<i32>} : memref<64x64xf32, #tpu.memory_space<vmem>>, vector<1x64xf32>,
    %eq3A_468 = arith.constant 21 : i32
    %eq3A_469 = vector.broadcast %eq3A_468 : i32 to vector<1264x1xi32>
    %eq3A_470 = arith.cmpi eq, %slice3A_24, %eq3A_469 : vector<1264x1xi32>
    %jit3A_471 = arith.constant 1.000000e+00 : f32
    %jit3A_472 = arith.constant 0.000000e+00 : f32
    %broadcast_in_dim3A_473 = vector.broadcast %jit3A_471 : f32 to vector<1264x1xf32>
    %broadcast_in_dim3A_474 = vector.broadcast %jit3A_472 : f32 to vector<1264x1xf32>
    %select_n3A_475 = arith.select %eq3A_470, %broadcast_in_dim3A_473, %broadcast_in_dim3A_474 : vector<1264x1xi1>, vector<1264x1xf32>
    %mul3A_476 = vector.broadcast %select_n3A_475 : vector<1264x1xf32> to vector<1264x64xf32>
    %mul3A_477 = arith.mulf %max3A_20, %mul3A_476 : vector<1264x64xf32>
    %reduce_max3A_478 = arith.constant dense<0xFF800000> : vector<64xf32>
    %reduce_max3A_479 = vector.multi_reduction <maximumf>, %mul3A_477, %reduce_max3A_478 [0] : vector<1264x64xf32> to vector<64xf32>
    %broadcast_in_dim3A_480 = vector.shape_cast %reduce_max3A_479 : vector<64xf32> to vector<1x64xf32>
    %get3A_481 = arith.constant 21 : index
    %get3A_482 = arith.constant 0 : index
    %get3A_483 = vector.load %arg7[%get3A_481, %get3A_482] : memref<64x64xf32, #tpu.memory_space<vmem>>, vector<1x64xf32>
    %max3A_484 = arith.maximumf %get3A_483, %broadcast_in_dim3A_480 : vector<1x64xf32>
    %swap3A_485 = arith.constant 21 : index
    %swap3A_486 = arith.constant 0 : index
    %swap3A_487 = vector.load %arg7[%swap3A_485, %swap3A_486] : memref<64x64xf32, #tpu.memory_space<vmem>>, vector<1x64xf32>
    tpu.vector_store %arg7[%swap3A_485, %swap3A_486], %max3A_484 {strides = array<i32>} : memref<64x64xf32, #tpu.memory_space<vmem>>, vector<1x64xf32>,
    %eq3A_488 = arith.constant 22 : i32
    %eq3A_489 = vector.broadcast %eq3A_488 : i32 to vector<1264x1xi32>
    %eq3A_490 = arith.cmpi eq, %slice3A_24, %eq3A_489 : vector<1264x1xi32>
    %jit3A_491 = arith.constant 1.000000e+00 : f32
    %jit3A_492 = arith.constant 0.000000e+00 : f32
    %broadcast_in_dim3A_493 = vector.broadcast %jit3A_491 : f32 to vector<1264x1xf32>
    %broadcast_in_dim3A_494 = vector.broadcast %jit3A_492 : f32 to vector<1264x1xf32>
    %select_n3A_495 = arith.select %eq3A_490, %broadcast_in_dim3A_493, %broadcast_in_dim3A_494 : vector<1264x1xi1>, vector<1264x1xf32>
    %mul3A_496 = vector.broadcast %select_n3A_495 : vector<1264x1xf32> to vector<1264x64xf32>
    %mul3A_497 = arith.mulf %max3A_20, %mul3A_496 : vector<1264x64xf32>
    %reduce_max3A_498 = arith.constant dense<0xFF800000> : vector<64xf32>
    %reduce_max3A_499 = vector.multi_reduction <maximumf>, %mul3A_497, %reduce_max3A_498 [0] : vector<1264x64xf32> to vector<64xf32>
    %broadcast_in_dim3A_500 = vector.shape_cast %reduce_max3A_499 : vector<64xf32> to vector<1x64xf32>
    %get3A_501 = arith.constant 22 : index
    %get3A_502 = arith.constant 0 : index
    %get3A_503 = vector.load %arg7[%get3A_501, %get3A_502] : memref<64x64xf32, #tpu.memory_space<vmem>>, vector<1x64xf32>
    %max3A_504 = arith.maximumf %get3A_503, %broadcast_in_dim3A_500 : vector<1x64xf32>
    %swap3A_505 = arith.constant 22 : index
    %swap3A_506 = arith.constant 0 : index
    %swap3A_507 = vector.load %arg7[%swap3A_505, %swap3A_506] : memref<64x64xf32, #tpu.memory_space<vmem>>, vector<1x64xf32>
    tpu.vector_store %arg7[%swap3A_505, %swap3A_506], %max3A_504 {strides = array<i32>} : memref<64x64xf32, #tpu.memory_space<vmem>>, vector<1x64xf32>,
    %eq3A_508 = arith.constant 23 : i32
    %eq3A_509 = vector.broadcast %eq3A_508 : i32 to vector<1264x1xi32>
    %eq3A_510 = arith.cmpi eq, %slice3A_24, %eq3A_509 : vector<1264x1xi32>
    %jit3A_511 = arith.constant 1.000000e+00 : f32
    %jit3A_512 = arith.constant 0.000000e+00 : f32
    %broadcast_in_dim3A_513 = vector.broadcast %jit3A_511 : f32 to vector<1264x1xf32>
    %broadcast_in_dim3A_514 = vector.broadcast %jit3A_512 : f32 to vector<1264x1xf32>
    %select_n3A_515 = arith.select %eq3A_510, %broadcast_in_dim3A_513, %broadcast_in_dim3A_514 : vector<1264x1xi1>, vector<1264x1xf32>
    %mul3A_516 = vector.broadcast %select_n3A_515 : vector<1264x1xf32> to vector<1264x64xf32>
    %mul3A_517 = arith.mulf %max3A_20, %mul3A_516 : vector<1264x64xf32>
    %reduce_max3A_518 = arith.constant dense<0xFF800000> : vector<64xf32>
    %reduce_max3A_519 = vector.multi_reduction <maximumf>, %mul3A_517, %reduce_max3A_518 [0] : vector<1264x64xf32> to vector<64xf32>
    %broadcast_in_dim3A_520 = vector.shape_cast %reduce_max3A_519 : vector<64xf32> to vector<1x64xf32>
    %get3A_521 = arith.constant 23 : index
    %get3A_522 = arith.constant 0 : index
    %get3A_523 = vector.load %arg7[%get3A_521, %get3A_522] : memref<64x64xf32, #tpu.memory_space<vmem>>, vector<1x64xf32>
    %max3A_524 = arith.maximumf %get3A_523, %broadcast_in_dim3A_520 : vector<1x64xf32>
    %swap3A_525 = arith.constant 23 : index
    %swap3A_526 = arith.constant 0 : index
    %swap3A_527 = vector.load %arg7[%swap3A_525, %swap3A_526] : memref<64x64xf32, #tpu.memory_space<vmem>>, vector<1x64xf32>
    tpu.vector_store %arg7[%swap3A_525, %swap3A_526], %max3A_524 {strides = array<i32>} : memref<64x64xf32, #tpu.memory_space<vmem>>, vector<1x64xf32>,
    %eq3A_528 = arith.constant 24 : i32
    %eq3A_529 = vector.broadcast %eq3A_528 : i32 to vector<1264x1xi32>
    %eq3A_530 = arith.cmpi eq, %slice3A_24, %eq3A_529 : vector<1264x1xi32>
    %jit3A_531 = arith.constant 1.000000e+00 : f32
    %jit3A_532 = arith.constant 0.000000e+00 : f32
    %broadcast_in_dim3A_533 = vector.broadcast %jit3A_531 : f32 to vector<1264x1xf32>
    %broadcast_in_dim3A_534 = vector.broadcast %jit3A_532 : f32 to vector<1264x1xf32>
    %select_n3A_535 = arith.select %eq3A_530, %broadcast_in_dim3A_533, %broadcast_in_dim3A_534 : vector<1264x1xi1>, vector<1264x1xf32>
    %mul3A_536 = vector.broadcast %select_n3A_535 : vector<1264x1xf32> to vector<1264x64xf32>
    %mul3A_537 = arith.mulf %max3A_20, %mul3A_536 : vector<1264x64xf32>
    %reduce_max3A_538 = arith.constant dense<0xFF800000> : vector<64xf32>
    %reduce_max3A_539 = vector.multi_reduction <maximumf>, %mul3A_537, %reduce_max3A_538 [0] : vector<1264x64xf32> to vector<64xf32>
    %broadcast_in_dim3A_540 = vector.shape_cast %reduce_max3A_539 : vector<64xf32> to vector<1x64xf32>
    %get3A_541 = arith.constant 24 : index
    %get3A_542 = arith.constant 0 : index
    %get3A_543 = vector.load %arg7[%get3A_541, %get3A_542] : memref<64x64xf32, #tpu.memory_space<vmem>>, vector<1x64xf32>
    %max3A_544 = arith.maximumf %get3A_543, %broadcast_in_dim3A_540 : vector<1x64xf32>
    %swap3A_545 = arith.constant 24 : index
    %swap3A_546 = arith.constant 0 : index
    %swap3A_547 = vector.load %arg7[%swap3A_545, %swap3A_546] : memref<64x64xf32, #tpu.memory_space<vmem>>, vector<1x64xf32>
    tpu.vector_store %arg7[%swap3A_545, %swap3A_546], %max3A_544 {strides = array<i32>} : memref<64x64xf32, #tpu.memory_space<vmem>>, vector<1x64xf32>,
    %eq3A_548 = arith.constant 25 : i32
    %eq3A_549 = vector.broadcast %eq3A_548 : i32 to vector<1264x1xi32>
    %eq3A_550 = arith.cmpi eq, %slice3A_24, %eq3A_549 : vector<1264x1xi32>
    %jit3A_551 = arith.constant 1.000000e+00 : f32
    %jit3A_552 = arith.constant 0.000000e+00 : f32
    %broadcast_in_dim3A_553 = vector.broadcast %jit3A_551 : f32 to vector<1264x1xf32>
    %broadcast_in_dim3A_554 = vector.broadcast %jit3A_552 : f32 to vector<1264x1xf32>
    %select_n3A_555 = arith.select %eq3A_550, %broadcast_in_dim3A_553, %broadcast_in_dim3A_554 : vector<1264x1xi1>, vector<1264x1xf32>
    %mul3A_556 = vector.broadcast %select_n3A_555 : vector<1264x1xf32> to vector<1264x64xf32>
    %mul3A_557 = arith.mulf %max3A_20, %mul3A_556 : vector<1264x64xf32>
    %reduce_max3A_558 = arith.constant dense<0xFF800000> : vector<64xf32>
    %reduce_max3A_559 = vector.multi_reduction <maximumf>, %mul3A_557, %reduce_max3A_558 [0] : vector<1264x64xf32> to vector<64xf32>
    %broadcast_in_dim3A_560 = vector.shape_cast %reduce_max3A_559 : vector<64xf32> to vector<1x64xf32>
    %get3A_561 = arith.constant 25 : index
    %get3A_562 = arith.constant 0 : index
    %get3A_563 = vector.load %arg7[%get3A_561, %get3A_562] : memref<64x64xf32, #tpu.memory_space<vmem>>, vector<1x64xf32>
    %max3A_564 = arith.maximumf %get3A_563, %broadcast_in_dim3A_560 : vector<1x64xf32>
    %swap3A_565 = arith.constant 25 : index
    %swap3A_566 = arith.constant 0 : index
    %swap3A_567 = vector.load %arg7[%swap3A_565, %swap3A_566] : memref<64x64xf32, #tpu.memory_space<vmem>>, vector<1x64xf32>
    tpu.vector_store %arg7[%swap3A_565, %swap3A_566], %max3A_564 {strides = array<i32>} : memref<64x64xf32, #tpu.memory_space<vmem>>, vector<1x64xf32>,
    %eq3A_568 = arith.constant 26 : i32
    %eq3A_569 = vector.broadcast %eq3A_568 : i32 to vector<1264x1xi32>
    %eq3A_570 = arith.cmpi eq, %slice3A_24, %eq3A_569 : vector<1264x1xi32>
    %jit3A_571 = arith.constant 1.000000e+00 : f32
    %jit3A_572 = arith.constant 0.000000e+00 : f32
    %broadcast_in_dim3A_573 = vector.broadcast %jit3A_571 : f32 to vector<1264x1xf32>
    %broadcast_in_dim3A_574 = vector.broadcast %jit3A_572 : f32 to vector<1264x1xf32>
    %select_n3A_575 = arith.select %eq3A_570, %broadcast_in_dim3A_573, %broadcast_in_dim3A_574 : vector<1264x1xi1>, vector<1264x1xf32>
    %mul3A_576 = vector.broadcast %select_n3A_575 : vector<1264x1xf32> to vector<1264x64xf32>
    %mul3A_577 = arith.mulf %max3A_20, %mul3A_576 : vector<1264x64xf32>
    %reduce_max3A_578 = arith.constant dense<0xFF800000> : vector<64xf32>
    %reduce_max3A_579 = vector.multi_reduction <maximumf>, %mul3A_577, %reduce_max3A_578 [0] : vector<1264x64xf32> to vector<64xf32>
    %broadcast_in_dim3A_580 = vector.shape_cast %reduce_max3A_579 : vector<64xf32> to vector<1x64xf32>
    %get3A_581 = arith.constant 26 : index
    %get3A_582 = arith.constant 0 : index
    %get3A_583 = vector.load %arg7[%get3A_581, %get3A_582] : memref<64x64xf32, #tpu.memory_space<vmem>>, vector<1x64xf32>
    %max3A_584 = arith.maximumf %get3A_583, %broadcast_in_dim3A_580 : vector<1x64xf32>
    %swap3A_585 = arith.constant 26 : index
    %swap3A_586 = arith.constant 0 : index
    %swap3A_587 = vector.load %arg7[%swap3A_585, %swap3A_586] : memref<64x64xf32, #tpu.memory_space<vmem>>, vector<1x64xf32>
    tpu.vector_store %arg7[%swap3A_585, %swap3A_586], %max3A_584 {strides = array<i32>} : memref<64x64xf32, #tpu.memory_space<vmem>>, vector<1x64xf32>,
    %eq3A_588 = arith.constant 27 : i32
    %eq3A_589 = vector.broadcast %eq3A_588 : i32 to vector<1264x1xi32>
    %eq3A_590 = arith.cmpi eq, %slice3A_24, %eq3A_589 : vector<1264x1xi32>
    %jit3A_591 = arith.constant 1.000000e+00 : f32
    %jit3A_592 = arith.constant 0.000000e+00 : f32
    %broadcast_in_dim3A_593 = vector.broadcast %jit3A_591 : f32 to vector<1264x1xf32>
    %broadcast_in_dim3A_594 = vector.broadcast %jit3A_592 : f32 to vector<1264x1xf32>
    %select_n3A_595 = arith.select %eq3A_590, %broadcast_in_dim3A_593, %broadcast_in_dim3A_594 : vector<1264x1xi1>, vector<1264x1xf32>
    %mul3A_596 = vector.broadcast %select_n3A_595 : vector<1264x1xf32> to vector<1264x64xf32>
    %mul3A_597 = arith.mulf %max3A_20, %mul3A_596 : vector<1264x64xf32>
    %reduce_max3A_598 = arith.constant dense<0xFF800000> : vector<64xf32>
    %reduce_max3A_599 = vector.multi_reduction <maximumf>, %mul3A_597, %reduce_max3A_598 [0] : vector<1264x64xf32> to vector<64xf32>
    %broadcast_in_dim3A_600 = vector.shape_cast %reduce_max3A_599 : vector<64xf32> to vector<1x64xf32>
    %get3A_601 = arith.constant 27 : index
    %get3A_602 = arith.constant 0 : index
    %get3A_603 = vector.load %arg7[%get3A_601, %get3A_602] : memref<64x64xf32, #tpu.memory_space<vmem>>, vector<1x64xf32>
    %max3A_604 = arith.maximumf %get3A_603, %broadcast_in_dim3A_600 : vector<1x64xf32>
    %swap3A_605 = arith.constant 27 : index
    %swap3A_606 = arith.constant 0 : index
    %swap3A_607 = vector.load %arg7[%swap3A_605, %swap3A_606] : memref<64x64xf32, #tpu.memory_space<vmem>>, vector<1x64xf32>
    tpu.vector_store %arg7[%swap3A_605, %swap3A_606], %max3A_604 {strides = array<i32>} : memref<64x64xf32, #tpu.memory_space<vmem>>, vector<1x64xf32>,
    %eq3A_608 = arith.constant 28 : i32
    %eq3A_609 = vector.broadcast %eq3A_608 : i32 to vector<1264x1xi32>
    %eq3A_610 = arith.cmpi eq, %slice3A_24, %eq3A_609 : vector<1264x1xi32>
    %jit3A_611 = arith.constant 1.000000e+00 : f32
    %jit3A_612 = arith.constant 0.000000e+00 : f32
    %broadcast_in_dim3A_613 = vector.broadcast %jit3A_611 : f32 to vector<1264x1xf32>
    %broadcast_in_dim3A_614 = vector.broadcast %jit3A_612 : f32 to vector<1264x1xf32>
    %select_n3A_615 = arith.select %eq3A_610, %broadcast_in_dim3A_613, %broadcast_in_dim3A_614 : vector<1264x1xi1>, vector<1264x1xf32>
    %mul3A_616 = vector.broadcast %select_n3A_615 : vector<1264x1xf32> to vector<1264x64xf32>
    %mul3A_617 = arith.mulf %max3A_20, %mul3A_616 : vector<1264x64xf32>
    %reduce_max3A_618 = arith.constant dense<0xFF800000> : vector<64xf32>
    %reduce_max3A_619 = vector.multi_reduction <maximumf>, %mul3A_617, %reduce_max3A_618 [0] : vector<1264x64xf32> to vector<64xf32>
    %broadcast_in_dim3A_620 = vector.shape_cast %reduce_max3A_619 : vector<64xf32> to vector<1x64xf32>
    %get3A_621 = arith.constant 28 : index
    %get3A_622 = arith.constant 0 : index
    %get3A_623 = vector.load %arg7[%get3A_621, %get3A_622] : memref<64x64xf32, #tpu.memory_space<vmem>>, vector<1x64xf32>
    %max3A_624 = arith.maximumf %get3A_623, %broadcast_in_dim3A_620 : vector<1x64xf32>
    %swap3A_625 = arith.constant 28 : index
    %swap3A_626 = arith.constant 0 : index
    %swap3A_627 = vector.load %arg7[%swap3A_625, %swap3A_626] : memref<64x64xf32, #tpu.memory_space<vmem>>, vector<1x64xf32>
    tpu.vector_store %arg7[%swap3A_625, %swap3A_626], %max3A_624 {strides = array<i32>} : memref<64x64xf32, #tpu.memory_space<vmem>>, vector<1x64xf32>,
    %eq3A_628 = arith.constant 29 : i32
    %eq3A_629 = vector.broadcast %eq3A_628 : i32 to vector<1264x1xi32>
    %eq3A_630 = arith.cmpi eq, %slice3A_24, %eq3A_629 : vector<1264x1xi32>
    %jit3A_631 = arith.constant 1.000000e+00 : f32
    %jit3A_632 = arith.constant 0.000000e+00 : f32
    %broadcast_in_dim3A_633 = vector.broadcast %jit3A_631 : f32 to vector<1264x1xf32>
    %broadcast_in_dim3A_634 = vector.broadcast %jit3A_632 : f32 to vector<1264x1xf32>
    %select_n3A_635 = arith.select %eq3A_630, %broadcast_in_dim3A_633, %broadcast_in_dim3A_634 : vector<1264x1xi1>, vector<1264x1xf32>
    %mul3A_636 = vector.broadcast %select_n3A_635 : vector<1264x1xf32> to vector<1264x64xf32>
    %mul3A_637 = arith.mulf %max3A_20, %mul3A_636 : vector<1264x64xf32>
    %reduce_max3A_638 = arith.constant dense<0xFF800000> : vector<64xf32>
    %reduce_max3A_639 = vector.multi_reduction <maximumf>, %mul3A_637, %reduce_max3A_638 [0] : vector<1264x64xf32> to vector<64xf32>
    %broadcast_in_dim3A_640 = vector.shape_cast %reduce_max3A_639 : vector<64xf32> to vector<1x64xf32>
    %get3A_641 = arith.constant 29 : index
    %get3A_642 = arith.constant 0 : index
    %get3A_643 = vector.load %arg7[%get3A_641, %get3A_642] : memref<64x64xf32, #tpu.memory_space<vmem>>, vector<1x64xf32>
    %max3A_644 = arith.maximumf %get3A_643, %broadcast_in_dim3A_640 : vector<1x64xf32>
    %swap3A_645 = arith.constant 29 : index
    %swap3A_646 = arith.constant 0 : index
    %swap3A_647 = vector.load %arg7[%swap3A_645, %swap3A_646] : memref<64x64xf32, #tpu.memory_space<vmem>>, vector<1x64xf32>
    tpu.vector_store %arg7[%swap3A_645, %swap3A_646], %max3A_644 {strides = array<i32>} : memref<64x64xf32, #tpu.memory_space<vmem>>, vector<1x64xf32>,
    %eq3A_648 = arith.constant 30 : i32
    %eq3A_649 = vector.broadcast %eq3A_648 : i32 to vector<1264x1xi32>
    %eq3A_650 = arith.cmpi eq, %slice3A_24, %eq3A_649 : vector<1264x1xi32>
    %jit3A_651 = arith.constant 1.000000e+00 : f32
    %jit3A_652 = arith.constant 0.000000e+00 : f32
    %broadcast_in_dim3A_653 = vector.broadcast %jit3A_651 : f32 to vector<1264x1xf32>
    %broadcast_in_dim3A_654 = vector.broadcast %jit3A_652 : f32 to vector<1264x1xf32>
    %select_n3A_655 = arith.select %eq3A_650, %broadcast_in_dim3A_653, %broadcast_in_dim3A_654 : vector<1264x1xi1>, vector<1264x1xf32>
    %mul3A_656 = vector.broadcast %select_n3A_655 : vector<1264x1xf32> to vector<1264x64xf32>
    %mul3A_657 = arith.mulf %max3A_20, %mul3A_656 : vector<1264x64xf32>
    %reduce_max3A_658 = arith.constant dense<0xFF800000> : vector<64xf32>
    %reduce_max3A_659 = vector.multi_reduction <maximumf>, %mul3A_657, %reduce_max3A_658 [0] : vector<1264x64xf32> to vector<64xf32>
    %broadcast_in_dim3A_660 = vector.shape_cast %reduce_max3A_659 : vector<64xf32> to vector<1x64xf32>
    %get3A_661 = arith.constant 30 : index
    %get3A_662 = arith.constant 0 : index
    %get3A_663 = vector.load %arg7[%get3A_661, %get3A_662] : memref<64x64xf32, #tpu.memory_space<vmem>>, vector<1x64xf32>
    %max3A_664 = arith.maximumf %get3A_663, %broadcast_in_dim3A_660 : vector<1x64xf32>
    %swap3A_665 = arith.constant 30 : index
    %swap3A_666 = arith.constant 0 : index
    %swap3A_667 = vector.load %arg7[%swap3A_665, %swap3A_666] : memref<64x64xf32, #tpu.memory_space<vmem>>, vector<1x64xf32>
    tpu.vector_store %arg7[%swap3A_665, %swap3A_666], %max3A_664 {strides = array<i32>} : memref<64x64xf32, #tpu.memory_space<vmem>>, vector<1x64xf32>,
    %eq3A_668 = arith.constant 31 : i32
    %eq3A_669 = vector.broadcast %eq3A_668 : i32 to vector<1264x1xi32>
    %eq3A_670 = arith.cmpi eq, %slice3A_24, %eq3A_669 : vector<1264x1xi32>
    %jit3A_671 = arith.constant 1.000000e+00 : f32
    %jit3A_672 = arith.constant 0.000000e+00 : f32
    %broadcast_in_dim3A_673 = vector.broadcast %jit3A_671 : f32 to vector<1264x1xf32>
    %broadcast_in_dim3A_674 = vector.broadcast %jit3A_672 : f32 to vector<1264x1xf32>
    %select_n3A_675 = arith.select %eq3A_670, %broadcast_in_dim3A_673, %broadcast_in_dim3A_674 : vector<1264x1xi1>, vector<1264x1xf32>
    %mul3A_676 = vector.broadcast %select_n3A_675 : vector<1264x1xf32> to vector<1264x64xf32>
    %mul3A_677 = arith.mulf %max3A_20, %mul3A_676 : vector<1264x64xf32>
    %reduce_max3A_678 = arith.constant dense<0xFF800000> : vector<64xf32>
    %reduce_max3A_679 = vector.multi_reduction <maximumf>, %mul3A_677, %reduce_max3A_678 [0] : vector<1264x64xf32> to vector<64xf32>
    %broadcast_in_dim3A_680 = vector.shape_cast %reduce_max3A_679 : vector<64xf32> to vector<1x64xf32>
    %get3A_681 = arith.constant 31 : index
    %get3A_682 = arith.constant 0 : index
    %get3A_683 = vector.load %arg7[%get3A_681, %get3A_682] : memref<64x64xf32, #tpu.memory_space<vmem>>, vector<1x64xf32>
    %max3A_684 = arith.maximumf %get3A_683, %broadcast_in_dim3A_680 : vector<1x64xf32>
    %swap3A_685 = arith.constant 31 : index
    %swap3A_686 = arith.constant 0 : index
    %swap3A_687 = vector.load %arg7[%swap3A_685, %swap3A_686] : memref<64x64xf32, #tpu.memory_space<vmem>>, vector<1x64xf32>
    tpu.vector_store %arg7[%swap3A_685, %swap3A_686], %max3A_684 {strides = array<i32>} : memref<64x64xf32, #tpu.memory_space<vmem>>, vector<1x64xf32>,
    %eq3A_688 = arith.constant 32 : i32
    %eq3A_689 = vector.broadcast %eq3A_688 : i32 to vector<1264x1xi32>
    %eq3A_690 = arith.cmpi eq, %slice3A_24, %eq3A_689 : vector<1264x1xi32>
    %jit3A_691 = arith.constant 1.000000e+00 : f32
    %jit3A_692 = arith.constant 0.000000e+00 : f32
    %broadcast_in_dim3A_693 = vector.broadcast %jit3A_691 : f32 to vector<1264x1xf32>
    %broadcast_in_dim3A_694 = vector.broadcast %jit3A_692 : f32 to vector<1264x1xf32>
    %select_n3A_695 = arith.select %eq3A_690, %broadcast_in_dim3A_693, %broadcast_in_dim3A_694 : vector<1264x1xi1>, vector<1264x1xf32>
    %mul3A_696 = vector.broadcast %select_n3A_695 : vector<1264x1xf32> to vector<1264x64xf32>
    %mul3A_697 = arith.mulf %max3A_20, %mul3A_696 : vector<1264x64xf32>
    %reduce_max3A_698 = arith.constant dense<0xFF800000> : vector<64xf32>
    %reduce_max3A_699 = vector.multi_reduction <maximumf>, %mul3A_697, %reduce_max3A_698 [0] : vector<1264x64xf32> to vector<64xf32>
    %broadcast_in_dim3A_700 = vector.shape_cast %reduce_max3A_699 : vector<64xf32> to vector<1x64xf32>
    %get3A_701 = arith.constant 32 : index
    %get3A_702 = arith.constant 0 : index
    %get3A_703 = vector.load %arg7[%get3A_701, %get3A_702] : memref<64x64xf32, #tpu.memory_space<vmem>>, vector<1x64xf32>
    %max3A_704 = arith.maximumf %get3A_703, %broadcast_in_dim3A_700 : vector<1x64xf32>
    %swap3A_705 = arith.constant 32 : index
    %swap3A_706 = arith.constant 0 : index
    %swap3A_707 = vector.load %arg7[%swap3A_705, %swap3A_706] : memref<64x64xf32, #tpu.memory_space<vmem>>, vector<1x64xf32>
    tpu.vector_store %arg7[%swap3A_705, %swap3A_706], %max3A_704 {strides = array<i32>} : memref<64x64xf32, #tpu.memory_space<vmem>>, vector<1x64xf32>,
    %eq3A_708 = arith.constant 33 : i32
    %eq3A_709 = vector.broadcast %eq3A_708 : i32 to vector<1264x1xi32>
    %eq3A_710 = arith.cmpi eq, %slice3A_24, %eq3A_709 : vector<1264x1xi32>
    %jit3A_711 = arith.constant 1.000000e+00 : f32
    %jit3A_712 = arith.constant 0.000000e+00 : f32
    %broadcast_in_dim3A_713 = vector.broadcast %jit3A_711 : f32 to vector<1264x1xf32>
    %broadcast_in_dim3A_714 = vector.broadcast %jit3A_712 : f32 to vector<1264x1xf32>
    %select_n3A_715 = arith.select %eq3A_710, %broadcast_in_dim3A_713, %broadcast_in_dim3A_714 : vector<1264x1xi1>, vector<1264x1xf32>
    %mul3A_716 = vector.broadcast %select_n3A_715 : vector<1264x1xf32> to vector<1264x64xf32>
    %mul3A_717 = arith.mulf %max3A_20, %mul3A_716 : vector<1264x64xf32>
    %reduce_max3A_718 = arith.constant dense<0xFF800000> : vector<64xf32>
    %reduce_max3A_719 = vector.multi_reduction <maximumf>, %mul3A_717, %reduce_max3A_718 [0] : vector<1264x64xf32> to vector<64xf32>
    %broadcast_in_dim3A_720 = vector.shape_cast %reduce_max3A_719 : vector<64xf32> to vector<1x64xf32>
    %get3A_721 = arith.constant 33 : index
    %get3A_722 = arith.constant 0 : index
    %get3A_723 = vector.load %arg7[%get3A_721, %get3A_722] : memref<64x64xf32, #tpu.memory_space<vmem>>, vector<1x64xf32>
    %max3A_724 = arith.maximumf %get3A_723, %broadcast_in_dim3A_720 : vector<1x64xf32>
    %swap3A_725 = arith.constant 33 : index
    %swap3A_726 = arith.constant 0 : index
    %swap3A_727 = vector.load %arg7[%swap3A_725, %swap3A_726] : memref<64x64xf32, #tpu.memory_space<vmem>>, vector<1x64xf32>
    tpu.vector_store %arg7[%swap3A_725, %swap3A_726], %max3A_724 {strides = array<i32>} : memref<64x64xf32, #tpu.memory_space<vmem>>, vector<1x64xf32>,
    %eq3A_728 = arith.constant 34 : i32
    %eq3A_729 = vector.broadcast %eq3A_728 : i32 to vector<1264x1xi32>
    %eq3A_730 = arith.cmpi eq, %slice3A_24, %eq3A_729 : vector<1264x1xi32>
    %jit3A_731 = arith.constant 1.000000e+00 : f32
    %jit3A_732 = arith.constant 0.000000e+00 : f32
    %broadcast_in_dim3A_733 = vector.broadcast %jit3A_731 : f32 to vector<1264x1xf32>
    %broadcast_in_dim3A_734 = vector.broadcast %jit3A_732 : f32 to vector<1264x1xf32>
    %select_n3A_735 = arith.select %eq3A_730, %broadcast_in_dim3A_733, %broadcast_in_dim3A_734 : vector<1264x1xi1>, vector<1264x1xf32>
    %mul3A_736 = vector.broadcast %select_n3A_735 : vector<1264x1xf32> to vector<1264x64xf32>
    %mul3A_737 = arith.mulf %max3A_20, %mul3A_736 : vector<1264x64xf32>
    %reduce_max3A_738 = arith.constant dense<0xFF800000> : vector<64xf32>
    %reduce_max3A_739 = vector.multi_reduction <maximumf>, %mul3A_737, %reduce_max3A_738 [0] : vector<1264x64xf32> to vector<64xf32>
    %broadcast_in_dim3A_740 = vector.shape_cast %reduce_max3A_739 : vector<64xf32> to vector<1x64xf32>
    %get3A_741 = arith.constant 34 : index
    %get3A_742 = arith.constant 0 : index
    %get3A_743 = vector.load %arg7[%get3A_741, %get3A_742] : memref<64x64xf32, #tpu.memory_space<vmem>>, vector<1x64xf32>
    %max3A_744 = arith.maximumf %get3A_743, %broadcast_in_dim3A_740 : vector<1x64xf32>
    %swap3A_745 = arith.constant 34 : index
    %swap3A_746 = arith.constant 0 : index
    %swap3A_747 = vector.load %arg7[%swap3A_745, %swap3A_746] : memref<64x64xf32, #tpu.memory_space<vmem>>, vector<1x64xf32>
    tpu.vector_store %arg7[%swap3A_745, %swap3A_746], %max3A_744 {strides = array<i32>} : memref<64x64xf32, #tpu.memory_space<vmem>>, vector<1x64xf32>,
    %eq3A_748 = arith.constant 35 : i32
    %eq3A_749 = vector.broadcast %eq3A_748 : i32 to vector<1264x1xi32>
    %eq3A_750 = arith.cmpi eq, %slice3A_24, %eq3A_749 : vector<1264x1xi32>
    %jit3A_751 = arith.constant 1.000000e+00 : f32
    %jit3A_752 = arith.constant 0.000000e+00 : f32
    %broadcast_in_dim3A_753 = vector.broadcast %jit3A_751 : f32 to vector<1264x1xf32>
    %broadcast_in_dim3A_754 = vector.broadcast %jit3A_752 : f32 to vector<1264x1xf32>
    %select_n3A_755 = arith.select %eq3A_750, %broadcast_in_dim3A_753, %broadcast_in_dim3A_754 : vector<1264x1xi1>, vector<1264x1xf32>
    %mul3A_756 = vector.broadcast %select_n3A_755 : vector<1264x1xf32> to vector<1264x64xf32>
    %mul3A_757 = arith.mulf %max3A_20, %mul3A_756 : vector<1264x64xf32>
    %reduce_max3A_758 = arith.constant dense<0xFF800000> : vector<64xf32>
    %reduce_max3A_759 = vector.multi_reduction <maximumf>, %mul3A_757, %reduce_max3A_758 [0] : vector<1264x64xf32> to vector<64xf32>
    %broadcast_in_dim3A_760 = vector.shape_cast %reduce_max3A_759 : vector<64xf32> to vector<1x64xf32>
    %get3A_761 = arith.constant 35 : index
    %get3A_762 = arith.constant 0 : index
    %get3A_763 = vector.load %arg7[%get3A_761, %get3A_762] : memref<64x64xf32, #tpu.memory_space<vmem>>, vector<1x64xf32>
    %max3A_764 = arith.maximumf %get3A_763, %broadcast_in_dim3A_760 : vector<1x64xf32>
    %swap3A_765 = arith.constant 35 : index
    %swap3A_766 = arith.constant 0 : index
    %swap3A_767 = vector.load %arg7[%swap3A_765, %swap3A_766] : memref<64x64xf32, #tpu.memory_space<vmem>>, vector<1x64xf32>
    tpu.vector_store %arg7[%swap3A_765, %swap3A_766], %max3A_764 {strides = array<i32>} : memref<64x64xf32, #tpu.memory_space<vmem>>, vector<1x64xf32>,
    %eq3A_768 = arith.constant 36 : i32
    %eq3A_769 = vector.broadcast %eq3A_768 : i32 to vector<1264x1xi32>
    %eq3A_770 = arith.cmpi eq, %slice3A_24, %eq3A_769 : vector<1264x1xi32>
    %jit3A_771 = arith.constant 1.000000e+00 : f32
    %jit3A_772 = arith.constant 0.000000e+00 : f32
    %broadcast_in_dim3A_773 = vector.broadcast %jit3A_771 : f32 to vector<1264x1xf32>
    %broadcast_in_dim3A_774 = vector.broadcast %jit3A_772 : f32 to vector<1264x1xf32>
    %select_n3A_775 = arith.select %eq3A_770, %broadcast_in_dim3A_773, %broadcast_in_dim3A_774 : vector<1264x1xi1>, vector<1264x1xf32>
    %mul3A_776 = vector.broadcast %select_n3A_775 : vector<1264x1xf32> to vector<1264x64xf32>
    %mul3A_777 = arith.mulf %max3A_20, %mul3A_776 : vector<1264x64xf32>
    %reduce_max3A_778 = arith.constant dense<0xFF800000> : vector<64xf32>
    %reduce_max3A_779 = vector.multi_reduction <maximumf>, %mul3A_777, %reduce_max3A_778 [0] : vector<1264x64xf32> to vector<64xf32>
    %broadcast_in_dim3A_780 = vector.shape_cast %reduce_max3A_779 : vector<64xf32> to vector<1x64xf32>
    %get3A_781 = arith.constant 36 : index
    %get3A_782 = arith.constant 0 : index
    %get3A_783 = vector.load %arg7[%get3A_781, %get3A_782] : memref<64x64xf32, #tpu.memory_space<vmem>>, vector<1x64xf32>
    %max3A_784 = arith.maximumf %get3A_783, %broadcast_in_dim3A_780 : vector<1x64xf32>
    %swap3A_785 = arith.constant 36 : index
    %swap3A_786 = arith.constant 0 : index
    %swap3A_787 = vector.load %arg7[%swap3A_785, %swap3A_786] : memref<64x64xf32, #tpu.memory_space<vmem>>, vector<1x64xf32>
    tpu.vector_store %arg7[%swap3A_785, %swap3A_786], %max3A_784 {strides = array<i32>} : memref<64x64xf32, #tpu.memory_space<vmem>>, vector<1x64xf32>,
    %eq3A_788 = arith.constant 37 : i32
    %eq3A_789 = vector.broadcast %eq3A_788 : i32 to vector<1264x1xi32>
    %eq3A_790 = arith.cmpi eq, %slice3A_24, %eq3A_789 : vector<1264x1xi32>
    %jit3A_791 = arith.constant 1.000000e+00 : f32
    %jit3A_792 = arith.constant 0.000000e+00 : f32
    %broadcast_in_dim3A_793 = vector.broadcast %jit3A_791 : f32 to vector<1264x1xf32>
    %broadcast_in_dim3A_794 = vector.broadcast %jit3A_792 : f32 to vector<1264x1xf32>
    %select_n3A_795 = arith.select %eq3A_790, %broadcast_in_dim3A_793, %broadcast_in_dim3A_794 : vector<1264x1xi1>, vector<1264x1xf32>
    %mul3A_796 = vector.broadcast %select_n3A_795 : vector<1264x1xf32> to vector<1264x64xf32>
    %mul3A_797 = arith.mulf %max3A_20, %mul3A_796 : vector<1264x64xf32>
    %reduce_max3A_798 = arith.constant dense<0xFF800000> : vector<64xf32>
    %reduce_max3A_799 = vector.multi_reduction <maximumf>, %mul3A_797, %reduce_max3A_798 [0] : vector<1264x64xf32> to vector<64xf32>
    %broadcast_in_dim3A_800 = vector.shape_cast %reduce_max3A_799 : vector<64xf32> to vector<1x64xf32>
    %get3A_801 = arith.constant 37 : index
    %get3A_802 = arith.constant 0 : index
    %get3A_803 = vector.load %arg7[%get3A_801, %get3A_802] : memref<64x64xf32, #tpu.memory_space<vmem>>, vector<1x64xf32>
    %max3A_804 = arith.maximumf %get3A_803, %broadcast_in_dim3A_800 : vector<1x64xf32>
    %swap3A_805 = arith.constant 37 : index
    %swap3A_806 = arith.constant 0 : index
    %swap3A_807 = vector.load %arg7[%swap3A_805, %swap3A_806] : memref<64x64xf32, #tpu.memory_space<vmem>>, vector<1x64xf32>
    tpu.vector_store %arg7[%swap3A_805, %swap3A_806], %max3A_804 {strides = array<i32>} : memref<64x64xf32, #tpu.memory_space<vmem>>, vector<1x64xf32>,
    %eq3A_808 = arith.constant 38 : i32
    %eq3A_809 = vector.broadcast %eq3A_808 : i32 to vector<1264x1xi32>
    %eq3A_810 = arith.cmpi eq, %slice3A_24, %eq3A_809 : vector<1264x1xi32>
    %jit3A_811 = arith.constant 1.000000e+00 : f32
    %jit3A_812 = arith.constant 0.000000e+00 : f32
    %broadcast_in_dim3A_813 = vector.broadcast %jit3A_811 : f32 to vector<1264x1xf32>
    %broadcast_in_dim3A_814 = vector.broadcast %jit3A_812 : f32 to vector<1264x1xf32>
    %select_n3A_815 = arith.select %eq3A_810, %broadcast_in_dim3A_813, %broadcast_in_dim3A_814 : vector<1264x1xi1>, vector<1264x1xf32>
    %mul3A_816 = vector.broadcast %select_n3A_815 : vector<1264x1xf32> to vector<1264x64xf32>
    %mul3A_817 = arith.mulf %max3A_20, %mul3A_816 : vector<1264x64xf32>
    %reduce_max3A_818 = arith.constant dense<0xFF800000> : vector<64xf32>
    %reduce_max3A_819 = vector.multi_reduction <maximumf>, %mul3A_817, %reduce_max3A_818 [0] : vector<1264x64xf32> to vector<64xf32>
    %broadcast_in_dim3A_820 = vector.shape_cast %reduce_max3A_819 : vector<64xf32> to vector<1x64xf32>
    %get3A_821 = arith.constant 38 : index
    %get3A_822 = arith.constant 0 : index
    %get3A_823 = vector.load %arg7[%get3A_821, %get3A_822] : memref<64x64xf32, #tpu.memory_space<vmem>>, vector<1x64xf32>
    %max3A_824 = arith.maximumf %get3A_823, %broadcast_in_dim3A_820 : vector<1x64xf32>
    %swap3A_825 = arith.constant 38 : index
    %swap3A_826 = arith.constant 0 : index
    %swap3A_827 = vector.load %arg7[%swap3A_825, %swap3A_826] : memref<64x64xf32, #tpu.memory_space<vmem>>, vector<1x64xf32>
    tpu.vector_store %arg7[%swap3A_825, %swap3A_826], %max3A_824 {strides = array<i32>} : memref<64x64xf32, #tpu.memory_space<vmem>>, vector<1x64xf32>,
    %eq3A_828 = arith.constant 39 : i32
    %eq3A_829 = vector.broadcast %eq3A_828 : i32 to vector<1264x1xi32>
    %eq3A_830 = arith.cmpi eq, %slice3A_24, %eq3A_829 : vector<1264x1xi32>
    %jit3A_831 = arith.constant 1.000000e+00 : f32
    %jit3A_832 = arith.constant 0.000000e+00 : f32
    %broadcast_in_dim3A_833 = vector.broadcast %jit3A_831 : f32 to vector<1264x1xf32>
    %broadcast_in_dim3A_834 = vector.broadcast %jit3A_832 : f32 to vector<1264x1xf32>
    %select_n3A_835 = arith.select %eq3A_830, %broadcast_in_dim3A_833, %broadcast_in_dim3A_834 : vector<1264x1xi1>, vector<1264x1xf32>
    %mul3A_836 = vector.broadcast %select_n3A_835 : vector<1264x1xf32> to vector<1264x64xf32>
    %mul3A_837 = arith.mulf %max3A_20, %mul3A_836 : vector<1264x64xf32>
    %reduce_max3A_838 = arith.constant dense<0xFF800000> : vector<64xf32>
    %reduce_max3A_839 = vector.multi_reduction <maximumf>, %mul3A_837, %reduce_max3A_838 [0] : vector<1264x64xf32> to vector<64xf32>
    %broadcast_in_dim3A_840 = vector.shape_cast %reduce_max3A_839 : vector<64xf32> to vector<1x64xf32>
    %get3A_841 = arith.constant 39 : index
    %get3A_842 = arith.constant 0 : index
    %get3A_843 = vector.load %arg7[%get3A_841, %get3A_842] : memref<64x64xf32, #tpu.memory_space<vmem>>, vector<1x64xf32>
    %max3A_844 = arith.maximumf %get3A_843, %broadcast_in_dim3A_840 : vector<1x64xf32>
    %swap3A_845 = arith.constant 39 : index
    %swap3A_846 = arith.constant 0 : index
    %swap3A_847 = vector.load %arg7[%swap3A_845, %swap3A_846] : memref<64x64xf32, #tpu.memory_space<vmem>>, vector<1x64xf32>
    tpu.vector_store %arg7[%swap3A_845, %swap3A_846], %max3A_844 {strides = array<i32>} : memref<64x64xf32, #tpu.memory_space<vmem>>, vector<1x64xf32>,
    %eq3A_848 = arith.constant 40 : i32
    %eq3A_849 = vector.broadcast %eq3A_848 : i32 to vector<1264x1xi32>
    %eq3A_850 = arith.cmpi eq, %slice3A_24, %eq3A_849 : vector<1264x1xi32>
    %jit3A_851 = arith.constant 1.000000e+00 : f32
    %jit3A_852 = arith.constant 0.000000e+00 : f32
    %broadcast_in_dim3A_853 = vector.broadcast %jit3A_851 : f32 to vector<1264x1xf32>
    %broadcast_in_dim3A_854 = vector.broadcast %jit3A_852 : f32 to vector<1264x1xf32>
    %select_n3A_855 = arith.select %eq3A_850, %broadcast_in_dim3A_853, %broadcast_in_dim3A_854 : vector<1264x1xi1>, vector<1264x1xf32>
    %mul3A_856 = vector.broadcast %select_n3A_855 : vector<1264x1xf32> to vector<1264x64xf32>
    %mul3A_857 = arith.mulf %max3A_20, %mul3A_856 : vector<1264x64xf32>
    %reduce_max3A_858 = arith.constant dense<0xFF800000> : vector<64xf32>
    %reduce_max3A_859 = vector.multi_reduction <maximumf>, %mul3A_857, %reduce_max3A_858 [0] : vector<1264x64xf32> to vector<64xf32>
    %broadcast_in_dim3A_860 = vector.shape_cast %reduce_max3A_859 : vector<64xf32> to vector<1x64xf32>
    %get3A_861 = arith.constant 40 : index
    %get3A_862 = arith.constant 0 : index
    %get3A_863 = vector.load %arg7[%get3A_861, %get3A_862] : memref<64x64xf32, #tpu.memory_space<vmem>>, vector<1x64xf32>
    %max3A_864 = arith.maximumf %get3A_863, %broadcast_in_dim3A_860 : vector<1x64xf32>
    %swap3A_865 = arith.constant 40 : index
    %swap3A_866 = arith.constant 0 : index
    %swap3A_867 = vector.load %arg7[%swap3A_865, %swap3A_866] : memref<64x64xf32, #tpu.memory_space<vmem>>, vector<1x64xf32>
    tpu.vector_store %arg7[%swap3A_865, %swap3A_866], %max3A_864 {strides = array<i32>} : memref<64x64xf32, #tpu.memory_space<vmem>>, vector<1x64xf32>,
    %eq3A_868 = arith.constant 41 : i32
    %eq3A_869 = vector.broadcast %eq3A_868 : i32 to vector<1264x1xi32>
    %eq3A_870 = arith.cmpi eq, %slice3A_24, %eq3A_869 : vector<1264x1xi32>
    %jit3A_871 = arith.constant 1.000000e+00 : f32
    %jit3A_872 = arith.constant 0.000000e+00 : f32
    %broadcast_in_dim3A_873 = vector.broadcast %jit3A_871 : f32 to vector<1264x1xf32>
    %broadcast_in_dim3A_874 = vector.broadcast %jit3A_872 : f32 to vector<1264x1xf32>
    %select_n3A_875 = arith.select %eq3A_870, %broadcast_in_dim3A_873, %broadcast_in_dim3A_874 : vector<1264x1xi1>, vector<1264x1xf32>
    %mul3A_876 = vector.broadcast %select_n3A_875 : vector<1264x1xf32> to vector<1264x64xf32>
    %mul3A_877 = arith.mulf %max3A_20, %mul3A_876 : vector<1264x64xf32>
    %reduce_max3A_878 = arith.constant dense<0xFF800000> : vector<64xf32>
    %reduce_max3A_879 = vector.multi_reduction <maximumf>, %mul3A_877, %reduce_max3A_878 [0] : vector<1264x64xf32> to vector<64xf32>
    %broadcast_in_dim3A_880 = vector.shape_cast %reduce_max3A_879 : vector<64xf32> to vector<1x64xf32>
    %get3A_881 = arith.constant 41 : index
    %get3A_882 = arith.constant 0 : index
    %get3A_883 = vector.load %arg7[%get3A_881, %get3A_882] : memref<64x64xf32, #tpu.memory_space<vmem>>, vector<1x64xf32>
    %max3A_884 = arith.maximumf %get3A_883, %broadcast_in_dim3A_880 : vector<1x64xf32>
    %swap3A_885 = arith.constant 41 : index
    %swap3A_886 = arith.constant 0 : index
    %swap3A_887 = vector.load %arg7[%swap3A_885, %swap3A_886] : memref<64x64xf32, #tpu.memory_space<vmem>>, vector<1x64xf32>
    tpu.vector_store %arg7[%swap3A_885, %swap3A_886], %max3A_884 {strides = array<i32>} : memref<64x64xf32, #tpu.memory_space<vmem>>, vector<1x64xf32>,
    %eq3A_888 = arith.constant 42 : i32
    %eq3A_889 = vector.broadcast %eq3A_888 : i32 to vector<1264x1xi32>
    %eq3A_890 = arith.cmpi eq, %slice3A_24, %eq3A_889 : vector<1264x1xi32>
    %jit3A_891 = arith.constant 1.000000e+00 : f32
    %jit3A_892 = arith.constant 0.000000e+00 : f32
    %broadcast_in_dim3A_893 = vector.broadcast %jit3A_891 : f32 to vector<1264x1xf32>
    %broadcast_in_dim3A_894 = vector.broadcast %jit3A_892 : f32 to vector<1264x1xf32>
    %select_n3A_895 = arith.select %eq3A_890, %broadcast_in_dim3A_893, %broadcast_in_dim3A_894 : vector<1264x1xi1>, vector<1264x1xf32>
    %mul3A_896 = vector.broadcast %select_n3A_895 : vector<1264x1xf32> to vector<1264x64xf32>
    %mul3A_897 = arith.mulf %max3A_20, %mul3A_896 : vector<1264x64xf32>
    %reduce_max3A_898 = arith.constant dense<0xFF800000> : vector<64xf32>
    %reduce_max3A_899 = vector.multi_reduction <maximumf>, %mul3A_897, %reduce_max3A_898 [0] : vector<1264x64xf32> to vector<64xf32>
    %broadcast_in_dim3A_900 = vector.shape_cast %reduce_max3A_899 : vector<64xf32> to vector<1x64xf32>
    %get3A_901 = arith.constant 42 : index
    %get3A_902 = arith.constant 0 : index
    %get3A_903 = vector.load %arg7[%get3A_901, %get3A_902] : memref<64x64xf32, #tpu.memory_space<vmem>>, vector<1x64xf32>
    %max3A_904 = arith.maximumf %get3A_903, %broadcast_in_dim3A_900 : vector<1x64xf32>
    %swap3A_905 = arith.constant 42 : index
    %swap3A_906 = arith.constant 0 : index
    %swap3A_907 = vector.load %arg7[%swap3A_905, %swap3A_906] : memref<64x64xf32, #tpu.memory_space<vmem>>, vector<1x64xf32>
    tpu.vector_store %arg7[%swap3A_905, %swap3A_906], %max3A_904 {strides = array<i32>} : memref<64x64xf32, #tpu.memory_space<vmem>>, vector<1x64xf32>,
    %eq3A_908 = arith.constant 43 : i32
    %eq3A_909 = vector.broadcast %eq3A_908 : i32 to vector<1264x1xi32>
    %eq3A_910 = arith.cmpi eq, %slice3A_24, %eq3A_909 : vector<1264x1xi32>
    %jit3A_911 = arith.constant 1.000000e+00 : f32
    %jit3A_912 = arith.constant 0.000000e+00 : f32
    %broadcast_in_dim3A_913 = vector.broadcast %jit3A_911 : f32 to vector<1264x1xf32>
    %broadcast_in_dim3A_914 = vector.broadcast %jit3A_912 : f32 to vector<1264x1xf32>
    %select_n3A_915 = arith.select %eq3A_910, %broadcast_in_dim3A_913, %broadcast_in_dim3A_914 : vector<1264x1xi1>, vector<1264x1xf32>
    %mul3A_916 = vector.broadcast %select_n3A_915 : vector<1264x1xf32> to vector<1264x64xf32>
    %mul3A_917 = arith.mulf %max3A_20, %mul3A_916 : vector<1264x64xf32>
    %reduce_max3A_918 = arith.constant dense<0xFF800000> : vector<64xf32>
    %reduce_max3A_919 = vector.multi_reduction <maximumf>, %mul3A_917, %reduce_max3A_918 [0] : vector<1264x64xf32> to vector<64xf32>
    %broadcast_in_dim3A_920 = vector.shape_cast %reduce_max3A_919 : vector<64xf32> to vector<1x64xf32>
    %get3A_921 = arith.constant 43 : index
    %get3A_922 = arith.constant 0 : index
    %get3A_923 = vector.load %arg7[%get3A_921, %get3A_922] : memref<64x64xf32, #tpu.memory_space<vmem>>, vector<1x64xf32>
    %max3A_924 = arith.maximumf %get3A_923, %broadcast_in_dim3A_920 : vector<1x64xf32>
    %swap3A_925 = arith.constant 43 : index
    %swap3A_926 = arith.constant 0 : index
    %swap3A_927 = vector.load %arg7[%swap3A_925, %swap3A_926] : memref<64x64xf32, #tpu.memory_space<vmem>>, vector<1x64xf32>
    tpu.vector_store %arg7[%swap3A_925, %swap3A_926], %max3A_924 {strides = array<i32>} : memref<64x64xf32, #tpu.memory_space<vmem>>, vector<1x64xf32>,
    %eq3A_928 = arith.constant 44 : i32
    %eq3A_929 = vector.broadcast %eq3A_928 : i32 to vector<1264x1xi32>
    %eq3A_930 = arith.cmpi eq, %slice3A_24, %eq3A_929 : vector<1264x1xi32>
    %jit3A_931 = arith.constant 1.000000e+00 : f32
    %jit3A_932 = arith.constant 0.000000e+00 : f32
    %broadcast_in_dim3A_933 = vector.broadcast %jit3A_931 : f32 to vector<1264x1xf32>
    %broadcast_in_dim3A_934 = vector.broadcast %jit3A_932 : f32 to vector<1264x1xf32>
    %select_n3A_935 = arith.select %eq3A_930, %broadcast_in_dim3A_933, %broadcast_in_dim3A_934 : vector<1264x1xi1>, vector<1264x1xf32>
    %mul3A_936 = vector.broadcast %select_n3A_935 : vector<1264x1xf32> to vector<1264x64xf32>
    %mul3A_937 = arith.mulf %max3A_20, %mul3A_936 : vector<1264x64xf32>
    %reduce_max3A_938 = arith.constant dense<0xFF800000> : vector<64xf32>
    %reduce_max3A_939 = vector.multi_reduction <maximumf>, %mul3A_937, %reduce_max3A_938 [0] : vector<1264x64xf32> to vector<64xf32>
    %broadcast_in_dim3A_940 = vector.shape_cast %reduce_max3A_939 : vector<64xf32> to vector<1x64xf32>
    %get3A_941 = arith.constant 44 : index
    %get3A_942 = arith.constant 0 : index
    %get3A_943 = vector.load %arg7[%get3A_941, %get3A_942] : memref<64x64xf32, #tpu.memory_space<vmem>>, vector<1x64xf32>
    %max3A_944 = arith.maximumf %get3A_943, %broadcast_in_dim3A_940 : vector<1x64xf32>
    %swap3A_945 = arith.constant 44 : index
    %swap3A_946 = arith.constant 0 : index
    %swap3A_947 = vector.load %arg7[%swap3A_945, %swap3A_946] : memref<64x64xf32, #tpu.memory_space<vmem>>, vector<1x64xf32>
    tpu.vector_store %arg7[%swap3A_945, %swap3A_946], %max3A_944 {strides = array<i32>} : memref<64x64xf32, #tpu.memory_space<vmem>>, vector<1x64xf32>,
    %eq3A_948 = arith.constant 45 : i32
    %eq3A_949 = vector.broadcast %eq3A_948 : i32 to vector<1264x1xi32>
    %eq3A_950 = arith.cmpi eq, %slice3A_24, %eq3A_949 : vector<1264x1xi32>
    %jit3A_951 = arith.constant 1.000000e+00 : f32
    %jit3A_952 = arith.constant 0.000000e+00 : f32
    %broadcast_in_dim3A_953 = vector.broadcast %jit3A_951 : f32 to vector<1264x1xf32>
    %broadcast_in_dim3A_954 = vector.broadcast %jit3A_952 : f32 to vector<1264x1xf32>
    %select_n3A_955 = arith.select %eq3A_950, %broadcast_in_dim3A_953, %broadcast_in_dim3A_954 : vector<1264x1xi1>, vector<1264x1xf32>
    %mul3A_956 = vector.broadcast %select_n3A_955 : vector<1264x1xf32> to vector<1264x64xf32>
    %mul3A_957 = arith.mulf %max3A_20, %mul3A_956 : vector<1264x64xf32>
    %reduce_max3A_958 = arith.constant dense<0xFF800000> : vector<64xf32>
    %reduce_max3A_959 = vector.multi_reduction <maximumf>, %mul3A_957, %reduce_max3A_958 [0] : vector<1264x64xf32> to vector<64xf32>
    %broadcast_in_dim3A_960 = vector.shape_cast %reduce_max3A_959 : vector<64xf32> to vector<1x64xf32>
    %get3A_961 = arith.constant 45 : index
    %get3A_962 = arith.constant 0 : index
    %get3A_963 = vector.load %arg7[%get3A_961, %get3A_962] : memref<64x64xf32, #tpu.memory_space<vmem>>, vector<1x64xf32>
    %max3A_964 = arith.maximumf %get3A_963, %broadcast_in_dim3A_960 : vector<1x64xf32>
    %swap3A_965 = arith.constant 45 : index
    %swap3A_966 = arith.constant 0 : index
    %swap3A_967 = vector.load %arg7[%swap3A_965, %swap3A_966] : memref<64x64xf32, #tpu.memory_space<vmem>>, vector<1x64xf32>
    tpu.vector_store %arg7[%swap3A_965, %swap3A_966], %max3A_964 {strides = array<i32>} : memref<64x64xf32, #tpu.memory_space<vmem>>, vector<1x64xf32>,
    %eq3A_968 = arith.constant 46 : i32
    %eq3A_969 = vector.broadcast %eq3A_968 : i32 to vector<1264x1xi32>
    %eq3A_970 = arith.cmpi eq, %slice3A_24, %eq3A_969 : vector<1264x1xi32>
    %jit3A_971 = arith.constant 1.000000e+00 : f32
    %jit3A_972 = arith.constant 0.000000e+00 : f32
    %broadcast_in_dim3A_973 = vector.broadcast %jit3A_971 : f32 to vector<1264x1xf32>
    %broadcast_in_dim3A_974 = vector.broadcast %jit3A_972 : f32 to vector<1264x1xf32>
    %select_n3A_975 = arith.select %eq3A_970, %broadcast_in_dim3A_973, %broadcast_in_dim3A_974 : vector<1264x1xi1>, vector<1264x1xf32>
    %mul3A_976 = vector.broadcast %select_n3A_975 : vector<1264x1xf32> to vector<1264x64xf32>
    %mul3A_977 = arith.mulf %max3A_20, %mul3A_976 : vector<1264x64xf32>
    %reduce_max3A_978 = arith.constant dense<0xFF800000> : vector<64xf32>
    %reduce_max3A_979 = vector.multi_reduction <maximumf>, %mul3A_977, %reduce_max3A_978 [0] : vector<1264x64xf32> to vector<64xf32>
    %broadcast_in_dim3A_980 = vector.shape_cast %reduce_max3A_979 : vector<64xf32> to vector<1x64xf32>
    %get3A_981 = arith.constant 46 : index
    %get3A_982 = arith.constant 0 : index
    %get3A_983 = vector.load %arg7[%get3A_981, %get3A_982] : memref<64x64xf32, #tpu.memory_space<vmem>>, vector<1x64xf32>
    %max3A_984 = arith.maximumf %get3A_983, %broadcast_in_dim3A_980 : vector<1x64xf32>
    %swap3A_985 = arith.constant 46 : index
    %swap3A_986 = arith.constant 0 : index
    %swap3A_987 = vector.load %arg7[%swap3A_985, %swap3A_986] : memref<64x64xf32, #tpu.memory_space<vmem>>, vector<1x64xf32>
    tpu.vector_store %arg7[%swap3A_985, %swap3A_986], %max3A_984 {strides = array<i32>} : memref<64x64xf32, #tpu.memory_space<vmem>>, vector<1x64xf32>,
    %eq3A_988 = arith.constant 47 : i32
    %eq3A_989 = vector.broadcast %eq3A_988 : i32 to vector<1264x1xi32>
    %eq3A_990 = arith.cmpi eq, %slice3A_24, %eq3A_989 : vector<1264x1xi32>
    %jit3A_991 = arith.constant 1.000000e+00 : f32
    %jit3A_992 = arith.constant 0.000000e+00 : f32
    %broadcast_in_dim3A_993 = vector.broadcast %jit3A_991 : f32 to vector<1264x1xf32>
    %broadcast_in_dim3A_994 = vector.broadcast %jit3A_992 : f32 to vector<1264x1xf32>
    %select_n3A_995 = arith.select %eq3A_990, %broadcast_in_dim3A_993, %broadcast_in_dim3A_994 : vector<1264x1xi1>, vector<1264x1xf32>
    %mul3A_996 = vector.broadcast %select_n3A_995 : vector<1264x1xf32> to vector<1264x64xf32>
    %mul3A_997 = arith.mulf %max3A_20, %mul3A_996 : vector<1264x64xf32>
    %reduce_max3A_998 = arith.constant dense<0xFF800000> : vector<64xf32>
    %reduce_max3A_999 = vector.multi_reduction <maximumf>, %mul3A_997, %reduce_max3A_998 [0] : vector<1264x64xf32> to vector<64xf32>
    %broadcast_in_dim3A_1000 = vector.shape_cast %reduce_max3A_999 : vector<64xf32> to vector<1x64xf32>
    %get3A_1001 = arith.constant 47 : index
    %get3A_1002 = arith.constant 0 : index
    %get3A_1003 = vector.load %arg7[%get3A_1001, %get3A_1002] : memref<64x64xf32, #tpu.memory_space<vmem>>, vector<1x64xf32>
    %max3A_1004 = arith.maximumf %get3A_1003, %broadcast_in_dim3A_1000 : vector<1x64xf32>
    %swap3A_1005 = arith.constant 47 : index
    %swap3A_1006 = arith.constant 0 : index
    %swap3A_1007 = vector.load %arg7[%swap3A_1005, %swap3A_1006] : memref<64x64xf32, #tpu.memory_space<vmem>>, vector<1x64xf32>
    tpu.vector_store %arg7[%swap3A_1005, %swap3A_1006], %max3A_1004 {strides = array<i32>} : memref<64x64xf32, #tpu.memory_space<vmem>>, vector<1x64xf32>,
    %eq3A_1008 = arith.constant 48 : i32
    %eq3A_1009 = vector.broadcast %eq3A_1008 : i32 to vector<1264x1xi32>
    %eq3A_1010 = arith.cmpi eq, %slice3A_24, %eq3A_1009 : vector<1264x1xi32>
    %jit3A_1011 = arith.constant 1.000000e+00 : f32
    %jit3A_1012 = arith.constant 0.000000e+00 : f32
    %broadcast_in_dim3A_1013 = vector.broadcast %jit3A_1011 : f32 to vector<1264x1xf32>
    %broadcast_in_dim3A_1014 = vector.broadcast %jit3A_1012 : f32 to vector<1264x1xf32>
    %select_n3A_1015 = arith.select %eq3A_1010, %broadcast_in_dim3A_1013, %broadcast_in_dim3A_1014 : vector<1264x1xi1>, vector<1264x1xf32>
    %mul3A_1016 = vector.broadcast %select_n3A_1015 : vector<1264x1xf32> to vector<1264x64xf32>
    %mul3A_1017 = arith.mulf %max3A_20, %mul3A_1016 : vector<1264x64xf32>
    %reduce_max3A_1018 = arith.constant dense<0xFF800000> : vector<64xf32>
    %reduce_max3A_1019 = vector.multi_reduction <maximumf>, %mul3A_1017, %reduce_max3A_1018 [0] : vector<1264x64xf32> to vector<64xf32>
    %broadcast_in_dim3A_1020 = vector.shape_cast %reduce_max3A_1019 : vector<64xf32> to vector<1x64xf32>
    %get3A_1021 = arith.constant 48 : index
    %get3A_1022 = arith.constant 0 : index
    %get3A_1023 = vector.load %arg7[%get3A_1021, %get3A_1022] : memref<64x64xf32, #tpu.memory_space<vmem>>, vector<1x64xf32>
    %max3A_1024 = arith.maximumf %get3A_1023, %broadcast_in_dim3A_1020 : vector<1x64xf32>
    %swap3A_1025 = arith.constant 48 : index
    %swap3A_1026 = arith.constant 0 : index
    %swap3A_1027 = vector.load %arg7[%swap3A_1025, %swap3A_1026] : memref<64x64xf32, #tpu.memory_space<vmem>>, vector<1x64xf32>
    tpu.vector_store %arg7[%swap3A_1025, %swap3A_1026], %max3A_1024 {strides = array<i32>} : memref<64x64xf32, #tpu.memory_space<vmem>>, vector<1x64xf32>,
    %eq3A_1028 = arith.constant 49 : i32
    %eq3A_1029 = vector.broadcast %eq3A_1028 : i32 to vector<1264x1xi32>
    %eq3A_1030 = arith.cmpi eq, %slice3A_24, %eq3A_1029 : vector<1264x1xi32>
    %jit3A_1031 = arith.constant 1.000000e+00 : f32
    %jit3A_1032 = arith.constant 0.000000e+00 : f32
    %broadcast_in_dim3A_1033 = vector.broadcast %jit3A_1031 : f32 to vector<1264x1xf32>
    %broadcast_in_dim3A_1034 = vector.broadcast %jit3A_1032 : f32 to vector<1264x1xf32>
    %select_n3A_1035 = arith.select %eq3A_1030, %broadcast_in_dim3A_1033, %broadcast_in_dim3A_1034 : vector<1264x1xi1>, vector<1264x1xf32>
    %mul3A_1036 = vector.broadcast %select_n3A_1035 : vector<1264x1xf32> to vector<1264x64xf32>
    %mul3A_1037 = arith.mulf %max3A_20, %mul3A_1036 : vector<1264x64xf32>
    %reduce_max3A_1038 = arith.constant dense<0xFF800000> : vector<64xf32>
    %reduce_max3A_1039 = vector.multi_reduction <maximumf>, %mul3A_1037, %reduce_max3A_1038 [0] : vector<1264x64xf32> to vector<64xf32>
    %broadcast_in_dim3A_1040 = vector.shape_cast %reduce_max3A_1039 : vector<64xf32> to vector<1x64xf32>
    %get3A_1041 = arith.constant 49 : index
    %get3A_1042 = arith.constant 0 : index
    %get3A_1043 = vector.load %arg7[%get3A_1041, %get3A_1042] : memref<64x64xf32, #tpu.memory_space<vmem>>, vector<1x64xf32>
    %max3A_1044 = arith.maximumf %get3A_1043, %broadcast_in_dim3A_1040 : vector<1x64xf32>
    %swap3A_1045 = arith.constant 49 : index
    %swap3A_1046 = arith.constant 0 : index
    %swap3A_1047 = vector.load %arg7[%swap3A_1045, %swap3A_1046] : memref<64x64xf32, #tpu.memory_space<vmem>>, vector<1x64xf32>
    tpu.vector_store %arg7[%swap3A_1045, %swap3A_1046], %max3A_1044 {strides = array<i32>} : memref<64x64xf32, #tpu.memory_space<vmem>>, vector<1x64xf32>,
    %eq3A_1048 = arith.constant 50 : i32
    %eq3A_1049 = vector.broadcast %eq3A_1048 : i32 to vector<1264x1xi32>
    %eq3A_1050 = arith.cmpi eq, %slice3A_24, %eq3A_1049 : vector<1264x1xi32>
    %jit3A_1051 = arith.constant 1.000000e+00 : f32
    %jit3A_1052 = arith.constant 0.000000e+00 : f32
    %broadcast_in_dim3A_1053 = vector.broadcast %jit3A_1051 : f32 to vector<1264x1xf32>
    %broadcast_in_dim3A_1054 = vector.broadcast %jit3A_1052 : f32 to vector<1264x1xf32>
    %select_n3A_1055 = arith.select %eq3A_1050, %broadcast_in_dim3A_1053, %broadcast_in_dim3A_1054 : vector<1264x1xi1>, vector<1264x1xf32>
    %mul3A_1056 = vector.broadcast %select_n3A_1055 : vector<1264x1xf32> to vector<1264x64xf32>
    %mul3A_1057 = arith.mulf %max3A_20, %mul3A_1056 : vector<1264x64xf32>
    %reduce_max3A_1058 = arith.constant dense<0xFF800000> : vector<64xf32>
    %reduce_max3A_1059 = vector.multi_reduction <maximumf>, %mul3A_1057, %reduce_max3A_1058 [0] : vector<1264x64xf32> to vector<64xf32>
    %broadcast_in_dim3A_1060 = vector.shape_cast %reduce_max3A_1059 : vector<64xf32> to vector<1x64xf32>
    %get3A_1061 = arith.constant 50 : index
    %get3A_1062 = arith.constant 0 : index
    %get3A_1063 = vector.load %arg7[%get3A_1061, %get3A_1062] : memref<64x64xf32, #tpu.memory_space<vmem>>, vector<1x64xf32>
    %max3A_1064 = arith.maximumf %get3A_1063, %broadcast_in_dim3A_1060 : vector<1x64xf32>
    %swap3A_1065 = arith.constant 50 : index
    %swap3A_1066 = arith.constant 0 : index
    %swap3A_1067 = vector.load %arg7[%swap3A_1065, %swap3A_1066] : memref<64x64xf32, #tpu.memory_space<vmem>>, vector<1x64xf32>
    tpu.vector_store %arg7[%swap3A_1065, %swap3A_1066], %max3A_1064 {strides = array<i32>} : memref<64x64xf32, #tpu.memory_space<vmem>>, vector<1x64xf32>,
    %eq3A_1068 = arith.constant 51 : i32
    %eq3A_1069 = vector.broadcast %eq3A_1068 : i32 to vector<1264x1xi32>
    %eq3A_1070 = arith.cmpi eq, %slice3A_24, %eq3A_1069 : vector<1264x1xi32>
    %jit3A_1071 = arith.constant 1.000000e+00 : f32
    %jit3A_1072 = arith.constant 0.000000e+00 : f32
    %broadcast_in_dim3A_1073 = vector.broadcast %jit3A_1071 : f32 to vector<1264x1xf32>
    %broadcast_in_dim3A_1074 = vector.broadcast %jit3A_1072 : f32 to vector<1264x1xf32>
    %select_n3A_1075 = arith.select %eq3A_1070, %broadcast_in_dim3A_1073, %broadcast_in_dim3A_1074 : vector<1264x1xi1>, vector<1264x1xf32>
    %mul3A_1076 = vector.broadcast %select_n3A_1075 : vector<1264x1xf32> to vector<1264x64xf32>
    %mul3A_1077 = arith.mulf %max3A_20, %mul3A_1076 : vector<1264x64xf32>
    %reduce_max3A_1078 = arith.constant dense<0xFF800000> : vector<64xf32>
    %reduce_max3A_1079 = vector.multi_reduction <maximumf>, %mul3A_1077, %reduce_max3A_1078 [0] : vector<1264x64xf32> to vector<64xf32>
    %broadcast_in_dim3A_1080 = vector.shape_cast %reduce_max3A_1079 : vector<64xf32> to vector<1x64xf32>
    %get3A_1081 = arith.constant 51 : index
    %get3A_1082 = arith.constant 0 : index
    %get3A_1083 = vector.load %arg7[%get3A_1081, %get3A_1082] : memref<64x64xf32, #tpu.memory_space<vmem>>, vector<1x64xf32>
    %max3A_1084 = arith.maximumf %get3A_1083, %broadcast_in_dim3A_1080 : vector<1x64xf32>
    %swap3A_1085 = arith.constant 51 : index
    %swap3A_1086 = arith.constant 0 : index
    %swap3A_1087 = vector.load %arg7[%swap3A_1085, %swap3A_1086] : memref<64x64xf32, #tpu.memory_space<vmem>>, vector<1x64xf32>
    tpu.vector_store %arg7[%swap3A_1085, %swap3A_1086], %max3A_1084 {strides = array<i32>} : memref<64x64xf32, #tpu.memory_space<vmem>>, vector<1x64xf32>,
    %eq3A_1088 = arith.constant 52 : i32
    %eq3A_1089 = vector.broadcast %eq3A_1088 : i32 to vector<1264x1xi32>
    %eq3A_1090 = arith.cmpi eq, %slice3A_24, %eq3A_1089 : vector<1264x1xi32>
    %jit3A_1091 = arith.constant 1.000000e+00 : f32
    %jit3A_1092 = arith.constant 0.000000e+00 : f32
    %broadcast_in_dim3A_1093 = vector.broadcast %jit3A_1091 : f32 to vector<1264x1xf32>
    %broadcast_in_dim3A_1094 = vector.broadcast %jit3A_1092 : f32 to vector<1264x1xf32>
    %select_n3A_1095 = arith.select %eq3A_1090, %broadcast_in_dim3A_1093, %broadcast_in_dim3A_1094 : vector<1264x1xi1>, vector<1264x1xf32>
    %mul3A_1096 = vector.broadcast %select_n3A_1095 : vector<1264x1xf32> to vector<1264x64xf32>
    %mul3A_1097 = arith.mulf %max3A_20, %mul3A_1096 : vector<1264x64xf32>
    %reduce_max3A_1098 = arith.constant dense<0xFF800000> : vector<64xf32>
    %reduce_max3A_1099 = vector.multi_reduction <maximumf>, %mul3A_1097, %reduce_max3A_1098 [0] : vector<1264x64xf32> to vector<64xf32>
    %broadcast_in_dim3A_1100 = vector.shape_cast %reduce_max3A_1099 : vector<64xf32> to vector<1x64xf32>
    %get3A_1101 = arith.constant 52 : index
    %get3A_1102 = arith.constant 0 : index
    %get3A_1103 = vector.load %arg7[%get3A_1101, %get3A_1102] : memref<64x64xf32, #tpu.memory_space<vmem>>, vector<1x64xf32>
    %max3A_1104 = arith.maximumf %get3A_1103, %broadcast_in_dim3A_1100 : vector<1x64xf32>
    %swap3A_1105 = arith.constant 52 : index
    %swap3A_1106 = arith.constant 0 : index
    %swap3A_1107 = vector.load %arg7[%swap3A_1105, %swap3A_1106] : memref<64x64xf32, #tpu.memory_space<vmem>>, vector<1x64xf32>
    tpu.vector_store %arg7[%swap3A_1105, %swap3A_1106], %max3A_1104 {strides = array<i32>} : memref<64x64xf32, #tpu.memory_space<vmem>>, vector<1x64xf32>,
    %eq3A_1108 = arith.constant 53 : i32
    %eq3A_1109 = vector.broadcast %eq3A_1108 : i32 to vector<1264x1xi32>
    %eq3A_1110 = arith.cmpi eq, %slice3A_24, %eq3A_1109 : vector<1264x1xi32>
    %jit3A_1111 = arith.constant 1.000000e+00 : f32
    %jit3A_1112 = arith.constant 0.000000e+00 : f32
    %broadcast_in_dim3A_1113 = vector.broadcast %jit3A_1111 : f32 to vector<1264x1xf32>
    %broadcast_in_dim3A_1114 = vector.broadcast %jit3A_1112 : f32 to vector<1264x1xf32>
    %select_n3A_1115 = arith.select %eq3A_1110, %broadcast_in_dim3A_1113, %broadcast_in_dim3A_1114 : vector<1264x1xi1>, vector<1264x1xf32>
    %mul3A_1116 = vector.broadcast %select_n3A_1115 : vector<1264x1xf32> to vector<1264x64xf32>
    %mul3A_1117 = arith.mulf %max3A_20, %mul3A_1116 : vector<1264x64xf32>
    %reduce_max3A_1118 = arith.constant dense<0xFF800000> : vector<64xf32>
    %reduce_max3A_1119 = vector.multi_reduction <maximumf>, %mul3A_1117, %reduce_max3A_1118 [0] : vector<1264x64xf32> to vector<64xf32>
    %broadcast_in_dim3A_1120 = vector.shape_cast %reduce_max3A_1119 : vector<64xf32> to vector<1x64xf32>
    %get3A_1121 = arith.constant 53 : index
    %get3A_1122 = arith.constant 0 : index
    %get3A_1123 = vector.load %arg7[%get3A_1121, %get3A_1122] : memref<64x64xf32, #tpu.memory_space<vmem>>, vector<1x64xf32>
    %max3A_1124 = arith.maximumf %get3A_1123, %broadcast_in_dim3A_1120 : vector<1x64xf32>
    %swap3A_1125 = arith.constant 53 : index
    %swap3A_1126 = arith.constant 0 : index
    %swap3A_1127 = vector.load %arg7[%swap3A_1125, %swap3A_1126] : memref<64x64xf32, #tpu.memory_space<vmem>>, vector<1x64xf32>
    tpu.vector_store %arg7[%swap3A_1125, %swap3A_1126], %max3A_1124 {strides = array<i32>} : memref<64x64xf32, #tpu.memory_space<vmem>>, vector<1x64xf32>,
    %eq3A_1128 = arith.constant 54 : i32
    %eq3A_1129 = vector.broadcast %eq3A_1128 : i32 to vector<1264x1xi32>
    %eq3A_1130 = arith.cmpi eq, %slice3A_24, %eq3A_1129 : vector<1264x1xi32>
    %jit3A_1131 = arith.constant 1.000000e+00 : f32
    %jit3A_1132 = arith.constant 0.000000e+00 : f32
    %broadcast_in_dim3A_1133 = vector.broadcast %jit3A_1131 : f32 to vector<1264x1xf32>
    %broadcast_in_dim3A_1134 = vector.broadcast %jit3A_1132 : f32 to vector<1264x1xf32>
    %select_n3A_1135 = arith.select %eq3A_1130, %broadcast_in_dim3A_1133, %broadcast_in_dim3A_1134 : vector<1264x1xi1>, vector<1264x1xf32>
    %mul3A_1136 = vector.broadcast %select_n3A_1135 : vector<1264x1xf32> to vector<1264x64xf32>
    %mul3A_1137 = arith.mulf %max3A_20, %mul3A_1136 : vector<1264x64xf32>
    %reduce_max3A_1138 = arith.constant dense<0xFF800000> : vector<64xf32>
    %reduce_max3A_1139 = vector.multi_reduction <maximumf>, %mul3A_1137, %reduce_max3A_1138 [0] : vector<1264x64xf32> to vector<64xf32>
    %broadcast_in_dim3A_1140 = vector.shape_cast %reduce_max3A_1139 : vector<64xf32> to vector<1x64xf32>
    %get3A_1141 = arith.constant 54 : index
    %get3A_1142 = arith.constant 0 : index
    %get3A_1143 = vector.load %arg7[%get3A_1141, %get3A_1142] : memref<64x64xf32, #tpu.memory_space<vmem>>, vector<1x64xf32>
    %max3A_1144 = arith.maximumf %get3A_1143, %broadcast_in_dim3A_1140 : vector<1x64xf32>
    %swap3A_1145 = arith.constant 54 : index
    %swap3A_1146 = arith.constant 0 : index
    %swap3A_1147 = vector.load %arg7[%swap3A_1145, %swap3A_1146] : memref<64x64xf32, #tpu.memory_space<vmem>>, vector<1x64xf32>
    tpu.vector_store %arg7[%swap3A_1145, %swap3A_1146], %max3A_1144 {strides = array<i32>} : memref<64x64xf32, #tpu.memory_space<vmem>>, vector<1x64xf32>,
    %eq3A_1148 = arith.constant 55 : i32
    %eq3A_1149 = vector.broadcast %eq3A_1148 : i32 to vector<1264x1xi32>
    %eq3A_1150 = arith.cmpi eq, %slice3A_24, %eq3A_1149 : vector<1264x1xi32>
    %jit3A_1151 = arith.constant 1.000000e+00 : f32
    %jit3A_1152 = arith.constant 0.000000e+00 : f32
    %broadcast_in_dim3A_1153 = vector.broadcast %jit3A_1151 : f32 to vector<1264x1xf32>
    %broadcast_in_dim3A_1154 = vector.broadcast %jit3A_1152 : f32 to vector<1264x1xf32>
    %select_n3A_1155 = arith.select %eq3A_1150, %broadcast_in_dim3A_1153, %broadcast_in_dim3A_1154 : vector<1264x1xi1>, vector<1264x1xf32>
    %mul3A_1156 = vector.broadcast %select_n3A_1155 : vector<1264x1xf32> to vector<1264x64xf32>
    %mul3A_1157 = arith.mulf %max3A_20, %mul3A_1156 : vector<1264x64xf32>
    %reduce_max3A_1158 = arith.constant dense<0xFF800000> : vector<64xf32>
    %reduce_max3A_1159 = vector.multi_reduction <maximumf>, %mul3A_1157, %reduce_max3A_1158 [0] : vector<1264x64xf32> to vector<64xf32>
    %broadcast_in_dim3A_1160 = vector.shape_cast %reduce_max3A_1159 : vector<64xf32> to vector<1x64xf32>
    %get3A_1161 = arith.constant 55 : index
    %get3A_1162 = arith.constant 0 : index
    %get3A_1163 = vector.load %arg7[%get3A_1161, %get3A_1162] : memref<64x64xf32, #tpu.memory_space<vmem>>, vector<1x64xf32>
    %max3A_1164 = arith.maximumf %get3A_1163, %broadcast_in_dim3A_1160 : vector<1x64xf32>
    %swap3A_1165 = arith.constant 55 : index
    %swap3A_1166 = arith.constant 0 : index
    %swap3A_1167 = vector.load %arg7[%swap3A_1165, %swap3A_1166] : memref<64x64xf32, #tpu.memory_space<vmem>>, vector<1x64xf32>
    tpu.vector_store %arg7[%swap3A_1165, %swap3A_1166], %max3A_1164 {strides = array<i32>} : memref<64x64xf32, #tpu.memory_space<vmem>>, vector<1x64xf32>,
    %eq3A_1168 = arith.constant 56 : i32
    %eq3A_1169 = vector.broadcast %eq3A_1168 : i32 to vector<1264x1xi32>
    %eq3A_1170 = arith.cmpi eq, %slice3A_24, %eq3A_1169 : vector<1264x1xi32>
    %jit3A_1171 = arith.constant 1.000000e+00 : f32
    %jit3A_1172 = arith.constant 0.000000e+00 : f32
    %broadcast_in_dim3A_1173 = vector.broadcast %jit3A_1171 : f32 to vector<1264x1xf32>
    %broadcast_in_dim3A_1174 = vector.broadcast %jit3A_1172 : f32 to vector<1264x1xf32>
    %select_n3A_1175 = arith.select %eq3A_1170, %broadcast_in_dim3A_1173, %broadcast_in_dim3A_1174 : vector<1264x1xi1>, vector<1264x1xf32>
    %mul3A_1176 = vector.broadcast %select_n3A_1175 : vector<1264x1xf32> to vector<1264x64xf32>
    %mul3A_1177 = arith.mulf %max3A_20, %mul3A_1176 : vector<1264x64xf32>
    %reduce_max3A_1178 = arith.constant dense<0xFF800000> : vector<64xf32>
    %reduce_max3A_1179 = vector.multi_reduction <maximumf>, %mul3A_1177, %reduce_max3A_1178 [0] : vector<1264x64xf32> to vector<64xf32>
    %broadcast_in_dim3A_1180 = vector.shape_cast %reduce_max3A_1179 : vector<64xf32> to vector<1x64xf32>
    %get3A_1181 = arith.constant 56 : index
    %get3A_1182 = arith.constant 0 : index
    %get3A_1183 = vector.load %arg7[%get3A_1181, %get3A_1182] : memref<64x64xf32, #tpu.memory_space<vmem>>, vector<1x64xf32>
    %max3A_1184 = arith.maximumf %get3A_1183, %broadcast_in_dim3A_1180 : vector<1x64xf32>
    %swap3A_1185 = arith.constant 56 : index
    %swap3A_1186 = arith.constant 0 : index
    %swap3A_1187 = vector.load %arg7[%swap3A_1185, %swap3A_1186] : memref<64x64xf32, #tpu.memory_space<vmem>>, vector<1x64xf32>
    tpu.vector_store %arg7[%swap3A_1185, %swap3A_1186], %max3A_1184 {strides = array<i32>} : memref<64x64xf32, #tpu.memory_space<vmem>>, vector<1x64xf32>,
    %eq3A_1188 = arith.constant 57 : i32
    %eq3A_1189 = vector.broadcast %eq3A_1188 : i32 to vector<1264x1xi32>
    %eq3A_1190 = arith.cmpi eq, %slice3A_24, %eq3A_1189 : vector<1264x1xi32>
    %jit3A_1191 = arith.constant 1.000000e+00 : f32
    %jit3A_1192 = arith.constant 0.000000e+00 : f32
    %broadcast_in_dim3A_1193 = vector.broadcast %jit3A_1191 : f32 to vector<1264x1xf32>
    %broadcast_in_dim3A_1194 = vector.broadcast %jit3A_1192 : f32 to vector<1264x1xf32>
    %select_n3A_1195 = arith.select %eq3A_1190, %broadcast_in_dim3A_1193, %broadcast_in_dim3A_1194 : vector<1264x1xi1>, vector<1264x1xf32>
    %mul3A_1196 = vector.broadcast %select_n3A_1195 : vector<1264x1xf32> to vector<1264x64xf32>
    %mul3A_1197 = arith.mulf %max3A_20, %mul3A_1196 : vector<1264x64xf32>
    %reduce_max3A_1198 = arith.constant dense<0xFF800000> : vector<64xf32>
    %reduce_max3A_1199 = vector.multi_reduction <maximumf>, %mul3A_1197, %reduce_max3A_1198 [0] : vector<1264x64xf32> to vector<64xf32>
    %broadcast_in_dim3A_1200 = vector.shape_cast %reduce_max3A_1199 : vector<64xf32> to vector<1x64xf32>
    %get3A_1201 = arith.constant 57 : index
    %get3A_1202 = arith.constant 0 : index
    %get3A_1203 = vector.load %arg7[%get3A_1201, %get3A_1202] : memref<64x64xf32, #tpu.memory_space<vmem>>, vector<1x64xf32>
    %max3A_1204 = arith.maximumf %get3A_1203, %broadcast_in_dim3A_1200 : vector<1x64xf32>
    %swap3A_1205 = arith.constant 57 : index
    %swap3A_1206 = arith.constant 0 : index
    %swap3A_1207 = vector.load %arg7[%swap3A_1205, %swap3A_1206] : memref<64x64xf32, #tpu.memory_space<vmem>>, vector<1x64xf32>
    tpu.vector_store %arg7[%swap3A_1205, %swap3A_1206], %max3A_1204 {strides = array<i32>} : memref<64x64xf32, #tpu.memory_space<vmem>>, vector<1x64xf32>,
    %eq3A_1208 = arith.constant 58 : i32
    %eq3A_1209 = vector.broadcast %eq3A_1208 : i32 to vector<1264x1xi32>
    %eq3A_1210 = arith.cmpi eq, %slice3A_24, %eq3A_1209 : vector<1264x1xi32>
    %jit3A_1211 = arith.constant 1.000000e+00 : f32
    %jit3A_1212 = arith.constant 0.000000e+00 : f32
    %broadcast_in_dim3A_1213 = vector.broadcast %jit3A_1211 : f32 to vector<1264x1xf32>
    %broadcast_in_dim3A_1214 = vector.broadcast %jit3A_1212 : f32 to vector<1264x1xf32>
    %select_n3A_1215 = arith.select %eq3A_1210, %broadcast_in_dim3A_1213, %broadcast_in_dim3A_1214 : vector<1264x1xi1>, vector<1264x1xf32>
    %mul3A_1216 = vector.broadcast %select_n3A_1215 : vector<1264x1xf32> to vector<1264x64xf32>
    %mul3A_1217 = arith.mulf %max3A_20, %mul3A_1216 : vector<1264x64xf32>
    %reduce_max3A_1218 = arith.constant dense<0xFF800000> : vector<64xf32>
    %reduce_max3A_1219 = vector.multi_reduction <maximumf>, %mul3A_1217, %reduce_max3A_1218 [0] : vector<1264x64xf32> to vector<64xf32>
    %broadcast_in_dim3A_1220 = vector.shape_cast %reduce_max3A_1219 : vector<64xf32> to vector<1x64xf32>
    %get3A_1221 = arith.constant 58 : index
    %get3A_1222 = arith.constant 0 : index
    %get3A_1223 = vector.load %arg7[%get3A_1221, %get3A_1222] : memref<64x64xf32, #tpu.memory_space<vmem>>, vector<1x64xf32>
    %max3A_1224 = arith.maximumf %get3A_1223, %broadcast_in_dim3A_1220 : vector<1x64xf32>
    %swap3A_1225 = arith.constant 58 : index
    %swap3A_1226 = arith.constant 0 : index
    %swap3A_1227 = vector.load %arg7[%swap3A_1225, %swap3A_1226] : memref<64x64xf32, #tpu.memory_space<vmem>>, vector<1x64xf32>
    tpu.vector_store %arg7[%swap3A_1225, %swap3A_1226], %max3A_1224 {strides = array<i32>} : memref<64x64xf32, #tpu.memory_space<vmem>>, vector<1x64xf32>,
    %eq3A_1228 = arith.constant 59 : i32
    %eq3A_1229 = vector.broadcast %eq3A_1228 : i32 to vector<1264x1xi32>
    %eq3A_1230 = arith.cmpi eq, %slice3A_24, %eq3A_1229 : vector<1264x1xi32>
    %jit3A_1231 = arith.constant 1.000000e+00 : f32
    %jit3A_1232 = arith.constant 0.000000e+00 : f32
    %broadcast_in_dim3A_1233 = vector.broadcast %jit3A_1231 : f32 to vector<1264x1xf32>
    %broadcast_in_dim3A_1234 = vector.broadcast %jit3A_1232 : f32 to vector<1264x1xf32>
    %select_n3A_1235 = arith.select %eq3A_1230, %broadcast_in_dim3A_1233, %broadcast_in_dim3A_1234 : vector<1264x1xi1>, vector<1264x1xf32>
    %mul3A_1236 = vector.broadcast %select_n3A_1235 : vector<1264x1xf32> to vector<1264x64xf32>
    %mul3A_1237 = arith.mulf %max3A_20, %mul3A_1236 : vector<1264x64xf32>
    %reduce_max3A_1238 = arith.constant dense<0xFF800000> : vector<64xf32>
    %reduce_max3A_1239 = vector.multi_reduction <maximumf>, %mul3A_1237, %reduce_max3A_1238 [0] : vector<1264x64xf32> to vector<64xf32>
    %broadcast_in_dim3A_1240 = vector.shape_cast %reduce_max3A_1239 : vector<64xf32> to vector<1x64xf32>
    %get3A_1241 = arith.constant 59 : index
    %get3A_1242 = arith.constant 0 : index
    %get3A_1243 = vector.load %arg7[%get3A_1241, %get3A_1242] : memref<64x64xf32, #tpu.memory_space<vmem>>, vector<1x64xf32>
    %max3A_1244 = arith.maximumf %get3A_1243, %broadcast_in_dim3A_1240 : vector<1x64xf32>
    %swap3A_1245 = arith.constant 59 : index
    %swap3A_1246 = arith.constant 0 : index
    %swap3A_1247 = vector.load %arg7[%swap3A_1245, %swap3A_1246] : memref<64x64xf32, #tpu.memory_space<vmem>>, vector<1x64xf32>
    tpu.vector_store %arg7[%swap3A_1245, %swap3A_1246], %max3A_1244 {strides = array<i32>} : memref<64x64xf32, #tpu.memory_space<vmem>>, vector<1x64xf32>,
    %eq3A_1248 = arith.constant 60 : i32
    %eq3A_1249 = vector.broadcast %eq3A_1248 : i32 to vector<1264x1xi32>
    %eq3A_1250 = arith.cmpi eq, %slice3A_24, %eq3A_1249 : vector<1264x1xi32>
    %jit3A_1251 = arith.constant 1.000000e+00 : f32
    %jit3A_1252 = arith.constant 0.000000e+00 : f32
    %broadcast_in_dim3A_1253 = vector.broadcast %jit3A_1251 : f32 to vector<1264x1xf32>
    %broadcast_in_dim3A_1254 = vector.broadcast %jit3A_1252 : f32 to vector<1264x1xf32>
    %select_n3A_1255 = arith.select %eq3A_1250, %broadcast_in_dim3A_1253, %broadcast_in_dim3A_1254 : vector<1264x1xi1>, vector<1264x1xf32>
    %mul3A_1256 = vector.broadcast %select_n3A_1255 : vector<1264x1xf32> to vector<1264x64xf32>
    %mul3A_1257 = arith.mulf %max3A_20, %mul3A_1256 : vector<1264x64xf32>
    %reduce_max3A_1258 = arith.constant dense<0xFF800000> : vector<64xf32>
    %reduce_max3A_1259 = vector.multi_reduction <maximumf>, %mul3A_1257, %reduce_max3A_1258 [0] : vector<1264x64xf32> to vector<64xf32>
    %broadcast_in_dim3A_1260 = vector.shape_cast %reduce_max3A_1259 : vector<64xf32> to vector<1x64xf32>
    %get3A_1261 = arith.constant 60 : index
    %get3A_1262 = arith.constant 0 : index
    %get3A_1263 = vector.load %arg7[%get3A_1261, %get3A_1262] : memref<64x64xf32, #tpu.memory_space<vmem>>, vector<1x64xf32>
    %max3A_1264 = arith.maximumf %get3A_1263, %broadcast_in_dim3A_1260 : vector<1x64xf32>
    %swap3A_1265 = arith.constant 60 : index
    %swap3A_1266 = arith.constant 0 : index
    %swap3A_1267 = vector.load %arg7[%swap3A_1265, %swap3A_1266] : memref<64x64xf32, #tpu.memory_space<vmem>>, vector<1x64xf32>
    tpu.vector_store %arg7[%swap3A_1265, %swap3A_1266], %max3A_1264 {strides = array<i32>} : memref<64x64xf32, #tpu.memory_space<vmem>>, vector<1x64xf32>,
    %eq3A_1268 = arith.constant 61 : i32
    %eq3A_1269 = vector.broadcast %eq3A_1268 : i32 to vector<1264x1xi32>
    %eq3A_1270 = arith.cmpi eq, %slice3A_24, %eq3A_1269 : vector<1264x1xi32>
    %jit3A_1271 = arith.constant 1.000000e+00 : f32
    %jit3A_1272 = arith.constant 0.000000e+00 : f32
    %broadcast_in_dim3A_1273 = vector.broadcast %jit3A_1271 : f32 to vector<1264x1xf32>
    %broadcast_in_dim3A_1274 = vector.broadcast %jit3A_1272 : f32 to vector<1264x1xf32>
    %select_n3A_1275 = arith.select %eq3A_1270, %broadcast_in_dim3A_1273, %broadcast_in_dim3A_1274 : vector<1264x1xi1>, vector<1264x1xf32>
    %mul3A_1276 = vector.broadcast %select_n3A_1275 : vector<1264x1xf32> to vector<1264x64xf32>
    %mul3A_1277 = arith.mulf %max3A_20, %mul3A_1276 : vector<1264x64xf32>
    %reduce_max3A_1278 = arith.constant dense<0xFF800000> : vector<64xf32>
    %reduce_max3A_1279 = vector.multi_reduction <maximumf>, %mul3A_1277, %reduce_max3A_1278 [0] : vector<1264x64xf32> to vector<64xf32>
    %broadcast_in_dim3A_1280 = vector.shape_cast %reduce_max3A_1279 : vector<64xf32> to vector<1x64xf32>
    %get3A_1281 = arith.constant 61 : index
    %get3A_1282 = arith.constant 0 : index
    %get3A_1283 = vector.load %arg7[%get3A_1281, %get3A_1282] : memref<64x64xf32, #tpu.memory_space<vmem>>, vector<1x64xf32>
    %max3A_1284 = arith.maximumf %get3A_1283, %broadcast_in_dim3A_1280 : vector<1x64xf32>
    %swap3A_1285 = arith.constant 61 : index
    %swap3A_1286 = arith.constant 0 : index
    %swap3A_1287 = vector.load %arg7[%swap3A_1285, %swap3A_1286] : memref<64x64xf32, #tpu.memory_space<vmem>>, vector<1x64xf32>
    tpu.vector_store %arg7[%swap3A_1285, %swap3A_1286], %max3A_1284 {strides = array<i32>} : memref<64x64xf32, #tpu.memory_space<vmem>>, vector<1x64xf32>,
    %eq3A_1288 = arith.constant 62 : i32
    %eq3A_1289 = vector.broadcast %eq3A_1288 : i32 to vector<1264x1xi32>
    %eq3A_1290 = arith.cmpi eq, %slice3A_24, %eq3A_1289 : vector<1264x1xi32>
    %jit3A_1291 = arith.constant 1.000000e+00 : f32
    %jit3A_1292 = arith.constant 0.000000e+00 : f32
    %broadcast_in_dim3A_1293 = vector.broadcast %jit3A_1291 : f32 to vector<1264x1xf32>
    %broadcast_in_dim3A_1294 = vector.broadcast %jit3A_1292 : f32 to vector<1264x1xf32>
    %select_n3A_1295 = arith.select %eq3A_1290, %broadcast_in_dim3A_1293, %broadcast_in_dim3A_1294 : vector<1264x1xi1>, vector<1264x1xf32>
    %mul3A_1296 = vector.broadcast %select_n3A_1295 : vector<1264x1xf32> to vector<1264x64xf32>
    %mul3A_1297 = arith.mulf %max3A_20, %mul3A_1296 : vector<1264x64xf32>
    %reduce_max3A_1298 = arith.constant dense<0xFF800000> : vector<64xf32>
    %reduce_max3A_1299 = vector.multi_reduction <maximumf>, %mul3A_1297, %reduce_max3A_1298 [0] : vector<1264x64xf32> to vector<64xf32>
    %broadcast_in_dim3A_1300 = vector.shape_cast %reduce_max3A_1299 : vector<64xf32> to vector<1x64xf32>
    %get3A_1301 = arith.constant 62 : index
    %get3A_1302 = arith.constant 0 : index
    %get3A_1303 = vector.load %arg7[%get3A_1301, %get3A_1302] : memref<64x64xf32, #tpu.memory_space<vmem>>, vector<1x64xf32>
    %max3A_1304 = arith.maximumf %get3A_1303, %broadcast_in_dim3A_1300 : vector<1x64xf32>
    %swap3A_1305 = arith.constant 62 : index
    %swap3A_1306 = arith.constant 0 : index
    %swap3A_1307 = vector.load %arg7[%swap3A_1305, %swap3A_1306] : memref<64x64xf32, #tpu.memory_space<vmem>>, vector<1x64xf32>
    tpu.vector_store %arg7[%swap3A_1305, %swap3A_1306], %max3A_1304 {strides = array<i32>} : memref<64x64xf32, #tpu.memory_space<vmem>>, vector<1x64xf32>,
    %eq3A_1308 = arith.constant 63 : i32
    %eq3A_1309 = vector.broadcast %eq3A_1308 : i32 to vector<1264x1xi32>
    %eq3A_1310 = arith.cmpi eq, %slice3A_24, %eq3A_1309 : vector<1264x1xi32>
    %jit3A_1311 = arith.constant 1.000000e+00 : f32
    %jit3A_1312 = arith.constant 0.000000e+00 : f32
    %broadcast_in_dim3A_1313 = vector.broadcast %jit3A_1311 : f32 to vector<1264x1xf32>
    %broadcast_in_dim3A_1314 = vector.broadcast %jit3A_1312 : f32 to vector<1264x1xf32>
    %select_n3A_1315 = arith.select %eq3A_1310, %broadcast_in_dim3A_1313, %broadcast_in_dim3A_1314 : vector<1264x1xi1>, vector<1264x1xf32>
    %mul3A_1316 = vector.broadcast %select_n3A_1315 : vector<1264x1xf32> to vector<1264x64xf32>
    %mul3A_1317 = arith.mulf %max3A_20, %mul3A_1316 : vector<1264x64xf32>
    %reduce_max3A_1318 = arith.constant dense<0xFF800000> : vector<64xf32>
    %reduce_max3A_1319 = vector.multi_reduction <maximumf>, %mul3A_1317, %reduce_max3A_1318 [0] : vector<1264x64xf32> to vector<64xf32>
    %broadcast_in_dim3A_1320 = vector.shape_cast %reduce_max3A_1319 : vector<64xf32> to vector<1x64xf32>
    %get3A_1321 = arith.constant 63 : index
    %get3A_1322 = arith.constant 0 : index
    %get3A_1323 = vector.load %arg7[%get3A_1321, %get3A_1322] : memref<64x64xf32, #tpu.memory_space<vmem>>, vector<1x64xf32>
    %max3A_1324 = arith.maximumf %get3A_1323, %broadcast_in_dim3A_1320 : vector<1x64xf32>
    %swap3A_1325 = arith.constant 63 : index
    %swap3A_1326 = arith.constant 0 : index
    %swap3A_1327 = vector.load %arg7[%swap3A_1325, %swap3A_1326] : memref<64x64xf32, #tpu.memory_space<vmem>>, vector<1x64xf32>
    tpu.vector_store %arg7[%swap3A_1325, %swap3A_1326], %max3A_1324 {strides = array<i32>} : memref<64x64xf32, #tpu.memory_space<vmem>>, vector<1x64xf32>,
    return
  }
  func.func @transform_0(%arg0: i32) -> (i32, i32, i32) {
    %c0_i32 = arith.constant 0 : i32
    %c0_i32_0 = arith.constant 0 : i32
    %c0_i32_1 = arith.constant 0 : i32
    return %c0_i32, %arg0, %c0_i32_0 : i32, i32, i32
  }
  func.func @transform_1(%arg0: i32) -> (i32, i32) {
    %c0_i32 = arith.constant 0 : i32
    %c0_i32_0 = arith.constant 0 : i32
    return %arg0, %c0_i32 : i32, i32
  }
  func.func @transform_2(%arg0: i32) -> (i32, i32) {
    %c0_i32 = arith.constant 0 : i32
    %c0_i32_0 = arith.constant 0 : i32
    return %arg0, %c0_i32 : i32, i32
  }
  func.func @transform_3(%arg0: i32) -> (i32, i32) {
    %c0_i32 = arith.constant 0 : i32
    %c0_i32_0 = arith.constant 0 : i32
    %c0_i32_1 = arith.constant 0 : i32
    return %c0_i32, %c0_i32_0 : i32, i32
  }
  func.func @transform_4(%arg0: i32) -> (i32, i32) {
    %c0_i32 = arith.constant 0 : i32
    %c0_i32_0 = arith.constant 0 : i32
    return %arg0, %c0_i32 : i32, i32
  }
  func.func @transform_5(%arg0: i32) -> (i32, i32) {
    %c0_i32 = arith.constant 0 : i32
    %c0_i32_0 = arith.constant 0 : i32
    %c0_i32_1 = arith.constant 0 : i32
    return %c0_i32, %c0_i32_0 : i32, i32
  }
  func.func @transform_6(%arg0: i32) -> (i32, i32) {
    %c0_i32 = arith.constant 0 : i32
    %c0_i32_0 = arith.constant 0 : i32
    %c0_i32_1 = arith.constant 0 : i32
    return %c0_i32, %c0_i32_0 : i32, i32
  }
  func.func @transform_7(%arg0: i32) -> (i32, i32) {
    %c0_i32 = arith.constant 0 : i32
    %c0_i32_0 = arith.constant 0 : i32
    %c0_i32_1 = arith.constant 0 : i32
    return %c0_i32, %c0_i32_0 : i32, i32
  }
}

module attributes {stable_mosaic.version = 14 : i64} {
  func.func @body(%arg0: memref<64x64xf32, #tpu.memory_space<vmem>>, %arg1: memref<64x64xf32, #tpu.memory_space<vmem>>, %arg2: memref<64x8xf32, #tpu.memory_space<vmem>>, %arg3: memref<64x64xf32, #tpu.memory_space<vmem>>, %arg4: memref<64x64xf32, #tpu.memory_space<vmem>>, %arg5: memref<1x64xf32, #tpu.memory_space<vmem>>, %arg6: memref<64x10xf32, #tpu.memory_space<vmem>>, %arg7: memref<1x10xf32, #tpu.memory_space<vmem>>, %arg8: memref<64x10xf32, #tpu.memory_space<vmem>>) attributes {dimension_semantics = [], scalar_prefetch = 0 : i64, scratch_operands = 0 : i64, tpu.core_type = #tpu.core_type<tc>} {
    %get3A = arith.constant 0 : index
    %get3A_0 = arith.constant 0 : index
    %get3A_1 = vector.load %arg2[%get3A, %get3A_0] : memref<64x8xf32, #tpu.memory_space<vmem>>, vector<64x8xf32>
    %slice3A = vector.extract_strided_slice %get3A_1 {offsets = [0, 0], sizes = [64, 1], strides = [1, 1]} : vector<64x8xf32> to vector<64x1xf32>
    %max3A = arith.constant 1.000000e+00 : f32
    %max3A_2 = vector.broadcast %max3A : f32 to vector<64x1xf32>
    %max3A_3 = arith.maximumf %slice3A, %max3A_2 : vector<64x1xf32>
    %get3A_4 = arith.constant 0 : index
    %get3A_5 = arith.constant 0 : index
    %get3A_6 = vector.load %arg0[%get3A_4, %get3A_5] : memref<64x64xf32, #tpu.memory_space<vmem>>, vector<64x64xf32>
    %div3A = vector.broadcast %max3A_3 : vector<64x1xf32> to vector<64x64xf32>
    %div3A_7 = arith.divf %get3A_6, %div3A : vector<64x64xf32>
    %get3A_8 = arith.constant 0 : index
    %get3A_9 = arith.constant 0 : index
    %get3A_10 = vector.load %arg3[%get3A_8, %get3A_9] : memref<64x64xf32, #tpu.memory_space<vmem>>, vector<64x64xf32>
    %dot_general3A = arith.constant dense<0.000000e+00> : vector<64x64xf32>
    %dot_general3A_11 = tpu.matmul %div3A_7, %get3A_10, %dot_general3A {dimension_numbers = #tpu.dot_dimension_numbers<[1], [0], [0], [1], [0, 0, 1, 1], [], []>, precision = #tpu.contract_precision<fp32>, transpose_lhs_hint = false} : vector<64x64xf32>, vector<64x64xf32>, vector<64x64xf32> -> vector<64x64xf32>
    %get3A_12 = arith.constant 0 : index
    %get3A_13 = arith.constant 0 : index
    %get3A_14 = vector.load %arg1[%get3A_12, %get3A_13] : memref<64x64xf32, #tpu.memory_space<vmem>>, vector<64x64xf32>
    %get3A_15 = arith.constant 0 : index
    %get3A_16 = arith.constant 0 : index
    %get3A_17 = vector.load %arg4[%get3A_15, %get3A_16] : memref<64x64xf32, #tpu.memory_space<vmem>>, vector<64x64xf32>
    %dot_general3A_18 = arith.constant dense<0.000000e+00> : vector<64x64xf32>
    %dot_general3A_19 = tpu.matmul %get3A_14, %get3A_17, %dot_general3A_18 {dimension_numbers = #tpu.dot_dimension_numbers<[1], [0], [0], [1], [0, 0, 1, 1], [], []>, precision = #tpu.contract_precision<fp32>, transpose_lhs_hint = false} : vector<64x64xf32>, vector<64x64xf32>, vector<64x64xf32> -> vector<64x64xf32>
    %add3A = arith.addf %dot_general3A_11, %dot_general3A_19 : vector<64x64xf32>
    %get3A_20 = arith.constant 0 : index
    %get3A_21 = arith.constant 0 : index
    %get3A_22 = vector.load %arg5[%get3A_20, %get3A_21] : memref<1x64xf32, #tpu.memory_space<vmem>>, vector<1x64xf32>
    %add3A_23 = vector.broadcast %get3A_22 : vector<1x64xf32> to vector<64x64xf32>
    %add3A_24 = arith.addf %add3A, %add3A_23 : vector<64x64xf32>
    %max3A_25 = arith.constant 0.000000e+00 : f32
    %max3A_26 = vector.broadcast %max3A_25 : f32 to vector<64x64xf32>
    %max3A_27 = arith.maximumf %add3A_24, %max3A_26 : vector<64x64xf32>
    %get3A_28 = arith.constant 0 : index
    %get3A_29 = arith.constant 0 : index
    %get3A_30 = vector.load %arg6[%get3A_28, %get3A_29] : memref<64x10xf32, #tpu.memory_space<vmem>>, vector<64x10xf32>
    %dot_general3A_31 = arith.constant dense<0.000000e+00> : vector<64x10xf32>
    %dot_general3A_32 = tpu.matmul %max3A_27, %get3A_30, %dot_general3A_31 {dimension_numbers = #tpu.dot_dimension_numbers<[1], [0], [0], [1], [0, 0, 1, 1], [], []>, precision = #tpu.contract_precision<fp32>, transpose_lhs_hint = false} : vector<64x64xf32>, vector<64x10xf32>, vector<64x10xf32> -> vector<64x10xf32>
    %get3A_33 = arith.constant 0 : index
    %get3A_34 = arith.constant 0 : index
    %get3A_35 = vector.load %arg7[%get3A_33, %get3A_34] : memref<1x10xf32, #tpu.memory_space<vmem>>, vector<1x10xf32>
    %add3A_36 = vector.broadcast %get3A_35 : vector<1x10xf32> to vector<64x10xf32>
    %add3A_37 = arith.addf %dot_general3A_32, %add3A_36 : vector<64x10xf32>
    %swap3A = arith.constant 0 : index
    %swap3A_38 = arith.constant 0 : index
    %swap3A_39 = vector.load %arg8[%swap3A, %swap3A_38] : memref<64x10xf32, #tpu.memory_space<vmem>>, vector<64x10xf32>
    tpu.vector_store %arg8[%swap3A, %swap3A_38], %add3A_37 {strides = array<i32>} : memref<64x10xf32, #tpu.memory_space<vmem>>, vector<64x10xf32>,
    return
  }
}

</mosaic_0001>

<sc_bundles>
// kernel: kernel.15.cloned.1.call-start
scs
__scs_entry_jumppad:
0x0: {  	(pc) =	sbr.rel $0x88, $3  }
0x1: {  	(tag) =	ssettag $0x0;
	lr =	simm.s32 $0x1  }
0x2: {  	[smem:$0x3F90] =	sst lr;
	_ =	strace $0xD0000000  }
0x3: {  	_ = 	snop  }
0x4: {  	_ = 	snop  }
0x5: {  	_ = 	snop  }
0x6: {  	_ = 	snop  }
0x7: {  	_ = 	snop  }
__scs_overlays_trampoline_lowered:
0x8: {  	[smem:$0x3F9F] =	sst s0  }
0x9: {  	[smem:$0x3FA0] =	sst s1  }
0xa: {  	[smem:$0x3FA1] =	sst s2  }
0xb: {  	[smem:$0x3FA2] =	sst s3  }
0xc: {  	[smem:$0x3FA3] =	sst s4  }
0xd: {  	[smem:$0x3FA4] =	sst s5  }
0xe: {  	[smem:$0x3FA5] =	sst s6  }
0xf: {  	[smem:$0x3FA6] =	sst s7  }
0x10: {  	[smem:$0x3FA7] =	sst s8  }
0x11: {  	[smem:$0x3FA8] =	sst s9;
	s0 =	simm.s32 @!p0 $0x0  }
0x12: {  	s1 =	sld [smem:$0x3F8E];
	s0 =	simm.s32 @p0 $0x1  }
0x13: {  	[smem:$0x3FA9] =	sst s0;
	s0 =	simm.s32 @!p1 $0x0  }
0x14: {  	s2 =	sld [smem:$0x3F8D];
	s0 =	simm.s32 @p1 $0x1  }
0x15: {  	[smem:$0x3FAA] =	sst s0;
	s0 =	simm.s32 @!p2 $0x0  }
0x16: {  	s3 =	sld [smem:$0x3FDB];
	s0 =	simm.s32 @p2 $0x1  }
0x17: {  	s4 =	simm.s32 $0x1BF5;
	[smem:$0x3FAC] =	sst s0  }
0x18: {  	s0 =	sld [smem:$0x3F8F];
	_ =	swait.ge [sflag:s4], $0x0  }
0x19: {  	s7 =	sld [smem:$0x3F90]  }
0x1a: {  	s8 =	sadd.s32 $0xFFFFE003, lr  }
0x1b: {  	s9 =	sadd.s32 $0xFFFFFEF7, lr;
	s5 =	simm.s32 $0xFFFFFFFF;
	p2 =	slt.u32 s8, $0xFFFFF086  }
0x1c: {  	p1 =	slt.u32 s9, $0xF7A;
	s5 =	simm.s32 @!p2 $0x0  }
0x1d: {  	s5 =	simm.s32 @p1 $0x1;
	p0 =	seq.s32 s7, s2  }
0x1e: {  	s7 =	smul.u32 @!p0 $0xF7A, s2;
	p2 =	seq.s32 @!p0 s5, $0x0  }
0x1f: {  	s9 =	smul.u32 $0xF7A, s1;
	s8 =	simm.s32 @!p0 $0x1BF5;
	p2 =	por !p2, p0  }
0x20: {  	[sflag:s8] =	ssyncset.s32 @!p0 $0xFFFFF086;
	s6 =	sadd.s32 @!p0 s3, s7;
	s7 =	simm.s32 @!p0 $0x108  }
0x21: {  	s3 =	sadd.s32 s3, s9;
	s6 =	sadd.s32 @!p0 $0x88, s6;
	s7 =	simm.s32 @p2 $0x1082  }
0x22: {  	[simem:s7], [sflag:s8] =	dma.local @!p0 [hbm:s6], $0xF7A  }
0x23: {  	s9 =	sor.u32 $0xD0000000, s2;
	s6 =	simm.s32 $0x108;
	_ =	swait.ge @!p0 [sflag:s8], $0x0  }
0x24: {  	s3 =	sadd.s32 $0x88, s3;
	s6 =	simm.s32 @!p1 $0x1082;
	[sflag:s4] =	ssyncset.s32 $0xFFFFF086  }
0x25: {  	[simem:s6], [sflag:s4] =	dma.local [hbm:s3], $0xF7A  }
0x26: {  	[smem:$0x3F90] =	sst s1;
	(tag) =	ssettag s2;
	_ =	strace s9  }
0x27: {  	s1 =	sld [smem:$0x3FA0]  }
0x28: {  	s2 =	sld [smem:$0x3FA1]  }
0x29: {  	s4 =	sld [smem:$0x3FA3]  }
0x2a: {  	p0 =	seq.s32 s5, $0x0;
	s5 =	sld [smem:$0x3FA4]  }
0x2b: {  	s6 =	sld [smem:$0x3FA5]  }
0x2c: {  	s7 =	sld [smem:$0x3FA6]  }
0x2d: {  	s3 =	simm.s32 $0x108;
	s8 =	sld [smem:$0x3FA7]  }
0x2e: {  	s3 =	simm.s32 @!p0 $0x1082;
	s9 =	sld [smem:$0x3FA8]  }
0x2f: {  	lr =	sadd.s32 s0, s3;
	s0 =	sld [smem:$0x3F9F]  }
0x30: {  	s3 =	sld [smem:$0x3FA2]  }
0x31: {  	[smem:$0x3FAB] =	sst s10  }
0x32: {  	s10 =	sld [smem:$0x3FA9];
	_ =	sdelay $0x3  }
0x33: {  	p0 =	seq.s32 s10, $0x1;
	s10 =	sld [smem:$0x3FAB];
	_ =	sdelay $0x3  }
0x34: {  	[smem:$0x3FAB] =	sst s10  }
0x35: {  	s10 =	sld [smem:$0x3FAA];
	_ =	sdelay $0x3  }
0x36: {  	p1 =	seq.s32 s10, $0x1;
	s10 =	sld [smem:$0x3FAB];
	_ =	sdelay $0x3  }
0x37: {  	[smem:$0x3FAB] =	sst s10  }
0x38: {  	s10 =	sld [smem:$0x3FAC]  }
0x39: {  	_ = 	snop;
	(pc) =	sbr.ind lr, $3  }
0x3a: {  	_ = 	snop  }
0x3b: {  	_ = 	snop  }
0x3c: {  	p2 =	seq.s32 s10, $0x1;
	s10 =	sld [smem:$0x3FAB]  }
0x3d: {  	_ =	shalt  }
0x3e: {  	_ =	shalt  }
0x3f: {  	_ =	shalt  }
0x40: {  	_ =	shalt  }
0x41: {  	_ =	shalt  }
0x42: {  	_ =	shalt  }
0x43: {  	_ =	shalt  }
0x44: {  	_ =	shalt  }
0x45: {  	_ =	shalt  }
0x46: {  	_ =	shalt  }
0x47: {  	_ =	shalt  }
0x48: {  	_ =	shalt  }
0x49: {  	_ =	shalt  }
0x4a: {  	_ =	shalt  }
0x4b: {  	_ =	shalt  }
0x4c: {  	_ =	shalt  }
0x4d: {  	_ =	shalt  }
0x4e: {  	_ =	shalt  }
0x4f: {  	_ =	shalt  }
0x50: {  	_ =	shalt  }
0x51: {  	_ =	shalt  }
0x52: {  	_ =	shalt  }
0x53: {  	_ =	shalt  }
0x54: {  	_ =	shalt  }
0x55: {  	_ =	shalt  }
0x56: {  	_ =	shalt  }
0x57: {  	_ =	shalt  }
0x58: {  	_ =	shalt  }
0x59: {  	_ =	shalt  }
0x5a: {  	_ =	shalt  }
0x5b: {  	_ =	shalt  }
0x5c: {  	_ =	shalt  }
0x5d: {  	_ =	shalt  }
0x5e: {  	_ =	shalt  }
0x5f: {  	_ =	shalt  }
0x60: {  	_ =	shalt  }
0x61: {  	_ =	shalt  }
0x62: {  	_ =	shalt  }
0x63: {  	_ =	shalt  }
0x64: {  	_ =	shalt  }
0x65: {  	_ =	shalt  }
0x66: {  	_ =	shalt  }
0x67: {  	_ =	shalt  }
0x68: {  	_ =	shalt  }
0x69: {  	_ =	shalt  }
0x6a: {  	_ =	shalt  }
0x6b: {  	_ =	shalt  }
0x6c: {  	_ =	shalt  }
0x6d: {  	_ =	shalt  }
0x6e: {  	_ =	shalt  }
0x6f: {  	_ =	shalt  }
0x70: {  	_ =	shalt  }
0x71: {  	_ =	shalt  }
0x72: {  	_ =	shalt  }
0x73: {  	_ =	shalt  }
0x74: {  	_ =	shalt  }
0x75: {  	_ =	shalt  }
0x76: {  	_ =	shalt  }
0x77: {  	_ =	shalt  }
0x78: {  	_ =	shalt  }
0x79: {  	_ =	shalt  }
0x7a: {  	_ =	shalt  }
0x7b: {  	_ =	shalt  }
0x7c: {  	_ =	shalt  }
0x7d: {  	_ =	shalt  }
0x7e: {  	_ =	shalt  }
0x7f: {  	_ =	shalt  }
0x80: {  	_ =	shalt  }
0x81: {  	_ =	shalt  }
0x82: {  	_ =	shalt  }
0x83: {  	_ =	shalt  }
0x84: {  	_ =	shalt  }
0x85: {  	_ =	shalt  }
0x86: {  	_ =	shalt  }
0x87: {  	_ =	shalt  }
.Lfunc_end0:
.L_simem_size_0:
called_computation_lowered:
.L_overlay_start_0:
0x88: {  	s2 =	sld [smem:$0x3FD9]  }
0x89: {  	s3 =	sld [smem:$0x3FFE];
	_ =	sdelay $0x1  }
0x8a: {  	s1 =	srdreg.scid  }
0x8b: {  	s0 =	sand.u32 $0x1, s1  }
0x8c: {  	s16 =	sshll.u32 s0, $0xA;
	s2 =	sadd.s32 s3, s2  }
0x8d: {  	s2 =	sadd.s32 s2, s16  }
0x8e: {  	[smem:$0x3FB7] =	sst s2  }
0x8f: {  	_ = 	snop  }
0x90: {  	(tm) =	ssettm $0x1  }
0x91: {  	s17 =	sld [smem:$0x3FFB];
	_ =	sdelay $0x3  }
0x92: {  	_ =	strace s17  }
0x93: {  	s2 =	sld [smem:$0x3FFC];
	_ =	sdelay $0x3  }
0x94: {  	_ =	strace s2  }
0x95: {  	s2 =	sld [smem:$0x3FFD];
	_ =	sdelay $0x3  }
0x96: {  	_ =	strace s2  }
0x97: {  	_ =	strace $0x8FFFFFFF  }
0x98: {  	s18 =	sld [smem:$0x3FDB];
	_ =	sdelay $0x1  }
0x99: {  	s19 =	simm.s32 $_scs_section_size  }
0x9a: {  	s4 =	simm.s32 $_size__tile_overlayer_lowered;
	s5 =	simm.s32 $_tile_overlayer_lowered  }
0x9b: {  	s22 =	simm.s32 $0x1BFF;
	s21 =	sshll.u32 s5, $0x1;
	s2 =	sadd.s32 s19, s18  }
0x9c: {  	s6 =	simm.s32 $0x0;
	s20 =	sshll.u32 s4, $0x1;
	s4 =	sadd.s32 s21, s2  }
0x9d: {  	[timem:s6], [sflag:s22] =	dma.local [hbm:s4], s20  }
0x9e: {  	_ =	swait.ge [sflag:s22], s20  }
0x9f: {  	s3 =	ssub.s32 $0x0, s20;
	[sflag:s22] =	ssyncset.done $0x0  }
0xa0: {  	[sflag:s22] =	ssyncadd.s32 s3;
	_ =	sdelay $0x1  }
0xa1: {  	s23 =	simm.s32 $0x1B8B  }
0xa2: {  	_ =	swait.ge [sflag:s23], $0x1  }
0xa3: {  	[sflag:s23] =	ssyncset.done $0x0  }
0xa4: {  	s25 =	simm.s32 $0x1B8E;
	s24 =	sld [smem:$0x3FFE];
	[sflag:s23] =	ssyncadd.s32 $0xFFFFFFFF  }
0xa5: {  	s26 =	simm.s32 $execute0_lowered;
	[smem:$0x3FD2] =	sst s25  }
0xa6: {  	s4 =	sshll.u32 s26, $0x1;
	_ =	strace $0x80000046;
	[dreg:$0x1] =	wrdreg $0xFFFFFFFF  }
0xa7: {  	s28 =	simm.s32 $_size_execute0_lowered;
	s2 =	sadd.s32 s2, s4;
	[dreg:$0x0] =	wrdreg $0x0  }
0xa8: {  	s4 =	sshll.u32 s28, $0x1;
	[dreg:$0x2] =	wrdreg s2  }
0xa9: {  	[dreg:$0x3] =	wrdreg s4  }
0xaa: {  	[dreg:$0x4] =	wrdreg $0xC0  }
0xab: {  	_ =	task [dreg:s6], $0x5FFFF  }
0xac: {  	[dreg:$0x1] =	wrdreg $0xFFFFFFFF  }
0xad: {  	[dreg:$0x0] =	wrdreg $0x60  }
0xae: {  	[dreg:$0x2] =	wrdreg s24  }
0xaf: {  	[dreg:$0x3] =	wrdreg $0x34700  }
0xb0: {  	[dreg:$0x4] =	wrdreg $0x9  }
0xb1: {  	_ =	task.clear_ibuf [dreg:s6], $0x5FFFF;
	_ =	strace $0x90000046  }
0xb2: {  	s29 =	simm.s32 $0x9;
	_ =	strace $0x80000048  }
0xb3: {  	_ =	swait.ge [sflag:s29], $0x1  }
0xb4: {  	[sflag:s29] =	ssyncadd.s32 $0xFFFFFFFF  }
0xb5: {  	_ =	strace $0x90000048  }
0xb6: {  	_ =	sfence  }
0xb7: {  	s30 =	sld [smem:$0x0];
	_ =	sdelay $0x2  }
0xb8: {  	s31 =	sshll.u32 s1, $0xD;
	s1 =	sshrl.u32 s1, $0x2  }
0xb9: {  	s3 =	sand.u32 $0x4000, s31;
	s1 =	sadd.s32 s1, s30  }
0xba: {  	s0 =	sor.u32 s3, s0;
	s1 =	sshll.u32 s1, $0x11  }
0xbb: {  	s0 =	sor.u32 s1, s0  }
0xbc: {  	s0 =	sadd.s32 $0x8F2B, s0  }
0xbd: {  	[sflag:s0] =	ssyncadd.remote.s32 $0x1  }
0xbe: {  	_ =	sfence.sel $0xFFFF  }
0xbf: {  	[dreg:$0x0] =	wrdreg $0xFFFFFFFF;
	(pc) =	sbr.abs _section_cstart, $3  }
0xc0: {  	[dreg:$0x1] =	wrdreg $0xFFFFFFFF  }
0xc1: {  	_ =	task.clear_ibuf [dreg:s6], $0x2FFFF;
	_ =	strace $0x9FFFFFFF  }
0xc2: {  	(tm) =	ssettm $0x7FFFFFFF  }
0xc3: {  	_ =	shalt  }
tec
execute0_lowered:
.L_overlay_start_1:
0x0: {  	(tag) =	ssettag $0x1  }
0x1: {  	s1 =	srdreg.scid  }
0x2: {  	s0 =	stileid.u32;
	s5 =	rddreg [dreg:$0x0]  }
0x3: {  	s2 =	rddreg [dreg:$0x1];
	s3 =	simm.s32 $0x0;
	s15 =	simm.s32 $0x2F80  }
0x4: {  	s16 =	simm.s32 $0x1;
	s17 =	simm.s32 $0x80;
	s7 =	smul.u32 $0x2780, s0  }
0x5: {  	s4 =	sand.u32 $0x1, s1;
	s29 =	sshll.u32 s0, $0x1;
	s9 =	smul.u32 $0x9E00, s0  }
0x6: {  	s18 =	simm.s32 $0x2780;
	s1 =	sor.u32 s4, s29;
	s8 =	smul.u32 $0x27800, s4  }
0x7: {  	[smem:$0x7FF] =	sst s3;
	s4 =	ssub.s32 $0x2, s4;
	s6 =	smul.u32 $0x4F0, s1  }
0x8: {  	s1 =	rddreg [dreg:$0x2];
	_ =	strace $0x80000047;
	s31 =	sshrl.u32 s4, $0x1  }
0x9: {  	s9 =	sshrl.u32 s9, $0x2;
	s30 =	sadd.s32 s7, s8;
	s14 =	ssub.s32 s4, s31  }
0xa: {  	s11 =	sadd.s32 s9, s2;
	s4 =	sadd.s32 s7, s2;
	s12 =	sadd.s32 s6, s5  }
0xb: {  	s6 =	sshrl.u32 s30, $0x3;
	s7 =	sadd.s32 $0xED0, s11;
	s8 =	sadd.s32 $0x13C0, s11  }
0xc: {  	s9 =	sadd.s32 $0x18B0, s11;
	s10 =	sadd.s32 $0x1DA0, s11;
	s14 =	smax.u32 s14, $0x1  }
0xd: {  	s13 =	sadd.s32 s6, s5;
	s5 =	sadd.s32 $0x4F0, s11;
	s6 =	sadd.s32 $0x9E0, s11  }
0xe: {  	v0 =	vimm.f32 $0.0e+00;
	v1 =	vimm.f32 $1.000000000e+00;
	s11 =	sadd.s32 $0x2290, s11;
	s12 =	sadd.s32 $0x4400, s12;
	s13 =	sadd.s32 $0xE200, s13  }
.LBB2_1:
0xf: {  	s19 =	simm.s32 $0x0  }
.LBB2_2:
0x10: {  	p0 =	sne.s32 s19, $0x1380  }
.Ltmp0:
0x11: {  	_ = 	snop;
	(pc) =	sbr.rel @p0 .LBB2_2-.Ltmp0, $3  }
0x12: {  	_ =	sdelay $0x1  }
0x13: {  	s20 =	sshra.s32 s19, $0x2  }
0x14: {  	s19 =	sadd.s32 $0x40, s19;
	[tilespmem:s20+$0x2F80] =	vst v0  }
0x15: {  	s19 =	simm.s32 $0x40;
	s20 =	simm.s32 $0x0  }
.LBB2_4:
0x16: {  	p0 =	sne.s32 s19, $0x1FC0;
	[tilespmem:s20+$0x2780] =	vst v1;
	s20 =	smov.u32 s19;
	s19 =	sadd.s32 $0x40, s19  }
.Ltmp1:
0x17: {  	(pc) =	sbr.rel @p0 .LBB2_4-.Ltmp1, $2  }
0x18: {  	_ =	sdelay $0x2  }
0x19: {  	s20 =	sshra.s32 s20, $0x2  }
0x1a: {  	[tilespmem:s20+$0x2780] =	vst v1  }
0x1b: {  	[spmem:s4] =	stream.linear.scatter [tilespmem:s15], [sflag:$0x1], $0x4F0, $0x38;
	[tilespmem:$0x5BF0] =	vst v63  }
0x1c: {  	_ =	swait.ge [sflag:s16], $0x4F0  }
0x1d: {  	[sflag:s16] =	ssyncset.done $0x0  }
0x1e: {  	[sflag:s16] =	ssyncadd.s32 $0xFFFFFB10  }
0x1f: {  	[spmem:s5] =	stream.linear.scatter [tilespmem:s15], [sflag:$0x1], $0x4F0, $0x38;
	[tilespmem:$0x5BF0] =	vst v63  }
0x20: {  	_ =	swait.ge [sflag:s16], $0x4F0  }
0x21: {  	[sflag:s16] =	ssyncset.done $0x0  }
0x22: {  	[sflag:s16] =	ssyncadd.s32 $0xFFFFFB10  }
0x23: {  	[spmem:s6] =	stream.linear.scatter [tilespmem:s15], [sflag:$0x1], $0x4F0, $0x38;
	[tilespmem:$0x5BF0] =	vst v63  }
0x24: {  	_ =	swait.ge [sflag:s16], $0x4F0  }
0x25: {  	[sflag:s16] =	ssyncset.done $0x0  }
0x26: {  	[sflag:s16] =	ssyncadd.s32 $0xFFFFFB10  }
0x27: {  	[spmem:s7] =	stream.linear.scatter [tilespmem:s15], [sflag:$0x1], $0x4F0, $0x38;
	[tilespmem:$0x5BF0] =	vst v63  }
0x28: {  	_ =	swait.ge [sflag:s16], $0x4F0  }
0x29: {  	[sflag:s16] =	ssyncset.done $0x0  }
0x2a: {  	[sflag:s16] =	ssyncadd.s32 $0xFFFFFB10  }
0x2b: {  	[spmem:s8] =	stream.linear.scatter [tilespmem:s15], [sflag:$0x1], $0x4F0, $0x38;
	[tilespmem:$0x5BF0] =	vst v63  }
0x2c: {  	_ =	swait.ge [sflag:s16], $0x4F0  }
0x2d: {  	[sflag:s16] =	ssyncset.done $0x0  }
0x2e: {  	[sflag:s16] =	ssyncadd.s32 $0xFFFFFB10  }
0x2f: {  	[spmem:s9] =	stream.linear.scatter [tilespmem:s15], [sflag:$0x1], $0x4F0, $0x38;
	[tilespmem:$0x5BF0] =	vst v63  }
0x30: {  	_ =	swait.ge [sflag:s16], $0x4F0  }
0x31: {  	[sflag:s16] =	ssyncset.done $0x0  }
0x32: {  	[sflag:s16] =	ssyncadd.s32 $0xFFFFFB10  }
0x33: {  	[spmem:s10] =	stream.linear.scatter [tilespmem:s15], [sflag:$0x1], $0x4F0, $0x38;
	[tilespmem:$0x5BF0] =	vst v63  }
0x34: {  	_ =	swait.ge [sflag:s16], $0x4F0  }
0x35: {  	[sflag:s16] =	ssyncset.done $0x0  }
0x36: {  	[sflag:s16] =	ssyncadd.s32 $0xFFFFFB10  }
0x37: {  	[spmem:s11] =	stream.linear.scatter [tilespmem:s15], [sflag:$0x1], $0x4F0, $0x38;
	[tilespmem:$0x5BF0] =	vst v63  }
0x38: {  	_ =	swait.ge [sflag:s16], $0x4F0  }
0x39: {  	[sflag:s16] =	ssyncset.done $0x0  }
0x3a: {  	s19 =	simm.s32 $0x0;
	[sflag:s16] =	ssyncadd.s32 $0xFFFFFB10  }
0x3b: {  	[tilespmem:s19], [sflag:$0x1] =	stream.linear.gather [hbm4b:s12+s19], $0x2780, $0x38;
	[tilespmem:$0x5BF0] =	vst v63  }
0x3c: {  	_ =	swait.ge [sflag:s16], $0x2780  }
0x3d: {  	[sflag:s16] =	ssyncset.done $0x0  }
0x3e: {  	[sflag:s16] =	ssyncadd.s32 $0xFFFFD880  }
0x3f: {  	s31 =	simm.s32 $0x0;
	[bflag:$0x0] =	sbarrier.arrive $0xFFFF  }
0x40: {  	[spmem:s2] =	stream.indirect.scatter.add.f32 [tilespmem:s18], [sflag:$0x1], $0x10, s31, s17, $0xb8;
	[tilespmem:$0x5BF0] =	vst v63  }
0x41: {  	_ =	swait.ge [sflag:s16], $0x800  }
0x42: {  	s19 =	simm.s32 $0x200;
	[sflag:s16] =	ssyncset.done $0x0  }
.LBB2_6:
0x43: {  	s20 =	sshra.s32 s19, $0x2;
	[sflag:s16] =	ssyncadd.s32 $0xFFFFF800;
	p0 =	sne.s32 s19, $0x9C00  }
0x44: {  	[spmem:s2] =	stream.indirect.scatter.add.f32 [tilespmem:s18], [sflag:$0x1], $0x10, s20, s17, $0xb8;
	[tilespmem:$0x5BF0] =	vst v63  }
.Ltmp2:
0x45: {  	_ = 	snop;
	(pc) =	sbr.rel @p0 .LBB2_6-.Ltmp2, $4  }
0x46: {  	_ = 	snop  }
0x47: {  	s19 =	sadd.s32 $0x200, s19  }
0x48: {  	_ =	swait.ge [sflag:s16], $0x800  }
0x49: {  	[sflag:s16] =	ssyncset.done $0x0  }
0x4a: {  	[sflag:s16] =	ssyncadd.s32 $0xFFFFF800;
	s3 =	sadd.s32 $0x1, s3  }
0x4b: {  	s19 =	sshll.u32 s0, $0x6;
	s20 =	sshrl.u32 s4, $0x3;
	p0 =	sne.s32 s3, s14  }
.Ltmp3:
0x4c: {  	[bflag:$0x0] =	sbarrier.arrive $0xFFFF;
	s19 =	sor.u32 $0x1C01, s19;
	(pc) =	sbr.rel @p0 .LBB2_1-.Ltmp3, $4  }
0x4d: {  	[hbm:s13], [sflag:s19] =	dma.local [spmem:s20], $0x4F0  }
0x4e: {  	_ =	swait.ge [sflag:s16], $0x4F0  }
0x4f: {  	[sflag:s16] =	ssyncset.done $0x0  }
0x50: {  	[sflag:s16] =	ssyncadd.s32 $0xFFFFFB10  }
0x51: {  	_ =	sfence.sel $0x180000  }
0x52: {  	[bflag:$0x0] =	sbarrier.arrive $0xFFFF  }
0x53: {  	p0 =	sne.s32 s0, $0x0;
	_ =	strace $0x90000047  }
0x54: {  	s0 =	sadd.s32 @!p0 $0x100000, s1;
	[bflag:$0x2] =	sbarrier.arrive $0xFFFF  }
0x55: {  	[sflag:s0] =	ssyncadd.tile.s32 @!p0 $0x1;
	_ =	shalt  }
.Lfunc_end2:
_tile_overlayer_lowered:
.L_overlay_start_2:
0x56: {  	(tag) =	ssettag $0x2  }
0x57: {  	s0 =	rddreg [dreg:$0x0];
	s2 =	stileid.u32  }
0x58: {  	s1 =	rddreg [dreg:$0x1];
	p0 =	sne.s32 s2, $0x0  }
0x59: {  	s3 =	rddreg [dreg:$0x2];
	[bflag:$0x3] =	sbarrier.arrive $0xFFFF;
	s2 =	simm.s32 @!p0 $0x1C01  }
0x5a: {  	[timem:s3], [sflag:s2] =	dma.local @!p0 [hbm:s0], s1  }
0x5b: {  	s0 =	simm.s32 @!p0 $0x1  }
0x5c: {  	_ =	swait.ge @!p0 [sflag:s0], s1  }
0x5d: {  	s1 =	ssub.s32 @!p0 $0x0, s1;
	[sflag:s0] =	ssyncset.done @!p0 $0x0  }
0x5e: {  	[sflag:s0] =	ssyncadd.s32 @!p0 s1  }
0x5f: {  	[bflag:$0x3] =	sbarrier.arrive $0xFFFF  }
0x60: {  	_ =	shalt  }

// kernel: kernel.18.cloned.1.call-start
scs
__scs_entry_jumppad:
0x0: {  	(pc) =	sbr.rel $0x88, $3  }
0x1: {  	(tag) =	ssettag $0x0;
	lr =	simm.s32 $0x1  }
0x2: {  	[smem:$0x3F90] =	sst lr;
	_ =	strace $0xD0000000  }
0x3: {  	_ = 	snop  }
0x4: {  	_ = 	snop  }
0x5: {  	_ = 	snop  }
0x6: {  	_ = 	snop  }
0x7: {  	_ = 	snop  }
__scs_overlays_trampoline_lowered:
0x8: {  	[smem:$0x3F9F] =	sst s0  }
0x9: {  	[smem:$0x3FA0] =	sst s1  }
0xa: {  	[smem:$0x3FA1] =	sst s2  }
0xb: {  	[smem:$0x3FA2] =	sst s3  }
0xc: {  	[smem:$0x3FA3] =	sst s4  }
0xd: {  	[smem:$0x3FA4] =	sst s5  }
0xe: {  	[smem:$0x3FA5] =	sst s6  }
0xf: {  	[smem:$0x3FA6] =	sst s7  }
0x10: {  	[smem:$0x3FA7] =	sst s8  }
0x11: {  	[smem:$0x3FA8] =	sst s9;
	s0 =	simm.s32 @!p0 $0x0  }
0x12: {  	s1 =	sld [smem:$0x3F8E];
	s0 =	simm.s32 @p0 $0x1  }
0x13: {  	[smem:$0x3FA9] =	sst s0;
	s0 =	simm.s32 @!p1 $0x0  }
0x14: {  	s2 =	sld [smem:$0x3F8D];
	s0 =	simm.s32 @p1 $0x1  }
0x15: {  	[smem:$0x3FAA] =	sst s0;
	s0 =	simm.s32 @!p2 $0x0  }
0x16: {  	s3 =	sld [smem:$0x3FDB];
	s0 =	simm.s32 @p2 $0x1  }
0x17: {  	s4 =	simm.s32 $0x1BF5;
	[smem:$0x3FAC] =	sst s0  }
0x18: {  	s0 =	sld [smem:$0x3F8F];
	_ =	swait.ge [sflag:s4], $0x0  }
0x19: {  	s7 =	sld [smem:$0x3F90]  }
0x1a: {  	s8 =	sadd.s32 $0xFFFFE003, lr  }
0x1b: {  	s9 =	sadd.s32 $0xFFFFFEF7, lr;
	s5 =	simm.s32 $0xFFFFFFFF;
	p2 =	slt.u32 s8, $0xFFFFF086  }
0x1c: {  	p1 =	slt.u32 s9, $0xF7A;
	s5 =	simm.s32 @!p2 $0x0  }
0x1d: {  	s5 =	simm.s32 @p1 $0x1;
	p0 =	seq.s32 s7, s2  }
0x1e: {  	s7 =	smul.u32 @!p0 $0xF7A, s2;
	p2 =	seq.s32 @!p0 s5, $0x0  }
0x1f: {  	s9 =	smul.u32 $0xF7A, s1;
	s8 =	simm.s32 @!p0 $0x1BF5;
	p2 =	por !p2, p0  }
0x20: {  	[sflag:s8] =	ssyncset.s32 @!p0 $0xFFFFF086;
	s6 =	sadd.s32 @!p0 s3, s7;
	s7 =	simm.s32 @!p0 $0x108  }
0x21: {  	s3 =	sadd.s32 s3, s9;
	s6 =	sadd.s32 @!p0 $0x88, s6;
	s7 =	simm.s32 @p2 $0x1082  }
0x22: {  	[simem:s7], [sflag:s8] =	dma.local @!p0 [hbm:s6], $0xF7A  }
0x23: {  	s9 =	sor.u32 $0xD0000000, s2;
	s6 =	simm.s32 $0x108;
	_ =	swait.ge @!p0 [sflag:s8], $0x0  }
0x24: {  	s3 =	sadd.s32 $0x88, s3;
	s6 =	simm.s32 @!p1 $0x1082;
	[sflag:s4] =	ssyncset.s32 $0xFFFFF086  }
0x25: {  	[simem:s6], [sflag:s4] =	dma.local [hbm:s3], $0xF7A  }
0x26: {  	[smem:$0x3F90] =	sst s1;
	(tag) =	ssettag s2;
	_ =	strace s9  }
0x27: {  	s1 =	sld [smem:$0x3FA0]  }
0x28: {  	s2 =	sld [smem:$0x3FA1]  }
0x29: {  	s4 =	sld [smem:$0x3FA3]  }
0x2a: {  	p0 =	seq.s32 s5, $0x0;
	s5 =	sld [smem:$0x3FA4]  }
0x2b: {  	s6 =	sld [smem:$0x3FA5]  }
0x2c: {  	s7 =	sld [smem:$0x3FA6]  }
0x2d: {  	s3 =	simm.s32 $0x108;
	s8 =	sld [smem:$0x3FA7]  }
0x2e: {  	s3 =	simm.s32 @!p0 $0x1082;
	s9 =	sld [smem:$0x3FA8]  }
0x2f: {  	lr =	sadd.s32 s0, s3;
	s0 =	sld [smem:$0x3F9F]  }
0x30: {  	s3 =	sld [smem:$0x3FA2]  }
0x31: {  	[smem:$0x3FAB] =	sst s10  }
0x32: {  	s10 =	sld [smem:$0x3FA9];
	_ =	sdelay $0x3  }
0x33: {  	p0 =	seq.s32 s10, $0x1;
	s10 =	sld [smem:$0x3FAB];
	_ =	sdelay $0x3  }
0x34: {  	[smem:$0x3FAB] =	sst s10  }
0x35: {  	s10 =	sld [smem:$0x3FAA];
	_ =	sdelay $0x3  }
0x36: {  	p1 =	seq.s32 s10, $0x1;
	s10 =	sld [smem:$0x3FAB];
	_ =	sdelay $0x3  }
0x37: {  	[smem:$0x3FAB] =	sst s10  }
0x38: {  	s10 =	sld [smem:$0x3FAC]  }
0x39: {  	_ = 	snop;
	(pc) =	sbr.ind lr, $3  }
0x3a: {  	_ = 	snop  }
0x3b: {  	_ = 	snop  }
0x3c: {  	p2 =	seq.s32 s10, $0x1;
	s10 =	sld [smem:$0x3FAB]  }
0x3d: {  	_ =	shalt  }
0x3e: {  	_ =	shalt  }
0x3f: {  	_ =	shalt  }
0x40: {  	_ =	shalt  }
0x41: {  	_ =	shalt  }
0x42: {  	_ =	shalt  }
0x43: {  	_ =	shalt  }
0x44: {  	_ =	shalt  }
0x45: {  	_ =	shalt  }
0x46: {  	_ =	shalt  }
0x47: {  	_ =	shalt  }
0x48: {  	_ =	shalt  }
0x49: {  	_ =	shalt  }
0x4a: {  	_ =	shalt  }
0x4b: {  	_ =	shalt  }
0x4c: {  	_ =	shalt  }
0x4d: {  	_ =	shalt  }
0x4e: {  	_ =	shalt  }
0x4f: {  	_ =	shalt  }
0x50: {  	_ =	shalt  }
0x51: {  	_ =	shalt  }
0x52: {  	_ =	shalt  }
0x53: {  	_ =	shalt  }
0x54: {  	_ =	shalt  }
0x55: {  	_ =	shalt  }
0x56: {  	_ =	shalt  }
0x57: {  	_ =	shalt  }
0x58: {  	_ =	shalt  }
0x59: {  	_ =	shalt  }
0x5a: {  	_ =	shalt  }
0x5b: {  	_ =	shalt  }
0x5c: {  	_ =	shalt  }
0x5d: {  	_ =	shalt  }
0x5e: {  	_ =	shalt  }
0x5f: {  	_ =	shalt  }
0x60: {  	_ =	shalt  }
0x61: {  	_ =	shalt  }
0x62: {  	_ =	shalt  }
0x63: {  	_ =	shalt  }
0x64: {  	_ =	shalt  }
0x65: {  	_ =	shalt  }
0x66: {  	_ =	shalt  }
0x67: {  	_ =	shalt  }
0x68: {  	_ =	shalt  }
0x69: {  	_ =	shalt  }
0x6a: {  	_ =	shalt  }
0x6b: {  	_ =	shalt  }
0x6c: {  	_ =	shalt  }
0x6d: {  	_ =	shalt  }
0x6e: {  	_ =	shalt  }
0x6f: {  	_ =	shalt  }
0x70: {  	_ =	shalt  }
0x71: {  	_ =	shalt  }
0x72: {  	_ =	shalt  }
0x73: {  	_ =	shalt  }
0x74: {  	_ =	shalt  }
0x75: {  	_ =	shalt  }
0x76: {  	_ =	shalt  }
0x77: {  	_ =	shalt  }
0x78: {  	_ =	shalt  }
0x79: {  	_ =	shalt  }
0x7a: {  	_ =	shalt  }
0x7b: {  	_ =	shalt  }
0x7c: {  	_ =	shalt  }
0x7d: {  	_ =	shalt  }
0x7e: {  	_ =	shalt  }
0x7f: {  	_ =	shalt  }
0x80: {  	_ =	shalt  }
0x81: {  	_ =	shalt  }
0x82: {  	_ =	shalt  }
0x83: {  	_ =	shalt  }
0x84: {  	_ =	shalt  }
0x85: {  	_ =	shalt  }
0x86: {  	_ =	shalt  }
0x87: {  	_ =	shalt  }
.Lfunc_end0:
.L_simem_size_0:
called_computation.1_lowered:
.L_overlay_start_0:
0x88: {  	s2 =	sld [smem:$0x3FD9]  }
0x89: {  	s3 =	sld [smem:$0x3FFE];
	_ =	sdelay $0x1  }
0x8a: {  	s1 =	srdreg.scid  }
0x8b: {  	s0 =	sand.u32 $0x1, s1  }
0x8c: {  	s16 =	sshll.u32 s0, $0xA;
	s2 =	sadd.s32 s3, s2  }
0x8d: {  	s2 =	sadd.s32 s2, s16  }
0x8e: {  	[smem:$0x3FB7] =	sst s2  }
0x8f: {  	_ = 	snop  }
0x90: {  	(tm) =	ssettm $0x1  }
0x91: {  	s17 =	sld [smem:$0x3FFB];
	_ =	sdelay $0x3  }
0x92: {  	_ =	strace s17  }
0x93: {  	s2 =	sld [smem:$0x3FFC];
	_ =	sdelay $0x3  }
0x94: {  	_ =	strace s2  }
0x95: {  	s2 =	sld [smem:$0x3FFD];
	_ =	sdelay $0x3  }
0x96: {  	_ =	strace s2  }
0x97: {  	_ =	strace $0x8FFFFFFF  }
0x98: {  	s18 =	sld [smem:$0x3FDB];
	_ =	sdelay $0x1  }
0x99: {  	s19 =	simm.s32 $_scs_section_size  }
0x9a: {  	s4 =	simm.s32 $_size__tile_overlayer_lowered;
	s5 =	simm.s32 $_tile_overlayer_lowered  }
0x9b: {  	s22 =	simm.s32 $0x1BFF;
	s21 =	sshll.u32 s5, $0x1;
	s2 =	sadd.s32 s19, s18  }
0x9c: {  	s6 =	simm.s32 $0x0;
	s20 =	sshll.u32 s4, $0x1;
	s4 =	sadd.s32 s21, s2  }
0x9d: {  	[timem:s6], [sflag:s22] =	dma.local [hbm:s4], s20  }
0x9e: {  	_ =	swait.ge [sflag:s22], s20  }
0x9f: {  	s3 =	ssub.s32 $0x0, s20;
	[sflag:s22] =	ssyncset.done $0x0  }
0xa0: {  	[sflag:s22] =	ssyncadd.s32 s3;
	_ =	sdelay $0x1  }
0xa1: {  	s23 =	simm.s32 $0x1B8B  }
0xa2: {  	_ =	swait.ge [sflag:s23], $0x1  }
0xa3: {  	[sflag:s23] =	ssyncset.done $0x0  }
0xa4: {  	s25 =	simm.s32 $0x1B8E;
	s24 =	sld [smem:$0x3FFE];
	[sflag:s23] =	ssyncadd.s32 $0xFFFFFFFF  }
0xa5: {  	s26 =	simm.s32 $execute0_lowered;
	[smem:$0x3FD2] =	sst s25  }
0xa6: {  	s4 =	sshll.u32 s26, $0x1;
	_ =	strace $0x80000049;
	[dreg:$0x1] =	wrdreg $0xFFFFFFFF  }
0xa7: {  	s28 =	simm.s32 $_size_execute0_lowered;
	s2 =	sadd.s32 s2, s4;
	[dreg:$0x0] =	wrdreg $0x0  }
0xa8: {  	s4 =	sshll.u32 s28, $0x1;
	[dreg:$0x2] =	wrdreg s2  }
0xa9: {  	[dreg:$0x3] =	wrdreg s4  }
0xaa: {  	[dreg:$0x4] =	wrdreg $0xC0  }
0xab: {  	_ =	task [dreg:s6], $0x5FFFF  }
0xac: {  	[dreg:$0x1] =	wrdreg $0xFFFFFFFF  }
0xad: {  	[dreg:$0x0] =	wrdreg $0x60  }
0xae: {  	[dreg:$0x2] =	wrdreg s24  }
0xaf: {  	[dreg:$0x3] =	wrdreg $0x82C00  }
0xb0: {  	[dreg:$0x4] =	wrdreg $0x9  }
0xb1: {  	_ =	task.clear_ibuf [dreg:s6], $0x5FFFF;
	_ =	strace $0x90000049  }
0xb2: {  	s29 =	simm.s32 $0x9;
	_ =	strace $0x8000004B  }
0xb3: {  	_ =	swait.ge [sflag:s29], $0x1  }
0xb4: {  	[sflag:s29] =	ssyncadd.s32 $0xFFFFFFFF  }
0xb5: {  	_ =	strace $0x9000004B  }
0xb6: {  	_ =	sfence  }
0xb7: {  	s30 =	sld [smem:$0x0];
	_ =	sdelay $0x2  }
0xb8: {  	s31 =	sshll.u32 s1, $0xD;
	s1 =	sshrl.u32 s1, $0x2  }
0xb9: {  	s3 =	sand.u32 $0x4000, s31;
	s1 =	sadd.s32 s1, s30  }
0xba: {  	s0 =	sor.u32 s3, s0;
	s1 =	sshll.u32 s1, $0x11  }
0xbb: {  	s0 =	sor.u32 s1, s0  }
0xbc: {  	s0 =	sadd.s32 $0x8F2B, s0  }
0xbd: {  	[sflag:s0] =	ssyncadd.remote.s32 $0x1  }
0xbe: {  	_ =	sfence.sel $0xFFFF  }
0xbf: {  	[dreg:$0x0] =	wrdreg $0xFFFFFFFF;
	(pc) =	sbr.abs _section_cstart, $3  }
0xc0: {  	[dreg:$0x1] =	wrdreg $0xFFFFFFFF  }
0xc1: {  	_ =	task.clear_ibuf [dreg:s6], $0x2FFFF;
	_ =	strace $0x9FFFFFFF  }
0xc2: {  	(tm) =	ssettm $0x7FFFFFFF  }
0xc3: {  	_ =	shalt  }
tec
execute0_lowered:
.L_overlay_start_1:
0x0: {  	(tag) =	ssettag $0x1  }
0x1: {  	s1 =	srdreg.scid;
	s6 =	rddreg [dreg:$0x0]  }
0x2: {  	s0 =	stileid.u32;
	s2 =	rddreg [dreg:$0x1]  }
0x3: {  	s3 =	simm.s32 $0x0;
	s17 =	simm.s32 $0x6F00;
	s18 =	simm.s32 $0x2  }
0x4: {  	s19 =	simm.s32 $0x2780;
	s20 =	simm.s32 $0x80;
	s21 =	simm.s32 $0x4F00  }
0x5: {  	s22 =	simm.s32 $0x1;
	s5 =	sand.u32 $0x1, s1;
	s8 =	smul.u32 $0x9E00, s0  }
0x6: {  	s29 =	sshll.u32 s0, $0x1;
	[smem:$0x7FF] =	sst s3;
	s10 =	smul.u32 $0x27800, s0  }
0x7: {  	s4 =	sadd.s32 $0x21E00, s6;
	s1 =	sor.u32 s5, s29;
	s9 =	smul.u32 $0x9E000, s5  }
0x8: {  	s5 =	ssub.s32 $0x2, s5;
	s7 =	smul.u32 $0x4F0, s1;
	s1 =	rddreg [dreg:$0x2]  }
0x9: {  	_ =	strace $0x8000004A;
	s31 =	sshrl.u32 s5, $0x1;
	s10 =	sshrl.u32 s10, $0x2  }
0xa: {  	s30 =	sadd.s32 s8, s9;
	s16 =	ssub.s32 s5, s31;
	s12 =	sadd.s32 s10, s2  }
0xb: {  	s5 =	sadd.s32 s8, s2;
	s14 =	sadd.s32 s7, s6;
	s7 =	sshrl.u32 s30, $0x3  }
0xc: {  	s8 =	sadd.s32 $0x3B40, s12;
	s9 =	sadd.s32 $0x4F00, s12;
	s10 =	sadd.s32 $0x62C0, s12  }
0xd: {  	s11 =	sadd.s32 $0x7680, s12;
	s16 =	smax.u32 s16, $0x1;
	s15 =	sadd.s32 s7, s6  }
0xe: {  	s6 =	sadd.s32 $0x13C0, s12;
	s7 =	sadd.s32 $0x2780, s12;
	s12 =	sadd.s32 $0x8A40, s12  }
0xf: {  	v0 =	vimm.f32 $0.0e+00;
	s13 =	sadd.s32 $0x18000, s14;
	s14 =	sadd.s32 $0x4400, s14;
	s15 =	sadd.s32 $0x35A00, s15  }
.LBB2_1:
0x10: {  	s24 =	simm.s32 $0x100;
	s23 =	simm.s32 $0x0  }
.LBB2_2:
0x11: {  	p0 =	sne.s32 s24, $0x4E00;
	[tilespmem:s23+$0x6F30] =	vst v0;
	s25 =	smov.u32 s24;
	s24 =	sadd.s32 $0x100, s24  }
.Ltmp0:
0x12: {  	[tilespmem:s23+$0x6F20] =	vst v0;
	(pc) =	sbr.rel @p0 .LBB2_2-.Ltmp0, $3  }
0x13: {  	[tilespmem:s23+$0x6F00] =	vst v0  }
0x14: {  	[tilespmem:s23+$0x6F10] =	vst v0;
	_ =	sdelay $0x1  }
0x15: {  	s23 =	sshra.s32 s25, $0x2  }
0x16: {  	[tilespmem:s23+$0x6F30] =	vst v0  }
0x17: {  	[tilespmem:s23+$0x6F20] =	vst v0  }
0x18: {  	[tilespmem:s23+$0x6F00] =	vst v0  }
0x19: {  	[tilespmem:s23+$0x6F10] =	vst v0  }
0x1a: {  	[spmem:s5] =	stream.linear.scatter [tilespmem:s17], [sflag:$0x2], $0x13C0, $0x38;
	[tilespmem:$0x120C0] =	vst v63  }
0x1b: {  	_ =	swait.ge [sflag:s18], $0x13C0  }
0x1c: {  	[sflag:s18] =	ssyncset.done $0x0  }
0x1d: {  	[sflag:s18] =	ssyncadd.s32 $0xFFFFEC40  }
0x1e: {  	[spmem:s6] =	stream.linear.scatter [tilespmem:s17], [sflag:$0x2], $0x13C0, $0x38;
	[tilespmem:$0x120C0] =	vst v63  }
0x1f: {  	_ =	swait.ge [sflag:s18], $0x13C0  }
0x20: {  	[sflag:s18] =	ssyncset.done $0x0  }
0x21: {  	[sflag:s18] =	ssyncadd.s32 $0xFFFFEC40  }
0x22: {  	[spmem:s7] =	stream.linear.scatter [tilespmem:s17], [sflag:$0x2], $0x13C0, $0x38;
	[tilespmem:$0x120C0] =	vst v63  }
0x23: {  	_ =	swait.ge [sflag:s18], $0x13C0  }
0x24: {  	[sflag:s18] =	ssyncset.done $0x0  }
0x25: {  	[sflag:s18] =	ssyncadd.s32 $0xFFFFEC40  }
0x26: {  	[spmem:s8] =	stream.linear.scatter [tilespmem:s17], [sflag:$0x2], $0x13C0, $0x38;
	[tilespmem:$0x120C0] =	vst v63  }
0x27: {  	_ =	swait.ge [sflag:s18], $0x13C0  }
0x28: {  	[sflag:s18] =	ssyncset.done $0x0  }
0x29: {  	[sflag:s18] =	ssyncadd.s32 $0xFFFFEC40  }
0x2a: {  	[spmem:s9] =	stream.linear.scatter [tilespmem:s17], [sflag:$0x2], $0x13C0, $0x38;
	[tilespmem:$0x120C0] =	vst v63  }
0x2b: {  	_ =	swait.ge [sflag:s18], $0x13C0  }
0x2c: {  	[sflag:s18] =	ssyncset.done $0x0  }
0x2d: {  	[sflag:s18] =	ssyncadd.s32 $0xFFFFEC40  }
0x2e: {  	[spmem:s10] =	stream.linear.scatter [tilespmem:s17], [sflag:$0x2], $0x13C0, $0x38;
	[tilespmem:$0x120C0] =	vst v63  }
0x2f: {  	_ =	swait.ge [sflag:s18], $0x13C0  }
0x30: {  	[sflag:s18] =	ssyncset.done $0x0  }
0x31: {  	[sflag:s18] =	ssyncadd.s32 $0xFFFFEC40  }
0x32: {  	[spmem:s11] =	stream.linear.scatter [tilespmem:s17], [sflag:$0x2], $0x13C0, $0x38;
	[tilespmem:$0x120C0] =	vst v63  }
0x33: {  	_ =	swait.ge [sflag:s18], $0x13C0  }
0x34: {  	[sflag:s18] =	ssyncset.done $0x0  }
0x35: {  	[sflag:s18] =	ssyncadd.s32 $0xFFFFEC40  }
0x36: {  	[spmem:s12] =	stream.linear.scatter [tilespmem:s17], [sflag:$0x2], $0x13C0, $0x38;
	[tilespmem:$0x120C0] =	vst v63  }
0x37: {  	_ =	swait.ge [sflag:s18], $0x13C0  }
0x38: {  	[sflag:s18] =	ssyncset.done $0x0  }
0x39: {  	s29 =	simm.s32 $0x0;
	[sflag:s18] =	ssyncadd.s32 $0xFFFFEC40  }
0x3a: {  	[tilespmem:s29], [sflag:$0x2] =	stream.linear.gather [hbm4b:s13+s29], $0x2780, $0x38;
	[tilespmem:$0x120C0] =	vst v63  }
0x3b: {  	_ =	swait.ge [sflag:s18], $0x2780  }
0x3c: {  	[sflag:s18] =	ssyncset.done $0x0  }
0x3d: {  	[sflag:s18] =	ssyncadd.s32 $0xFFFFD880  }
0x3e: {  	[tilespmem:s19], [sflag:$0x2] =	stream.linear.gather [hbm4b:s14+s29], $0x2780, $0x38;
	[tilespmem:$0x120C0] =	vst v63  }
0x3f: {  	_ =	swait.ge [sflag:s18], $0x2780  }
0x40: {  	[sflag:s18] =	ssyncset.done $0x0  }
0x41: {  	[sflag:s18] =	ssyncadd.s32 $0xFFFFD880  }
0x42: {  	s30 =	simm.s32 $0x0;
	[bflag:$0x0] =	sbarrier.arrive $0xFFFF  }
0x43: {  	[tilespmem:s21], [sflag:$0x1] =	stream.indirect.gather [hbm4b:s4+s20], $0x40, s30, s20, $0xb8;
	[tilespmem:$0x120C0] =	vst v63  }
0x44: {  	_ =	swait.ge [sflag:s22], $0x2000  }
0x45: {  	[sflag:s22] =	ssyncset.done $0x0  }
0x46: {  	s31 =	simm.s32 $0x2780;
	[sflag:s22] =	ssyncadd.s32 $0xFFFFE000  }
0x47: {  	[spmem:s2] =	stream.indirect.scatter.add.f32 [tilespmem:s21], [sflag:$0x2], $0x40, s31, s20, $0xb8;
	[tilespmem:$0x120C0] =	vst v63  }
0x48: {  	_ =	swait.ge [sflag:s18], $0x2000  }
0x49: {  	s23 =	simm.s32 $0x200;
	s24 =	simm.s32 $0x400;
	[sflag:s18] =	ssyncset.done $0x0  }
.LBB2_4:
0x4a: {  	s25 =	sshra.s32 s23, $0x2  }
0x4b: {  	[sflag:s18] =	ssyncadd.s32 $0xFFFFE000;
	s23 =	smov.u32 s24;
	s26 =	sadd.s32 $0x200, s24  }
0x4c: {  	[tilespmem:s21], [sflag:$0x1] =	stream.indirect.gather [hbm4b:s4+s20], $0x40, s25, s20, $0xb8;
	[tilespmem:$0x120C0] =	vst v63  }
0x4d: {  	p0 =	sne.s32 s24, $0x9C00;
	_ =	swait.ge [sflag:s22], $0x2000  }
.Ltmp1:
0x4e: {  	[sflag:s22] =	ssyncset.done $0x0;
	(pc) =	sbr.rel @p0 .LBB2_4-.Ltmp1, $4  }
0x4f: {  	s24 =	sadd.s32 $0x2780, s25;
	[sflag:s22] =	ssyncadd.s32 $0xFFFFE000  }
0x50: {  	[spmem:s2] =	stream.indirect.scatter.add.f32 [tilespmem:s21], [sflag:$0x2], $0x40, s24, s20, $0xb8;
	[tilespmem:$0x120C0] =	vst v63  }
0x51: {  	_ =	swait.ge [sflag:s18], $0x2000  }
0x52: {  	s24 =	smov.u32 s26;
	[sflag:s18] =	ssyncset.done $0x0  }
0x53: {  	s23 =	sshra.s32 s23, $0x2;
	[sflag:s18] =	ssyncadd.s32 $0xFFFFE000  }
0x54: {  	[tilespmem:s21], [sflag:$0x1] =	stream.indirect.gather [hbm4b:s4+s20], $0x40, s23, s20, $0xb8;
	[tilespmem:$0x120C0] =	vst v63  }
0x55: {  	_ =	swait.ge [sflag:s22], $0x2000  }
0x56: {  	[sflag:s22] =	ssyncset.done $0x0  }
0x57: {  	s23 =	sadd.s32 $0x2780, s23;
	[sflag:s22] =	ssyncadd.s32 $0xFFFFE000  }
0x58: {  	[spmem:s2] =	stream.indirect.scatter.add.f32 [tilespmem:s21], [sflag:$0x2], $0x40, s23, s20, $0xb8;
	[tilespmem:$0x120C0] =	vst v63  }
0x59: {  	_ =	swait.ge [sflag:s18], $0x2000  }
0x5a: {  	s31 =	sshll.u32 s0, $0x6;
	s3 =	sadd.s32 $0x1, s3;
	[sflag:s18] =	ssyncset.done $0x0  }
0x5b: {  	s24 =	sshrl.u32 s5, $0x3;
	p0 =	sne.s32 s3, s16;
	[sflag:s18] =	ssyncadd.s32 $0xFFFFE000  }
.Ltmp2:
0x5c: {  	s23 =	sor.u32 $0x1C02, s31;
	[bflag:$0x0] =	sbarrier.arrive $0xFFFF;
	(pc) =	sbr.rel @p0 .LBB2_1-.Ltmp2, $4  }
0x5d: {  	[hbm:s15], [sflag:s23] =	dma.local [spmem:s24], $0x13C0  }
0x5e: {  	_ =	swait.ge [sflag:s18], $0x13C0  }
0x5f: {  	[sflag:s18] =	ssyncset.done $0x0  }
0x60: {  	[sflag:s18] =	ssyncadd.s32 $0xFFFFEC40  }
0x61: {  	_ =	sfence.sel $0x180000  }
0x62: {  	[bflag:$0x0] =	sbarrier.arrive $0xFFFF  }
0x63: {  	p0 =	sne.s32 s0, $0x0;
	_ =	strace $0x9000004A  }
0x64: {  	s0 =	sadd.s32 @!p0 $0x100000, s1;
	[bflag:$0x2] =	sbarrier.arrive $0xFFFF  }
0x65: {  	[sflag:s0] =	ssyncadd.tile.s32 @!p0 $0x1;
	_ =	shalt  }
.Lfunc_end2:
_tile_overlayer_lowered:
.L_overlay_start_2:
0x66: {  	(tag) =	ssettag $0x2  }
0x67: {  	s0 =	rddreg [dreg:$0x0];
	s2 =	stileid.u32  }
0x68: {  	s1 =	rddreg [dreg:$0x1];
	p0 =	sne.s32 s2, $0x0  }
0x69: {  	s3 =	rddreg [dreg:$0x2];
	[bflag:$0x3] =	sbarrier.arrive $0xFFFF;
	s2 =	simm.s32 @!p0 $0x1C02  }
0x6a: {  	[timem:s3], [sflag:s2] =	dma.local @!p0 [hbm:s0], s1  }
0x6b: {  	s0 =	simm.s32 @!p0 $0x2  }
0x6c: {  	_ =	swait.ge @!p0 [sflag:s0], s1  }
0x6d: {  	s1 =	ssub.s32 @!p0 $0x0, s1;
	[sflag:s0] =	ssyncset.done @!p0 $0x0  }
0x6e: {  	[sflag:s0] =	ssyncadd.s32 @!p0 s1  }
0x6f: {  	[bflag:$0x3] =	sbarrier.arrive $0xFFFF  }
0x70: {  	_ =	shalt  }

// kernel: kernel.21.cloned.1.call-start
scs
__scs_entry_jumppad:
0x0: {  	(pc) =	sbr.rel $0x88, $3  }
0x1: {  	(tag) =	ssettag $0x0;
	lr =	simm.s32 $0x1  }
0x2: {  	[smem:$0x3F90] =	sst lr;
	_ =	strace $0xD0000000  }
0x3: {  	_ = 	snop  }
0x4: {  	_ = 	snop  }
0x5: {  	_ = 	snop  }
0x6: {  	_ = 	snop  }
0x7: {  	_ = 	snop  }
__scs_overlays_trampoline_lowered:
0x8: {  	[smem:$0x3F9F] =	sst s0  }
0x9: {  	[smem:$0x3FA0] =	sst s1  }
0xa: {  	[smem:$0x3FA1] =	sst s2  }
0xb: {  	[smem:$0x3FA2] =	sst s3  }
0xc: {  	[smem:$0x3FA3] =	sst s4  }
0xd: {  	[smem:$0x3FA4] =	sst s5  }
0xe: {  	[smem:$0x3FA5] =	sst s6  }
0xf: {  	[smem:$0x3FA6] =	sst s7  }
0x10: {  	[smem:$0x3FA7] =	sst s8  }
0x11: {  	[smem:$0x3FA8] =	sst s9;
	s0 =	simm.s32 @!p0 $0x0  }
0x12: {  	s1 =	sld [smem:$0x3F8E];
	s0 =	simm.s32 @p0 $0x1  }
0x13: {  	[smem:$0x3FA9] =	sst s0;
	s0 =	simm.s32 @!p1 $0x0  }
0x14: {  	s2 =	sld [smem:$0x3F8D];
	s0 =	simm.s32 @p1 $0x1  }
0x15: {  	[smem:$0x3FAA] =	sst s0;
	s0 =	simm.s32 @!p2 $0x0  }
0x16: {  	s3 =	sld [smem:$0x3FDB];
	s0 =	simm.s32 @p2 $0x1  }
0x17: {  	s4 =	simm.s32 $0x1BF5;
	[smem:$0x3FAC] =	sst s0  }
0x18: {  	s0 =	sld [smem:$0x3F8F];
	_ =	swait.ge [sflag:s4], $0x0  }
0x19: {  	s7 =	sld [smem:$0x3F90]  }
0x1a: {  	s8 =	sadd.s32 $0xFFFFE003, lr  }
0x1b: {  	s9 =	sadd.s32 $0xFFFFFEF7, lr;
	s5 =	simm.s32 $0xFFFFFFFF;
	p2 =	slt.u32 s8, $0xFFFFF086  }
0x1c: {  	p1 =	slt.u32 s9, $0xF7A;
	s5 =	simm.s32 @!p2 $0x0  }
0x1d: {  	s5 =	simm.s32 @p1 $0x1;
	p0 =	seq.s32 s7, s2  }
0x1e: {  	s7 =	smul.u32 @!p0 $0xF7A, s2;
	p2 =	seq.s32 @!p0 s5, $0x0  }
0x1f: {  	s9 =	smul.u32 $0xF7A, s1;
	s8 =	simm.s32 @!p0 $0x1BF5;
	p2 =	por !p2, p0  }
0x20: {  	[sflag:s8] =	ssyncset.s32 @!p0 $0xFFFFF086;
	s6 =	sadd.s32 @!p0 s3, s7;
	s7 =	simm.s32 @!p0 $0x108  }
0x21: {  	s3 =	sadd.s32 s3, s9;
	s6 =	sadd.s32 @!p0 $0x88, s6;
	s7 =	simm.s32 @p2 $0x1082  }
0x22: {  	[simem:s7], [sflag:s8] =	dma.local @!p0 [hbm:s6], $0xF7A  }
0x23: {  	s9 =	sor.u32 $0xD0000000, s2;
	s6 =	simm.s32 $0x108;
	_ =	swait.ge @!p0 [sflag:s8], $0x0  }
0x24: {  	s3 =	sadd.s32 $0x88, s3;
	s6 =	simm.s32 @!p1 $0x1082;
	[sflag:s4] =	ssyncset.s32 $0xFFFFF086  }
0x25: {  	[simem:s6], [sflag:s4] =	dma.local [hbm:s3], $0xF7A  }
0x26: {  	[smem:$0x3F90] =	sst s1;
	(tag) =	ssettag s2;
	_ =	strace s9  }
0x27: {  	s1 =	sld [smem:$0x3FA0]  }
0x28: {  	s2 =	sld [smem:$0x3FA1]  }
0x29: {  	s4 =	sld [smem:$0x3FA3]  }
0x2a: {  	p0 =	seq.s32 s5, $0x0;
	s5 =	sld [smem:$0x3FA4]  }
0x2b: {  	s6 =	sld [smem:$0x3FA5]  }
0x2c: {  	s7 =	sld [smem:$0x3FA6]  }
0x2d: {  	s3 =	simm.s32 $0x108;
	s8 =	sld [smem:$0x3FA7]  }
0x2e: {  	s3 =	simm.s32 @!p0 $0x1082;
	s9 =	sld [smem:$0x3FA8]  }
0x2f: {  	lr =	sadd.s32 s0, s3;
	s0 =	sld [smem:$0x3F9F]  }
0x30: {  	s3 =	sld [smem:$0x3FA2]  }
0x31: {  	[smem:$0x3FAB] =	sst s10  }
0x32: {  	s10 =	sld [smem:$0x3FA9];
	_ =	sdelay $0x3  }
0x33: {  	p0 =	seq.s32 s10, $0x1;
	s10 =	sld [smem:$0x3FAB];
	_ =	sdelay $0x3  }
0x34: {  	[smem:$0x3FAB] =	sst s10  }
0x35: {  	s10 =	sld [smem:$0x3FAA];
	_ =	sdelay $0x3  }
0x36: {  	p1 =	seq.s32 s10, $0x1;
	s10 =	sld [smem:$0x3FAB];
	_ =	sdelay $0x3  }
0x37: {  	[smem:$0x3FAB] =	sst s10  }
0x38: {  	s10 =	sld [smem:$0x3FAC]  }
0x39: {  	_ = 	snop;
	(pc) =	sbr.ind lr, $3  }
0x3a: {  	_ = 	snop  }
0x3b: {  	_ = 	snop  }
0x3c: {  	p2 =	seq.s32 s10, $0x1;
	s10 =	sld [smem:$0x3FAB]  }
0x3d: {  	_ =	shalt  }
0x3e: {  	_ =	shalt  }
0x3f: {  	_ =	shalt  }
0x40: {  	_ =	shalt  }
0x41: {  	_ =	shalt  }
0x42: {  	_ =	shalt  }
0x43: {  	_ =	shalt  }
0x44: {  	_ =	shalt  }
0x45: {  	_ =	shalt  }
0x46: {  	_ =	shalt  }
0x47: {  	_ =	shalt  }
0x48: {  	_ =	shalt  }
0x49: {  	_ =	shalt  }
0x4a: {  	_ =	shalt  }
0x4b: {  	_ =	shalt  }
0x4c: {  	_ =	shalt  }
0x4d: {  	_ =	shalt  }
0x4e: {  	_ =	shalt  }
0x4f: {  	_ =	shalt  }
0x50: {  	_ =	shalt  }
0x51: {  	_ =	shalt  }
0x52: {  	_ =	shalt  }
0x53: {  	_ =	shalt  }
0x54: {  	_ =	shalt  }
0x55: {  	_ =	shalt  }
0x56: {  	_ =	shalt  }
0x57: {  	_ =	shalt  }
0x58: {  	_ =	shalt  }
0x59: {  	_ =	shalt  }
0x5a: {  	_ =	shalt  }
0x5b: {  	_ =	shalt  }
0x5c: {  	_ =	shalt  }
0x5d: {  	_ =	shalt  }
0x5e: {  	_ =	shalt  }
0x5f: {  	_ =	shalt  }
0x60: {  	_ =	shalt  }
0x61: {  	_ =	shalt  }
0x62: {  	_ =	shalt  }
0x63: {  	_ =	shalt  }
0x64: {  	_ =	shalt  }
0x65: {  	_ =	shalt  }
0x66: {  	_ =	shalt  }
0x67: {  	_ =	shalt  }
0x68: {  	_ =	shalt  }
0x69: {  	_ =	shalt  }
0x6a: {  	_ =	shalt  }
0x6b: {  	_ =	shalt  }
0x6c: {  	_ =	shalt  }
0x6d: {  	_ =	shalt  }
0x6e: {  	_ =	shalt  }
0x6f: {  	_ =	shalt  }
0x70: {  	_ =	shalt  }
0x71: {  	_ =	shalt  }
0x72: {  	_ =	shalt  }
0x73: {  	_ =	shalt  }
0x74: {  	_ =	shalt  }
0x75: {  	_ =	shalt  }
0x76: {  	_ =	shalt  }
0x77: {  	_ =	shalt  }
0x78: {  	_ =	shalt  }
0x79: {  	_ =	shalt  }
0x7a: {  	_ =	shalt  }
0x7b: {  	_ =	shalt  }
0x7c: {  	_ =	shalt  }
0x7d: {  	_ =	shalt  }
0x7e: {  	_ =	shalt  }
0x7f: {  	_ =	shalt  }
0x80: {  	_ =	shalt  }
0x81: {  	_ =	shalt  }
0x82: {  	_ =	shalt  }
0x83: {  	_ =	shalt  }
0x84: {  	_ =	shalt  }
0x85: {  	_ =	shalt  }
0x86: {  	_ =	shalt  }
0x87: {  	_ =	shalt  }
.Lfunc_end0:
.L_simem_size_0:
called_computation.2_lowered:
.L_overlay_start_0:
0x88: {  	s2 =	sld [smem:$0x3FD9]  }
0x89: {  	s3 =	sld [smem:$0x3FFE];
	_ =	sdelay $0x1  }
0x8a: {  	s1 =	srdreg.scid  }
0x8b: {  	s0 =	sand.u32 $0x1, s1  }
0x8c: {  	s16 =	sshll.u32 s0, $0xA;
	s2 =	sadd.s32 s3, s2  }
0x8d: {  	s2 =	sadd.s32 s2, s16  }
0x8e: {  	[smem:$0x3FB7] =	sst s2  }
0x8f: {  	_ = 	snop  }
0x90: {  	(tm) =	ssettm $0x1  }
0x91: {  	s17 =	sld [smem:$0x3FFB];
	_ =	sdelay $0x3  }
0x92: {  	_ =	strace s17  }
0x93: {  	s2 =	sld [smem:$0x3FFC];
	_ =	sdelay $0x3  }
0x94: {  	_ =	strace s2  }
0x95: {  	s2 =	sld [smem:$0x3FFD];
	_ =	sdelay $0x3  }
0x96: {  	_ =	strace s2  }
0x97: {  	_ =	strace $0x8FFFFFFF  }
0x98: {  	s18 =	sld [smem:$0x3FDB];
	_ =	sdelay $0x1  }
0x99: {  	s19 =	simm.s32 $_scs_section_size  }
0x9a: {  	s4 =	simm.s32 $_size__tile_overlayer_lowered;
	s5 =	simm.s32 $_tile_overlayer_lowered  }
0x9b: {  	s22 =	simm.s32 $0x1BFF;
	s21 =	sshll.u32 s5, $0x1;
	s2 =	sadd.s32 s19, s18  }
0x9c: {  	s6 =	simm.s32 $0x0;
	s20 =	sshll.u32 s4, $0x1;
	s4 =	sadd.s32 s21, s2  }
0x9d: {  	[timem:s6], [sflag:s22] =	dma.local [hbm:s4], s20  }
0x9e: {  	_ =	swait.ge [sflag:s22], s20  }
0x9f: {  	s3 =	ssub.s32 $0x0, s20;
	[sflag:s22] =	ssyncset.done $0x0  }
0xa0: {  	[sflag:s22] =	ssyncadd.s32 s3;
	_ =	sdelay $0x1  }
0xa1: {  	s23 =	simm.s32 $0x1B8B  }
0xa2: {  	_ =	swait.ge [sflag:s23], $0x1  }
0xa3: {  	[sflag:s23] =	ssyncset.done $0x0  }
0xa4: {  	s25 =	simm.s32 $0x1B8E;
	s24 =	sld [smem:$0x3FFE];
	[sflag:s23] =	ssyncadd.s32 $0xFFFFFFFF  }
0xa5: {  	s26 =	simm.s32 $execute0_lowered;
	[smem:$0x3FD2] =	sst s25  }
0xa6: {  	s4 =	sshll.u32 s26, $0x1;
	_ =	strace $0x8000004C;
	[dreg:$0x1] =	wrdreg $0xFFFFFFFF  }
0xa7: {  	s28 =	simm.s32 $_size_execute0_lowered;
	s2 =	sadd.s32 s2, s4;
	[dreg:$0x0] =	wrdreg $0x0  }
0xa8: {  	s4 =	sshll.u32 s28, $0x1;
	[dreg:$0x2] =	wrdreg s2  }
0xa9: {  	[dreg:$0x3] =	wrdreg s4  }
0xaa: {  	[dreg:$0x4] =	wrdreg $0xC0  }
0xab: {  	_ =	task [dreg:s6], $0x5FFFF  }
0xac: {  	[dreg:$0x1] =	wrdreg $0xFFFFFFFF  }
0xad: {  	[dreg:$0x0] =	wrdreg $0x60  }
0xae: {  	[dreg:$0x2] =	wrdreg s24  }
0xaf: {  	[dreg:$0x3] =	wrdreg $0x82C00  }
0xb0: {  	[dreg:$0x4] =	wrdreg $0x9  }
0xb1: {  	_ =	task.clear_ibuf [dreg:s6], $0x5FFFF;
	_ =	strace $0x9000004C  }
0xb2: {  	s29 =	simm.s32 $0x9;
	_ =	strace $0x8000004E  }
0xb3: {  	_ =	swait.ge [sflag:s29], $0x1  }
0xb4: {  	[sflag:s29] =	ssyncadd.s32 $0xFFFFFFFF  }
0xb5: {  	_ =	strace $0x9000004E  }
0xb6: {  	_ =	sfence  }
0xb7: {  	s30 =	sld [smem:$0x0];
	_ =	sdelay $0x2  }
0xb8: {  	s31 =	sshll.u32 s1, $0xD;
	s1 =	sshrl.u32 s1, $0x2  }
0xb9: {  	s3 =	sand.u32 $0x4000, s31;
	s1 =	sadd.s32 s1, s30  }
0xba: {  	s0 =	sor.u32 s3, s0;
	s1 =	sshll.u32 s1, $0x11  }
0xbb: {  	s0 =	sor.u32 s1, s0  }
0xbc: {  	s0 =	sadd.s32 $0x8F2B, s0  }
0xbd: {  	[sflag:s0] =	ssyncadd.remote.s32 $0x1  }
0xbe: {  	_ =	sfence.sel $0xFFFF  }
0xbf: {  	[dreg:$0x0] =	wrdreg $0xFFFFFFFF;
	(pc) =	sbr.abs _section_cstart, $3  }
0xc0: {  	[dreg:$0x1] =	wrdreg $0xFFFFFFFF  }
0xc1: {  	_ =	task.clear_ibuf [dreg:s6], $0x2FFFF;
	_ =	strace $0x9FFFFFFF  }
0xc2: {  	(tm) =	ssettm $0x7FFFFFFF  }
0xc3: {  	_ =	shalt  }
tec
execute0_lowered:
.L_overlay_start_1:
0x0: {  	(tag) =	ssettag $0x1  }
0x1: {  	s1 =	srdreg.scid;
	s6 =	rddreg [dreg:$0x0]  }
0x2: {  	s0 =	stileid.u32;
	s2 =	rddreg [dreg:$0x1]  }
0x3: {  	s3 =	simm.s32 $0x0;
	s17 =	simm.s32 $0x6F00;
	s18 =	simm.s32 $0x2  }
0x4: {  	s19 =	simm.s32 $0x2780;
	s20 =	simm.s32 $0x80;
	s21 =	simm.s32 $0x4F00  }
0x5: {  	s22 =	simm.s32 $0x1;
	s5 =	sand.u32 $0x1, s1;
	s8 =	smul.u32 $0x9E00, s0  }
0x6: {  	s29 =	sshll.u32 s0, $0x1;
	[smem:$0x7FF] =	sst s3;
	s10 =	smul.u32 $0x27800, s0  }
0x7: {  	s4 =	sadd.s32 $0x21E00, s6;
	s1 =	sor.u32 s5, s29;
	s9 =	smul.u32 $0x9E000, s5  }
0x8: {  	s5 =	ssub.s32 $0x2, s5;
	s7 =	smul.u32 $0x4F0, s1;
	s1 =	rddreg [dreg:$0x2]  }
0x9: {  	_ =	strace $0x8000004D;
	s31 =	sshrl.u32 s5, $0x1;
	s10 =	sshrl.u32 s10, $0x2  }
0xa: {  	s30 =	sadd.s32 s8, s9;
	s16 =	ssub.s32 s5, s31;
	s12 =	sadd.s32 s10, s2  }
0xb: {  	s5 =	sadd.s32 s8, s2;
	s14 =	sadd.s32 s7, s6;
	s7 =	sshrl.u32 s30, $0x3  }
0xc: {  	s8 =	sadd.s32 $0x3B40, s12;
	s9 =	sadd.s32 $0x4F00, s12;
	s10 =	sadd.s32 $0x62C0, s12  }
0xd: {  	s11 =	sadd.s32 $0x7680, s12;
	s16 =	smax.u32 s16, $0x1;
	s15 =	sadd.s32 s7, s6  }
0xe: {  	s6 =	sadd.s32 $0x13C0, s12;
	s7 =	sadd.s32 $0x2780, s12;
	s12 =	sadd.s32 $0x8A40, s12  }
0xf: {  	v0 =	vimm.f32 $0.0e+00;
	s13 =	sadd.s32 $0x18000, s14;
	s14 =	sadd.s32 $0x4400, s14;
	s15 =	sadd.s32 $0x35A00, s15  }
.LBB2_1:
0x10: {  	s24 =	simm.s32 $0x100;
	s23 =	simm.s32 $0x0  }
.LBB2_2:
0x11: {  	p0 =	sne.s32 s24, $0x4E00;
	[tilespmem:s23+$0x6F30] =	vst v0;
	s25 =	smov.u32 s24;
	s24 =	sadd.s32 $0x100, s24  }
.Ltmp0:
0x12: {  	[tilespmem:s23+$0x6F20] =	vst v0;
	(pc) =	sbr.rel @p0 .LBB2_2-.Ltmp0, $3  }
0x13: {  	[tilespmem:s23+$0x6F00] =	vst v0  }
0x14: {  	[tilespmem:s23+$0x6F10] =	vst v0;
	_ =	sdelay $0x1  }
0x15: {  	s23 =	sshra.s32 s25, $0x2  }
0x16: {  	[tilespmem:s23+$0x6F30] =	vst v0  }
0x17: {  	[tilespmem:s23+$0x6F20] =	vst v0  }
0x18: {  	[tilespmem:s23+$0x6F00] =	vst v0  }
0x19: {  	[tilespmem:s23+$0x6F10] =	vst v0  }
0x1a: {  	[spmem:s5] =	stream.linear.scatter [tilespmem:s17], [sflag:$0x2], $0x13C0, $0x38;
	[tilespmem:$0x120C0] =	vst v63  }
0x1b: {  	_ =	swait.ge [sflag:s18], $0x13C0  }
0x1c: {  	[sflag:s18] =	ssyncset.done $0x0  }
0x1d: {  	[sflag:s18] =	ssyncadd.s32 $0xFFFFEC40  }
0x1e: {  	[spmem:s6] =	stream.linear.scatter [tilespmem:s17], [sflag:$0x2], $0x13C0, $0x38;
	[tilespmem:$0x120C0] =	vst v63  }
0x1f: {  	_ =	swait.ge [sflag:s18], $0x13C0  }
0x20: {  	[sflag:s18] =	ssyncset.done $0x0  }
0x21: {  	[sflag:s18] =	ssyncadd.s32 $0xFFFFEC40  }
0x22: {  	[spmem:s7] =	stream.linear.scatter [tilespmem:s17], [sflag:$0x2], $0x13C0, $0x38;
	[tilespmem:$0x120C0] =	vst v63  }
0x23: {  	_ =	swait.ge [sflag:s18], $0x13C0  }
0x24: {  	[sflag:s18] =	ssyncset.done $0x0  }
0x25: {  	[sflag:s18] =	ssyncadd.s32 $0xFFFFEC40  }
0x26: {  	[spmem:s8] =	stream.linear.scatter [tilespmem:s17], [sflag:$0x2], $0x13C0, $0x38;
	[tilespmem:$0x120C0] =	vst v63  }
0x27: {  	_ =	swait.ge [sflag:s18], $0x13C0  }
0x28: {  	[sflag:s18] =	ssyncset.done $0x0  }
0x29: {  	[sflag:s18] =	ssyncadd.s32 $0xFFFFEC40  }
0x2a: {  	[spmem:s9] =	stream.linear.scatter [tilespmem:s17], [sflag:$0x2], $0x13C0, $0x38;
	[tilespmem:$0x120C0] =	vst v63  }
0x2b: {  	_ =	swait.ge [sflag:s18], $0x13C0  }
0x2c: {  	[sflag:s18] =	ssyncset.done $0x0  }
0x2d: {  	[sflag:s18] =	ssyncadd.s32 $0xFFFFEC40  }
0x2e: {  	[spmem:s10] =	stream.linear.scatter [tilespmem:s17], [sflag:$0x2], $0x13C0, $0x38;
	[tilespmem:$0x120C0] =	vst v63  }
0x2f: {  	_ =	swait.ge [sflag:s18], $0x13C0  }
0x30: {  	[sflag:s18] =	ssyncset.done $0x0  }
0x31: {  	[sflag:s18] =	ssyncadd.s32 $0xFFFFEC40  }
0x32: {  	[spmem:s11] =	stream.linear.scatter [tilespmem:s17], [sflag:$0x2], $0x13C0, $0x38;
	[tilespmem:$0x120C0] =	vst v63  }
0x33: {  	_ =	swait.ge [sflag:s18], $0x13C0  }
0x34: {  	[sflag:s18] =	ssyncset.done $0x0  }
0x35: {  	[sflag:s18] =	ssyncadd.s32 $0xFFFFEC40  }
0x36: {  	[spmem:s12] =	stream.linear.scatter [tilespmem:s17], [sflag:$0x2], $0x13C0, $0x38;
	[tilespmem:$0x120C0] =	vst v63  }
0x37: {  	_ =	swait.ge [sflag:s18], $0x13C0  }
0x38: {  	[sflag:s18] =	ssyncset.done $0x0  }
0x39: {  	s29 =	simm.s32 $0x0;
	[sflag:s18] =	ssyncadd.s32 $0xFFFFEC40  }
0x3a: {  	[tilespmem:s29], [sflag:$0x2] =	stream.linear.gather [hbm4b:s13+s29], $0x2780, $0x38;
	[tilespmem:$0x120C0] =	vst v63  }
0x3b: {  	_ =	swait.ge [sflag:s18], $0x2780  }
0x3c: {  	[sflag:s18] =	ssyncset.done $0x0  }
0x3d: {  	[sflag:s18] =	ssyncadd.s32 $0xFFFFD880  }
0x3e: {  	[tilespmem:s19], [sflag:$0x2] =	stream.linear.gather [hbm4b:s14+s29], $0x2780, $0x38;
	[tilespmem:$0x120C0] =	vst v63  }
0x3f: {  	_ =	swait.ge [sflag:s18], $0x2780  }
0x40: {  	[sflag:s18] =	ssyncset.done $0x0  }
0x41: {  	[sflag:s18] =	ssyncadd.s32 $0xFFFFD880  }
0x42: {  	s30 =	simm.s32 $0x0;
	[bflag:$0x0] =	sbarrier.arrive $0xFFFF  }
0x43: {  	[tilespmem:s21], [sflag:$0x1] =	stream.indirect.gather [hbm4b:s4+s20], $0x40, s30, s20, $0xb8;
	[tilespmem:$0x120C0] =	vst v63  }
0x44: {  	_ =	swait.ge [sflag:s22], $0x2000  }
0x45: {  	[sflag:s22] =	ssyncset.done $0x0  }
0x46: {  	s31 =	simm.s32 $0x2780;
	[sflag:s22] =	ssyncadd.s32 $0xFFFFE000  }
0x47: {  	[spmem:s2] =	stream.indirect.scatter.add.f32 [tilespmem:s21], [sflag:$0x2], $0x40, s31, s20, $0xb8;
	[tilespmem:$0x120C0] =	vst v63  }
0x48: {  	_ =	swait.ge [sflag:s18], $0x2000  }
0x49: {  	s23 =	simm.s32 $0x200;
	s24 =	simm.s32 $0x400;
	[sflag:s18] =	ssyncset.done $0x0  }
.LBB2_4:
0x4a: {  	s25 =	sshra.s32 s23, $0x2  }
0x4b: {  	[sflag:s18] =	ssyncadd.s32 $0xFFFFE000;
	s23 =	smov.u32 s24;
	s26 =	sadd.s32 $0x200, s24  }
0x4c: {  	[tilespmem:s21], [sflag:$0x1] =	stream.indirect.gather [hbm4b:s4+s20], $0x40, s25, s20, $0xb8;
	[tilespmem:$0x120C0] =	vst v63  }
0x4d: {  	p0 =	sne.s32 s24, $0x9C00;
	_ =	swait.ge [sflag:s22], $0x2000  }
.Ltmp1:
0x4e: {  	[sflag:s22] =	ssyncset.done $0x0;
	(pc) =	sbr.rel @p0 .LBB2_4-.Ltmp1, $4  }
0x4f: {  	s24 =	sadd.s32 $0x2780, s25;
	[sflag:s22] =	ssyncadd.s32 $0xFFFFE000  }
0x50: {  	[spmem:s2] =	stream.indirect.scatter.add.f32 [tilespmem:s21], [sflag:$0x2], $0x40, s24, s20, $0xb8;
	[tilespmem:$0x120C0] =	vst v63  }
0x51: {  	_ =	swait.ge [sflag:s18], $0x2000  }
0x52: {  	s24 =	smov.u32 s26;
	[sflag:s18] =	ssyncset.done $0x0  }
0x53: {  	s23 =	sshra.s32 s23, $0x2;
	[sflag:s18] =	ssyncadd.s32 $0xFFFFE000  }
0x54: {  	[tilespmem:s21], [sflag:$0x1] =	stream.indirect.gather [hbm4b:s4+s20], $0x40, s23, s20, $0xb8;
	[tilespmem:$0x120C0] =	vst v63  }
0x55: {  	_ =	swait.ge [sflag:s22], $0x2000  }
0x56: {  	[sflag:s22] =	ssyncset.done $0x0  }
0x57: {  	s23 =	sadd.s32 $0x2780, s23;
	[sflag:s22] =	ssyncadd.s32 $0xFFFFE000  }
0x58: {  	[spmem:s2] =	stream.indirect.scatter.add.f32 [tilespmem:s21], [sflag:$0x2], $0x40, s23, s20, $0xb8;
	[tilespmem:$0x120C0] =	vst v63  }
0x59: {  	_ =	swait.ge [sflag:s18], $0x2000  }
0x5a: {  	s31 =	sshll.u32 s0, $0x6;
	s3 =	sadd.s32 $0x1, s3;
	[sflag:s18] =	ssyncset.done $0x0  }
0x5b: {  	s24 =	sshrl.u32 s5, $0x3;
	p0 =	sne.s32 s3, s16;
	[sflag:s18] =	ssyncadd.s32 $0xFFFFE000  }
.Ltmp2:
0x5c: {  	s23 =	sor.u32 $0x1C02, s31;
	[bflag:$0x0] =	sbarrier.arrive $0xFFFF;
	(pc) =	sbr.rel @p0 .LBB2_1-.Ltmp2, $4  }
0x5d: {  	[hbm:s15], [sflag:s23] =	dma.local [spmem:s24], $0x13C0  }
0x5e: {  	_ =	swait.ge [sflag:s18], $0x13C0  }
0x5f: {  	[sflag:s18] =	ssyncset.done $0x0  }
0x60: {  	[sflag:s18] =	ssyncadd.s32 $0xFFFFEC40  }
0x61: {  	_ =	sfence.sel $0x180000  }
0x62: {  	[bflag:$0x0] =	sbarrier.arrive $0xFFFF  }
0x63: {  	p0 =	sne.s32 s0, $0x0;
	_ =	strace $0x9000004D  }
0x64: {  	s0 =	sadd.s32 @!p0 $0x100000, s1;
	[bflag:$0x2] =	sbarrier.arrive $0xFFFF  }
0x65: {  	[sflag:s0] =	ssyncadd.tile.s32 @!p0 $0x1;
	_ =	shalt  }
.Lfunc_end2:
_tile_overlayer_lowered:
.L_overlay_start_2:
0x66: {  	(tag) =	ssettag $0x2  }
0x67: {  	s0 =	rddreg [dreg:$0x0];
	s2 =	stileid.u32  }
0x68: {  	s1 =	rddreg [dreg:$0x1];
	p0 =	sne.s32 s2, $0x0  }
0x69: {  	s3 =	rddreg [dreg:$0x2];
	[bflag:$0x3] =	sbarrier.arrive $0xFFFF;
	s2 =	simm.s32 @!p0 $0x1C02  }
0x6a: {  	[timem:s3], [sflag:s2] =	dma.local @!p0 [hbm:s0], s1  }
0x6b: {  	s0 =	simm.s32 @!p0 $0x2  }
0x6c: {  	_ =	swait.ge @!p0 [sflag:s0], s1  }
0x6d: {  	s1 =	ssub.s32 @!p0 $0x0, s1;
	[sflag:s0] =	ssyncset.done @!p0 $0x0  }
0x6e: {  	[sflag:s0] =	ssyncadd.s32 @!p0 s1  }
0x6f: {  	[bflag:$0x3] =	sbarrier.arrive $0xFFFF  }
0x70: {  	_ =	shalt  }

// kernel: kernel.24.cloned.1.call-start
scs
__scs_entry_jumppad:
0x0: {  	(pc) =	sbr.rel $0x88, $3  }
0x1: {  	(tag) =	ssettag $0x0;
	lr =	simm.s32 $0x1  }
0x2: {  	[smem:$0x3F90] =	sst lr;
	_ =	strace $0xD0000000  }
0x3: {  	_ = 	snop  }
0x4: {  	_ = 	snop  }
0x5: {  	_ = 	snop  }
0x6: {  	_ = 	snop  }
0x7: {  	_ = 	snop  }
__scs_overlays_trampoline_lowered:
0x8: {  	[smem:$0x3F9F] =	sst s0  }
0x9: {  	[smem:$0x3FA0] =	sst s1  }
0xa: {  	[smem:$0x3FA1] =	sst s2  }
0xb: {  	[smem:$0x3FA2] =	sst s3  }
0xc: {  	[smem:$0x3FA3] =	sst s4  }
0xd: {  	[smem:$0x3FA4] =	sst s5  }
0xe: {  	[smem:$0x3FA5] =	sst s6  }
0xf: {  	[smem:$0x3FA6] =	sst s7  }
0x10: {  	[smem:$0x3FA7] =	sst s8  }
0x11: {  	[smem:$0x3FA8] =	sst s9;
	s0 =	simm.s32 @!p0 $0x0  }
0x12: {  	s1 =	sld [smem:$0x3F8E];
	s0 =	simm.s32 @p0 $0x1  }
0x13: {  	[smem:$0x3FA9] =	sst s0;
	s0 =	simm.s32 @!p1 $0x0  }
0x14: {  	s2 =	sld [smem:$0x3F8D];
	s0 =	simm.s32 @p1 $0x1  }
0x15: {  	[smem:$0x3FAA] =	sst s0;
	s0 =	simm.s32 @!p2 $0x0  }
0x16: {  	s3 =	sld [smem:$0x3FDB];
	s0 =	simm.s32 @p2 $0x1  }
0x17: {  	s4 =	simm.s32 $0x1BF5;
	[smem:$0x3FAC] =	sst s0  }
0x18: {  	s0 =	sld [smem:$0x3F8F];
	_ =	swait.ge [sflag:s4], $0x0  }
0x19: {  	s7 =	sld [smem:$0x3F90]  }
0x1a: {  	s8 =	sadd.s32 $0xFFFFE003, lr  }
0x1b: {  	s9 =	sadd.s32 $0xFFFFFEF7, lr;
	s5 =	simm.s32 $0xFFFFFFFF;
	p2 =	slt.u32 s8, $0xFFFFF086  }
0x1c: {  	p1 =	slt.u32 s9, $0xF7A;
	s5 =	simm.s32 @!p2 $0x0  }
0x1d: {  	s5 =	simm.s32 @p1 $0x1;
	p0 =	seq.s32 s7, s2  }
0x1e: {  	s7 =	smul.u32 @!p0 $0xF7A, s2;
	p2 =	seq.s32 @!p0 s5, $0x0  }
0x1f: {  	s9 =	smul.u32 $0xF7A, s1;
	s8 =	simm.s32 @!p0 $0x1BF5;
	p2 =	por !p2, p0  }
0x20: {  	[sflag:s8] =	ssyncset.s32 @!p0 $0xFFFFF086;
	s6 =	sadd.s32 @!p0 s3, s7;
	s7 =	simm.s32 @!p0 $0x108  }
0x21: {  	s3 =	sadd.s32 s3, s9;
	s6 =	sadd.s32 @!p0 $0x88, s6;
	s7 =	simm.s32 @p2 $0x1082  }
0x22: {  	[simem:s7], [sflag:s8] =	dma.local @!p0 [hbm:s6], $0xF7A  }
0x23: {  	s9 =	sor.u32 $0xD0000000, s2;
	s6 =	simm.s32 $0x108;
	_ =	swait.ge @!p0 [sflag:s8], $0x0  }
0x24: {  	s3 =	sadd.s32 $0x88, s3;
	s6 =	simm.s32 @!p1 $0x1082;
	[sflag:s4] =	ssyncset.s32 $0xFFFFF086  }
0x25: {  	[simem:s6], [sflag:s4] =	dma.local [hbm:s3], $0xF7A  }
0x26: {  	[smem:$0x3F90] =	sst s1;
	(tag) =	ssettag s2;
	_ =	strace s9  }
0x27: {  	s1 =	sld [smem:$0x3FA0]  }
0x28: {  	s2 =	sld [smem:$0x3FA1]  }
0x29: {  	s4 =	sld [smem:$0x3FA3]  }
0x2a: {  	p0 =	seq.s32 s5, $0x0;
	s5 =	sld [smem:$0x3FA4]  }
0x2b: {  	s6 =	sld [smem:$0x3FA5]  }
0x2c: {  	s7 =	sld [smem:$0x3FA6]  }
0x2d: {  	s3 =	simm.s32 $0x108;
	s8 =	sld [smem:$0x3FA7]  }
0x2e: {  	s3 =	simm.s32 @!p0 $0x1082;
	s9 =	sld [smem:$0x3FA8]  }
0x2f: {  	lr =	sadd.s32 s0, s3;
	s0 =	sld [smem:$0x3F9F]  }
0x30: {  	s3 =	sld [smem:$0x3FA2]  }
0x31: {  	[smem:$0x3FAB] =	sst s10  }
0x32: {  	s10 =	sld [smem:$0x3FA9];
	_ =	sdelay $0x3  }
0x33: {  	p0 =	seq.s32 s10, $0x1;
	s10 =	sld [smem:$0x3FAB];
	_ =	sdelay $0x3  }
0x34: {  	[smem:$0x3FAB] =	sst s10  }
0x35: {  	s10 =	sld [smem:$0x3FAA];
	_ =	sdelay $0x3  }
0x36: {  	p1 =	seq.s32 s10, $0x1;
	s10 =	sld [smem:$0x3FAB];
	_ =	sdelay $0x3  }
0x37: {  	[smem:$0x3FAB] =	sst s10  }
0x38: {  	s10 =	sld [smem:$0x3FAC]  }
0x39: {  	_ = 	snop;
	(pc) =	sbr.ind lr, $3  }
0x3a: {  	_ = 	snop  }
0x3b: {  	_ = 	snop  }
0x3c: {  	p2 =	seq.s32 s10, $0x1;
	s10 =	sld [smem:$0x3FAB]  }
0x3d: {  	_ =	shalt  }
0x3e: {  	_ =	shalt  }
0x3f: {  	_ =	shalt  }
0x40: {  	_ =	shalt  }
0x41: {  	_ =	shalt  }
0x42: {  	_ =	shalt  }
0x43: {  	_ =	shalt  }
0x44: {  	_ =	shalt  }
0x45: {  	_ =	shalt  }
0x46: {  	_ =	shalt  }
0x47: {  	_ =	shalt  }
0x48: {  	_ =	shalt  }
0x49: {  	_ =	shalt  }
0x4a: {  	_ =	shalt  }
0x4b: {  	_ =	shalt  }
0x4c: {  	_ =	shalt  }
0x4d: {  	_ =	shalt  }
0x4e: {  	_ =	shalt  }
0x4f: {  	_ =	shalt  }
0x50: {  	_ =	shalt  }
0x51: {  	_ =	shalt  }
0x52: {  	_ =	shalt  }
0x53: {  	_ =	shalt  }
0x54: {  	_ =	shalt  }
0x55: {  	_ =	shalt  }
0x56: {  	_ =	shalt  }
0x57: {  	_ =	shalt  }
0x58: {  	_ =	shalt  }
0x59: {  	_ =	shalt  }
0x5a: {  	_ =	shalt  }
0x5b: {  	_ =	shalt  }
0x5c: {  	_ =	shalt  }
0x5d: {  	_ =	shalt  }
0x5e: {  	_ =	shalt  }
0x5f: {  	_ =	shalt  }
0x60: {  	_ =	shalt  }
0x61: {  	_ =	shalt  }
0x62: {  	_ =	shalt  }
0x63: {  	_ =	shalt  }
0x64: {  	_ =	shalt  }
0x65: {  	_ =	shalt  }
0x66: {  	_ =	shalt  }
0x67: {  	_ =	shalt  }
0x68: {  	_ =	shalt  }
0x69: {  	_ =	shalt  }
0x6a: {  	_ =	shalt  }
0x6b: {  	_ =	shalt  }
0x6c: {  	_ =	shalt  }
0x6d: {  	_ =	shalt  }
0x6e: {  	_ =	shalt  }
0x6f: {  	_ =	shalt  }
0x70: {  	_ =	shalt  }
0x71: {  	_ =	shalt  }
0x72: {  	_ =	shalt  }
0x73: {  	_ =	shalt  }
0x74: {  	_ =	shalt  }
0x75: {  	_ =	shalt  }
0x76: {  	_ =	shalt  }
0x77: {  	_ =	shalt  }
0x78: {  	_ =	shalt  }
0x79: {  	_ =	shalt  }
0x7a: {  	_ =	shalt  }
0x7b: {  	_ =	shalt  }
0x7c: {  	_ =	shalt  }
0x7d: {  	_ =	shalt  }
0x7e: {  	_ =	shalt  }
0x7f: {  	_ =	shalt  }
0x80: {  	_ =	shalt  }
0x81: {  	_ =	shalt  }
0x82: {  	_ =	shalt  }
0x83: {  	_ =	shalt  }
0x84: {  	_ =	shalt  }
0x85: {  	_ =	shalt  }
0x86: {  	_ =	shalt  }
0x87: {  	_ =	shalt  }
.Lfunc_end0:
.L_simem_size_0:
called_computation.3_lowered:
.L_overlay_start_0:
0x88: {  	s2 =	sld [smem:$0x3FD9]  }
0x89: {  	s3 =	sld [smem:$0x3FFE];
	_ =	sdelay $0x1  }
0x8a: {  	s1 =	srdreg.scid  }
0x8b: {  	s0 =	sand.u32 $0x1, s1  }
0x8c: {  	s16 =	sshll.u32 s0, $0xA;
	s2 =	sadd.s32 s3, s2  }
0x8d: {  	s2 =	sadd.s32 s2, s16  }
0x8e: {  	[smem:$0x3FB7] =	sst s2  }
0x8f: {  	_ = 	snop  }
0x90: {  	(tm) =	ssettm $0x1  }
0x91: {  	s17 =	sld [smem:$0x3FFB];
	_ =	sdelay $0x3  }
0x92: {  	_ =	strace s17  }
0x93: {  	s2 =	sld [smem:$0x3FFC];
	_ =	sdelay $0x3  }
0x94: {  	_ =	strace s2  }
0x95: {  	s2 =	sld [smem:$0x3FFD];
	_ =	sdelay $0x3  }
0x96: {  	_ =	strace s2  }
0x97: {  	_ =	strace $0x8FFFFFFF  }
0x98: {  	s18 =	sld [smem:$0x3FDB];
	_ =	sdelay $0x1  }
0x99: {  	s19 =	simm.s32 $_scs_section_size  }
0x9a: {  	s4 =	simm.s32 $_size__tile_overlayer_lowered;
	s5 =	simm.s32 $_tile_overlayer_lowered  }
0x9b: {  	s22 =	simm.s32 $0x1BFF;
	s21 =	sshll.u32 s5, $0x1;
	s2 =	sadd.s32 s19, s18  }
0x9c: {  	s6 =	simm.s32 $0x0;
	s20 =	sshll.u32 s4, $0x1;
	s4 =	sadd.s32 s21, s2  }
0x9d: {  	[timem:s6], [sflag:s22] =	dma.local [hbm:s4], s20  }
0x9e: {  	_ =	swait.ge [sflag:s22], s20  }
0x9f: {  	s3 =	ssub.s32 $0x0, s20;
	[sflag:s22] =	ssyncset.done $0x0  }
0xa0: {  	[sflag:s22] =	ssyncadd.s32 s3;
	_ =	sdelay $0x1  }
0xa1: {  	s23 =	simm.s32 $0x1B8B  }
0xa2: {  	_ =	swait.ge [sflag:s23], $0x1  }
0xa3: {  	[sflag:s23] =	ssyncset.done $0x0  }
0xa4: {  	s25 =	simm.s32 $0x1B8E;
	s24 =	sld [smem:$0x3FFE];
	[sflag:s23] =	ssyncadd.s32 $0xFFFFFFFF  }
0xa5: {  	s26 =	simm.s32 $execute0_lowered;
	[smem:$0x3FD2] =	sst s25  }
0xa6: {  	s4 =	sshll.u32 s26, $0x1;
	_ =	strace $0x8000004F;
	[dreg:$0x1] =	wrdreg $0xFFFFFFFF  }
0xa7: {  	s28 =	simm.s32 $_size_execute0_lowered;
	s2 =	sadd.s32 s2, s4;
	[dreg:$0x0] =	wrdreg $0x0  }
0xa8: {  	s4 =	sshll.u32 s28, $0x1;
	[dreg:$0x2] =	wrdreg s2  }
0xa9: {  	[dreg:$0x3] =	wrdreg s4  }
0xaa: {  	[dreg:$0x4] =	wrdreg $0xC0  }
0xab: {  	_ =	task [dreg:s6], $0x5FFFF  }
0xac: {  	[dreg:$0x1] =	wrdreg $0xFFFFFFFF  }
0xad: {  	[dreg:$0x0] =	wrdreg $0x60  }
0xae: {  	[dreg:$0x2] =	wrdreg s24  }
0xaf: {  	[dreg:$0x3] =	wrdreg $0xB6800  }
0xb0: {  	[dreg:$0x4] =	wrdreg $0x9  }
0xb1: {  	_ =	task.clear_ibuf [dreg:s6], $0x5FFFF;
	_ =	strace $0x9000004F  }
0xb2: {  	s29 =	simm.s32 $0x9;
	_ =	strace $0x80000051  }
0xb3: {  	_ =	swait.ge [sflag:s29], $0x1  }
0xb4: {  	[sflag:s29] =	ssyncadd.s32 $0xFFFFFFFF  }
0xb5: {  	_ =	strace $0x90000051  }
0xb6: {  	_ =	sfence  }
0xb7: {  	s30 =	sld [smem:$0x0];
	_ =	sdelay $0x2  }
0xb8: {  	s31 =	sshll.u32 s1, $0xD;
	s1 =	sshrl.u32 s1, $0x2  }
0xb9: {  	s3 =	sand.u32 $0x4000, s31;
	s1 =	sadd.s32 s1, s30  }
0xba: {  	s0 =	sor.u32 s3, s0;
	s1 =	sshll.u32 s1, $0x11  }
0xbb: {  	s0 =	sor.u32 s1, s0  }
0xbc: {  	s0 =	sadd.s32 $0x8F2B, s0  }
0xbd: {  	[sflag:s0] =	ssyncadd.remote.s32 $0x1  }
0xbe: {  	_ =	sfence.sel $0xFFFF  }
0xbf: {  	[dreg:$0x0] =	wrdreg $0xFFFFFFFF;
	(pc) =	sbr.abs _section_cstart, $3  }
0xc0: {  	[dreg:$0x1] =	wrdreg $0xFFFFFFFF  }
0xc1: {  	_ =	task.clear_ibuf [dreg:s6], $0x2FFFF;
	_ =	strace $0x9FFFFFFF  }
0xc2: {  	(tm) =	ssettm $0x7FFFFFFF  }
0xc3: {  	_ =	shalt  }
tec
execute0_lowered:
.L_overlay_start_1:
0x0: {  	(tag) =	ssettag $0x1  }
0x1: {  	s1 =	srdreg.scid;
	s6 =	rddreg [dreg:$0x0]  }
0x2: {  	s0 =	stileid.u32;
	s2 =	rddreg [dreg:$0x1]  }
0x3: {  	s3 =	simm.s32 $0x0;
	s17 =	simm.s32 $0x8F00;
	s18 =	simm.s32 $0x2  }
0x4: {  	s19 =	simm.s32 $0x2780;
	s20 =	simm.s32 $0x80;
	s21 =	simm.s32 $0x4F00  }
0x5: {  	s22 =	simm.s32 $0x1;
	s5 =	sand.u32 $0x1, s1;
	s8 =	smul.u32 $0x13C00, s0  }
0x6: {  	s29 =	sshll.u32 s0, $0x1;
	[smem:$0x7FF] =	sst s3;
	s10 =	smul.u32 $0x4F000, s0  }
0x7: {  	s4 =	sadd.s32 $0x21E00, s6;
	s1 =	sor.u32 s5, s29;
	s9 =	smul.u32 $0x13C000, s5  }
0x8: {  	s5 =	ssub.s32 $0x2, s5;
	s7 =	smul.u32 $0x4F0, s1;
	s1 =	rddreg [dreg:$0x2]  }
0x9: {  	_ =	strace $0x80000050;
	s31 =	sshrl.u32 s5, $0x1;
	s10 =	sshrl.u32 s10, $0x2  }
0xa: {  	s30 =	sadd.s32 s8, s9;
	s16 =	ssub.s32 s5, s31;
	s12 =	sadd.s32 s10, s2  }
0xb: {  	s5 =	sadd.s32 s8, s2;
	s14 =	sadd.s32 s7, s6;
	s7 =	sshrl.u32 s30, $0x3  }
0xc: {  	s8 =	sadd.s32 $0x7680, s12;
	s9 =	sadd.s32 $0x9E00, s12;
	s10 =	sadd.s32 $0xC580, s12  }
0xd: {  	s11 =	sadd.s32 $0xED00, s12;
	s16 =	smax.u32 s16, $0x1;
	s15 =	sadd.s32 s7, s6  }
0xe: {  	s6 =	sadd.s32 $0x2780, s12;
	s7 =	sadd.s32 $0x4F00, s12;
	s12 =	sadd.s32 $0x11480, s12  }
0xf: {  	v0 =	vimm.f32 $0.0e+00;
	s13 =	sadd.s32 $0x18000, s14;
	s14 =	sadd.s32 $0x4400, s14;
	s15 =	sadd.s32 $0x49600, s15  }
.LBB2_1:
0x10: {  	s23 =	simm.s32 $0x0;
	s24 =	simm.s32 $0x200  }
.LBB2_2:
0x11: {  	p0 =	sne.s32 s24, $0x9C00;
	[tilespmem:s23+$0x8F70] =	vst v0  }
0x12: {  	[tilespmem:s23+$0x8F00] =	vst v0  }
0x13: {  	[tilespmem:s23+$0x8F10] =	vst v0  }
.Ltmp0:
0x14: {  	[tilespmem:s23+$0x8F20] =	vst v0;
	(pc) =	sbr.rel @p0 .LBB2_2-.Ltmp0, $4  }
0x15: {  	[tilespmem:s23+$0x8F30] =	vst v0  }
0x16: {  	[tilespmem:s23+$0x8F40] =	vst v0  }
0x17: {  	[tilespmem:s23+$0x8F50] =	vst v0  }
0x18: {  	[tilespmem:s23+$0x8F60] =	vst v0;
	s23 =	sshra.s32 s24, $0x2;
	s24 =	sadd.s32 $0x200, s24  }
0x19: {  	[tilespmem:s23+$0x8F70] =	vst v0  }
0x1a: {  	[tilespmem:s23+$0x8F00] =	vst v0  }
0x1b: {  	[tilespmem:s23+$0x8F10] =	vst v0  }
0x1c: {  	[tilespmem:s23+$0x8F20] =	vst v0  }
0x1d: {  	[tilespmem:s23+$0x8F30] =	vst v0  }
0x1e: {  	[tilespmem:s23+$0x8F40] =	vst v0  }
0x1f: {  	[tilespmem:s23+$0x8F50] =	vst v0  }
0x20: {  	[tilespmem:s23+$0x8F60] =	vst v0  }
0x21: {  	[spmem:s5] =	stream.linear.scatter [tilespmem:s17], [sflag:$0x2], $0x2780, $0x38;
	[tilespmem:$0x1F280] =	vst v63  }
0x22: {  	_ =	swait.ge [sflag:s18], $0x2780  }
0x23: {  	[sflag:s18] =	ssyncset.done $0x0  }
0x24: {  	[sflag:s18] =	ssyncadd.s32 $0xFFFFD880  }
0x25: {  	[spmem:s6] =	stream.linear.scatter [tilespmem:s17], [sflag:$0x2], $0x2780, $0x38;
	[tilespmem:$0x1F280] =	vst v63  }
0x26: {  	_ =	swait.ge [sflag:s18], $0x2780  }
0x27: {  	[sflag:s18] =	ssyncset.done $0x0  }
0x28: {  	[sflag:s18] =	ssyncadd.s32 $0xFFFFD880  }
0x29: {  	[spmem:s7] =	stream.linear.scatter [tilespmem:s17], [sflag:$0x2], $0x2780, $0x38;
	[tilespmem:$0x1F280] =	vst v63  }
0x2a: {  	_ =	swait.ge [sflag:s18], $0x2780  }
0x2b: {  	[sflag:s18] =	ssyncset.done $0x0  }
0x2c: {  	[sflag:s18] =	ssyncadd.s32 $0xFFFFD880  }
0x2d: {  	[spmem:s8] =	stream.linear.scatter [tilespmem:s17], [sflag:$0x2], $0x2780, $0x38;
	[tilespmem:$0x1F280] =	vst v63  }
0x2e: {  	_ =	swait.ge [sflag:s18], $0x2780  }
0x2f: {  	[sflag:s18] =	ssyncset.done $0x0  }
0x30: {  	[sflag:s18] =	ssyncadd.s32 $0xFFFFD880  }
0x31: {  	[spmem:s9] =	stream.linear.scatter [tilespmem:s17], [sflag:$0x2], $0x2780, $0x38;
	[tilespmem:$0x1F280] =	vst v63  }
0x32: {  	_ =	swait.ge [sflag:s18], $0x2780  }
0x33: {  	[sflag:s18] =	ssyncset.done $0x0  }
0x34: {  	[sflag:s18] =	ssyncadd.s32 $0xFFFFD880  }
0x35: {  	[spmem:s10] =	stream.linear.scatter [tilespmem:s17], [sflag:$0x2], $0x2780, $0x38;
	[tilespmem:$0x1F280] =	vst v63  }
0x36: {  	_ =	swait.ge [sflag:s18], $0x2780  }
0x37: {  	[sflag:s18] =	ssyncset.done $0x0  }
0x38: {  	[sflag:s18] =	ssyncadd.s32 $0xFFFFD880  }
0x39: {  	[spmem:s11] =	stream.linear.scatter [tilespmem:s17], [sflag:$0x2], $0x2780, $0x38;
	[tilespmem:$0x1F280] =	vst v63  }
0x3a: {  	_ =	swait.ge [sflag:s18], $0x2780  }
0x3b: {  	[sflag:s18] =	ssyncset.done $0x0  }
0x3c: {  	[sflag:s18] =	ssyncadd.s32 $0xFFFFD880  }
0x3d: {  	[spmem:s12] =	stream.linear.scatter [tilespmem:s17], [sflag:$0x2], $0x2780, $0x38;
	[tilespmem:$0x1F280] =	vst v63  }
0x3e: {  	_ =	swait.ge [sflag:s18], $0x2780  }
0x3f: {  	[sflag:s18] =	ssyncset.done $0x0  }
0x40: {  	s29 =	simm.s32 $0x0;
	[sflag:s18] =	ssyncadd.s32 $0xFFFFD880  }
0x41: {  	[tilespmem:s29], [sflag:$0x2] =	stream.linear.gather [hbm4b:s13+s29], $0x2780, $0x38;
	[tilespmem:$0x1F280] =	vst v63  }
0x42: {  	_ =	swait.ge [sflag:s18], $0x2780  }
0x43: {  	[sflag:s18] =	ssyncset.done $0x0  }
0x44: {  	[sflag:s18] =	ssyncadd.s32 $0xFFFFD880  }
0x45: {  	[tilespmem:s19], [sflag:$0x2] =	stream.linear.gather [hbm4b:s14+s29], $0x2780, $0x38;
	[tilespmem:$0x1F280] =	vst v63  }
0x46: {  	_ =	swait.ge [sflag:s18], $0x2780  }
0x47: {  	[sflag:s18] =	ssyncset.done $0x0  }
0x48: {  	[sflag:s18] =	ssyncadd.s32 $0xFFFFD880  }
0x49: {  	s30 =	simm.s32 $0x0;
	[bflag:$0x0] =	sbarrier.arrive $0xFFFF  }
0x4a: {  	[tilespmem:s21], [sflag:$0x1] =	stream.indirect.gather [hbm4b:s4+s20], $0x80, s30, s20, $0xb8;
	[tilespmem:$0x1F280] =	vst v63  }
0x4b: {  	_ =	swait.ge [sflag:s22], $0x4000  }
0x4c: {  	[sflag:s22] =	ssyncset.done $0x0  }
0x4d: {  	s31 =	simm.s32 $0x2780;
	[sflag:s22] =	ssyncadd.s32 $0xFFFFC000  }
0x4e: {  	[spmem:s2] =	stream.indirect.scatter.add.f32 [tilespmem:s21], [sflag:$0x2], $0x80, s31, s20, $0xb8;
	[tilespmem:$0x1F280] =	vst v63  }
0x4f: {  	_ =	swait.ge [sflag:s18], $0x4000  }
0x50: {  	s23 =	simm.s32 $0x200;
	s24 =	simm.s32 $0x400;
	[sflag:s18] =	ssyncset.done $0x0  }
.LBB2_4:
0x51: {  	s25 =	sshra.s32 s23, $0x2  }
0x52: {  	[sflag:s18] =	ssyncadd.s32 $0xFFFFC000;
	s23 =	smov.u32 s24;
	s26 =	sadd.s32 $0x200, s24  }
0x53: {  	[tilespmem:s21], [sflag:$0x1] =	stream.indirect.gather [hbm4b:s4+s20], $0x80, s25, s20, $0xb8;
	[tilespmem:$0x1F280] =	vst v63  }
0x54: {  	p0 =	sne.s32 s24, $0x9C00;
	_ =	swait.ge [sflag:s22], $0x4000  }
.Ltmp1:
0x55: {  	[sflag:s22] =	ssyncset.done $0x0;
	(pc) =	sbr.rel @p0 .LBB2_4-.Ltmp1, $4  }
0x56: {  	s24 =	sadd.s32 $0x2780, s25;
	[sflag:s22] =	ssyncadd.s32 $0xFFFFC000  }
0x57: {  	[spmem:s2] =	stream.indirect.scatter.add.f32 [tilespmem:s21], [sflag:$0x2], $0x80, s24, s20, $0xb8;
	[tilespmem:$0x1F280] =	vst v63  }
0x58: {  	_ =	swait.ge [sflag:s18], $0x4000  }
0x59: {  	s24 =	smov.u32 s26;
	[sflag:s18] =	ssyncset.done $0x0  }
0x5a: {  	s23 =	sshra.s32 s23, $0x2;
	[sflag:s18] =	ssyncadd.s32 $0xFFFFC000  }
0x5b: {  	[tilespmem:s21], [sflag:$0x1] =	stream.indirect.gather [hbm4b:s4+s20], $0x80, s23, s20, $0xb8;
	[tilespmem:$0x1F280] =	vst v63  }
0x5c: {  	_ =	swait.ge [sflag:s22], $0x4000  }
0x5d: {  	[sflag:s22] =	ssyncset.done $0x0  }
0x5e: {  	s23 =	sadd.s32 $0x2780, s23;
	[sflag:s22] =	ssyncadd.s32 $0xFFFFC000  }
0x5f: {  	[spmem:s2] =	stream.indirect.scatter.add.f32 [tilespmem:s21], [sflag:$0x2], $0x80, s23, s20, $0xb8;
	[tilespmem:$0x1F280] =	vst v63  }
0x60: {  	_ =	swait.ge [sflag:s18], $0x4000  }
0x61: {  	s31 =	sshll.u32 s0, $0x6;
	s3 =	sadd.s32 $0x1, s3;
	[sflag:s18] =	ssyncset.done $0x0  }
0x62: {  	s24 =	sshrl.u32 s5, $0x3;
	p0 =	sne.s32 s3, s16;
	[sflag:s18] =	ssyncadd.s32 $0xFFFFC000  }
.Ltmp2:
0x63: {  	s23 =	sor.u32 $0x1C02, s31;
	[bflag:$0x0] =	sbarrier.arrive $0xFFFF;
	(pc) =	sbr.rel @p0 .LBB2_1-.Ltmp2, $4  }
0x64: {  	[hbm:s15], [sflag:s23] =	dma.local [spmem:s24], $0x2780  }
0x65: {  	_ =	swait.ge [sflag:s18], $0x2780  }
0x66: {  	[sflag:s18] =	ssyncset.done $0x0  }
0x67: {  	[sflag:s18] =	ssyncadd.s32 $0xFFFFD880  }
0x68: {  	_ =	sfence.sel $0x180000  }
0x69: {  	[bflag:$0x0] =	sbarrier.arrive $0xFFFF  }
0x6a: {  	p0 =	sne.s32 s0, $0x0;
	_ =	strace $0x90000050  }
0x6b: {  	s0 =	sadd.s32 @!p0 $0x100000, s1;
	[bflag:$0x2] =	sbarrier.arrive $0xFFFF  }
0x6c: {  	[sflag:s0] =	ssyncadd.tile.s32 @!p0 $0x1;
	_ =	shalt  }
.Lfunc_end2:
_tile_overlayer_lowered:
.L_overlay_start_2:
0x6d: {  	(tag) =	ssettag $0x2  }
0x6e: {  	s0 =	rddreg [dreg:$0x0];
	s2 =	stileid.u32  }
0x6f: {  	s1 =	rddreg [dreg:$0x1];
	p0 =	sne.s32 s2, $0x0  }
0x70: {  	s3 =	rddreg [dreg:$0x2];
	[bflag:$0x3] =	sbarrier.arrive $0xFFFF;
	s2 =	simm.s32 @!p0 $0x1C02  }
0x71: {  	[timem:s3], [sflag:s2] =	dma.local @!p0 [hbm:s0], s1  }
0x72: {  	s0 =	simm.s32 @!p0 $0x2  }
0x73: {  	_ =	swait.ge @!p0 [sflag:s0], s1  }
0x74: {  	s1 =	ssub.s32 @!p0 $0x0, s1;
	[sflag:s0] =	ssyncset.done @!p0 $0x0  }
0x75: {  	[sflag:s0] =	ssyncadd.s32 @!p0 s1  }
0x76: {  	[bflag:$0x3] =	sbarrier.arrive $0xFFFF  }
0x77: {  	_ =	shalt  }

// kernel: kernel.27.cloned.1.call-start
scs
__scs_entry_jumppad:
0x0: {  	(pc) =	sbr.rel $0x88, $3  }
0x1: {  	(tag) =	ssettag $0x0;
	lr =	simm.s32 $0x1  }
0x2: {  	[smem:$0x3F90] =	sst lr;
	_ =	strace $0xD0000000  }
0x3: {  	_ = 	snop  }
0x4: {  	_ = 	snop  }
0x5: {  	_ = 	snop  }
0x6: {  	_ = 	snop  }
0x7: {  	_ = 	snop  }
__scs_overlays_trampoline_lowered:
0x8: {  	[smem:$0x3F9F] =	sst s0  }
0x9: {  	[smem:$0x3FA0] =	sst s1  }
0xa: {  	[smem:$0x3FA1] =	sst s2  }
0xb: {  	[smem:$0x3FA2] =	sst s3  }
0xc: {  	[smem:$0x3FA3] =	sst s4  }
0xd: {  	[smem:$0x3FA4] =	sst s5  }
0xe: {  	[smem:$0x3FA5] =	sst s6  }
0xf: {  	[smem:$0x3FA6] =	sst s7  }
0x10: {  	[smem:$0x3FA7] =	sst s8  }
0x11: {  	[smem:$0x3FA8] =	sst s9;
	s0 =	simm.s32 @!p0 $0x0  }
0x12: {  	s1 =	sld [smem:$0x3F8E];
	s0 =	simm.s32 @p0 $0x1  }
0x13: {  	[smem:$0x3FA9] =	sst s0;
	s0 =	simm.s32 @!p1 $0x0  }
0x14: {  	s2 =	sld [smem:$0x3F8D];
	s0 =	simm.s32 @p1 $0x1  }
0x15: {  	[smem:$0x3FAA] =	sst s0;
	s0 =	simm.s32 @!p2 $0x0  }
0x16: {  	s3 =	sld [smem:$0x3FDB];
	s0 =	simm.s32 @p2 $0x1  }
0x17: {  	s4 =	simm.s32 $0x1BF5;
	[smem:$0x3FAC] =	sst s0  }
0x18: {  	s0 =	sld [smem:$0x3F8F];
	_ =	swait.ge [sflag:s4], $0x0  }
0x19: {  	s7 =	sld [smem:$0x3F90]  }
0x1a: {  	s8 =	sadd.s32 $0xFFFFE003, lr  }
0x1b: {  	s9 =	sadd.s32 $0xFFFFFEF7, lr;
	s5 =	simm.s32 $0xFFFFFFFF;
	p2 =	slt.u32 s8, $0xFFFFF086  }
0x1c: {  	p1 =	slt.u32 s9, $0xF7A;
	s5 =	simm.s32 @!p2 $0x0  }
0x1d: {  	s5 =	simm.s32 @p1 $0x1;
	p0 =	seq.s32 s7, s2  }
0x1e: {  	s7 =	smul.u32 @!p0 $0xF7A, s2;
	p2 =	seq.s32 @!p0 s5, $0x0  }
0x1f: {  	s9 =	smul.u32 $0xF7A, s1;
	s8 =	simm.s32 @!p0 $0x1BF5;
	p2 =	por !p2, p0  }
0x20: {  	[sflag:s8] =	ssyncset.s32 @!p0 $0xFFFFF086;
	s6 =	sadd.s32 @!p0 s3, s7;
	s7 =	simm.s32 @!p0 $0x108  }
0x21: {  	s3 =	sadd.s32 s3, s9;
	s6 =	sadd.s32 @!p0 $0x88, s6;
	s7 =	simm.s32 @p2 $0x1082  }
0x22: {  	[simem:s7], [sflag:s8] =	dma.local @!p0 [hbm:s6], $0xF7A  }
0x23: {  	s9 =	sor.u32 $0xD0000000, s2;
	s6 =	simm.s32 $0x108;
	_ =	swait.ge @!p0 [sflag:s8], $0x0  }
0x24: {  	s3 =	sadd.s32 $0x88, s3;
	s6 =	simm.s32 @!p1 $0x1082;
	[sflag:s4] =	ssyncset.s32 $0xFFFFF086  }
0x25: {  	[simem:s6], [sflag:s4] =	dma.local [hbm:s3], $0xF7A  }
0x26: {  	[smem:$0x3F90] =	sst s1;
	(tag) =	ssettag s2;
	_ =	strace s9  }
0x27: {  	s1 =	sld [smem:$0x3FA0]  }
0x28: {  	s2 =	sld [smem:$0x3FA1]  }
0x29: {  	s4 =	sld [smem:$0x3FA3]  }
0x2a: {  	p0 =	seq.s32 s5, $0x0;
	s5 =	sld [smem:$0x3FA4]  }
0x2b: {  	s6 =	sld [smem:$0x3FA5]  }
0x2c: {  	s7 =	sld [smem:$0x3FA6]  }
0x2d: {  	s3 =	simm.s32 $0x108;
	s8 =	sld [smem:$0x3FA7]  }
0x2e: {  	s3 =	simm.s32 @!p0 $0x1082;
	s9 =	sld [smem:$0x3FA8]  }
0x2f: {  	lr =	sadd.s32 s0, s3;
	s0 =	sld [smem:$0x3F9F]  }
0x30: {  	s3 =	sld [smem:$0x3FA2]  }
0x31: {  	[smem:$0x3FAB] =	sst s10  }
0x32: {  	s10 =	sld [smem:$0x3FA9];
	_ =	sdelay $0x3  }
0x33: {  	p0 =	seq.s32 s10, $0x1;
	s10 =	sld [smem:$0x3FAB];
	_ =	sdelay $0x3  }
0x34: {  	[smem:$0x3FAB] =	sst s10  }
0x35: {  	s10 =	sld [smem:$0x3FAA];
	_ =	sdelay $0x3  }
0x36: {  	p1 =	seq.s32 s10, $0x1;
	s10 =	sld [smem:$0x3FAB];
	_ =	sdelay $0x3  }
0x37: {  	[smem:$0x3FAB] =	sst s10  }
0x38: {  	s10 =	sld [smem:$0x3FAC]  }
0x39: {  	_ = 	snop;
	(pc) =	sbr.ind lr, $3  }
0x3a: {  	_ = 	snop  }
0x3b: {  	_ = 	snop  }
0x3c: {  	p2 =	seq.s32 s10, $0x1;
	s10 =	sld [smem:$0x3FAB]  }
0x3d: {  	_ =	shalt  }
0x3e: {  	_ =	shalt  }
0x3f: {  	_ =	shalt  }
0x40: {  	_ =	shalt  }
0x41: {  	_ =	shalt  }
0x42: {  	_ =	shalt  }
0x43: {  	_ =	shalt  }
0x44: {  	_ =	shalt  }
0x45: {  	_ =	shalt  }
0x46: {  	_ =	shalt  }
0x47: {  	_ =	shalt  }
0x48: {  	_ =	shalt  }
0x49: {  	_ =	shalt  }
0x4a: {  	_ =	shalt  }
0x4b: {  	_ =	shalt  }
0x4c: {  	_ =	shalt  }
0x4d: {  	_ =	shalt  }
0x4e: {  	_ =	shalt  }
0x4f: {  	_ =	shalt  }
0x50: {  	_ =	shalt  }
0x51: {  	_ =	shalt  }
0x52: {  	_ =	shalt  }
0x53: {  	_ =	shalt  }
0x54: {  	_ =	shalt  }
0x55: {  	_ =	shalt  }
0x56: {  	_ =	shalt  }
0x57: {  	_ =	shalt  }
0x58: {  	_ =	shalt  }
0x59: {  	_ =	shalt  }
0x5a: {  	_ =	shalt  }
0x5b: {  	_ =	shalt  }
0x5c: {  	_ =	shalt  }
0x5d: {  	_ =	shalt  }
0x5e: {  	_ =	shalt  }
0x5f: {  	_ =	shalt  }
0x60: {  	_ =	shalt  }
0x61: {  	_ =	shalt  }
0x62: {  	_ =	shalt  }
0x63: {  	_ =	shalt  }
0x64: {  	_ =	shalt  }
0x65: {  	_ =	shalt  }
0x66: {  	_ =	shalt  }
0x67: {  	_ =	shalt  }
0x68: {  	_ =	shalt  }
0x69: {  	_ =	shalt  }
0x6a: {  	_ =	shalt  }
0x6b: {  	_ =	shalt  }
0x6c: {  	_ =	shalt  }
0x6d: {  	_ =	shalt  }
0x6e: {  	_ =	shalt  }
0x6f: {  	_ =	shalt  }
0x70: {  	_ =	shalt  }
0x71: {  	_ =	shalt  }
0x72: {  	_ =	shalt  }
0x73: {  	_ =	shalt  }
0x74: {  	_ =	shalt  }
0x75: {  	_ =	shalt  }
0x76: {  	_ =	shalt  }
0x77: {  	_ =	shalt  }
0x78: {  	_ =	shalt  }
0x79: {  	_ =	shalt  }
0x7a: {  	_ =	shalt  }
0x7b: {  	_ =	shalt  }
0x7c: {  	_ =	shalt  }
0x7d: {  	_ =	shalt  }
0x7e: {  	_ =	shalt  }
0x7f: {  	_ =	shalt  }
0x80: {  	_ =	shalt  }
0x81: {  	_ =	shalt  }
0x82: {  	_ =	shalt  }
0x83: {  	_ =	shalt  }
0x84: {  	_ =	shalt  }
0x85: {  	_ =	shalt  }
0x86: {  	_ =	shalt  }
0x87: {  	_ =	shalt  }
.Lfunc_end0:
.L_simem_size_0:
called_computation.4_lowered:
.L_overlay_start_0:
0x88: {  	s2 =	sld [smem:$0x3FD9]  }
0x89: {  	s3 =	sld [smem:$0x3FFE];
	_ =	sdelay $0x1  }
0x8a: {  	s1 =	srdreg.scid  }
0x8b: {  	s0 =	sand.u32 $0x1, s1  }
0x8c: {  	s16 =	sshll.u32 s0, $0xA;
	s2 =	sadd.s32 s3, s2  }
0x8d: {  	s2 =	sadd.s32 s2, s16  }
0x8e: {  	[smem:$0x3FB7] =	sst s2  }
0x8f: {  	_ = 	snop  }
0x90: {  	(tm) =	ssettm $0x1  }
0x91: {  	s17 =	sld [smem:$0x3FFB];
	_ =	sdelay $0x3  }
0x92: {  	_ =	strace s17  }
0x93: {  	s2 =	sld [smem:$0x3FFC];
	_ =	sdelay $0x3  }
0x94: {  	_ =	strace s2  }
0x95: {  	s2 =	sld [smem:$0x3FFD];
	_ =	sdelay $0x3  }
0x96: {  	_ =	strace s2  }
0x97: {  	_ =	strace $0x8FFFFFFF  }
0x98: {  	s18 =	sld [smem:$0x3FDB];
	_ =	sdelay $0x1  }
0x99: {  	s19 =	simm.s32 $_scs_section_size  }
0x9a: {  	s4 =	simm.s32 $_size__tile_overlayer_lowered;
	s5 =	simm.s32 $_tile_overlayer_lowered  }
0x9b: {  	s22 =	simm.s32 $0x1BFF;
	s21 =	sshll.u32 s5, $0x1;
	s2 =	sadd.s32 s19, s18  }
0x9c: {  	s6 =	simm.s32 $0x0;
	s20 =	sshll.u32 s4, $0x1;
	s4 =	sadd.s32 s21, s2  }
0x9d: {  	[timem:s6], [sflag:s22] =	dma.local [hbm:s4], s20  }
0x9e: {  	_ =	swait.ge [sflag:s22], s20  }
0x9f: {  	s3 =	ssub.s32 $0x0, s20;
	[sflag:s22] =	ssyncset.done $0x0  }
0xa0: {  	[sflag:s22] =	ssyncadd.s32 s3;
	_ =	sdelay $0x1  }
0xa1: {  	s23 =	simm.s32 $0x1B8B  }
0xa2: {  	_ =	swait.ge [sflag:s23], $0x1  }
0xa3: {  	[sflag:s23] =	ssyncset.done $0x0  }
0xa4: {  	s25 =	simm.s32 $0x1B8E;
	s24 =	sld [smem:$0x3FFE];
	[sflag:s23] =	ssyncadd.s32 $0xFFFFFFFF  }
0xa5: {  	s26 =	simm.s32 $execute0_lowered;
	[smem:$0x3FD2] =	sst s25  }
0xa6: {  	s4 =	sshll.u32 s26, $0x1;
	_ =	strace $0x80000052;
	[dreg:$0x1] =	wrdreg $0xFFFFFFFF  }
0xa7: {  	s28 =	simm.s32 $_size_execute0_lowered;
	s2 =	sadd.s32 s2, s4;
	[dreg:$0x0] =	wrdreg $0x0  }
0xa8: {  	s4 =	sshll.u32 s28, $0x1;
	[dreg:$0x2] =	wrdreg s2  }
0xa9: {  	[dreg:$0x3] =	wrdreg s4  }
0xaa: {  	[dreg:$0x4] =	wrdreg $0xC0  }
0xab: {  	_ =	task [dreg:s6], $0x5FFFF  }
0xac: {  	[dreg:$0x1] =	wrdreg $0xFFFFFFFF  }
0xad: {  	[dreg:$0x0] =	wrdreg $0x60  }
0xae: {  	[dreg:$0x2] =	wrdreg s24  }
0xaf: {  	[dreg:$0x3] =	wrdreg $0xB6800  }
0xb0: {  	[dreg:$0x4] =	wrdreg $0x9  }
0xb1: {  	_ =	task.clear_ibuf [dreg:s6], $0x5FFFF;
	_ =	strace $0x90000052  }
0xb2: {  	s29 =	simm.s32 $0x9;
	_ =	strace $0x80000054  }
0xb3: {  	_ =	swait.ge [sflag:s29], $0x1  }
0xb4: {  	[sflag:s29] =	ssyncadd.s32 $0xFFFFFFFF  }
0xb5: {  	_ =	strace $0x90000054  }
0xb6: {  	_ =	sfence  }
0xb7: {  	s30 =	sld [smem:$0x0];
	_ =	sdelay $0x2  }
0xb8: {  	s31 =	sshll.u32 s1, $0xD;
	s1 =	sshrl.u32 s1, $0x2  }
0xb9: {  	s3 =	sand.u32 $0x4000, s31;
	s1 =	sadd.s32 s1, s30  }
0xba: {  	s0 =	sor.u32 s3, s0;
	s1 =	sshll.u32 s1, $0x11  }
0xbb: {  	s0 =	sor.u32 s1, s0  }
0xbc: {  	s0 =	sadd.s32 $0x8F2B, s0  }
0xbd: {  	[sflag:s0] =	ssyncadd.remote.s32 $0x1  }
0xbe: {  	_ =	sfence.sel $0xFFFF  }
0xbf: {  	[dreg:$0x0] =	wrdreg $0xFFFFFFFF;
	(pc) =	sbr.abs _section_cstart, $3  }
0xc0: {  	[dreg:$0x1] =	wrdreg $0xFFFFFFFF  }
0xc1: {  	_ =	task.clear_ibuf [dreg:s6], $0x2FFFF;
	_ =	strace $0x9FFFFFFF  }
0xc2: {  	(tm) =	ssettm $0x7FFFFFFF  }
0xc3: {  	_ =	shalt  }
tec
execute0_lowered:
.L_overlay_start_1:
0x0: {  	(tag) =	ssettag $0x1  }
0x1: {  	s1 =	srdreg.scid;
	s6 =	rddreg [dreg:$0x0]  }
0x2: {  	s0 =	stileid.u32;
	s2 =	rddreg [dreg:$0x1]  }
0x3: {  	s3 =	simm.s32 $0x0;
	s17 =	simm.s32 $0x8F00;
	s18 =	simm.s32 $0x2  }
0x4: {  	s19 =	simm.s32 $0x2780;
	s20 =	simm.s32 $0x80;
	s21 =	simm.s32 $0x4F00  }
0x5: {  	s22 =	simm.s32 $0x1;
	s5 =	sand.u32 $0x1, s1;
	s8 =	smul.u32 $0x13C00, s0  }
0x6: {  	s29 =	sshll.u32 s0, $0x1;
	[smem:$0x7FF] =	sst s3;
	s10 =	smul.u32 $0x4F000, s0  }
0x7: {  	s4 =	sadd.s32 $0x21E00, s6;
	s1 =	sor.u32 s5, s29;
	s9 =	smul.u32 $0x13C000, s5  }
0x8: {  	s5 =	ssub.s32 $0x2, s5;
	s7 =	smul.u32 $0x4F0, s1;
	s1 =	rddreg [dreg:$0x2]  }
0x9: {  	_ =	strace $0x80000053;
	s31 =	sshrl.u32 s5, $0x1;
	s10 =	sshrl.u32 s10, $0x2  }
0xa: {  	s30 =	sadd.s32 s8, s9;
	s16 =	ssub.s32 s5, s31;
	s12 =	sadd.s32 s10, s2  }
0xb: {  	s5 =	sadd.s32 s8, s2;
	s14 =	sadd.s32 s7, s6;
	s7 =	sshrl.u32 s30, $0x3  }
0xc: {  	s8 =	sadd.s32 $0x7680, s12;
	s9 =	sadd.s32 $0x9E00, s12;
	s10 =	sadd.s32 $0xC580, s12  }
0xd: {  	s11 =	sadd.s32 $0xED00, s12;
	s16 =	smax.u32 s16, $0x1;
	s15 =	sadd.s32 s7, s6  }
0xe: {  	s6 =	sadd.s32 $0x2780, s12;
	s7 =	sadd.s32 $0x4F00, s12;
	s12 =	sadd.s32 $0x11480, s12  }
0xf: {  	v0 =	vimm.f32 $0.0e+00;
	s13 =	sadd.s32 $0x18000, s14;
	s14 =	sadd.s32 $0x4400, s14;
	s15 =	sadd.s32 $0x49600, s15  }
.LBB2_1:
0x10: {  	s23 =	simm.s32 $0x0;
	s24 =	simm.s32 $0x200  }
.LBB2_2:
0x11: {  	p0 =	sne.s32 s24, $0x9C00;
	[tilespmem:s23+$0x8F70] =	vst v0  }
0x12: {  	[tilespmem:s23+$0x8F00] =	vst v0  }
0x13: {  	[tilespmem:s23+$0x8F10] =	vst v0  }
.Ltmp0:
0x14: {  	[tilespmem:s23+$0x8F20] =	vst v0;
	(pc) =	sbr.rel @p0 .LBB2_2-.Ltmp0, $4  }
0x15: {  	[tilespmem:s23+$0x8F30] =	vst v0  }
0x16: {  	[tilespmem:s23+$0x8F40] =	vst v0  }
0x17: {  	[tilespmem:s23+$0x8F50] =	vst v0  }
0x18: {  	[tilespmem:s23+$0x8F60] =	vst v0;
	s23 =	sshra.s32 s24, $0x2;
	s24 =	sadd.s32 $0x200, s24  }
0x19: {  	[tilespmem:s23+$0x8F70] =	vst v0  }
0x1a: {  	[tilespmem:s23+$0x8F00] =	vst v0  }
0x1b: {  	[tilespmem:s23+$0x8F10] =	vst v0  }
0x1c: {  	[tilespmem:s23+$0x8F20] =	vst v0  }
0x1d: {  	[tilespmem:s23+$0x8F30] =	vst v0  }
0x1e: {  	[tilespmem:s23+$0x8F40] =	vst v0  }
0x1f: {  	[tilespmem:s23+$0x8F50] =	vst v0  }
0x20: {  	[tilespmem:s23+$0x8F60] =	vst v0  }
0x21: {  	[spmem:s5] =	stream.linear.scatter [tilespmem:s17], [sflag:$0x2], $0x2780, $0x38;
	[tilespmem:$0x1F280] =	vst v63  }
0x22: {  	_ =	swait.ge [sflag:s18], $0x2780  }
0x23: {  	[sflag:s18] =	ssyncset.done $0x0  }
0x24: {  	[sflag:s18] =	ssyncadd.s32 $0xFFFFD880  }
0x25: {  	[spmem:s6] =	stream.linear.scatter [tilespmem:s17], [sflag:$0x2], $0x2780, $0x38;
	[tilespmem:$0x1F280] =	vst v63  }
0x26: {  	_ =	swait.ge [sflag:s18], $0x2780  }
0x27: {  	[sflag:s18] =	ssyncset.done $0x0  }
0x28: {  	[sflag:s18] =	ssyncadd.s32 $0xFFFFD880  }
0x29: {  	[spmem:s7] =	stream.linear.scatter [tilespmem:s17], [sflag:$0x2], $0x2780, $0x38;
	[tilespmem:$0x1F280] =	vst v63  }
0x2a: {  	_ =	swait.ge [sflag:s18], $0x2780  }
0x2b: {  	[sflag:s18] =	ssyncset.done $0x0  }
0x2c: {  	[sflag:s18] =	ssyncadd.s32 $0xFFFFD880  }
0x2d: {  	[spmem:s8] =	stream.linear.scatter [tilespmem:s17], [sflag:$0x2], $0x2780, $0x38;
	[tilespmem:$0x1F280] =	vst v63  }
0x2e: {  	_ =	swait.ge [sflag:s18], $0x2780  }
0x2f: {  	[sflag:s18] =	ssyncset.done $0x0  }
0x30: {  	[sflag:s18] =	ssyncadd.s32 $0xFFFFD880  }
0x31: {  	[spmem:s9] =	stream.linear.scatter [tilespmem:s17], [sflag:$0x2], $0x2780, $0x38;
	[tilespmem:$0x1F280] =	vst v63  }
0x32: {  	_ =	swait.ge [sflag:s18], $0x2780  }
0x33: {  	[sflag:s18] =	ssyncset.done $0x0  }
0x34: {  	[sflag:s18] =	ssyncadd.s32 $0xFFFFD880  }
0x35: {  	[spmem:s10] =	stream.linear.scatter [tilespmem:s17], [sflag:$0x2], $0x2780, $0x38;
	[tilespmem:$0x1F280] =	vst v63  }
0x36: {  	_ =	swait.ge [sflag:s18], $0x2780  }
0x37: {  	[sflag:s18] =	ssyncset.done $0x0  }
0x38: {  	[sflag:s18] =	ssyncadd.s32 $0xFFFFD880  }
0x39: {  	[spmem:s11] =	stream.linear.scatter [tilespmem:s17], [sflag:$0x2], $0x2780, $0x38;
	[tilespmem:$0x1F280] =	vst v63  }
0x3a: {  	_ =	swait.ge [sflag:s18], $0x2780  }
0x3b: {  	[sflag:s18] =	ssyncset.done $0x0  }
0x3c: {  	[sflag:s18] =	ssyncadd.s32 $0xFFFFD880  }
0x3d: {  	[spmem:s12] =	stream.linear.scatter [tilespmem:s17], [sflag:$0x2], $0x2780, $0x38;
	[tilespmem:$0x1F280] =	vst v63  }
0x3e: {  	_ =	swait.ge [sflag:s18], $0x2780  }
0x3f: {  	[sflag:s18] =	ssyncset.done $0x0  }
0x40: {  	s29 =	simm.s32 $0x0;
	[sflag:s18] =	ssyncadd.s32 $0xFFFFD880  }
0x41: {  	[tilespmem:s29], [sflag:$0x2] =	stream.linear.gather [hbm4b:s13+s29], $0x2780, $0x38;
	[tilespmem:$0x1F280] =	vst v63  }
0x42: {  	_ =	swait.ge [sflag:s18], $0x2780  }
0x43: {  	[sflag:s18] =	ssyncset.done $0x0  }
0x44: {  	[sflag:s18] =	ssyncadd.s32 $0xFFFFD880  }
0x45: {  	[tilespmem:s19], [sflag:$0x2] =	stream.linear.gather [hbm4b:s14+s29], $0x2780, $0x38;
	[tilespmem:$0x1F280] =	vst v63  }
0x46: {  	_ =	swait.ge [sflag:s18], $0x2780  }
0x47: {  	[sflag:s18] =	ssyncset.done $0x0  }
0x48: {  	[sflag:s18] =	ssyncadd.s32 $0xFFFFD880  }
0x49: {  	s30 =	simm.s32 $0x0;
	[bflag:$0x0] =	sbarrier.arrive $0xFFFF  }
0x4a: {  	[tilespmem:s21], [sflag:$0x1] =	stream.indirect.gather [hbm4b:s4+s20], $0x80, s30, s20, $0xb8;
	[tilespmem:$0x1F280] =	vst v63  }
0x4b: {  	_ =	swait.ge [sflag:s22], $0x4000  }
0x4c: {  	[sflag:s22] =	ssyncset.done $0x0  }
0x4d: {  	s31 =	simm.s32 $0x2780;
	[sflag:s22] =	ssyncadd.s32 $0xFFFFC000  }
0x4e: {  	[spmem:s2] =	stream.indirect.scatter.add.f32 [tilespmem:s21], [sflag:$0x2], $0x80, s31, s20, $0xb8;
	[tilespmem:$0x1F280] =	vst v63  }
0x4f: {  	_ =	swait.ge [sflag:s18], $0x4000  }
0x50: {  	s23 =	simm.s32 $0x200;
	s24 =	simm.s32 $0x400;
	[sflag:s18] =	ssyncset.done $0x0  }
.LBB2_4:
0x51: {  	s25 =	sshra.s32 s23, $0x2  }
0x52: {  	[sflag:s18] =	ssyncadd.s32 $0xFFFFC000;
	s23 =	smov.u32 s24;
	s26 =	sadd.s32 $0x200, s24  }
0x53: {  	[tilespmem:s21], [sflag:$0x1] =	stream.indirect.gather [hbm4b:s4+s20], $0x80, s25, s20, $0xb8;
	[tilespmem:$0x1F280] =	vst v63  }
0x54: {  	p0 =	sne.s32 s24, $0x9C00;
	_ =	swait.ge [sflag:s22], $0x4000  }
.Ltmp1:
0x55: {  	[sflag:s22] =	ssyncset.done $0x0;
	(pc) =	sbr.rel @p0 .LBB2_4-.Ltmp1, $4  }
0x56: {  	s24 =	sadd.s32 $0x2780, s25;
	[sflag:s22] =	ssyncadd.s32 $0xFFFFC000  }
0x57: {  	[spmem:s2] =	stream.indirect.scatter.add.f32 [tilespmem:s21], [sflag:$0x2], $0x80, s24, s20, $0xb8;
	[tilespmem:$0x1F280] =	vst v63  }
0x58: {  	_ =	swait.ge [sflag:s18], $0x4000  }
0x59: {  	s24 =	smov.u32 s26;
	[sflag:s18] =	ssyncset.done $0x0  }
0x5a: {  	s23 =	sshra.s32 s23, $0x2;
	[sflag:s18] =	ssyncadd.s32 $0xFFFFC000  }
0x5b: {  	[tilespmem:s21], [sflag:$0x1] =	stream.indirect.gather [hbm4b:s4+s20], $0x80, s23, s20, $0xb8;
	[tilespmem:$0x1F280] =	vst v63  }
0x5c: {  	_ =	swait.ge [sflag:s22], $0x4000  }
0x5d: {  	[sflag:s22] =	ssyncset.done $0x0  }
0x5e: {  	s23 =	sadd.s32 $0x2780, s23;
	[sflag:s22] =	ssyncadd.s32 $0xFFFFC000  }
0x5f: {  	[spmem:s2] =	stream.indirect.scatter.add.f32 [tilespmem:s21], [sflag:$0x2], $0x80, s23, s20, $0xb8;
	[tilespmem:$0x1F280] =	vst v63  }
0x60: {  	_ =	swait.ge [sflag:s18], $0x4000  }
0x61: {  	s31 =	sshll.u32 s0, $0x6;
	s3 =	sadd.s32 $0x1, s3;
	[sflag:s18] =	ssyncset.done $0x0  }
0x62: {  	s24 =	sshrl.u32 s5, $0x3;
	p0 =	sne.s32 s3, s16;
	[sflag:s18] =	ssyncadd.s32 $0xFFFFC000  }
.Ltmp2:
0x63: {  	s23 =	sor.u32 $0x1C02, s31;
	[bflag:$0x0] =	sbarrier.arrive $0xFFFF;
	(pc) =	sbr.rel @p0 .LBB2_1-.Ltmp2, $4  }
0x64: {  	[hbm:s15], [sflag:s23] =	dma.local [spmem:s24], $0x2780  }
0x65: {  	_ =	swait.ge [sflag:s18], $0x2780  }
0x66: {  	[sflag:s18] =	ssyncset.done $0x0  }
0x67: {  	[sflag:s18] =	ssyncadd.s32 $0xFFFFD880  }
0x68: {  	_ =	sfence.sel $0x180000  }
0x69: {  	[bflag:$0x0] =	sbarrier.arrive $0xFFFF  }
0x6a: {  	p0 =	sne.s32 s0, $0x0;
	_ =	strace $0x90000053  }
0x6b: {  	s0 =	sadd.s32 @!p0 $0x100000, s1;
	[bflag:$0x2] =	sbarrier.arrive $0xFFFF  }
0x6c: {  	[sflag:s0] =	ssyncadd.tile.s32 @!p0 $0x1;
	_ =	shalt  }
.Lfunc_end2:
_tile_overlayer_lowered:
.L_overlay_start_2:
0x6d: {  	(tag) =	ssettag $0x2  }
0x6e: {  	s0 =	rddreg [dreg:$0x0];
	s2 =	stileid.u32  }
0x6f: {  	s1 =	rddreg [dreg:$0x1];
	p0 =	sne.s32 s2, $0x0  }
0x70: {  	s3 =	rddreg [dreg:$0x2];
	[bflag:$0x3] =	sbarrier.arrive $0xFFFF;
	s2 =	simm.s32 @!p0 $0x1C02  }
0x71: {  	[timem:s3], [sflag:s2] =	dma.local @!p0 [hbm:s0], s1  }
0x72: {  	s0 =	simm.s32 @!p0 $0x2  }
0x73: {  	_ =	swait.ge @!p0 [sflag:s0], s1  }
0x74: {  	s1 =	ssub.s32 @!p0 $0x0, s1;
	[sflag:s0] =	ssyncset.done @!p0 $0x0  }
0x75: {  	[sflag:s0] =	ssyncadd.s32 @!p0 s1  }
0x76: {  	[bflag:$0x3] =	sbarrier.arrive $0xFFFF  }
0x77: {  	_ =	shalt  }

// kernel: kernel.30.cloned.1.call-start
scs
__scs_entry_jumppad:
0x0: {  	(pc) =	sbr.rel $0x88, $3  }
0x1: {  	(tag) =	ssettag $0x0;
	lr =	simm.s32 $0x1  }
0x2: {  	[smem:$0x3F90] =	sst lr;
	_ =	strace $0xD0000000  }
0x3: {  	_ = 	snop  }
0x4: {  	_ = 	snop  }
0x5: {  	_ = 	snop  }
0x6: {  	_ = 	snop  }
0x7: {  	_ = 	snop  }
__scs_overlays_trampoline_lowered:
0x8: {  	[smem:$0x3F9F] =	sst s0  }
0x9: {  	[smem:$0x3FA0] =	sst s1  }
0xa: {  	[smem:$0x3FA1] =	sst s2  }
0xb: {  	[smem:$0x3FA2] =	sst s3  }
0xc: {  	[smem:$0x3FA3] =	sst s4  }
0xd: {  	[smem:$0x3FA4] =	sst s5  }
0xe: {  	[smem:$0x3FA5] =	sst s6  }
0xf: {  	[smem:$0x3FA6] =	sst s7  }
0x10: {  	[smem:$0x3FA7] =	sst s8  }
0x11: {  	[smem:$0x3FA8] =	sst s9;
	s0 =	simm.s32 @!p0 $0x0  }
0x12: {  	s1 =	sld [smem:$0x3F8E];
	s0 =	simm.s32 @p0 $0x1  }
0x13: {  	[smem:$0x3FA9] =	sst s0;
	s0 =	simm.s32 @!p1 $0x0  }
0x14: {  	s2 =	sld [smem:$0x3F8D];
	s0 =	simm.s32 @p1 $0x1  }
0x15: {  	[smem:$0x3FAA] =	sst s0;
	s0 =	simm.s32 @!p2 $0x0  }
0x16: {  	s3 =	sld [smem:$0x3FDB];
	s0 =	simm.s32 @p2 $0x1  }
0x17: {  	s4 =	simm.s32 $0x1BF5;
	[smem:$0x3FAC] =	sst s0  }
0x18: {  	s0 =	sld [smem:$0x3F8F];
	_ =	swait.ge [sflag:s4], $0x0  }
0x19: {  	s7 =	sld [smem:$0x3F90]  }
0x1a: {  	s8 =	sadd.s32 $0xFFFFE003, lr  }
0x1b: {  	s9 =	sadd.s32 $0xFFFFFEF7, lr;
	s5 =	simm.s32 $0xFFFFFFFF;
	p2 =	slt.u32 s8, $0xFFFFF086  }
0x1c: {  	p1 =	slt.u32 s9, $0xF7A;
	s5 =	simm.s32 @!p2 $0x0  }
0x1d: {  	s5 =	simm.s32 @p1 $0x1;
	p0 =	seq.s32 s7, s2  }
0x1e: {  	s7 =	smul.u32 @!p0 $0xF7A, s2;
	p2 =	seq.s32 @!p0 s5, $0x0  }
0x1f: {  	s9 =	smul.u32 $0xF7A, s1;
	s8 =	simm.s32 @!p0 $0x1BF5;
	p2 =	por !p2, p0  }
0x20: {  	[sflag:s8] =	ssyncset.s32 @!p0 $0xFFFFF086;
	s6 =	sadd.s32 @!p0 s3, s7;
	s7 =	simm.s32 @!p0 $0x108  }
0x21: {  	s3 =	sadd.s32 s3, s9;
	s6 =	sadd.s32 @!p0 $0x88, s6;
	s7 =	simm.s32 @p2 $0x1082  }
0x22: {  	[simem:s7], [sflag:s8] =	dma.local @!p0 [hbm:s6], $0xF7A  }
0x23: {  	s9 =	sor.u32 $0xD0000000, s2;
	s6 =	simm.s32 $0x108;
	_ =	swait.ge @!p0 [sflag:s8], $0x0  }
0x24: {  	s3 =	sadd.s32 $0x88, s3;
	s6 =	simm.s32 @!p1 $0x1082;
	[sflag:s4] =	ssyncset.s32 $0xFFFFF086  }
0x25: {  	[simem:s6], [sflag:s4] =	dma.local [hbm:s3], $0xF7A  }
0x26: {  	[smem:$0x3F90] =	sst s1;
	(tag) =	ssettag s2;
	_ =	strace s9  }
0x27: {  	s1 =	sld [smem:$0x3FA0]  }
0x28: {  	s2 =	sld [smem:$0x3FA1]  }
0x29: {  	s4 =	sld [smem:$0x3FA3]  }
0x2a: {  	p0 =	seq.s32 s5, $0x0;
	s5 =	sld [smem:$0x3FA4]  }
0x2b: {  	s6 =	sld [smem:$0x3FA5]  }
0x2c: {  	s7 =	sld [smem:$0x3FA6]  }
0x2d: {  	s3 =	simm.s32 $0x108;
	s8 =	sld [smem:$0x3FA7]  }
0x2e: {  	s3 =	simm.s32 @!p0 $0x1082;
	s9 =	sld [smem:$0x3FA8]  }
0x2f: {  	lr =	sadd.s32 s0, s3;
	s0 =	sld [smem:$0x3F9F]  }
0x30: {  	s3 =	sld [smem:$0x3FA2]  }
0x31: {  	[smem:$0x3FAB] =	sst s10  }
0x32: {  	s10 =	sld [smem:$0x3FA9];
	_ =	sdelay $0x3  }
0x33: {  	p0 =	seq.s32 s10, $0x1;
	s10 =	sld [smem:$0x3FAB];
	_ =	sdelay $0x3  }
0x34: {  	[smem:$0x3FAB] =	sst s10  }
0x35: {  	s10 =	sld [smem:$0x3FAA];
	_ =	sdelay $0x3  }
0x36: {  	p1 =	seq.s32 s10, $0x1;
	s10 =	sld [smem:$0x3FAB];
	_ =	sdelay $0x3  }
0x37: {  	[smem:$0x3FAB] =	sst s10  }
0x38: {  	s10 =	sld [smem:$0x3FAC]  }
0x39: {  	_ = 	snop;
	(pc) =	sbr.ind lr, $3  }
0x3a: {  	_ = 	snop  }
0x3b: {  	_ = 	snop  }
0x3c: {  	p2 =	seq.s32 s10, $0x1;
	s10 =	sld [smem:$0x3FAB]  }
0x3d: {  	_ =	shalt  }
0x3e: {  	_ =	shalt  }
0x3f: {  	_ =	shalt  }
0x40: {  	_ =	shalt  }
0x41: {  	_ =	shalt  }
0x42: {  	_ =	shalt  }
0x43: {  	_ =	shalt  }
0x44: {  	_ =	shalt  }
0x45: {  	_ =	shalt  }
0x46: {  	_ =	shalt  }
0x47: {  	_ =	shalt  }
0x48: {  	_ =	shalt  }
0x49: {  	_ =	shalt  }
0x4a: {  	_ =	shalt  }
0x4b: {  	_ =	shalt  }
0x4c: {  	_ =	shalt  }
0x4d: {  	_ =	shalt  }
0x4e: {  	_ =	shalt  }
0x4f: {  	_ =	shalt  }
0x50: {  	_ =	shalt  }
0x51: {  	_ =	shalt  }
0x52: {  	_ =	shalt  }
0x53: {  	_ =	shalt  }
0x54: {  	_ =	shalt  }
0x55: {  	_ =	shalt  }
0x56: {  	_ =	shalt  }
0x57: {  	_ =	shalt  }
0x58: {  	_ =	shalt  }
0x59: {  	_ =	shalt  }
0x5a: {  	_ =	shalt  }
0x5b: {  	_ =	shalt  }
0x5c: {  	_ =	shalt  }
0x5d: {  	_ =	shalt  }
0x5e: {  	_ =	shalt  }
0x5f: {  	_ =	shalt  }
0x60: {  	_ =	shalt  }
0x61: {  	_ =	shalt  }
0x62: {  	_ =	shalt  }
0x63: {  	_ =	shalt  }
0x64: {  	_ =	shalt  }
0x65: {  	_ =	shalt  }
0x66: {  	_ =	shalt  }
0x67: {  	_ =	shalt  }
0x68: {  	_ =	shalt  }
0x69: {  	_ =	shalt  }
0x6a: {  	_ =	shalt  }
0x6b: {  	_ =	shalt  }
0x6c: {  	_ =	shalt  }
0x6d: {  	_ =	shalt  }
0x6e: {  	_ =	shalt  }
0x6f: {  	_ =	shalt  }
0x70: {  	_ =	shalt  }
0x71: {  	_ =	shalt  }
0x72: {  	_ =	shalt  }
0x73: {  	_ =	shalt  }
0x74: {  	_ =	shalt  }
0x75: {  	_ =	shalt  }
0x76: {  	_ =	shalt  }
0x77: {  	_ =	shalt  }
0x78: {  	_ =	shalt  }
0x79: {  	_ =	shalt  }
0x7a: {  	_ =	shalt  }
0x7b: {  	_ =	shalt  }
0x7c: {  	_ =	shalt  }
0x7d: {  	_ =	shalt  }
0x7e: {  	_ =	shalt  }
0x7f: {  	_ =	shalt  }
0x80: {  	_ =	shalt  }
0x81: {  	_ =	shalt  }
0x82: {  	_ =	shalt  }
0x83: {  	_ =	shalt  }
0x84: {  	_ =	shalt  }
0x85: {  	_ =	shalt  }
0x86: {  	_ =	shalt  }
0x87: {  	_ =	shalt  }
.Lfunc_end0:
.L_simem_size_0:
called_computation.5_lowered:
.L_overlay_start_0:
0x88: {  	s2 =	sld [smem:$0x3FD9]  }
0x89: {  	s3 =	sld [smem:$0x3FFE];
	_ =	sdelay $0x1  }
0x8a: {  	s1 =	srdreg.scid  }
0x8b: {  	s0 =	sand.u32 $0x1, s1  }
0x8c: {  	s16 =	sshll.u32 s0, $0xA;
	s2 =	sadd.s32 s3, s2  }
0x8d: {  	s2 =	sadd.s32 s2, s16  }
0x8e: {  	[smem:$0x3FB7] =	sst s2  }
0x8f: {  	_ = 	snop  }
0x90: {  	(tm) =	ssettm $0x1  }
0x91: {  	s17 =	sld [smem:$0x3FFB];
	_ =	sdelay $0x3  }
0x92: {  	_ =	strace s17  }
0x93: {  	s2 =	sld [smem:$0x3FFC];
	_ =	sdelay $0x3  }
0x94: {  	_ =	strace s2  }
0x95: {  	s2 =	sld [smem:$0x3FFD];
	_ =	sdelay $0x3  }
0x96: {  	_ =	strace s2  }
0x97: {  	_ =	strace $0x8FFFFFFF  }
0x98: {  	s18 =	sld [smem:$0x3FDB];
	_ =	sdelay $0x1  }
0x99: {  	s19 =	simm.s32 $_scs_section_size  }
0x9a: {  	s4 =	simm.s32 $_size__tile_overlayer_lowered;
	s5 =	simm.s32 $_tile_overlayer_lowered  }
0x9b: {  	s22 =	simm.s32 $0x1BFF;
	s21 =	sshll.u32 s5, $0x1;
	s2 =	sadd.s32 s19, s18  }
0x9c: {  	s6 =	simm.s32 $0x0;
	s20 =	sshll.u32 s4, $0x1;
	s4 =	sadd.s32 s21, s2  }
0x9d: {  	[timem:s6], [sflag:s22] =	dma.local [hbm:s4], s20  }
0x9e: {  	_ =	swait.ge [sflag:s22], s20  }
0x9f: {  	s3 =	ssub.s32 $0x0, s20;
	[sflag:s22] =	ssyncset.done $0x0  }
0xa0: {  	[sflag:s22] =	ssyncadd.s32 s3;
	_ =	sdelay $0x1  }
0xa1: {  	s23 =	simm.s32 $0x1B8B  }
0xa2: {  	_ =	swait.ge [sflag:s23], $0x1  }
0xa3: {  	[sflag:s23] =	ssyncset.done $0x0  }
0xa4: {  	s25 =	simm.s32 $0x1B8E;
	s24 =	sld [smem:$0x3FFE];
	[sflag:s23] =	ssyncadd.s32 $0xFFFFFFFF  }
0xa5: {  	s26 =	simm.s32 $execute0_lowered;
	[smem:$0x3FD2] =	sst s25  }
0xa6: {  	s4 =	sshll.u32 s26, $0x1;
	_ =	strace $0x80000055;
	[dreg:$0x1] =	wrdreg $0xFFFFFFFF  }
0xa7: {  	s28 =	simm.s32 $_size_execute0_lowered;
	s2 =	sadd.s32 s2, s4;
	[dreg:$0x0] =	wrdreg $0x0  }
0xa8: {  	s4 =	sshll.u32 s28, $0x1;
	[dreg:$0x2] =	wrdreg s2  }
0xa9: {  	[dreg:$0x3] =	wrdreg s4  }
0xaa: {  	[dreg:$0x4] =	wrdreg $0xC0  }
0xab: {  	_ =	task [dreg:s6], $0x5FFFF  }
0xac: {  	[dreg:$0x1] =	wrdreg $0xFFFFFFFF  }
0xad: {  	[dreg:$0x0] =	wrdreg $0x60  }
0xae: {  	[dreg:$0x2] =	wrdreg s24  }
0xaf: {  	[dreg:$0x3] =	wrdreg $0x82C00  }
0xb0: {  	[dreg:$0x4] =	wrdreg $0x9  }
0xb1: {  	_ =	task.clear_ibuf [dreg:s6], $0x5FFFF;
	_ =	strace $0x90000055  }
0xb2: {  	s29 =	simm.s32 $0x9;
	_ =	strace $0x80000057  }
0xb3: {  	_ =	swait.ge [sflag:s29], $0x1  }
0xb4: {  	[sflag:s29] =	ssyncadd.s32 $0xFFFFFFFF  }
0xb5: {  	_ =	strace $0x90000057  }
0xb6: {  	_ =	sfence  }
0xb7: {  	s30 =	sld [smem:$0x0];
	_ =	sdelay $0x2  }
0xb8: {  	s31 =	sshll.u32 s1, $0xD;
	s1 =	sshrl.u32 s1, $0x2  }
0xb9: {  	s3 =	sand.u32 $0x4000, s31;
	s1 =	sadd.s32 s1, s30  }
0xba: {  	s0 =	sor.u32 s3, s0;
	s1 =	sshll.u32 s1, $0x11  }
0xbb: {  	s0 =	sor.u32 s1, s0  }
0xbc: {  	s0 =	sadd.s32 $0x8F2B, s0  }
0xbd: {  	[sflag:s0] =	ssyncadd.remote.s32 $0x1  }
0xbe: {  	_ =	sfence.sel $0xFFFF  }
0xbf: {  	[dreg:$0x0] =	wrdreg $0xFFFFFFFF;
	(pc) =	sbr.abs _section_cstart, $3  }
0xc0: {  	[dreg:$0x1] =	wrdreg $0xFFFFFFFF  }
0xc1: {  	_ =	task.clear_ibuf [dreg:s6], $0x2FFFF;
	_ =	strace $0x9FFFFFFF  }
0xc2: {  	(tm) =	ssettm $0x7FFFFFFF  }
0xc3: {  	_ =	shalt  }
tec
execute0_lowered:
.L_overlay_start_1:
0x0: {  	(tag) =	ssettag $0x1  }
0x1: {  	s1 =	srdreg.scid;
	s6 =	rddreg [dreg:$0x0]  }
0x2: {  	s0 =	stileid.u32;
	s2 =	rddreg [dreg:$0x1]  }
0x3: {  	s3 =	simm.s32 $0x0;
	s17 =	simm.s32 $0x6F00;
	s18 =	simm.s32 $0x2  }
0x4: {  	s19 =	simm.s32 $0x2780;
	s20 =	simm.s32 $0x80;
	s21 =	simm.s32 $0x4F00  }
0x5: {  	s22 =	simm.s32 $0x1;
	s5 =	sand.u32 $0x1, s1;
	s8 =	smul.u32 $0x9E00, s0  }
0x6: {  	s29 =	sshll.u32 s0, $0x1;
	[smem:$0x7FF] =	sst s3;
	s10 =	smul.u32 $0x27800, s0  }
0x7: {  	s4 =	sadd.s32 $0x21E00, s6;
	s1 =	sor.u32 s5, s29;
	s9 =	smul.u32 $0x9E000, s5  }
0x8: {  	s5 =	ssub.s32 $0x2, s5;
	s7 =	smul.u32 $0x4F0, s1;
	s1 =	rddreg [dreg:$0x2]  }
0x9: {  	_ =	strace $0x80000056;
	s31 =	sshrl.u32 s5, $0x1;
	s10 =	sshrl.u32 s10, $0x2  }
0xa: {  	s30 =	sadd.s32 s8, s9;
	s16 =	ssub.s32 s5, s31;
	s12 =	sadd.s32 s10, s2  }
0xb: {  	s5 =	sadd.s32 s8, s2;
	s14 =	sadd.s32 s7, s6;
	s7 =	sshrl.u32 s30, $0x3  }
0xc: {  	s8 =	sadd.s32 $0x3B40, s12;
	s9 =	sadd.s32 $0x4F00, s12;
	s10 =	sadd.s32 $0x62C0, s12  }
0xd: {  	s11 =	sadd.s32 $0x7680, s12;
	s16 =	smax.u32 s16, $0x1;
	s15 =	sadd.s32 s7, s6  }
0xe: {  	s6 =	sadd.s32 $0x13C0, s12;
	s7 =	sadd.s32 $0x2780, s12;
	s12 =	sadd.s32 $0x8A40, s12  }
0xf: {  	v0 =	vimm.f32 $0.0e+00;
	s13 =	sadd.s32 $0x18000, s14;
	s14 =	sadd.s32 $0x4400, s14;
	s15 =	sadd.s32 $0x35A00, s15  }
.LBB2_1:
0x10: {  	s24 =	simm.s32 $0x100;
	s23 =	simm.s32 $0x0  }
.LBB2_2:
0x11: {  	p0 =	sne.s32 s24, $0x4E00;
	[tilespmem:s23+$0x6F30] =	vst v0;
	s25 =	smov.u32 s24;
	s24 =	sadd.s32 $0x100, s24  }
.Ltmp0:
0x12: {  	[tilespmem:s23+$0x6F20] =	vst v0;
	(pc) =	sbr.rel @p0 .LBB2_2-.Ltmp0, $3  }
0x13: {  	[tilespmem:s23+$0x6F00] =	vst v0  }
0x14: {  	[tilespmem:s23+$0x6F10] =	vst v0;
	_ =	sdelay $0x1  }
0x15: {  	s23 =	sshra.s32 s25, $0x2  }
0x16: {  	[tilespmem:s23+$0x6F30] =	vst v0  }
0x17: {  	[tilespmem:s23+$0x6F20] =	vst v0  }
0x18: {  	[tilespmem:s23+$0x6F00] =	vst v0  }
0x19: {  	[tilespmem:s23+$0x6F10] =	vst v0  }
0x1a: {  	[spmem:s5] =	stream.linear.scatter [tilespmem:s17], [sflag:$0x2], $0x13C0, $0x38;
	[tilespmem:$0x120C0] =	vst v63  }
0x1b: {  	_ =	swait.ge [sflag:s18], $0x13C0  }
0x1c: {  	[sflag:s18] =	ssyncset.done $0x0  }
0x1d: {  	[sflag:s18] =	ssyncadd.s32 $0xFFFFEC40  }
0x1e: {  	[spmem:s6] =	stream.linear.scatter [tilespmem:s17], [sflag:$0x2], $0x13C0, $0x38;
	[tilespmem:$0x120C0] =	vst v63  }
0x1f: {  	_ =	swait.ge [sflag:s18], $0x13C0  }
0x20: {  	[sflag:s18] =	ssyncset.done $0x0  }
0x21: {  	[sflag:s18] =	ssyncadd.s32 $0xFFFFEC40  }
0x22: {  	[spmem:s7] =	stream.linear.scatter [tilespmem:s17], [sflag:$0x2], $0x13C0, $0x38;
	[tilespmem:$0x120C0] =	vst v63  }
0x23: {  	_ =	swait.ge [sflag:s18], $0x13C0  }
0x24: {  	[sflag:s18] =	ssyncset.done $0x0  }
0x25: {  	[sflag:s18] =	ssyncadd.s32 $0xFFFFEC40  }
0x26: {  	[spmem:s8] =	stream.linear.scatter [tilespmem:s17], [sflag:$0x2], $0x13C0, $0x38;
	[tilespmem:$0x120C0] =	vst v63  }
0x27: {  	_ =	swait.ge [sflag:s18], $0x13C0  }
0x28: {  	[sflag:s18] =	ssyncset.done $0x0  }
0x29: {  	[sflag:s18] =	ssyncadd.s32 $0xFFFFEC40  }
0x2a: {  	[spmem:s9] =	stream.linear.scatter [tilespmem:s17], [sflag:$0x2], $0x13C0, $0x38;
	[tilespmem:$0x120C0] =	vst v63  }
0x2b: {  	_ =	swait.ge [sflag:s18], $0x13C0  }
0x2c: {  	[sflag:s18] =	ssyncset.done $0x0  }
0x2d: {  	[sflag:s18] =	ssyncadd.s32 $0xFFFFEC40  }
0x2e: {  	[spmem:s10] =	stream.linear.scatter [tilespmem:s17], [sflag:$0x2], $0x13C0, $0x38;
	[tilespmem:$0x120C0] =	vst v63  }
0x2f: {  	_ =	swait.ge [sflag:s18], $0x13C0  }
0x30: {  	[sflag:s18] =	ssyncset.done $0x0  }
0x31: {  	[sflag:s18] =	ssyncadd.s32 $0xFFFFEC40  }
0x32: {  	[spmem:s11] =	stream.linear.scatter [tilespmem:s17], [sflag:$0x2], $0x13C0, $0x38;
	[tilespmem:$0x120C0] =	vst v63  }
0x33: {  	_ =	swait.ge [sflag:s18], $0x13C0  }
0x34: {  	[sflag:s18] =	ssyncset.done $0x0  }
0x35: {  	[sflag:s18] =	ssyncadd.s32 $0xFFFFEC40  }
0x36: {  	[spmem:s12] =	stream.linear.scatter [tilespmem:s17], [sflag:$0x2], $0x13C0, $0x38;
	[tilespmem:$0x120C0] =	vst v63  }
0x37: {  	_ =	swait.ge [sflag:s18], $0x13C0  }
0x38: {  	[sflag:s18] =	ssyncset.done $0x0  }
0x39: {  	s29 =	simm.s32 $0x0;
	[sflag:s18] =	ssyncadd.s32 $0xFFFFEC40  }
0x3a: {  	[tilespmem:s29], [sflag:$0x2] =	stream.linear.gather [hbm4b:s13+s29], $0x2780, $0x38;
	[tilespmem:$0x120C0] =	vst v63  }
0x3b: {  	_ =	swait.ge [sflag:s18], $0x2780  }
0x3c: {  	[sflag:s18] =	ssyncset.done $0x0  }
0x3d: {  	[sflag:s18] =	ssyncadd.s32 $0xFFFFD880  }
0x3e: {  	[tilespmem:s19], [sflag:$0x2] =	stream.linear.gather [hbm4b:s14+s29], $0x2780, $0x38;
	[tilespmem:$0x120C0] =	vst v63  }
0x3f: {  	_ =	swait.ge [sflag:s18], $0x2780  }
0x40: {  	[sflag:s18] =	ssyncset.done $0x0  }
0x41: {  	[sflag:s18] =	ssyncadd.s32 $0xFFFFD880  }
0x42: {  	s30 =	simm.s32 $0x0;
	[bflag:$0x0] =	sbarrier.arrive $0xFFFF  }
0x43: {  	[tilespmem:s21], [sflag:$0x1] =	stream.indirect.gather [hbm4b:s4+s20], $0x40, s30, s20, $0xb8;
	[tilespmem:$0x120C0] =	vst v63  }
0x44: {  	_ =	swait.ge [sflag:s22], $0x2000  }
0x45: {  	[sflag:s22] =	ssyncset.done $0x0  }
0x46: {  	s31 =	simm.s32 $0x2780;
	[sflag:s22] =	ssyncadd.s32 $0xFFFFE000  }
0x47: {  	[spmem:s2] =	stream.indirect.scatter.add.f32 [tilespmem:s21], [sflag:$0x2], $0x40, s31, s20, $0xb8;
	[tilespmem:$0x120C0] =	vst v63  }
0x48: {  	_ =	swait.ge [sflag:s18], $0x2000  }
0x49: {  	s23 =	simm.s32 $0x200;
	s24 =	simm.s32 $0x400;
	[sflag:s18] =	ssyncset.done $0x0  }
.LBB2_4:
0x4a: {  	s25 =	sshra.s32 s23, $0x2  }
0x4b: {  	[sflag:s18] =	ssyncadd.s32 $0xFFFFE000;
	s23 =	smov.u32 s24;
	s26 =	sadd.s32 $0x200, s24  }
0x4c: {  	[tilespmem:s21], [sflag:$0x1] =	stream.indirect.gather [hbm4b:s4+s20], $0x40, s25, s20, $0xb8;
	[tilespmem:$0x120C0] =	vst v63  }
0x4d: {  	p0 =	sne.s32 s24, $0x9C00;
	_ =	swait.ge [sflag:s22], $0x2000  }
.Ltmp1:
0x4e: {  	[sflag:s22] =	ssyncset.done $0x0;
	(pc) =	sbr.rel @p0 .LBB2_4-.Ltmp1, $4  }
0x4f: {  	s24 =	sadd.s32 $0x2780, s25;
	[sflag:s22] =	ssyncadd.s32 $0xFFFFE000  }
0x50: {  	[spmem:s2] =	stream.indirect.scatter.add.f32 [tilespmem:s21], [sflag:$0x2], $0x40, s24, s20, $0xb8;
	[tilespmem:$0x120C0] =	vst v63  }
0x51: {  	_ =	swait.ge [sflag:s18], $0x2000  }
0x52: {  	s24 =	smov.u32 s26;
	[sflag:s18] =	ssyncset.done $0x0  }
0x53: {  	s23 =	sshra.s32 s23, $0x2;
	[sflag:s18] =	ssyncadd.s32 $0xFFFFE000  }
0x54: {  	[tilespmem:s21], [sflag:$0x1] =	stream.indirect.gather [hbm4b:s4+s20], $0x40, s23, s20, $0xb8;
	[tilespmem:$0x120C0] =	vst v63  }
0x55: {  	_ =	swait.ge [sflag:s22], $0x2000  }
0x56: {  	[sflag:s22] =	ssyncset.done $0x0  }
0x57: {  	s23 =	sadd.s32 $0x2780, s23;
	[sflag:s22] =	ssyncadd.s32 $0xFFFFE000  }
0x58: {  	[spmem:s2] =	stream.indirect.scatter.add.f32 [tilespmem:s21], [sflag:$0x2], $0x40, s23, s20, $0xb8;
	[tilespmem:$0x120C0] =	vst v63  }
0x59: {  	_ =	swait.ge [sflag:s18], $0x2000  }
0x5a: {  	s31 =	sshll.u32 s0, $0x6;
	s3 =	sadd.s32 $0x1, s3;
	[sflag:s18] =	ssyncset.done $0x0  }
0x5b: {  	s24 =	sshrl.u32 s5, $0x3;
	p0 =	sne.s32 s3, s16;
	[sflag:s18] =	ssyncadd.s32 $0xFFFFE000  }
.Ltmp2:
0x5c: {  	s23 =	sor.u32 $0x1C02, s31;
	[bflag:$0x0] =	sbarrier.arrive $0xFFFF;
	(pc) =	sbr.rel @p0 .LBB2_1-.Ltmp2, $4  }
0x5d: {  	[hbm:s15], [sflag:s23] =	dma.local [spmem:s24], $0x13C0  }
0x5e: {  	_ =	swait.ge [sflag:s18], $0x13C0  }
0x5f: {  	[sflag:s18] =	ssyncset.done $0x0  }
0x60: {  	[sflag:s18] =	ssyncadd.s32 $0xFFFFEC40  }
0x61: {  	_ =	sfence.sel $0x180000  }
0x62: {  	[bflag:$0x0] =	sbarrier.arrive $0xFFFF  }
0x63: {  	p0 =	sne.s32 s0, $0x0;
	_ =	strace $0x90000056  }
0x64: {  	s0 =	sadd.s32 @!p0 $0x100000, s1;
	[bflag:$0x2] =	sbarrier.arrive $0xFFFF  }
0x65: {  	[sflag:s0] =	ssyncadd.tile.s32 @!p0 $0x1;
	_ =	shalt  }
.Lfunc_end2:
_tile_overlayer_lowered:
.L_overlay_start_2:
0x66: {  	(tag) =	ssettag $0x2  }
0x67: {  	s0 =	rddreg [dreg:$0x0];
	s2 =	stileid.u32  }
0x68: {  	s1 =	rddreg [dreg:$0x1];
	p0 =	sne.s32 s2, $0x0  }
0x69: {  	s3 =	rddreg [dreg:$0x2];
	[bflag:$0x3] =	sbarrier.arrive $0xFFFF;
	s2 =	simm.s32 @!p0 $0x1C02  }
0x6a: {  	[timem:s3], [sflag:s2] =	dma.local @!p0 [hbm:s0], s1  }
0x6b: {  	s0 =	simm.s32 @!p0 $0x2  }
0x6c: {  	_ =	swait.ge @!p0 [sflag:s0], s1  }
0x6d: {  	s1 =	ssub.s32 @!p0 $0x0, s1;
	[sflag:s0] =	ssyncset.done @!p0 $0x0  }
0x6e: {  	[sflag:s0] =	ssyncadd.s32 @!p0 s1  }
0x6f: {  	[bflag:$0x3] =	sbarrier.arrive $0xFFFF  }
0x70: {  	_ =	shalt  }

</sc_bundles>
